<compile_context>
chip_gen: v7x
topology: tpu7x:2x2x1
jax: 0.10.2.dev20260603
libtpu: 0.0.44.dev20260713+nightly
codegen_flags: <defaults>
</compile_context>

<pallas_src>
import functools
import math

import jax
import jax.numpy as jnp
from jax import lax
from jax.experimental import pallas as pl
from jax.experimental.pallas import tpu as pltpu
from jax.experimental.pallas import tpu_sc as plsc

TOKEN_SELF_ATTN_VALUE = -5e4
BUCKET = 64
N_HASHES = 8
T = 2048
E = 64
BH = 12
NB = T // BUCKET
NHB = N_HASHES * BH
ROWS = NHB * T
SRC_ROWS = BH * T
_SPLIT = 2
_NH_S = N_HASHES // _SPLIT
ROWS_S = _NH_S * BH * T

_HIGH = jax.lax.Precision.HIGHEST


_NC = _NH_S * 32


def _stage_a_body(h0, qk_ref, rot_ref, rank_ref):
    bh = pl.program_id(0)
    x = qk_ref[0]
    r = jax.lax.dot(x, rot_ref[...],
                    preferred_element_type=jnp.float32)

    lane32 = jax.lax.broadcasted_iota(jnp.int32, (T, 32), 1)
    ohs = []
    for h in range(h0, h0 + _NH_S):
        rh = r[:, 16 * h:16 * h + 16]
        r2 = jnp.concatenate([rh, -rh], axis=1)
        mx = jnp.max(r2, axis=1, keepdims=True)
        cand = jnp.where(r2 >= mx, lane32, 32)
        bucket = jnp.min(cand, axis=1, keepdims=True)
        ohs.append((lane32 == bucket).astype(jnp.float32))
    oh = jnp.concatenate(ohs, axis=1)

    ri = jax.lax.broadcasted_iota(jnp.int32, (128, 128), 0)
    ci = jax.lax.broadcasted_iota(jnp.int32, (128, 128), 1)
    tri = (ri >= ci).astype(jnp.float32)
    parts = []
    offs = jnp.zeros((1, _NC), jnp.float32)
    for blk in range(T // 128):
        xb = oh[128 * blk:128 * (blk + 1), :]
        inc = jax.lax.dot(tri, xb,
                          preferred_element_type=jnp.float32)
        parts.append(inc + offs)
        offs = offs + inc[127:128, :]
    csum = jnp.concatenate(parts, axis=0)
    totals = offs

    gi = jax.lax.broadcasted_iota(jnp.int32, (_NC, _NC), 0)
    gj = jax.lax.broadcasted_iota(jnp.int32, (_NC, _NC), 1)
    same_h = (gi // 32) == (gj // 32)
    before = jnp.logical_and(same_h, gi < gj).astype(jnp.float32)
    start = jax.lax.dot(totals, before, precision=_HIGH,
                        preferred_element_type=jnp.float32)

    sel = oh * (csum + start)
    rank = jnp.concatenate(
        [jnp.sum(sel[:, 32 * h:32 * h + 32], axis=1, keepdims=True)
         for h in range(_NH_S)], axis=1) - 1.0

    h_iota = jax.lax.broadcasted_iota(jnp.int32, (T, _NH_S), 1)
    base = h_iota * (BH * T) + bh * T
    rank_ref[0] = rank.astype(jnp.int32) + base


def _hash_rank(qkf, rot, h0):
    return pl.pallas_call(
        functools.partial(_stage_a_body, h0),
        grid=(BH,),
        in_specs=[
            pl.BlockSpec((1, T, E), lambda b: (b, 0, 0)),
            pl.BlockSpec((E, 16 * N_HASHES), lambda b: (0, 0)),
        ],
        out_specs=pl.BlockSpec((1, T, _NH_S), lambda b: (b, 0, 0)),
        out_shape=jax.ShapeDtypeStruct((BH, T, _NH_S), jnp.int32),
    )(qkf, rot)


def _sc_mesh():
    return plsc.VectorSubcoreMesh(core_axis_name="c", subcore_axis_name="s")


def _sort_scatter(qv, idx2):
    rows = idx2.shape[0] * 128
    info = plsc.get_sparse_core_info()
    nw = info.num_cores * info.num_subcores
    per_w = rows // nw
    ch = 1024
    n_ch = per_w // ch

    @functools.partial(
        pl.kernel,
        mesh=_sc_mesh(),
        out_type=jax.ShapeDtypeStruct((rows, 2 * E), jnp.float32),
        scratch_types=[
            pltpu.VMEM((8, 128), jnp.int32),
            pltpu.VMEM((ch // 2, 2 * E), jnp.float32),
            pltpu.SemaphoreType.DMA,
        ],
    )
    def scatter_k(qv_hbm, idx_hbm, out_hbm, idx_v, qr, sem):
        wid = lax.axis_index("s") * info.num_cores + lax.axis_index("c")
        base = wid * per_w
        sbase = (wid % (SRC_ROWS // per_w)) * per_w

        def chunk(c, _):
            off = pl.multiple_of(base + c * ch, ch)
            soff = pl.multiple_of(sbase + c * ch, ch)
            pltpu.sync_copy(idx_hbm.at[pl.ds(pl.multiple_of(off // 128, 8), 8)],
                            idx_v)
            for half in range(2):
                hoff = pl.multiple_of(soff + half * (ch // 2), ch // 2)
                pltpu.sync_copy(qv_hbm.at[pl.ds(hoff, ch // 2)], qr)
                cps = []
                for s in range(ch // 2 // 128):
                    row = half * (ch // 2 // 128) + s
                    cps.append(pltpu.async_copy(
                        qr.at[pl.ds(s * 128, 128)],
                        out_hbm.at[idx_v.at[row]], sem))
                for cp in cps:
                    cp.wait()
            return _

        lax.fori_loop(0, n_ch, chunk, None)

    return scatter_k(qv, idx2)


_GRP = 4
_QM = _GRP * BUCKET
_KM = (_GRP + 1) * BUCKET


def _stage_c_body(sqv_ref, out_ref, knx, vx):
    temp = 1.0 / math.sqrt(E)
    q = sqv_ref[0, :, :E]
    v = sqv_ref[0, :, E:]
    ss = jnp.sum(q * q, axis=1, keepdims=True)
    inv_norm = 1.0 / jnp.maximum(jnp.sqrt(ss), 1e-12)
    kn = q * inv_norm
    knx[pl.ds(0, BUCKET), :] = kn[T - BUCKET:, :]
    knx[pl.ds(BUCKET, T), :] = kn
    vx[pl.ds(0, BUCKET), :] = v[T - BUCKET:, :]
    vx[pl.ds(BUCKET, T), :] = v

    ii = jax.lax.broadcasted_iota(jnp.int32, (_QM, _KM), 0)
    jj = jax.lax.broadcasted_iota(jnp.int32, (_QM, _KM), 1)
    bi = ii // BUCKET
    band = jnp.logical_and(jj >= bi * BUCKET, jj < bi * BUCKET + 2 * BUCKET)
    self_mask = jj == bi * BUCKET + BUCKET + ii % BUCKET
    maskadd = jnp.where(self_mask, TOKEN_SELF_ATTN_VALUE,
                        jnp.where(band, 0.0, -1e30))

    for g in range(NB // _GRP):
        qb = sqv_ref[0, pl.ds(g * _QM, _QM), :E]
        kk = knx[pl.ds(g * _QM, _KM), :]
        vv = vx[pl.ds(g * _QM, _KM), :]
        logits = jax.lax.dot_general(
            qb, kk, (((1,), (1,)), ((), ())),
            preferred_element_type=jnp.float32) * temp + maskadd
        mx = jnp.max(logits, axis=1, keepdims=True)
        p = jnp.exp(logits - mx)
        s = jnp.sum(p, axis=1, keepdims=True)
        inv_s = 1.0 / s
        lse = mx + jnp.log(s)
        o = jax.lax.dot(p, vv,
                        preferred_element_type=jnp.float32) * inv_s
        out_ref[0, pl.ds(g * _QM, _QM), :E] = o
        out_ref[0, pl.ds(g * _QM, _QM), E:E + 8] = jnp.broadcast_to(
            lse, (_QM, 8))


def _bucket_attention(sqv):
    nhb = sqv.shape[0]
    return pl.pallas_call(
        _stage_c_body,
        grid=(nhb,),
        in_specs=[pl.BlockSpec((1, T, 2 * E), lambda b: (b, 0, 0))],
        out_specs=pl.BlockSpec((1, T, 2 * E), lambda b: (b, 0, 0)),
        out_shape=jax.ShapeDtypeStruct((nhb, T, 2 * E), jnp.float32),
        scratch_shapes=[
            pltpu.VMEM((T + BUCKET, E), jnp.float32),
            pltpu.VMEM((T + BUCKET, E), jnp.float32),
        ],
    )(sqv)


def _unsort_gather(ol, idx2):
    rows = idx2.shape[0] * 128
    info = plsc.get_sparse_core_info()
    nw = info.num_cores * info.num_subcores
    per_w = rows // nw
    ch = 1024
    n_ch = per_w // ch

    @functools.partial(
        pl.kernel,
        mesh=_sc_mesh(),
        out_type=jax.ShapeDtypeStruct((rows, 2 * E), jnp.float32),
        scratch_types=[
            pltpu.VMEM((8, 128), jnp.int32),
            pltpu.VMEM((ch // 2, 2 * E), jnp.float32),
            pltpu.SemaphoreType.DMA,
        ],
    )
    def gather_k(ol_hbm, idx_hbm, out_hbm, idx_v, orr, sem):
        wid = lax.axis_index("s") * info.num_cores + lax.axis_index("c")
        base = wid * per_w

        def chunk(c, _):
            off = pl.multiple_of(base + c * ch, ch)
            pltpu.sync_copy(idx_hbm.at[pl.ds(pl.multiple_of(off // 128, 8), 8)],
                            idx_v)
            for half in range(2):
                hoff = pl.multiple_of(off + half * (ch // 2), ch // 2)
                cps = []
                for s in range(ch // 2 // 128):
                    row = half * (ch // 2 // 128) + s
                    cps.append(pltpu.async_copy(
                        ol_hbm.at[idx_v.at[row]],
                        orr.at[pl.ds(s * 128, 128)], sem))
                for cp in cps:
                    cp.wait()
                pltpu.sync_copy(orr, out_hbm.at[pl.ds(hoff, ch // 2)])
            return _

        lax.fori_loop(0, n_ch, chunk, None)

    return gather_k(ol, idx2)


def _stage_e_body(ola_ref, olb_ref, out_ref):
    l = jnp.concatenate([ola_ref[:, 0, :, E:E + 1],
                         olb_ref[:, 0, :, E:E + 1]], axis=0)
    m = jnp.max(l, axis=0, keepdims=True)
    w = jnp.exp(l - m)
    s = jnp.sum(w, axis=0, keepdims=True)
    probs = w / s
    o = jnp.concatenate([ola_ref[:, 0, :, :E],
                         olb_ref[:, 0, :, :E]], axis=0)
    out_ref[0] = jnp.sum(o * probs, axis=0)


def _combine(ol_a, ol_b):
    spec = pl.BlockSpec((_NH_S, 1, T, 2 * E), lambda b: (0, b, 0, 0))
    return pl.pallas_call(
        _stage_e_body,
        grid=(BH,),
        in_specs=[spec, spec],
        out_specs=pl.BlockSpec((1, T, E), lambda b: (b, 0, 0)),
        out_shape=jax.ShapeDtypeStruct((BH, T, E), jnp.float32),
    )(ol_a, ol_b)


def kernel(qk, k, v):
    del k
    B, t, H, e = qk.shape
    qkf = jnp.transpose(qk, (0, 2, 1, 3)).reshape(BH, T, E)
    vf = jnp.transpose(v, (0, 2, 1, 3)).reshape(BH, T, E)
    rot = jax.random.normal(jax.random.key(42), (1, E, N_HASHES, NB // 2),
                            dtype=jnp.float32)[0].reshape(E, N_HASHES * 16)

    qv = jnp.concatenate([qkf, vf], axis=-1).reshape(SRC_ROWS, 2 * E)

    ol_u = []
    for s in range(_SPLIT):
        rank = _hash_rank(qkf, rot, s * _NH_S)
        idx_s = jnp.transpose(rank, (2, 0, 1)).reshape(ROWS_S // 128, 128)
        sqv = _sort_scatter(qv, idx_s)
        ol_s = _bucket_attention(sqv.reshape(_NH_S * BH, T, 2 * E))
        ol_u.append(_unsort_gather(ol_s.reshape(ROWS_S, 2 * E), idx_s))
    out = _combine(ol_u[0].reshape(_NH_S, BH, T, 2 * E),
                   ol_u[1].reshape(_NH_S, BH, T, 2 * E))
    return out.reshape(B, H, T, E).transpose(0, 2, 1, 3)

# --- scband reference (transcript-rebuilt; emitter-appended) ---
"""Pipeline reference for scband-reformer-attention-47304769798174 (READ-ONLY COPY).

The authoritative reference and input builder live on the scoring server;
editing this copy changes nothing except your own understanding.
"""

import math
import jax, jax.numpy as jnp
import numpy as np

TOKEN_SELF_ATTN_VALUE = -5e4
BUCKET_SIZE = 64
N_HASHES = 8

def setup_inputs(seed: int = 0) -> dict:
    key = jax.random.key(seed)
    k1, k2, k3 = jax.random.split(key, 3)
    B, T, H, E = 1, 2048, 12, 64
    qk = jax.random.normal(k1, (B, T, H, E), dtype=jnp.float32)
    k = jax.random.normal(k2, (B, T, H, E), dtype=jnp.float32)
    v = jax.random.normal(k3, (B, T, H, E), dtype=jnp.float32)
    return {"qk": qk, "k": k, "v": v}

def _forward(qk, v):
    B, T, H, E = qk.shape
    D = v.shape[-1]
    seqlen_og = T
    # T is already a multiple of 2*bucket_size, so no padding and no key_padding_mask
    softmax_temp = 1.0 / math.sqrt(E)
    qkf = jnp.transpose(qk, (0, 2, 1, 3)).reshape(B * H, T, E)   # (b h) t e
    vf = jnp.transpose(v, (0, 2, 1, 3)).reshape(B * H, T, D)     # (b h) s d
    bh, seqlen, dim = qkf.shape
    n_buckets = seqlen // BUCKET_SIZE
    # --- hash_vectors (random_rotations_per_head=False, rehash_each_round=True) ---
    rot = jax.random.normal(jax.random.key(42), (1, dim, N_HASHES, n_buckets // 2), dtype=qkf.dtype)
    rot = jnp.broadcast_to(rot, (bh, dim, N_HASHES, n_buckets // 2))
    rotated = jnp.einsum('btf,bfhi->bhti', qkf, rot)
    rotated = jnp.concatenate([rotated, -rotated], axis=-1)
    buckets = jnp.argmax(rotated, axis=-1)          # (bh, n_hashes, seqlen)
    buckets = jnp.transpose(buckets, (1, 0, 2))     # (n_hashes, bh, seqlen)
    # stable sort of buckets -> permutation, and its inverse
    perm = jnp.argsort(buckets, axis=-1)            # jnp.argsort is stable
    perm_inv = jnp.argsort(perm, axis=-1)
    # look_one_back on perm at bucket granularity
    p = perm.reshape(N_HASHES * bh, n_buckets, BUCKET_SIZE)
    p_extra = jnp.roll(p, 1, axis=1)
    perm_ob = jnp.concatenate([p, p_extra], axis=2).reshape(N_HASHES, bh, n_buckets * 2 * BUCKET_SIZE)

    def sort_to_buckets(x, prm, bucketsz):
        # x: (bh, s, d); prm: (n_hashes, bh, n)
        xb = jnp.broadcast_to(x[None], (N_HASHES,) + x.shape)
        g = jnp.take_along_axis(xb, prm[..., None], axis=2)
        return g.reshape(N_HASHES, bh, -1, bucketsz, x.shape[-1])

    qk_norm = qkf / jnp.maximum(jnp.linalg.norm(qkf, axis=-1, keepdims=True), 1e-12)
    tq = sort_to_buckets(qkf, perm, BUCKET_SIZE)
    tk = sort_to_buckets(qk_norm, perm_ob, BUCKET_SIZE * 2)
    tv = sort_to_buckets(vf, perm_ob, BUCKET_SIZE * 2)
    inner = jnp.einsum('zbhie,zbhje->zbhij', tq, tk) * softmax_temp
    bq_idx = perm.reshape(N_HASHES, bh, n_buckets, BUCKET_SIZE, 1)
    bkv_idx = perm_ob.reshape(N_HASHES, bh, n_buckets, 1, BUCKET_SIZE * 2)
    # causal=False; attn_mask=None; key_padding_mask=None -> only self-attention mask
    self_mask = bq_idx == bkv_idx
    inner = jnp.where(self_mask, TOKEN_SELF_ATTN_VALUE, inner)
    # softmax within buckets, tracked with logsumexp for multi-round combination
    dots_lse = jax.scipy.special.logsumexp(inner, axis=-1, keepdims=True)
    dots = jnp.exp(inner - dots_lse)   # dropout p=0.0 -> identity
    bo = jnp.einsum('zbhij,zbhje->zbhie', dots, tv)
    so = bo.reshape(N_HASHES, bh, seqlen, D)
    slogits = dots_lse.reshape(N_HASHES, bh, seqlen)
    # unsort
    o = jnp.take_along_axis(so, perm_inv[..., None], axis=2)
    logits = jnp.take_along_axis(slogits, perm_inv, axis=2)
    # combine hash rounds
    probs = jnp.exp(logits - jax.scipy.special.logsumexp(logits, axis=0, keepdims=True))
    out = jnp.sum(o * probs[..., None], axis=0)                 # (bh, s, d)
    out = out.reshape(B, H, seqlen, D).transpose(0, 2, 1, 3)    # b t h d
    return out[:, :seqlen_og]

def reference(qk, k, v):
    # k is accepted for interface parity but unused (shared-QK attention)
    return _forward(qk, v)

if __name__ == "__main__":
    import jax
    _d = setup_inputs()
    print(jax.jit(kernel)(*tuple(_d.values())))

</pallas_src>

<mosaic_0001>
#map = affine_map<(d0, d1) -> (0, 0)>
module attributes {stable_mosaic.version = 14 : i64} {
  func.func @scatter_k(%arg0: i32, %arg1: i32, %arg2: memref<24576x128xf32, #tpu.memory_space<hbm>>, %arg3: memref<768x128xi32, #tpu.memory_space<hbm>>, %arg4: memref<98304x128xf32, #tpu.memory_space<hbm>>, %arg5: memref<8x128xi32, #tpu.memory_space<vmem>>, %arg6: memref<512x128xf32, #tpu.memory_space<vmem>>, %arg7: memref<!tpu.dma_semaphore, #tpu.memory_space<semaphore_mem>>) attributes {dimension_semantics = [#tpu.dimension_semantics<core_parallel>, #tpu.dimension_semantics<subcore_parallel>], iteration_bounds = array<i64: 2, 16>, scalar_prefetch = 0 : i64, scratch_operands = 3 : i64, tpu.core_type = #tpu.core_type<sc_vector_subcore>, window_params = [{transform_indices = #map}, {transform_indices = #map}, {transform_indices = #map}]} {
    %mul3A = arith.constant 2 : i32
    %mul3A_0 = arith.muli %arg1, %mul3A : i32
    %add3A = arith.addi %mul3A_0, %arg0 : i32
    %mul3A_1 = arith.constant 3072 : i32
    %mul3A_2 = arith.muli %add3A, %mul3A_1 : i32
    %jit3A = arith.constant 8 : i32
    %eq3A = arith.constant 0 : i32
    %eq3A_3 = arith.cmpi eq, %jit3A, %eq3A : i32
    %jit3A_4 = arith.constant 1 : i32
    %select_n3A = arith.select %eq3A_3, %jit3A_4, %jit3A : i32
    %rem3A = arith.remsi %add3A, %select_n3A : i32
    %ne3A = arith.constant 0 : i32
    %ne3A_5 = arith.cmpi ne, %rem3A, %ne3A : i32
    %lt3A = arith.constant 0 : i32
    %lt3A_6 = arith.cmpi slt, %rem3A, %lt3A : i32
    %lt3A_7 = arith.constant 0 : i32
    %lt3A_8 = arith.cmpi slt, %select_n3A, %lt3A_7 : i32
    %ne3A_9 = arith.xori %lt3A_6, %lt3A_8 : i1
    %and3A = arith.andi %ne3A_9, %ne3A_5 : i1
    %add3A_10 = arith.addi %rem3A, %select_n3A : i32
    %select_n3A_11 = arith.select %and3A, %add3A_10, %rem3A : i32
    %mul3A_12 = arith.constant 3072 : i32
    %mul3A_13 = arith.muli %select_n3A_11, %mul3A_12 : i32
    %scan3A = arith.constant 0 : i32
    %scan3A_14 = arith.constant 3 : i32
    %scan3A_15 = arith.addi %scan3A, %scan3A_14 : i32
    %scan3A_16 = arith.constant 1 : i32
    scf.for %scan3A_18 = %scan3A to %scan3A_15 step %scan3A_16  : i32 {
      %mul3A_19 = arith.constant 1024 : i32
      %mul3A_20 = arith.muli %scan3A_18, %mul3A_19 : i32
      %add3A_21 = arith.addi %mul3A_2, %mul3A_20 : i32
      %multiple_of3A = tpu.assume_multiple %add3A_21, 1024 : i32
      %mul3A_22 = arith.constant 1024 : i32
      %mul3A_23 = arith.muli %scan3A_18, %mul3A_22 : i32
      %add3A_24 = arith.addi %mul3A_13, %mul3A_23 : i32
      %multiple_of3A_25 = tpu.assume_multiple %add3A_24, 1024 : i32
      %jit3A_26 = arith.constant 128 : i32
      %div3A = arith.divsi %multiple_of3A, %jit3A_26 : i32
      %sign3A = arith.constant 0 : i32
      %sign3A_27 = arith.cmpi sgt, %multiple_of3A, %sign3A : i32
      %sign3A_28 = arith.extui %sign3A_27 : i1 to i32
      %sign3A_29 = arith.constant 0 : i32
      %sign3A_30 = arith.cmpi slt, %multiple_of3A, %sign3A_29 : i32
      %sign3A_31 = arith.extui %sign3A_30 : i1 to i32
      %sign3A_32 = arith.subi %sign3A_28, %sign3A_31 : i32
      %sign3A_33 = arith.constant 0 : i32
      %sign3A_34 = arith.cmpi sgt, %jit3A_26, %sign3A_33 : i32
      %sign3A_35 = arith.extui %sign3A_34 : i1 to i32
      %sign3A_36 = arith.constant 0 : i32
      %sign3A_37 = arith.cmpi slt, %jit3A_26, %sign3A_36 : i32
      %sign3A_38 = arith.extui %sign3A_37 : i1 to i32
      %sign3A_39 = arith.subi %sign3A_35, %sign3A_38 : i32
      %ne3A_40 = arith.cmpi ne, %sign3A_32, %sign3A_39 : i32
      %rem3A_41 = arith.remsi %multiple_of3A, %jit3A_26 : i32
      %ne3A_42 = arith.constant 0 : i32
      %ne3A_43 = arith.cmpi ne, %rem3A_41, %ne3A_42 : i32
      %and3A_44 = arith.andi %ne3A_40, %ne3A_43 : i1
      %sub3A = arith.constant 1 : i32
      %sub3A_45 = arith.subi %div3A, %sub3A : i32
      %select_n3A_46 = arith.select %and3A_44, %sub3A_45, %div3A : i32
      %multiple_of3A_47 = tpu.assume_multiple %select_n3A_46, 8 : i32
      "tpu.region"() ({
        %run_scoped3A = tpu.sem_alloc : memref<!tpu.dma_semaphore, #tpu.memory_space<semaphore_mem>>
        %dma_start3A_212 = arith.constant 0 : i32
        %dma_start3A_213 = tpu.memref_slice %arg3[%multiple_of3A_47, %dma_start3A_212] : memref<768x128xi32, #tpu.memory_space<hbm>> -> memref<8x128xi32, #tpu.memory_space<hbm>>
        %dma_start3A_214 = arith.constant 0 : i32
        %dma_start3A_215 = tpu.memref_slice %arg3[%multiple_of3A_47, %dma_start3A_214] : memref<768x128xi32, #tpu.memory_space<hbm>> -> memref<8x128xi32, #tpu.memory_space<hbm>>
        tpu.enqueue_dma source(%dma_start3A_215 : memref<8x128xi32, #tpu.memory_space<hbm>>) target(%arg5 : memref<8x128xi32, #tpu.memory_space<vmem>>) target_semaphore(%run_scoped3A : memref<!tpu.dma_semaphore, #tpu.memory_space<semaphore_mem>>)
        %dma_wait3A_216 = arith.constant 0 : i32
        %dma_wait3A_217 = tpu.memref_slice %arg3[%multiple_of3A_47, %dma_wait3A_216] : memref<768x128xi32, #tpu.memory_space<hbm>> -> memref<8x128xi32, #tpu.memory_space<hbm>>
        %dma_wait3A_218 = arith.constant 0 : i32
        %dma_wait3A_219 = tpu.memref_slice %arg3[%multiple_of3A_47, %dma_wait3A_218] : memref<768x128xi32, #tpu.memory_space<hbm>> -> memref<8x128xi32, #tpu.memory_space<hbm>>
        tpu.wait_dma2 semaphore(%run_scoped3A : memref<!tpu.dma_semaphore, #tpu.memory_space<semaphore_mem>>) src(%dma_wait3A_219 : memref<8x128xi32, #tpu.memory_space<hbm>>) dst(%arg5 : memref<8x128xi32, #tpu.memory_space<vmem>>)
        tpu.yield
      }) : () -> ()
      %add3A_48 = arith.constant 0 : i32
      %add3A_49 = arith.addi %multiple_of3A_25, %add3A_48 : i32
      %multiple_of3A_50 = tpu.assume_multiple %add3A_49, 512 : i32
      "tpu.region"() ({
        %run_scoped3A = tpu.sem_alloc : memref<!tpu.dma_semaphore, #tpu.memory_space<semaphore_mem>>
        %dma_start3A_212 = arith.constant 0 : i32
        %dma_start3A_213 = tpu.memref_slice %arg2[%multiple_of3A_50, %dma_start3A_212] : memref<24576x128xf32, #tpu.memory_space<hbm>> -> memref<512x128xf32, #tpu.memory_space<hbm>>
        %dma_start3A_214 = arith.constant 0 : i32
        %dma_start3A_215 = tpu.memref_slice %arg2[%multiple_of3A_50, %dma_start3A_214] : memref<24576x128xf32, #tpu.memory_space<hbm>> -> memref<512x128xf32, #tpu.memory_space<hbm>>
        tpu.enqueue_dma source(%dma_start3A_215 : memref<512x128xf32, #tpu.memory_space<hbm>>) target(%arg6 : memref<512x128xf32, #tpu.memory_space<vmem>>) target_semaphore(%run_scoped3A : memref<!tpu.dma_semaphore, #tpu.memory_space<semaphore_mem>>)
        %dma_wait3A_216 = arith.constant 0 : i32
        %dma_wait3A_217 = tpu.memref_slice %arg2[%multiple_of3A_50, %dma_wait3A_216] : memref<24576x128xf32, #tpu.memory_space<hbm>> -> memref<512x128xf32, #tpu.memory_space<hbm>>
        %dma_wait3A_218 = arith.constant 0 : i32
        %dma_wait3A_219 = tpu.memref_slice %arg2[%multiple_of3A_50, %dma_wait3A_218] : memref<24576x128xf32, #tpu.memory_space<hbm>> -> memref<512x128xf32, #tpu.memory_space<hbm>>
        tpu.wait_dma2 semaphore(%run_scoped3A : memref<!tpu.dma_semaphore, #tpu.memory_space<semaphore_mem>>) src(%dma_wait3A_219 : memref<512x128xf32, #tpu.memory_space<hbm>>) dst(%arg6 : memref<512x128xf32, #tpu.memory_space<vmem>>)
        tpu.yield
      }) : () -> ()
      %dma_start3A = arith.constant 0 : i32
      %dma_start3A_51 = arith.constant 0 : i32
      %dma_start3A_52 = arith.constant 0 : i32
      %dma_start3A_53 = tpu.memref_slice %arg6[%dma_start3A_51, %dma_start3A_52] : memref<512x128xf32, #tpu.memory_space<vmem>> -> memref<128x128xf32, #tpu.memory_space<vmem>>
      %dma_start3A_54 = arith.constant 0 : i32
      %dma_start3A_55 = tpu.memref_slice %arg5[%dma_start3A, %dma_start3A_54] : memref<8x128xi32, #tpu.memory_space<vmem>> -> memref<1x128xi32, #tpu.memory_space<vmem>>
      %dma_start3A_56 = tpu.memref_squeeze %dma_start3A_55 : memref<1x128xi32, #tpu.memory_space<vmem>> -> memref<128xi32, #tpu.memory_space<vmem>>
      %dma_start3A_57 = arith.constant 0 : i32
      %dma_start3A_58 = arith.constant 0 : i32
      %dma_start3A_59 = tpu.memref_slice %arg4[%dma_start3A_57, %dma_start3A_58] : memref<98304x128xf32, #tpu.memory_space<hbm>> -> memref<98304x128xf32, #tpu.memory_space<hbm>>
      tpu.enqueue_indirect_dma source(%dma_start3A_53 : memref<128x128xf32, #tpu.memory_space<vmem>>) target(%dma_start3A_59 : memref<98304x128xf32, #tpu.memory_space<hbm>>) offsets(%dma_start3A_56 : memref<128xi32, #tpu.memory_space<vmem>>) semaphore(%arg7 : memref<!tpu.dma_semaphore, #tpu.memory_space<semaphore_mem>>)
      %dma_start3A_60 = arith.constant 1 : i32
      %dma_start3A_61 = arith.constant 128 : i32
      %dma_start3A_62 = arith.constant 0 : i32
      %dma_start3A_63 = tpu.memref_slice %arg6[%dma_start3A_61, %dma_start3A_62] : memref<512x128xf32, #tpu.memory_space<vmem>> -> memref<128x128xf32, #tpu.memory_space<vmem>>
      %dma_start3A_64 = arith.constant 0 : i32
      %dma_start3A_65 = tpu.memref_slice %arg5[%dma_start3A_60, %dma_start3A_64] : memref<8x128xi32, #tpu.memory_space<vmem>> -> memref<1x128xi32, #tpu.memory_space<vmem>>
      %dma_start3A_66 = tpu.memref_squeeze %dma_start3A_65 : memref<1x128xi32, #tpu.memory_space<vmem>> -> memref<128xi32, #tpu.memory_space<vmem>>
      %dma_start3A_67 = arith.constant 0 : i32
      %dma_start3A_68 = arith.constant 0 : i32
      %dma_start3A_69 = tpu.memref_slice %arg4[%dma_start3A_67, %dma_start3A_68] : memref<98304x128xf32, #tpu.memory_space<hbm>> -> memref<98304x128xf32, #tpu.memory_space<hbm>>
      tpu.enqueue_indirect_dma source(%dma_start3A_63 : memref<128x128xf32, #tpu.memory_space<vmem>>) target(%dma_start3A_69 : memref<98304x128xf32, #tpu.memory_space<hbm>>) offsets(%dma_start3A_66 : memref<128xi32, #tpu.memory_space<vmem>>) semaphore(%arg7 : memref<!tpu.dma_semaphore, #tpu.memory_space<semaphore_mem>>)
      %dma_start3A_70 = arith.constant 2 : i32
      %dma_start3A_71 = arith.constant 256 : i32
      %dma_start3A_72 = arith.constant 0 : i32
      %dma_start3A_73 = tpu.memref_slice %arg6[%dma_start3A_71, %dma_start3A_72] : memref<512x128xf32, #tpu.memory_space<vmem>> -> memref<128x128xf32, #tpu.memory_space<vmem>>
      %dma_start3A_74 = arith.constant 0 : i32
      %dma_start3A_75 = tpu.memref_slice %arg5[%dma_start3A_70, %dma_start3A_74] : memref<8x128xi32, #tpu.memory_space<vmem>> -> memref<1x128xi32, #tpu.memory_space<vmem>>
      %dma_start3A_76 = tpu.memref_squeeze %dma_start3A_75 : memref<1x128xi32, #tpu.memory_space<vmem>> -> memref<128xi32, #tpu.memory_space<vmem>>
      %dma_start3A_77 = arith.constant 0 : i32
      %dma_start3A_78 = arith.constant 0 : i32
      %dma_start3A_79 = tpu.memref_slice %arg4[%dma_start3A_77, %dma_start3A_78] : memref<98304x128xf32, #tpu.memory_space<hbm>> -> memref<98304x128xf32, #tpu.memory_space<hbm>>
      tpu.enqueue_indirect_dma source(%dma_start3A_73 : memref<128x128xf32, #tpu.memory_space<vmem>>) target(%dma_start3A_79 : memref<98304x128xf32, #tpu.memory_space<hbm>>) offsets(%dma_start3A_76 : memref<128xi32, #tpu.memory_space<vmem>>) semaphore(%arg7 : memref<!tpu.dma_semaphore, #tpu.memory_space<semaphore_mem>>)
      %dma_start3A_80 = arith.constant 3 : i32
      %dma_start3A_81 = arith.constant 384 : i32
      %dma_start3A_82 = arith.constant 0 : i32
      %dma_start3A_83 = tpu.memref_slice %arg6[%dma_start3A_81, %dma_start3A_82] : memref<512x128xf32, #tpu.memory_space<vmem>> -> memref<128x128xf32, #tpu.memory_space<vmem>>
      %dma_start3A_84 = arith.constant 0 : i32
      %dma_start3A_85 = tpu.memref_slice %arg5[%dma_start3A_80, %dma_start3A_84] : memref<8x128xi32, #tpu.memory_space<vmem>> -> memref<1x128xi32, #tpu.memory_space<vmem>>
      %dma_start3A_86 = tpu.memref_squeeze %dma_start3A_85 : memref<1x128xi32, #tpu.memory_space<vmem>> -> memref<128xi32, #tpu.memory_space<vmem>>
      %dma_start3A_87 = arith.constant 0 : i32
      %dma_start3A_88 = arith.constant 0 : i32
      %dma_start3A_89 = tpu.memref_slice %arg4[%dma_start3A_87, %dma_start3A_88] : memref<98304x128xf32, #tpu.memory_space<hbm>> -> memref<98304x128xf32, #tpu.memory_space<hbm>>
      tpu.enqueue_indirect_dma source(%dma_start3A_83 : memref<128x128xf32, #tpu.memory_space<vmem>>) target(%dma_start3A_89 : memref<98304x128xf32, #tpu.memory_space<hbm>>) offsets(%dma_start3A_86 : memref<128xi32, #tpu.memory_space<vmem>>) semaphore(%arg7 : memref<!tpu.dma_semaphore, #tpu.memory_space<semaphore_mem>>)
      %dma_wait3A = arith.constant 0 : i32
      %dma_wait3A_90 = arith.constant 0 : i32
      %dma_wait3A_91 = arith.constant 0 : i32
      %dma_wait3A_92 = tpu.memref_slice %arg6[%dma_wait3A_90, %dma_wait3A_91] : memref<512x128xf32, #tpu.memory_space<vmem>> -> memref<128x128xf32, #tpu.memory_space<vmem>>
      %dma_wait3A_93 = arith.constant 0 : i32
      %dma_wait3A_94 = tpu.memref_slice %arg5[%dma_wait3A, %dma_wait3A_93] : memref<8x128xi32, #tpu.memory_space<vmem>> -> memref<1x128xi32, #tpu.memory_space<vmem>>
      %dma_wait3A_95 = tpu.memref_squeeze %dma_wait3A_94 : memref<1x128xi32, #tpu.memory_space<vmem>> -> memref<128xi32, #tpu.memory_space<vmem>>
      %dma_wait3A_96 = arith.constant 0 : i32
      %dma_wait3A_97 = arith.constant 0 : i32
      %dma_wait3A_98 = tpu.memref_slice %arg4[%dma_wait3A_96, %dma_wait3A_97] : memref<98304x128xf32, #tpu.memory_space<hbm>> -> memref<98304x128xf32, #tpu.memory_space<hbm>>
      tpu.wait_indirect_dma semaphore(%arg7 : memref<!tpu.dma_semaphore, #tpu.memory_space<semaphore_mem>>) src(%dma_wait3A_92 : memref<128x128xf32, #tpu.memory_space<vmem>>) dst(%dma_wait3A_98 : memref<98304x128xf32, #tpu.memory_space<hbm>>)
      %dma_wait3A_99 = arith.constant 1 : i32
      %dma_wait3A_100 = arith.constant 128 : i32
      %dma_wait3A_101 = arith.constant 0 : i32
      %dma_wait3A_102 = tpu.memref_slice %arg6[%dma_wait3A_100, %dma_wait3A_101] : memref<512x128xf32, #tpu.memory_space<vmem>> -> memref<128x128xf32, #tpu.memory_space<vmem>>
      %dma_wait3A_103 = arith.constant 0 : i32
      %dma_wait3A_104 = tpu.memref_slice %arg5[%dma_wait3A_99, %dma_wait3A_103] : memref<8x128xi32, #tpu.memory_space<vmem>> -> memref<1x128xi32, #tpu.memory_space<vmem>>
      %dma_wait3A_105 = tpu.memref_squeeze %dma_wait3A_104 : memref<1x128xi32, #tpu.memory_space<vmem>> -> memref<128xi32, #tpu.memory_space<vmem>>
      %dma_wait3A_106 = arith.constant 0 : i32
      %dma_wait3A_107 = arith.constant 0 : i32
      %dma_wait3A_108 = tpu.memref_slice %arg4[%dma_wait3A_106, %dma_wait3A_107] : memref<98304x128xf32, #tpu.memory_space<hbm>> -> memref<98304x128xf32, #tpu.memory_space<hbm>>
      tpu.wait_indirect_dma semaphore(%arg7 : memref<!tpu.dma_semaphore, #tpu.memory_space<semaphore_mem>>) src(%dma_wait3A_102 : memref<128x128xf32, #tpu.memory_space<vmem>>) dst(%dma_wait3A_108 : memref<98304x128xf32, #tpu.memory_space<hbm>>)
      %dma_wait3A_109 = arith.constant 2 : i32
      %dma_wait3A_110 = arith.constant 256 : i32
      %dma_wait3A_111 = arith.constant 0 : i32
      %dma_wait3A_112 = tpu.memref_slice %arg6[%dma_wait3A_110, %dma_wait3A_111] : memref<512x128xf32, #tpu.memory_space<vmem>> -> memref<128x128xf32, #tpu.memory_space<vmem>>
      %dma_wait3A_113 = arith.constant 0 : i32
      %dma_wait3A_114 = tpu.memref_slice %arg5[%dma_wait3A_109, %dma_wait3A_113] : memref<8x128xi32, #tpu.memory_space<vmem>> -> memref<1x128xi32, #tpu.memory_space<vmem>>
      %dma_wait3A_115 = tpu.memref_squeeze %dma_wait3A_114 : memref<1x128xi32, #tpu.memory_space<vmem>> -> memref<128xi32, #tpu.memory_space<vmem>>
      %dma_wait3A_116 = arith.constant 0 : i32
      %dma_wait3A_117 = arith.constant 0 : i32
      %dma_wait3A_118 = tpu.memref_slice %arg4[%dma_wait3A_116, %dma_wait3A_117] : memref<98304x128xf32, #tpu.memory_space<hbm>> -> memref<98304x128xf32, #tpu.memory_space<hbm>>
      tpu.wait_indirect_dma semaphore(%arg7 : memref<!tpu.dma_semaphore, #tpu.memory_space<semaphore_mem>>) src(%dma_wait3A_112 : memref<128x128xf32, #tpu.memory_space<vmem>>) dst(%dma_wait3A_118 : memref<98304x128xf32, #tpu.memory_space<hbm>>)
      %dma_wait3A_119 = arith.constant 3 : i32
      %dma_wait3A_120 = arith.constant 384 : i32
      %dma_wait3A_121 = arith.constant 0 : i32
      %dma_wait3A_122 = tpu.memref_slice %arg6[%dma_wait3A_120, %dma_wait3A_121] : memref<512x128xf32, #tpu.memory_space<vmem>> -> memref<128x128xf32, #tpu.memory_space<vmem>>
      %dma_wait3A_123 = arith.constant 0 : i32
      %dma_wait3A_124 = tpu.memref_slice %arg5[%dma_wait3A_119, %dma_wait3A_123] : memref<8x128xi32, #tpu.memory_space<vmem>> -> memref<1x128xi32, #tpu.memory_space<vmem>>
      %dma_wait3A_125 = tpu.memref_squeeze %dma_wait3A_124 : memref<1x128xi32, #tpu.memory_space<vmem>> -> memref<128xi32, #tpu.memory_space<vmem>>
      %dma_wait3A_126 = arith.constant 0 : i32
      %dma_wait3A_127 = arith.constant 0 : i32
      %dma_wait3A_128 = tpu.memref_slice %arg4[%dma_wait3A_126, %dma_wait3A_127] : memref<98304x128xf32, #tpu.memory_space<hbm>> -> memref<98304x128xf32, #tpu.memory_space<hbm>>
      tpu.wait_indirect_dma semaphore(%arg7 : memref<!tpu.dma_semaphore, #tpu.memory_space<semaphore_mem>>) src(%dma_wait3A_122 : memref<128x128xf32, #tpu.memory_space<vmem>>) dst(%dma_wait3A_128 : memref<98304x128xf32, #tpu.memory_space<hbm>>)
      %add3A_129 = arith.constant 512 : i32
      %add3A_130 = arith.addi %multiple_of3A_25, %add3A_129 : i32
      %multiple_of3A_131 = tpu.assume_multiple %add3A_130, 512 : i32
      "tpu.region"() ({
        %run_scoped3A = tpu.sem_alloc : memref<!tpu.dma_semaphore, #tpu.memory_space<semaphore_mem>>
        %dma_start3A_212 = arith.constant 0 : i32
        %dma_start3A_213 = tpu.memref_slice %arg2[%multiple_of3A_131, %dma_start3A_212] : memref<24576x128xf32, #tpu.memory_space<hbm>> -> memref<512x128xf32, #tpu.memory_space<hbm>>
        %dma_start3A_214 = arith.constant 0 : i32
        %dma_start3A_215 = tpu.memref_slice %arg2[%multiple_of3A_131, %dma_start3A_214] : memref<24576x128xf32, #tpu.memory_space<hbm>> -> memref<512x128xf32, #tpu.memory_space<hbm>>
        tpu.enqueue_dma source(%dma_start3A_215 : memref<512x128xf32, #tpu.memory_space<hbm>>) target(%arg6 : memref<512x128xf32, #tpu.memory_space<vmem>>) target_semaphore(%run_scoped3A : memref<!tpu.dma_semaphore, #tpu.memory_space<semaphore_mem>>)
        %dma_wait3A_216 = arith.constant 0 : i32
        %dma_wait3A_217 = tpu.memref_slice %arg2[%multiple_of3A_131, %dma_wait3A_216] : memref<24576x128xf32, #tpu.memory_space<hbm>> -> memref<512x128xf32, #tpu.memory_space<hbm>>
        %dma_wait3A_218 = arith.constant 0 : i32
        %dma_wait3A_219 = tpu.memref_slice %arg2[%multiple_of3A_131, %dma_wait3A_218] : memref<24576x128xf32, #tpu.memory_space<hbm>> -> memref<512x128xf32, #tpu.memory_space<hbm>>
        tpu.wait_dma2 semaphore(%run_scoped3A : memref<!tpu.dma_semaphore, #tpu.memory_space<semaphore_mem>>) src(%dma_wait3A_219 : memref<512x128xf32, #tpu.memory_space<hbm>>) dst(%arg6 : memref<512x128xf32, #tpu.memory_space<vmem>>)
        tpu.yield
      }) : () -> ()
      %dma_start3A_132 = arith.constant 4 : i32
      %dma_start3A_133 = arith.constant 0 : i32
      %dma_start3A_134 = arith.constant 0 : i32
      %dma_start3A_135 = tpu.memref_slice %arg6[%dma_start3A_133, %dma_start3A_134] : memref<512x128xf32, #tpu.memory_space<vmem>> -> memref<128x128xf32, #tpu.memory_space<vmem>>
      %dma_start3A_136 = arith.constant 0 : i32
      %dma_start3A_137 = tpu.memref_slice %arg5[%dma_start3A_132, %dma_start3A_136] : memref<8x128xi32, #tpu.memory_space<vmem>> -> memref<1x128xi32, #tpu.memory_space<vmem>>
      %dma_start3A_138 = tpu.memref_squeeze %dma_start3A_137 : memref<1x128xi32, #tpu.memory_space<vmem>> -> memref<128xi32, #tpu.memory_space<vmem>>
      %dma_start3A_139 = arith.constant 0 : i32
      %dma_start3A_140 = arith.constant 0 : i32
      %dma_start3A_141 = tpu.memref_slice %arg4[%dma_start3A_139, %dma_start3A_140] : memref<98304x128xf32, #tpu.memory_space<hbm>> -> memref<98304x128xf32, #tpu.memory_space<hbm>>
      tpu.enqueue_indirect_dma source(%dma_start3A_135 : memref<128x128xf32, #tpu.memory_space<vmem>>) target(%dma_start3A_141 : memref<98304x128xf32, #tpu.memory_space<hbm>>) offsets(%dma_start3A_138 : memref<128xi32, #tpu.memory_space<vmem>>) semaphore(%arg7 : memref<!tpu.dma_semaphore, #tpu.memory_space<semaphore_mem>>)
      %dma_start3A_142 = arith.constant 5 : i32
      %dma_start3A_143 = arith.constant 128 : i32
      %dma_start3A_144 = arith.constant 0 : i32
      %dma_start3A_145 = tpu.memref_slice %arg6[%dma_start3A_143, %dma_start3A_144] : memref<512x128xf32, #tpu.memory_space<vmem>> -> memref<128x128xf32, #tpu.memory_space<vmem>>
      %dma_start3A_146 = arith.constant 0 : i32
      %dma_start3A_147 = tpu.memref_slice %arg5[%dma_start3A_142, %dma_start3A_146] : memref<8x128xi32, #tpu.memory_space<vmem>> -> memref<1x128xi32, #tpu.memory_space<vmem>>
      %dma_start3A_148 = tpu.memref_squeeze %dma_start3A_147 : memref<1x128xi32, #tpu.memory_space<vmem>> -> memref<128xi32, #tpu.memory_space<vmem>>
      %dma_start3A_149 = arith.constant 0 : i32
      %dma_start3A_150 = arith.constant 0 : i32
      %dma_start3A_151 = tpu.memref_slice %arg4[%dma_start3A_149, %dma_start3A_150] : memref<98304x128xf32, #tpu.memory_space<hbm>> -> memref<98304x128xf32, #tpu.memory_space<hbm>>
      tpu.enqueue_indirect_dma source(%dma_start3A_145 : memref<128x128xf32, #tpu.memory_space<vmem>>) target(%dma_start3A_151 : memref<98304x128xf32, #tpu.memory_space<hbm>>) offsets(%dma_start3A_148 : memref<128xi32, #tpu.memory_space<vmem>>) semaphore(%arg7 : memref<!tpu.dma_semaphore, #tpu.memory_space<semaphore_mem>>)
      %dma_start3A_152 = arith.constant 6 : i32
      %dma_start3A_153 = arith.constant 256 : i32
      %dma_start3A_154 = arith.constant 0 : i32
      %dma_start3A_155 = tpu.memref_slice %arg6[%dma_start3A_153, %dma_start3A_154] : memref<512x128xf32, #tpu.memory_space<vmem>> -> memref<128x128xf32, #tpu.memory_space<vmem>>
      %dma_start3A_156 = arith.constant 0 : i32
      %dma_start3A_157 = tpu.memref_slice %arg5[%dma_start3A_152, %dma_start3A_156] : memref<8x128xi32, #tpu.memory_space<vmem>> -> memref<1x128xi32, #tpu.memory_space<vmem>>
      %dma_start3A_158 = tpu.memref_squeeze %dma_start3A_157 : memref<1x128xi32, #tpu.memory_space<vmem>> -> memref<128xi32, #tpu.memory_space<vmem>>
      %dma_start3A_159 = arith.constant 0 : i32
      %dma_start3A_160 = arith.constant 0 : i32
      %dma_start3A_161 = tpu.memref_slice %arg4[%dma_start3A_159, %dma_start3A_160] : memref<98304x128xf32, #tpu.memory_space<hbm>> -> memref<98304x128xf32, #tpu.memory_space<hbm>>
      tpu.enqueue_indirect_dma source(%dma_start3A_155 : memref<128x128xf32, #tpu.memory_space<vmem>>) target(%dma_start3A_161 : memref<98304x128xf32, #tpu.memory_space<hbm>>) offsets(%dma_start3A_158 : memref<128xi32, #tpu.memory_space<vmem>>) semaphore(%arg7 : memref<!tpu.dma_semaphore, #tpu.memory_space<semaphore_mem>>)
      %dma_start3A_162 = arith.constant 7 : i32
      %dma_start3A_163 = arith.constant 384 : i32
      %dma_start3A_164 = arith.constant 0 : i32
      %dma_start3A_165 = tpu.memref_slice %arg6[%dma_start3A_163, %dma_start3A_164] : memref<512x128xf32, #tpu.memory_space<vmem>> -> memref<128x128xf32, #tpu.memory_space<vmem>>
      %dma_start3A_166 = arith.constant 0 : i32
      %dma_start3A_167 = tpu.memref_slice %arg5[%dma_start3A_162, %dma_start3A_166] : memref<8x128xi32, #tpu.memory_space<vmem>> -> memref<1x128xi32, #tpu.memory_space<vmem>>
      %dma_start3A_168 = tpu.memref_squeeze %dma_start3A_167 : memref<1x128xi32, #tpu.memory_space<vmem>> -> memref<128xi32, #tpu.memory_space<vmem>>
      %dma_start3A_169 = arith.constant 0 : i32
      %dma_start3A_170 = arith.constant 0 : i32
      %dma_start3A_171 = tpu.memref_slice %arg4[%dma_start3A_169, %dma_start3A_170] : memref<98304x128xf32, #tpu.memory_space<hbm>> -> memref<98304x128xf32, #tpu.memory_space<hbm>>
      tpu.enqueue_indirect_dma source(%dma_start3A_165 : memref<128x128xf32, #tpu.memory_space<vmem>>) target(%dma_start3A_171 : memref<98304x128xf32, #tpu.memory_space<hbm>>) offsets(%dma_start3A_168 : memref<128xi32, #tpu.memory_space<vmem>>) semaphore(%arg7 : memref<!tpu.dma_semaphore, #tpu.memory_space<semaphore_mem>>)
      %dma_wait3A_172 = arith.constant 4 : i32
      %dma_wait3A_173 = arith.constant 0 : i32
      %dma_wait3A_174 = arith.constant 0 : i32
      %dma_wait3A_175 = tpu.memref_slice %arg6[%dma_wait3A_173, %dma_wait3A_174] : memref<512x128xf32, #tpu.memory_space<vmem>> -> memref<128x128xf32, #tpu.memory_space<vmem>>
      %dma_wait3A_176 = arith.constant 0 : i32
      %dma_wait3A_177 = tpu.memref_slice %arg5[%dma_wait3A_172, %dma_wait3A_176] : memref<8x128xi32, #tpu.memory_space<vmem>> -> memref<1x128xi32, #tpu.memory_space<vmem>>
      %dma_wait3A_178 = tpu.memref_squeeze %dma_wait3A_177 : memref<1x128xi32, #tpu.memory_space<vmem>> -> memref<128xi32, #tpu.memory_space<vmem>>
      %dma_wait3A_179 = arith.constant 0 : i32
      %dma_wait3A_180 = arith.constant 0 : i32
      %dma_wait3A_181 = tpu.memref_slice %arg4[%dma_wait3A_179, %dma_wait3A_180] : memref<98304x128xf32, #tpu.memory_space<hbm>> -> memref<98304x128xf32, #tpu.memory_space<hbm>>
      tpu.wait_indirect_dma semaphore(%arg7 : memref<!tpu.dma_semaphore, #tpu.memory_space<semaphore_mem>>) src(%dma_wait3A_175 : memref<128x128xf32, #tpu.memory_space<vmem>>) dst(%dma_wait3A_181 : memref<98304x128xf32, #tpu.memory_space<hbm>>)
      %dma_wait3A_182 = arith.constant 5 : i32
      %dma_wait3A_183 = arith.constant 128 : i32
      %dma_wait3A_184 = arith.constant 0 : i32
      %dma_wait3A_185 = tpu.memref_slice %arg6[%dma_wait3A_183, %dma_wait3A_184] : memref<512x128xf32, #tpu.memory_space<vmem>> -> memref<128x128xf32, #tpu.memory_space<vmem>>
      %dma_wait3A_186 = arith.constant 0 : i32
      %dma_wait3A_187 = tpu.memref_slice %arg5[%dma_wait3A_182, %dma_wait3A_186] : memref<8x128xi32, #tpu.memory_space<vmem>> -> memref<1x128xi32, #tpu.memory_space<vmem>>
      %dma_wait3A_188 = tpu.memref_squeeze %dma_wait3A_187 : memref<1x128xi32, #tpu.memory_space<vmem>> -> memref<128xi32, #tpu.memory_space<vmem>>
      %dma_wait3A_189 = arith.constant 0 : i32
      %dma_wait3A_190 = arith.constant 0 : i32
      %dma_wait3A_191 = tpu.memref_slice %arg4[%dma_wait3A_189, %dma_wait3A_190] : memref<98304x128xf32, #tpu.memory_space<hbm>> -> memref<98304x128xf32, #tpu.memory_space<hbm>>
      tpu.wait_indirect_dma semaphore(%arg7 : memref<!tpu.dma_semaphore, #tpu.memory_space<semaphore_mem>>) src(%dma_wait3A_185 : memref<128x128xf32, #tpu.memory_space<vmem>>) dst(%dma_wait3A_191 : memref<98304x128xf32, #tpu.memory_space<hbm>>)
      %dma_wait3A_192 = arith.constant 6 : i32
      %dma_wait3A_193 = arith.constant 256 : i32
      %dma_wait3A_194 = arith.constant 0 : i32
      %dma_wait3A_195 = tpu.memref_slice %arg6[%dma_wait3A_193, %dma_wait3A_194] : memref<512x128xf32, #tpu.memory_space<vmem>> -> memref<128x128xf32, #tpu.memory_space<vmem>>
      %dma_wait3A_196 = arith.constant 0 : i32
      %dma_wait3A_197 = tpu.memref_slice %arg5[%dma_wait3A_192, %dma_wait3A_196] : memref<8x128xi32, #tpu.memory_space<vmem>> -> memref<1x128xi32, #tpu.memory_space<vmem>>
      %dma_wait3A_198 = tpu.memref_squeeze %dma_wait3A_197 : memref<1x128xi32, #tpu.memory_space<vmem>> -> memref<128xi32, #tpu.memory_space<vmem>>
      %dma_wait3A_199 = arith.constant 0 : i32
      %dma_wait3A_200 = arith.constant 0 : i32
      %dma_wait3A_201 = tpu.memref_slice %arg4[%dma_wait3A_199, %dma_wait3A_200] : memref<98304x128xf32, #tpu.memory_space<hbm>> -> memref<98304x128xf32, #tpu.memory_space<hbm>>
      tpu.wait_indirect_dma semaphore(%arg7 : memref<!tpu.dma_semaphore, #tpu.memory_space<semaphore_mem>>) src(%dma_wait3A_195 : memref<128x128xf32, #tpu.memory_space<vmem>>) dst(%dma_wait3A_201 : memref<98304x128xf32, #tpu.memory_space<hbm>>)
      %dma_wait3A_202 = arith.constant 7 : i32
      %dma_wait3A_203 = arith.constant 384 : i32
      %dma_wait3A_204 = arith.constant 0 : i32
      %dma_wait3A_205 = tpu.memref_slice %arg6[%dma_wait3A_203, %dma_wait3A_204] : memref<512x128xf32, #tpu.memory_space<vmem>> -> memref<128x128xf32, #tpu.memory_space<vmem>>
      %dma_wait3A_206 = arith.constant 0 : i32
      %dma_wait3A_207 = tpu.memref_slice %arg5[%dma_wait3A_202, %dma_wait3A_206] : memref<8x128xi32, #tpu.memory_space<vmem>> -> memref<1x128xi32, #tpu.memory_space<vmem>>
      %dma_wait3A_208 = tpu.memref_squeeze %dma_wait3A_207 : memref<1x128xi32, #tpu.memory_space<vmem>> -> memref<128xi32, #tpu.memory_space<vmem>>
      %dma_wait3A_209 = arith.constant 0 : i32
      %dma_wait3A_210 = arith.constant 0 : i32
      %dma_wait3A_211 = tpu.memref_slice %arg4[%dma_wait3A_209, %dma_wait3A_210] : memref<98304x128xf32, #tpu.memory_space<hbm>> -> memref<98304x128xf32, #tpu.memory_space<hbm>>
      tpu.wait_indirect_dma semaphore(%arg7 : memref<!tpu.dma_semaphore, #tpu.memory_space<semaphore_mem>>) src(%dma_wait3A_205 : memref<128x128xf32, #tpu.memory_space<vmem>>) dst(%dma_wait3A_211 : memref<98304x128xf32, #tpu.memory_space<hbm>>)
    }
    %scan3A_17 = arith.constant 3 : i32
    return
  }
}

#map = affine_map<(d0, d1) -> (0, 0)>
module attributes {stable_mosaic.version = 14 : i64} {
  func.func @gather_k(%arg0: i32, %arg1: i32, %arg2: memref<98304x128xf32, #tpu.memory_space<hbm>>, %arg3: memref<768x128xi32, #tpu.memory_space<hbm>>, %arg4: memref<98304x128xf32, #tpu.memory_space<hbm>>, %arg5: memref<8x128xi32, #tpu.memory_space<vmem>>, %arg6: memref<512x128xf32, #tpu.memory_space<vmem>>, %arg7: memref<!tpu.dma_semaphore, #tpu.memory_space<semaphore_mem>>) attributes {dimension_semantics = [#tpu.dimension_semantics<core_parallel>, #tpu.dimension_semantics<subcore_parallel>], iteration_bounds = array<i64: 2, 16>, scalar_prefetch = 0 : i64, scratch_operands = 3 : i64, tpu.core_type = #tpu.core_type<sc_vector_subcore>, window_params = [{transform_indices = #map}, {transform_indices = #map}, {transform_indices = #map}]} {
    %mul3A = arith.constant 2 : i32
    %mul3A_0 = arith.muli %arg1, %mul3A : i32
    %add3A = arith.addi %mul3A_0, %arg0 : i32
    %mul3A_1 = arith.constant 3072 : i32
    %mul3A_2 = arith.muli %add3A, %mul3A_1 : i32
    %scan3A = arith.constant 0 : i32
    %scan3A_3 = arith.constant 3 : i32
    %scan3A_4 = arith.addi %scan3A, %scan3A_3 : i32
    %scan3A_5 = arith.constant 1 : i32
    scf.for %scan3A_7 = %scan3A to %scan3A_4 step %scan3A_5  : i32 {
      %mul3A_8 = arith.constant 1024 : i32
      %mul3A_9 = arith.muli %scan3A_7, %mul3A_8 : i32
      %add3A_10 = arith.addi %mul3A_2, %mul3A_9 : i32
      %multiple_of3A = tpu.assume_multiple %add3A_10, 1024 : i32
      %jit3A = arith.constant 128 : i32
      %div3A = arith.divsi %multiple_of3A, %jit3A : i32
      %sign3A = arith.constant 0 : i32
      %sign3A_11 = arith.cmpi sgt, %multiple_of3A, %sign3A : i32
      %sign3A_12 = arith.extui %sign3A_11 : i1 to i32
      %sign3A_13 = arith.constant 0 : i32
      %sign3A_14 = arith.cmpi slt, %multiple_of3A, %sign3A_13 : i32
      %sign3A_15 = arith.extui %sign3A_14 : i1 to i32
      %sign3A_16 = arith.subi %sign3A_12, %sign3A_15 : i32
      %sign3A_17 = arith.constant 0 : i32
      %sign3A_18 = arith.cmpi sgt, %jit3A, %sign3A_17 : i32
      %sign3A_19 = arith.extui %sign3A_18 : i1 to i32
      %sign3A_20 = arith.constant 0 : i32
      %sign3A_21 = arith.cmpi slt, %jit3A, %sign3A_20 : i32
      %sign3A_22 = arith.extui %sign3A_21 : i1 to i32
      %sign3A_23 = arith.subi %sign3A_19, %sign3A_22 : i32
      %ne3A = arith.cmpi ne, %sign3A_16, %sign3A_23 : i32
      %rem3A = arith.remsi %multiple_of3A, %jit3A : i32
      %ne3A_24 = arith.constant 0 : i32
      %ne3A_25 = arith.cmpi ne, %rem3A, %ne3A_24 : i32
      %and3A = arith.andi %ne3A, %ne3A_25 : i1
      %sub3A = arith.constant 1 : i32
      %sub3A_26 = arith.subi %div3A, %sub3A : i32
      %select_n3A = arith.select %and3A, %sub3A_26, %div3A : i32
      %multiple_of3A_27 = tpu.assume_multiple %select_n3A, 8 : i32
      "tpu.region"() ({
        %run_scoped3A = tpu.sem_alloc : memref<!tpu.dma_semaphore, #tpu.memory_space<semaphore_mem>>
        %dma_start3A_192 = arith.constant 0 : i32
        %dma_start3A_193 = tpu.memref_slice %arg3[%multiple_of3A_27, %dma_start3A_192] : memref<768x128xi32, #tpu.memory_space<hbm>> -> memref<8x128xi32, #tpu.memory_space<hbm>>
        %dma_start3A_194 = arith.constant 0 : i32
        %dma_start3A_195 = tpu.memref_slice %arg3[%multiple_of3A_27, %dma_start3A_194] : memref<768x128xi32, #tpu.memory_space<hbm>> -> memref<8x128xi32, #tpu.memory_space<hbm>>
        tpu.enqueue_dma source(%dma_start3A_195 : memref<8x128xi32, #tpu.memory_space<hbm>>) target(%arg5 : memref<8x128xi32, #tpu.memory_space<vmem>>) target_semaphore(%run_scoped3A : memref<!tpu.dma_semaphore, #tpu.memory_space<semaphore_mem>>)
        %dma_wait3A_196 = arith.constant 0 : i32
        %dma_wait3A_197 = tpu.memref_slice %arg3[%multiple_of3A_27, %dma_wait3A_196] : memref<768x128xi32, #tpu.memory_space<hbm>> -> memref<8x128xi32, #tpu.memory_space<hbm>>
        %dma_wait3A_198 = arith.constant 0 : i32
        %dma_wait3A_199 = tpu.memref_slice %arg3[%multiple_of3A_27, %dma_wait3A_198] : memref<768x128xi32, #tpu.memory_space<hbm>> -> memref<8x128xi32, #tpu.memory_space<hbm>>
        tpu.wait_dma2 semaphore(%run_scoped3A : memref<!tpu.dma_semaphore, #tpu.memory_space<semaphore_mem>>) src(%dma_wait3A_199 : memref<8x128xi32, #tpu.memory_space<hbm>>) dst(%arg5 : memref<8x128xi32, #tpu.memory_space<vmem>>)
        tpu.yield
      }) : () -> ()
      %add3A_28 = arith.constant 0 : i32
      %add3A_29 = arith.addi %multiple_of3A, %add3A_28 : i32
      %multiple_of3A_30 = tpu.assume_multiple %add3A_29, 512 : i32
      %dma_start3A = arith.constant 0 : i32
      %dma_start3A_31 = arith.constant 0 : i32
      %dma_start3A_32 = arith.constant 0 : i32
      %dma_start3A_33 = tpu.memref_slice %arg6[%dma_start3A_31, %dma_start3A_32] : memref<512x128xf32, #tpu.memory_space<vmem>> -> memref<128x128xf32, #tpu.memory_space<vmem>>
      %dma_start3A_34 = arith.constant 0 : i32
      %dma_start3A_35 = tpu.memref_slice %arg5[%dma_start3A, %dma_start3A_34] : memref<8x128xi32, #tpu.memory_space<vmem>> -> memref<1x128xi32, #tpu.memory_space<vmem>>
      %dma_start3A_36 = tpu.memref_squeeze %dma_start3A_35 : memref<1x128xi32, #tpu.memory_space<vmem>> -> memref<128xi32, #tpu.memory_space<vmem>>
      %dma_start3A_37 = arith.constant 0 : i32
      %dma_start3A_38 = arith.constant 0 : i32
      %dma_start3A_39 = tpu.memref_slice %arg2[%dma_start3A_37, %dma_start3A_38] : memref<98304x128xf32, #tpu.memory_space<hbm>> -> memref<98304x128xf32, #tpu.memory_space<hbm>>
      tpu.enqueue_indirect_dma source(%dma_start3A_39 : memref<98304x128xf32, #tpu.memory_space<hbm>>) target(%dma_start3A_33 : memref<128x128xf32, #tpu.memory_space<vmem>>) offsets(%dma_start3A_36 : memref<128xi32, #tpu.memory_space<vmem>>) semaphore(%arg7 : memref<!tpu.dma_semaphore, #tpu.memory_space<semaphore_mem>>)
      %dma_start3A_40 = arith.constant 1 : i32
      %dma_start3A_41 = arith.constant 128 : i32
      %dma_start3A_42 = arith.constant 0 : i32
      %dma_start3A_43 = tpu.memref_slice %arg6[%dma_start3A_41, %dma_start3A_42] : memref<512x128xf32, #tpu.memory_space<vmem>> -> memref<128x128xf32, #tpu.memory_space<vmem>>
      %dma_start3A_44 = arith.constant 0 : i32
      %dma_start3A_45 = tpu.memref_slice %arg5[%dma_start3A_40, %dma_start3A_44] : memref<8x128xi32, #tpu.memory_space<vmem>> -> memref<1x128xi32, #tpu.memory_space<vmem>>
      %dma_start3A_46 = tpu.memref_squeeze %dma_start3A_45 : memref<1x128xi32, #tpu.memory_space<vmem>> -> memref<128xi32, #tpu.memory_space<vmem>>
      %dma_start3A_47 = arith.constant 0 : i32
      %dma_start3A_48 = arith.constant 0 : i32
      %dma_start3A_49 = tpu.memref_slice %arg2[%dma_start3A_47, %dma_start3A_48] : memref<98304x128xf32, #tpu.memory_space<hbm>> -> memref<98304x128xf32, #tpu.memory_space<hbm>>
      tpu.enqueue_indirect_dma source(%dma_start3A_49 : memref<98304x128xf32, #tpu.memory_space<hbm>>) target(%dma_start3A_43 : memref<128x128xf32, #tpu.memory_space<vmem>>) offsets(%dma_start3A_46 : memref<128xi32, #tpu.memory_space<vmem>>) semaphore(%arg7 : memref<!tpu.dma_semaphore, #tpu.memory_space<semaphore_mem>>)
      %dma_start3A_50 = arith.constant 2 : i32
      %dma_start3A_51 = arith.constant 256 : i32
      %dma_start3A_52 = arith.constant 0 : i32
      %dma_start3A_53 = tpu.memref_slice %arg6[%dma_start3A_51, %dma_start3A_52] : memref<512x128xf32, #tpu.memory_space<vmem>> -> memref<128x128xf32, #tpu.memory_space<vmem>>
      %dma_start3A_54 = arith.constant 0 : i32
      %dma_start3A_55 = tpu.memref_slice %arg5[%dma_start3A_50, %dma_start3A_54] : memref<8x128xi32, #tpu.memory_space<vmem>> -> memref<1x128xi32, #tpu.memory_space<vmem>>
      %dma_start3A_56 = tpu.memref_squeeze %dma_start3A_55 : memref<1x128xi32, #tpu.memory_space<vmem>> -> memref<128xi32, #tpu.memory_space<vmem>>
      %dma_start3A_57 = arith.constant 0 : i32
      %dma_start3A_58 = arith.constant 0 : i32
      %dma_start3A_59 = tpu.memref_slice %arg2[%dma_start3A_57, %dma_start3A_58] : memref<98304x128xf32, #tpu.memory_space<hbm>> -> memref<98304x128xf32, #tpu.memory_space<hbm>>
      tpu.enqueue_indirect_dma source(%dma_start3A_59 : memref<98304x128xf32, #tpu.memory_space<hbm>>) target(%dma_start3A_53 : memref<128x128xf32, #tpu.memory_space<vmem>>) offsets(%dma_start3A_56 : memref<128xi32, #tpu.memory_space<vmem>>) semaphore(%arg7 : memref<!tpu.dma_semaphore, #tpu.memory_space<semaphore_mem>>)
      %dma_start3A_60 = arith.constant 3 : i32
      %dma_start3A_61 = arith.constant 384 : i32
      %dma_start3A_62 = arith.constant 0 : i32
      %dma_start3A_63 = tpu.memref_slice %arg6[%dma_start3A_61, %dma_start3A_62] : memref<512x128xf32, #tpu.memory_space<vmem>> -> memref<128x128xf32, #tpu.memory_space<vmem>>
      %dma_start3A_64 = arith.constant 0 : i32
      %dma_start3A_65 = tpu.memref_slice %arg5[%dma_start3A_60, %dma_start3A_64] : memref<8x128xi32, #tpu.memory_space<vmem>> -> memref<1x128xi32, #tpu.memory_space<vmem>>
      %dma_start3A_66 = tpu.memref_squeeze %dma_start3A_65 : memref<1x128xi32, #tpu.memory_space<vmem>> -> memref<128xi32, #tpu.memory_space<vmem>>
      %dma_start3A_67 = arith.constant 0 : i32
      %dma_start3A_68 = arith.constant 0 : i32
      %dma_start3A_69 = tpu.memref_slice %arg2[%dma_start3A_67, %dma_start3A_68] : memref<98304x128xf32, #tpu.memory_space<hbm>> -> memref<98304x128xf32, #tpu.memory_space<hbm>>
      tpu.enqueue_indirect_dma source(%dma_start3A_69 : memref<98304x128xf32, #tpu.memory_space<hbm>>) target(%dma_start3A_63 : memref<128x128xf32, #tpu.memory_space<vmem>>) offsets(%dma_start3A_66 : memref<128xi32, #tpu.memory_space<vmem>>) semaphore(%arg7 : memref<!tpu.dma_semaphore, #tpu.memory_space<semaphore_mem>>)
      %dma_wait3A = arith.constant 0 : i32
      %dma_wait3A_70 = arith.constant 0 : i32
      %dma_wait3A_71 = arith.constant 0 : i32
      %dma_wait3A_72 = tpu.memref_slice %arg6[%dma_wait3A_70, %dma_wait3A_71] : memref<512x128xf32, #tpu.memory_space<vmem>> -> memref<128x128xf32, #tpu.memory_space<vmem>>
      %dma_wait3A_73 = arith.constant 0 : i32
      %dma_wait3A_74 = tpu.memref_slice %arg5[%dma_wait3A, %dma_wait3A_73] : memref<8x128xi32, #tpu.memory_space<vmem>> -> memref<1x128xi32, #tpu.memory_space<vmem>>
      %dma_wait3A_75 = tpu.memref_squeeze %dma_wait3A_74 : memref<1x128xi32, #tpu.memory_space<vmem>> -> memref<128xi32, #tpu.memory_space<vmem>>
      %dma_wait3A_76 = arith.constant 0 : i32
      %dma_wait3A_77 = arith.constant 0 : i32
      %dma_wait3A_78 = tpu.memref_slice %arg2[%dma_wait3A_76, %dma_wait3A_77] : memref<98304x128xf32, #tpu.memory_space<hbm>> -> memref<98304x128xf32, #tpu.memory_space<hbm>>
      tpu.wait_indirect_dma semaphore(%arg7 : memref<!tpu.dma_semaphore, #tpu.memory_space<semaphore_mem>>) src(%dma_wait3A_78 : memref<98304x128xf32, #tpu.memory_space<hbm>>) dst(%dma_wait3A_72 : memref<128x128xf32, #tpu.memory_space<vmem>>)
      %dma_wait3A_79 = arith.constant 1 : i32
      %dma_wait3A_80 = arith.constant 128 : i32
      %dma_wait3A_81 = arith.constant 0 : i32
      %dma_wait3A_82 = tpu.memref_slice %arg6[%dma_wait3A_80, %dma_wait3A_81] : memref<512x128xf32, #tpu.memory_space<vmem>> -> memref<128x128xf32, #tpu.memory_space<vmem>>
      %dma_wait3A_83 = arith.constant 0 : i32
      %dma_wait3A_84 = tpu.memref_slice %arg5[%dma_wait3A_79, %dma_wait3A_83] : memref<8x128xi32, #tpu.memory_space<vmem>> -> memref<1x128xi32, #tpu.memory_space<vmem>>
      %dma_wait3A_85 = tpu.memref_squeeze %dma_wait3A_84 : memref<1x128xi32, #tpu.memory_space<vmem>> -> memref<128xi32, #tpu.memory_space<vmem>>
      %dma_wait3A_86 = arith.constant 0 : i32
      %dma_wait3A_87 = arith.constant 0 : i32
      %dma_wait3A_88 = tpu.memref_slice %arg2[%dma_wait3A_86, %dma_wait3A_87] : memref<98304x128xf32, #tpu.memory_space<hbm>> -> memref<98304x128xf32, #tpu.memory_space<hbm>>
      tpu.wait_indirect_dma semaphore(%arg7 : memref<!tpu.dma_semaphore, #tpu.memory_space<semaphore_mem>>) src(%dma_wait3A_88 : memref<98304x128xf32, #tpu.memory_space<hbm>>) dst(%dma_wait3A_82 : memref<128x128xf32, #tpu.memory_space<vmem>>)
      %dma_wait3A_89 = arith.constant 2 : i32
      %dma_wait3A_90 = arith.constant 256 : i32
      %dma_wait3A_91 = arith.constant 0 : i32
      %dma_wait3A_92 = tpu.memref_slice %arg6[%dma_wait3A_90, %dma_wait3A_91] : memref<512x128xf32, #tpu.memory_space<vmem>> -> memref<128x128xf32, #tpu.memory_space<vmem>>
      %dma_wait3A_93 = arith.constant 0 : i32
      %dma_wait3A_94 = tpu.memref_slice %arg5[%dma_wait3A_89, %dma_wait3A_93] : memref<8x128xi32, #tpu.memory_space<vmem>> -> memref<1x128xi32, #tpu.memory_space<vmem>>
      %dma_wait3A_95 = tpu.memref_squeeze %dma_wait3A_94 : memref<1x128xi32, #tpu.memory_space<vmem>> -> memref<128xi32, #tpu.memory_space<vmem>>
      %dma_wait3A_96 = arith.constant 0 : i32
      %dma_wait3A_97 = arith.constant 0 : i32
      %dma_wait3A_98 = tpu.memref_slice %arg2[%dma_wait3A_96, %dma_wait3A_97] : memref<98304x128xf32, #tpu.memory_space<hbm>> -> memref<98304x128xf32, #tpu.memory_space<hbm>>
      tpu.wait_indirect_dma semaphore(%arg7 : memref<!tpu.dma_semaphore, #tpu.memory_space<semaphore_mem>>) src(%dma_wait3A_98 : memref<98304x128xf32, #tpu.memory_space<hbm>>) dst(%dma_wait3A_92 : memref<128x128xf32, #tpu.memory_space<vmem>>)
      %dma_wait3A_99 = arith.constant 3 : i32
      %dma_wait3A_100 = arith.constant 384 : i32
      %dma_wait3A_101 = arith.constant 0 : i32
      %dma_wait3A_102 = tpu.memref_slice %arg6[%dma_wait3A_100, %dma_wait3A_101] : memref<512x128xf32, #tpu.memory_space<vmem>> -> memref<128x128xf32, #tpu.memory_space<vmem>>
      %dma_wait3A_103 = arith.constant 0 : i32
      %dma_wait3A_104 = tpu.memref_slice %arg5[%dma_wait3A_99, %dma_wait3A_103] : memref<8x128xi32, #tpu.memory_space<vmem>> -> memref<1x128xi32, #tpu.memory_space<vmem>>
      %dma_wait3A_105 = tpu.memref_squeeze %dma_wait3A_104 : memref<1x128xi32, #tpu.memory_space<vmem>> -> memref<128xi32, #tpu.memory_space<vmem>>
      %dma_wait3A_106 = arith.constant 0 : i32
      %dma_wait3A_107 = arith.constant 0 : i32
      %dma_wait3A_108 = tpu.memref_slice %arg2[%dma_wait3A_106, %dma_wait3A_107] : memref<98304x128xf32, #tpu.memory_space<hbm>> -> memref<98304x128xf32, #tpu.memory_space<hbm>>
      tpu.wait_indirect_dma semaphore(%arg7 : memref<!tpu.dma_semaphore, #tpu.memory_space<semaphore_mem>>) src(%dma_wait3A_108 : memref<98304x128xf32, #tpu.memory_space<hbm>>) dst(%dma_wait3A_102 : memref<128x128xf32, #tpu.memory_space<vmem>>)
      "tpu.region"() ({
        %run_scoped3A = tpu.sem_alloc : memref<!tpu.dma_semaphore, #tpu.memory_space<semaphore_mem>>
        %dma_start3A_192 = arith.constant 0 : i32
        %dma_start3A_193 = tpu.memref_slice %arg4[%multiple_of3A_30, %dma_start3A_192] : memref<98304x128xf32, #tpu.memory_space<hbm>> -> memref<512x128xf32, #tpu.memory_space<hbm>>
        %dma_start3A_194 = arith.constant 0 : i32
        %dma_start3A_195 = tpu.memref_slice %arg4[%multiple_of3A_30, %dma_start3A_194] : memref<98304x128xf32, #tpu.memory_space<hbm>> -> memref<512x128xf32, #tpu.memory_space<hbm>>
        tpu.enqueue_dma source(%arg6 : memref<512x128xf32, #tpu.memory_space<vmem>>) target(%dma_start3A_195 : memref<512x128xf32, #tpu.memory_space<hbm>>) target_semaphore(%run_scoped3A : memref<!tpu.dma_semaphore, #tpu.memory_space<semaphore_mem>>)
        %dma_wait3A_196 = arith.constant 0 : i32
        %dma_wait3A_197 = tpu.memref_slice %arg4[%multiple_of3A_30, %dma_wait3A_196] : memref<98304x128xf32, #tpu.memory_space<hbm>> -> memref<512x128xf32, #tpu.memory_space<hbm>>
        %dma_wait3A_198 = arith.constant 0 : i32
        %dma_wait3A_199 = tpu.memref_slice %arg4[%multiple_of3A_30, %dma_wait3A_198] : memref<98304x128xf32, #tpu.memory_space<hbm>> -> memref<512x128xf32, #tpu.memory_space<hbm>>
        tpu.wait_dma2 semaphore(%run_scoped3A : memref<!tpu.dma_semaphore, #tpu.memory_space<semaphore_mem>>) src(%arg6 : memref<512x128xf32, #tpu.memory_space<vmem>>) dst(%dma_wait3A_199 : memref<512x128xf32, #tpu.memory_space<hbm>>)
        tpu.yield
      }) : () -> ()
      %add3A_109 = arith.constant 512 : i32
      %add3A_110 = arith.addi %multiple_of3A, %add3A_109 : i32
      %multiple_of3A_111 = tpu.assume_multiple %add3A_110, 512 : i32
      %dma_start3A_112 = arith.constant 4 : i32
      %dma_start3A_113 = arith.constant 0 : i32
      %dma_start3A_114 = arith.constant 0 : i32
      %dma_start3A_115 = tpu.memref_slice %arg6[%dma_start3A_113, %dma_start3A_114] : memref<512x128xf32, #tpu.memory_space<vmem>> -> memref<128x128xf32, #tpu.memory_space<vmem>>
      %dma_start3A_116 = arith.constant 0 : i32
      %dma_start3A_117 = tpu.memref_slice %arg5[%dma_start3A_112, %dma_start3A_116] : memref<8x128xi32, #tpu.memory_space<vmem>> -> memref<1x128xi32, #tpu.memory_space<vmem>>
      %dma_start3A_118 = tpu.memref_squeeze %dma_start3A_117 : memref<1x128xi32, #tpu.memory_space<vmem>> -> memref<128xi32, #tpu.memory_space<vmem>>
      %dma_start3A_119 = arith.constant 0 : i32
      %dma_start3A_120 = arith.constant 0 : i32
      %dma_start3A_121 = tpu.memref_slice %arg2[%dma_start3A_119, %dma_start3A_120] : memref<98304x128xf32, #tpu.memory_space<hbm>> -> memref<98304x128xf32, #tpu.memory_space<hbm>>
      tpu.enqueue_indirect_dma source(%dma_start3A_121 : memref<98304x128xf32, #tpu.memory_space<hbm>>) target(%dma_start3A_115 : memref<128x128xf32, #tpu.memory_space<vmem>>) offsets(%dma_start3A_118 : memref<128xi32, #tpu.memory_space<vmem>>) semaphore(%arg7 : memref<!tpu.dma_semaphore, #tpu.memory_space<semaphore_mem>>)
      %dma_start3A_122 = arith.constant 5 : i32
      %dma_start3A_123 = arith.constant 128 : i32
      %dma_start3A_124 = arith.constant 0 : i32
      %dma_start3A_125 = tpu.memref_slice %arg6[%dma_start3A_123, %dma_start3A_124] : memref<512x128xf32, #tpu.memory_space<vmem>> -> memref<128x128xf32, #tpu.memory_space<vmem>>
      %dma_start3A_126 = arith.constant 0 : i32
      %dma_start3A_127 = tpu.memref_slice %arg5[%dma_start3A_122, %dma_start3A_126] : memref<8x128xi32, #tpu.memory_space<vmem>> -> memref<1x128xi32, #tpu.memory_space<vmem>>
      %dma_start3A_128 = tpu.memref_squeeze %dma_start3A_127 : memref<1x128xi32, #tpu.memory_space<vmem>> -> memref<128xi32, #tpu.memory_space<vmem>>
      %dma_start3A_129 = arith.constant 0 : i32
      %dma_start3A_130 = arith.constant 0 : i32
      %dma_start3A_131 = tpu.memref_slice %arg2[%dma_start3A_129, %dma_start3A_130] : memref<98304x128xf32, #tpu.memory_space<hbm>> -> memref<98304x128xf32, #tpu.memory_space<hbm>>
      tpu.enqueue_indirect_dma source(%dma_start3A_131 : memref<98304x128xf32, #tpu.memory_space<hbm>>) target(%dma_start3A_125 : memref<128x128xf32, #tpu.memory_space<vmem>>) offsets(%dma_start3A_128 : memref<128xi32, #tpu.memory_space<vmem>>) semaphore(%arg7 : memref<!tpu.dma_semaphore, #tpu.memory_space<semaphore_mem>>)
      %dma_start3A_132 = arith.constant 6 : i32
      %dma_start3A_133 = arith.constant 256 : i32
      %dma_start3A_134 = arith.constant 0 : i32
      %dma_start3A_135 = tpu.memref_slice %arg6[%dma_start3A_133, %dma_start3A_134] : memref<512x128xf32, #tpu.memory_space<vmem>> -> memref<128x128xf32, #tpu.memory_space<vmem>>
      %dma_start3A_136 = arith.constant 0 : i32
      %dma_start3A_137 = tpu.memref_slice %arg5[%dma_start3A_132, %dma_start3A_136] : memref<8x128xi32, #tpu.memory_space<vmem>> -> memref<1x128xi32, #tpu.memory_space<vmem>>
      %dma_start3A_138 = tpu.memref_squeeze %dma_start3A_137 : memref<1x128xi32, #tpu.memory_space<vmem>> -> memref<128xi32, #tpu.memory_space<vmem>>
      %dma_start3A_139 = arith.constant 0 : i32
      %dma_start3A_140 = arith.constant 0 : i32
      %dma_start3A_141 = tpu.memref_slice %arg2[%dma_start3A_139, %dma_start3A_140] : memref<98304x128xf32, #tpu.memory_space<hbm>> -> memref<98304x128xf32, #tpu.memory_space<hbm>>
      tpu.enqueue_indirect_dma source(%dma_start3A_141 : memref<98304x128xf32, #tpu.memory_space<hbm>>) target(%dma_start3A_135 : memref<128x128xf32, #tpu.memory_space<vmem>>) offsets(%dma_start3A_138 : memref<128xi32, #tpu.memory_space<vmem>>) semaphore(%arg7 : memref<!tpu.dma_semaphore, #tpu.memory_space<semaphore_mem>>)
      %dma_start3A_142 = arith.constant 7 : i32
      %dma_start3A_143 = arith.constant 384 : i32
      %dma_start3A_144 = arith.constant 0 : i32
      %dma_start3A_145 = tpu.memref_slice %arg6[%dma_start3A_143, %dma_start3A_144] : memref<512x128xf32, #tpu.memory_space<vmem>> -> memref<128x128xf32, #tpu.memory_space<vmem>>
      %dma_start3A_146 = arith.constant 0 : i32
      %dma_start3A_147 = tpu.memref_slice %arg5[%dma_start3A_142, %dma_start3A_146] : memref<8x128xi32, #tpu.memory_space<vmem>> -> memref<1x128xi32, #tpu.memory_space<vmem>>
      %dma_start3A_148 = tpu.memref_squeeze %dma_start3A_147 : memref<1x128xi32, #tpu.memory_space<vmem>> -> memref<128xi32, #tpu.memory_space<vmem>>
      %dma_start3A_149 = arith.constant 0 : i32
      %dma_start3A_150 = arith.constant 0 : i32
      %dma_start3A_151 = tpu.memref_slice %arg2[%dma_start3A_149, %dma_start3A_150] : memref<98304x128xf32, #tpu.memory_space<hbm>> -> memref<98304x128xf32, #tpu.memory_space<hbm>>
      tpu.enqueue_indirect_dma source(%dma_start3A_151 : memref<98304x128xf32, #tpu.memory_space<hbm>>) target(%dma_start3A_145 : memref<128x128xf32, #tpu.memory_space<vmem>>) offsets(%dma_start3A_148 : memref<128xi32, #tpu.memory_space<vmem>>) semaphore(%arg7 : memref<!tpu.dma_semaphore, #tpu.memory_space<semaphore_mem>>)
      %dma_wait3A_152 = arith.constant 4 : i32
      %dma_wait3A_153 = arith.constant 0 : i32
      %dma_wait3A_154 = arith.constant 0 : i32
      %dma_wait3A_155 = tpu.memref_slice %arg6[%dma_wait3A_153, %dma_wait3A_154] : memref<512x128xf32, #tpu.memory_space<vmem>> -> memref<128x128xf32, #tpu.memory_space<vmem>>
      %dma_wait3A_156 = arith.constant 0 : i32
      %dma_wait3A_157 = tpu.memref_slice %arg5[%dma_wait3A_152, %dma_wait3A_156] : memref<8x128xi32, #tpu.memory_space<vmem>> -> memref<1x128xi32, #tpu.memory_space<vmem>>
      %dma_wait3A_158 = tpu.memref_squeeze %dma_wait3A_157 : memref<1x128xi32, #tpu.memory_space<vmem>> -> memref<128xi32, #tpu.memory_space<vmem>>
      %dma_wait3A_159 = arith.constant 0 : i32
      %dma_wait3A_160 = arith.constant 0 : i32
      %dma_wait3A_161 = tpu.memref_slice %arg2[%dma_wait3A_159, %dma_wait3A_160] : memref<98304x128xf32, #tpu.memory_space<hbm>> -> memref<98304x128xf32, #tpu.memory_space<hbm>>
      tpu.wait_indirect_dma semaphore(%arg7 : memref<!tpu.dma_semaphore, #tpu.memory_space<semaphore_mem>>) src(%dma_wait3A_161 : memref<98304x128xf32, #tpu.memory_space<hbm>>) dst(%dma_wait3A_155 : memref<128x128xf32, #tpu.memory_space<vmem>>)
      %dma_wait3A_162 = arith.constant 5 : i32
      %dma_wait3A_163 = arith.constant 128 : i32
      %dma_wait3A_164 = arith.constant 0 : i32
      %dma_wait3A_165 = tpu.memref_slice %arg6[%dma_wait3A_163, %dma_wait3A_164] : memref<512x128xf32, #tpu.memory_space<vmem>> -> memref<128x128xf32, #tpu.memory_space<vmem>>
      %dma_wait3A_166 = arith.constant 0 : i32
      %dma_wait3A_167 = tpu.memref_slice %arg5[%dma_wait3A_162, %dma_wait3A_166] : memref<8x128xi32, #tpu.memory_space<vmem>> -> memref<1x128xi32, #tpu.memory_space<vmem>>
      %dma_wait3A_168 = tpu.memref_squeeze %dma_wait3A_167 : memref<1x128xi32, #tpu.memory_space<vmem>> -> memref<128xi32, #tpu.memory_space<vmem>>
      %dma_wait3A_169 = arith.constant 0 : i32
      %dma_wait3A_170 = arith.constant 0 : i32
      %dma_wait3A_171 = tpu.memref_slice %arg2[%dma_wait3A_169, %dma_wait3A_170] : memref<98304x128xf32, #tpu.memory_space<hbm>> -> memref<98304x128xf32, #tpu.memory_space<hbm>>
      tpu.wait_indirect_dma semaphore(%arg7 : memref<!tpu.dma_semaphore, #tpu.memory_space<semaphore_mem>>) src(%dma_wait3A_171 : memref<98304x128xf32, #tpu.memory_space<hbm>>) dst(%dma_wait3A_165 : memref<128x128xf32, #tpu.memory_space<vmem>>)
      %dma_wait3A_172 = arith.constant 6 : i32
      %dma_wait3A_173 = arith.constant 256 : i32
      %dma_wait3A_174 = arith.constant 0 : i32
      %dma_wait3A_175 = tpu.memref_slice %arg6[%dma_wait3A_173, %dma_wait3A_174] : memref<512x128xf32, #tpu.memory_space<vmem>> -> memref<128x128xf32, #tpu.memory_space<vmem>>
      %dma_wait3A_176 = arith.constant 0 : i32
      %dma_wait3A_177 = tpu.memref_slice %arg5[%dma_wait3A_172, %dma_wait3A_176] : memref<8x128xi32, #tpu.memory_space<vmem>> -> memref<1x128xi32, #tpu.memory_space<vmem>>
      %dma_wait3A_178 = tpu.memref_squeeze %dma_wait3A_177 : memref<1x128xi32, #tpu.memory_space<vmem>> -> memref<128xi32, #tpu.memory_space<vmem>>
      %dma_wait3A_179 = arith.constant 0 : i32
      %dma_wait3A_180 = arith.constant 0 : i32
      %dma_wait3A_181 = tpu.memref_slice %arg2[%dma_wait3A_179, %dma_wait3A_180] : memref<98304x128xf32, #tpu.memory_space<hbm>> -> memref<98304x128xf32, #tpu.memory_space<hbm>>
      tpu.wait_indirect_dma semaphore(%arg7 : memref<!tpu.dma_semaphore, #tpu.memory_space<semaphore_mem>>) src(%dma_wait3A_181 : memref<98304x128xf32, #tpu.memory_space<hbm>>) dst(%dma_wait3A_175 : memref<128x128xf32, #tpu.memory_space<vmem>>)
      %dma_wait3A_182 = arith.constant 7 : i32
      %dma_wait3A_183 = arith.constant 384 : i32
      %dma_wait3A_184 = arith.constant 0 : i32
      %dma_wait3A_185 = tpu.memref_slice %arg6[%dma_wait3A_183, %dma_wait3A_184] : memref<512x128xf32, #tpu.memory_space<vmem>> -> memref<128x128xf32, #tpu.memory_space<vmem>>
      %dma_wait3A_186 = arith.constant 0 : i32
      %dma_wait3A_187 = tpu.memref_slice %arg5[%dma_wait3A_182, %dma_wait3A_186] : memref<8x128xi32, #tpu.memory_space<vmem>> -> memref<1x128xi32, #tpu.memory_space<vmem>>
      %dma_wait3A_188 = tpu.memref_squeeze %dma_wait3A_187 : memref<1x128xi32, #tpu.memory_space<vmem>> -> memref<128xi32, #tpu.memory_space<vmem>>
      %dma_wait3A_189 = arith.constant 0 : i32
      %dma_wait3A_190 = arith.constant 0 : i32
      %dma_wait3A_191 = tpu.memref_slice %arg2[%dma_wait3A_189, %dma_wait3A_190] : memref<98304x128xf32, #tpu.memory_space<hbm>> -> memref<98304x128xf32, #tpu.memory_space<hbm>>
      tpu.wait_indirect_dma semaphore(%arg7 : memref<!tpu.dma_semaphore, #tpu.memory_space<semaphore_mem>>) src(%dma_wait3A_191 : memref<98304x128xf32, #tpu.memory_space<hbm>>) dst(%dma_wait3A_185 : memref<128x128xf32, #tpu.memory_space<vmem>>)
      "tpu.region"() ({
        %run_scoped3A = tpu.sem_alloc : memref<!tpu.dma_semaphore, #tpu.memory_space<semaphore_mem>>
        %dma_start3A_192 = arith.constant 0 : i32
        %dma_start3A_193 = tpu.memref_slice %arg4[%multiple_of3A_111, %dma_start3A_192] : memref<98304x128xf32, #tpu.memory_space<hbm>> -> memref<512x128xf32, #tpu.memory_space<hbm>>
        %dma_start3A_194 = arith.constant 0 : i32
        %dma_start3A_195 = tpu.memref_slice %arg4[%multiple_of3A_111, %dma_start3A_194] : memref<98304x128xf32, #tpu.memory_space<hbm>> -> memref<512x128xf32, #tpu.memory_space<hbm>>
        tpu.enqueue_dma source(%arg6 : memref<512x128xf32, #tpu.memory_space<vmem>>) target(%dma_start3A_195 : memref<512x128xf32, #tpu.memory_space<hbm>>) target_semaphore(%run_scoped3A : memref<!tpu.dma_semaphore, #tpu.memory_space<semaphore_mem>>)
        %dma_wait3A_196 = arith.constant 0 : i32
        %dma_wait3A_197 = tpu.memref_slice %arg4[%multiple_of3A_111, %dma_wait3A_196] : memref<98304x128xf32, #tpu.memory_space<hbm>> -> memref<512x128xf32, #tpu.memory_space<hbm>>
        %dma_wait3A_198 = arith.constant 0 : i32
        %dma_wait3A_199 = tpu.memref_slice %arg4[%multiple_of3A_111, %dma_wait3A_198] : memref<98304x128xf32, #tpu.memory_space<hbm>> -> memref<512x128xf32, #tpu.memory_space<hbm>>
        tpu.wait_dma2 semaphore(%run_scoped3A : memref<!tpu.dma_semaphore, #tpu.memory_space<semaphore_mem>>) src(%arg6 : memref<512x128xf32, #tpu.memory_space<vmem>>) dst(%dma_wait3A_199 : memref<512x128xf32, #tpu.memory_space<hbm>>)
        tpu.yield
      }) : () -> ()
    }
    %scan3A_6 = arith.constant 3 : i32
    return
  }
}

#map = affine_map<(d0, d1) -> (0, 0)>
module attributes {stable_mosaic.version = 14 : i64} {
  func.func @gather_k(%arg0: i32, %arg1: i32, %arg2: memref<98304x128xf32, #tpu.memory_space<hbm>>, %arg3: memref<768x128xi32, #tpu.memory_space<hbm>>, %arg4: memref<98304x128xf32, #tpu.memory_space<hbm>>, %arg5: memref<8x128xi32, #tpu.memory_space<vmem>>, %arg6: memref<512x128xf32, #tpu.memory_space<vmem>>, %arg7: memref<!tpu.dma_semaphore, #tpu.memory_space<semaphore_mem>>) attributes {dimension_semantics = [#tpu.dimension_semantics<core_parallel>, #tpu.dimension_semantics<subcore_parallel>], iteration_bounds = array<i64: 2, 16>, scalar_prefetch = 0 : i64, scratch_operands = 3 : i64, tpu.core_type = #tpu.core_type<sc_vector_subcore>, window_params = [{transform_indices = #map}, {transform_indices = #map}, {transform_indices = #map}]} {
    %mul3A = arith.constant 2 : i32
    %mul3A_0 = arith.muli %arg1, %mul3A : i32
    %add3A = arith.addi %mul3A_0, %arg0 : i32
    %mul3A_1 = arith.constant 3072 : i32
    %mul3A_2 = arith.muli %add3A, %mul3A_1 : i32
    %scan3A = arith.constant 0 : i32
    %scan3A_3 = arith.constant 3 : i32
    %scan3A_4 = arith.addi %scan3A, %scan3A_3 : i32
    %scan3A_5 = arith.constant 1 : i32
    scf.for %scan3A_7 = %scan3A to %scan3A_4 step %scan3A_5  : i32 {
      %mul3A_8 = arith.constant 1024 : i32
      %mul3A_9 = arith.muli %scan3A_7, %mul3A_8 : i32
      %add3A_10 = arith.addi %mul3A_2, %mul3A_9 : i32
      %multiple_of3A = tpu.assume_multiple %add3A_10, 1024 : i32
      %jit3A = arith.constant 128 : i32
      %div3A = arith.divsi %multiple_of3A, %jit3A : i32
      %sign3A = arith.constant 0 : i32
      %sign3A_11 = arith.cmpi sgt, %multiple_of3A, %sign3A : i32
      %sign3A_12 = arith.extui %sign3A_11 : i1 to i32
      %sign3A_13 = arith.constant 0 : i32
      %sign3A_14 = arith.cmpi slt, %multiple_of3A, %sign3A_13 : i32
      %sign3A_15 = arith.extui %sign3A_14 : i1 to i32
      %sign3A_16 = arith.subi %sign3A_12, %sign3A_15 : i32
      %sign3A_17 = arith.constant 0 : i32
      %sign3A_18 = arith.cmpi sgt, %jit3A, %sign3A_17 : i32
      %sign3A_19 = arith.extui %sign3A_18 : i1 to i32
      %sign3A_20 = arith.constant 0 : i32
      %sign3A_21 = arith.cmpi slt, %jit3A, %sign3A_20 : i32
      %sign3A_22 = arith.extui %sign3A_21 : i1 to i32
      %sign3A_23 = arith.subi %sign3A_19, %sign3A_22 : i32
      %ne3A = arith.cmpi ne, %sign3A_16, %sign3A_23 : i32
      %rem3A = arith.remsi %multiple_of3A, %jit3A : i32
      %ne3A_24 = arith.constant 0 : i32
      %ne3A_25 = arith.cmpi ne, %rem3A, %ne3A_24 : i32
      %and3A = arith.andi %ne3A, %ne3A_25 : i1
      %sub3A = arith.constant 1 : i32
      %sub3A_26 = arith.subi %div3A, %sub3A : i32
      %select_n3A = arith.select %and3A, %sub3A_26, %div3A : i32
      %multiple_of3A_27 = tpu.assume_multiple %select_n3A, 8 : i32
      "tpu.region"() ({
        %run_scoped3A = tpu.sem_alloc : memref<!tpu.dma_semaphore, #tpu.memory_space<semaphore_mem>>
        %dma_start3A_192 = arith.constant 0 : i32
        %dma_start3A_193 = tpu.memref_slice %arg3[%multiple_of3A_27, %dma_start3A_192] : memref<768x128xi32, #tpu.memory_space<hbm>> -> memref<8x128xi32, #tpu.memory_space<hbm>>
        %dma_start3A_194 = arith.constant 0 : i32
        %dma_start3A_195 = tpu.memref_slice %arg3[%multiple_of3A_27, %dma_start3A_194] : memref<768x128xi32, #tpu.memory_space<hbm>> -> memref<8x128xi32, #tpu.memory_space<hbm>>
        tpu.enqueue_dma source(%dma_start3A_195 : memref<8x128xi32, #tpu.memory_space<hbm>>) target(%arg5 : memref<8x128xi32, #tpu.memory_space<vmem>>) target_semaphore(%run_scoped3A : memref<!tpu.dma_semaphore, #tpu.memory_space<semaphore_mem>>)
        %dma_wait3A_196 = arith.constant 0 : i32
        %dma_wait3A_197 = tpu.memref_slice %arg3[%multiple_of3A_27, %dma_wait3A_196] : memref<768x128xi32, #tpu.memory_space<hbm>> -> memref<8x128xi32, #tpu.memory_space<hbm>>
        %dma_wait3A_198 = arith.constant 0 : i32
        %dma_wait3A_199 = tpu.memref_slice %arg3[%multiple_of3A_27, %dma_wait3A_198] : memref<768x128xi32, #tpu.memory_space<hbm>> -> memref<8x128xi32, #tpu.memory_space<hbm>>
        tpu.wait_dma2 semaphore(%run_scoped3A : memref<!tpu.dma_semaphore, #tpu.memory_space<semaphore_mem>>) src(%dma_wait3A_199 : memref<8x128xi32, #tpu.memory_space<hbm>>) dst(%arg5 : memref<8x128xi32, #tpu.memory_space<vmem>>)
        tpu.yield
      }) : () -> ()
      %add3A_28 = arith.constant 0 : i32
      %add3A_29 = arith.addi %multiple_of3A, %add3A_28 : i32
      %multiple_of3A_30 = tpu.assume_multiple %add3A_29, 512 : i32
      %dma_start3A = arith.constant 0 : i32
      %dma_start3A_31 = arith.constant 0 : i32
      %dma_start3A_32 = arith.constant 0 : i32
      %dma_start3A_33 = tpu.memref_slice %arg6[%dma_start3A_31, %dma_start3A_32] : memref<512x128xf32, #tpu.memory_space<vmem>> -> memref<128x128xf32, #tpu.memory_space<vmem>>
      %dma_start3A_34 = arith.constant 0 : i32
      %dma_start3A_35 = tpu.memref_slice %arg5[%dma_start3A, %dma_start3A_34] : memref<8x128xi32, #tpu.memory_space<vmem>> -> memref<1x128xi32, #tpu.memory_space<vmem>>
      %dma_start3A_36 = tpu.memref_squeeze %dma_start3A_35 : memref<1x128xi32, #tpu.memory_space<vmem>> -> memref<128xi32, #tpu.memory_space<vmem>>
      %dma_start3A_37 = arith.constant 0 : i32
      %dma_start3A_38 = arith.constant 0 : i32
      %dma_start3A_39 = tpu.memref_slice %arg2[%dma_start3A_37, %dma_start3A_38] : memref<98304x128xf32, #tpu.memory_space<hbm>> -> memref<98304x128xf32, #tpu.memory_space<hbm>>
      tpu.enqueue_indirect_dma source(%dma_start3A_39 : memref<98304x128xf32, #tpu.memory_space<hbm>>) target(%dma_start3A_33 : memref<128x128xf32, #tpu.memory_space<vmem>>) offsets(%dma_start3A_36 : memref<128xi32, #tpu.memory_space<vmem>>) semaphore(%arg7 : memref<!tpu.dma_semaphore, #tpu.memory_space<semaphore_mem>>)
      %dma_start3A_40 = arith.constant 1 : i32
      %dma_start3A_41 = arith.constant 128 : i32
      %dma_start3A_42 = arith.constant 0 : i32
      %dma_start3A_43 = tpu.memref_slice %arg6[%dma_start3A_41, %dma_start3A_42] : memref<512x128xf32, #tpu.memory_space<vmem>> -> memref<128x128xf32, #tpu.memory_space<vmem>>
      %dma_start3A_44 = arith.constant 0 : i32
      %dma_start3A_45 = tpu.memref_slice %arg5[%dma_start3A_40, %dma_start3A_44] : memref<8x128xi32, #tpu.memory_space<vmem>> -> memref<1x128xi32, #tpu.memory_space<vmem>>
      %dma_start3A_46 = tpu.memref_squeeze %dma_start3A_45 : memref<1x128xi32, #tpu.memory_space<vmem>> -> memref<128xi32, #tpu.memory_space<vmem>>
      %dma_start3A_47 = arith.constant 0 : i32
      %dma_start3A_48 = arith.constant 0 : i32
      %dma_start3A_49 = tpu.memref_slice %arg2[%dma_start3A_47, %dma_start3A_48] : memref<98304x128xf32, #tpu.memory_space<hbm>> -> memref<98304x128xf32, #tpu.memory_space<hbm>>
      tpu.enqueue_indirect_dma source(%dma_start3A_49 : memref<98304x128xf32, #tpu.memory_space<hbm>>) target(%dma_start3A_43 : memref<128x128xf32, #tpu.memory_space<vmem>>) offsets(%dma_start3A_46 : memref<128xi32, #tpu.memory_space<vmem>>) semaphore(%arg7 : memref<!tpu.dma_semaphore, #tpu.memory_space<semaphore_mem>>)
      %dma_start3A_50 = arith.constant 2 : i32
      %dma_start3A_51 = arith.constant 256 : i32
      %dma_start3A_52 = arith.constant 0 : i32
      %dma_start3A_53 = tpu.memref_slice %arg6[%dma_start3A_51, %dma_start3A_52] : memref<512x128xf32, #tpu.memory_space<vmem>> -> memref<128x128xf32, #tpu.memory_space<vmem>>
      %dma_start3A_54 = arith.constant 0 : i32
      %dma_start3A_55 = tpu.memref_slice %arg5[%dma_start3A_50, %dma_start3A_54] : memref<8x128xi32, #tpu.memory_space<vmem>> -> memref<1x128xi32, #tpu.memory_space<vmem>>
      %dma_start3A_56 = tpu.memref_squeeze %dma_start3A_55 : memref<1x128xi32, #tpu.memory_space<vmem>> -> memref<128xi32, #tpu.memory_space<vmem>>
      %dma_start3A_57 = arith.constant 0 : i32
      %dma_start3A_58 = arith.constant 0 : i32
      %dma_start3A_59 = tpu.memref_slice %arg2[%dma_start3A_57, %dma_start3A_58] : memref<98304x128xf32, #tpu.memory_space<hbm>> -> memref<98304x128xf32, #tpu.memory_space<hbm>>
      tpu.enqueue_indirect_dma source(%dma_start3A_59 : memref<98304x128xf32, #tpu.memory_space<hbm>>) target(%dma_start3A_53 : memref<128x128xf32, #tpu.memory_space<vmem>>) offsets(%dma_start3A_56 : memref<128xi32, #tpu.memory_space<vmem>>) semaphore(%arg7 : memref<!tpu.dma_semaphore, #tpu.memory_space<semaphore_mem>>)
      %dma_start3A_60 = arith.constant 3 : i32
      %dma_start3A_61 = arith.constant 384 : i32
      %dma_start3A_62 = arith.constant 0 : i32
      %dma_start3A_63 = tpu.memref_slice %arg6[%dma_start3A_61, %dma_start3A_62] : memref<512x128xf32, #tpu.memory_space<vmem>> -> memref<128x128xf32, #tpu.memory_space<vmem>>
      %dma_start3A_64 = arith.constant 0 : i32
      %dma_start3A_65 = tpu.memref_slice %arg5[%dma_start3A_60, %dma_start3A_64] : memref<8x128xi32, #tpu.memory_space<vmem>> -> memref<1x128xi32, #tpu.memory_space<vmem>>
      %dma_start3A_66 = tpu.memref_squeeze %dma_start3A_65 : memref<1x128xi32, #tpu.memory_space<vmem>> -> memref<128xi32, #tpu.memory_space<vmem>>
      %dma_start3A_67 = arith.constant 0 : i32
      %dma_start3A_68 = arith.constant 0 : i32
      %dma_start3A_69 = tpu.memref_slice %arg2[%dma_start3A_67, %dma_start3A_68] : memref<98304x128xf32, #tpu.memory_space<hbm>> -> memref<98304x128xf32, #tpu.memory_space<hbm>>
      tpu.enqueue_indirect_dma source(%dma_start3A_69 : memref<98304x128xf32, #tpu.memory_space<hbm>>) target(%dma_start3A_63 : memref<128x128xf32, #tpu.memory_space<vmem>>) offsets(%dma_start3A_66 : memref<128xi32, #tpu.memory_space<vmem>>) semaphore(%arg7 : memref<!tpu.dma_semaphore, #tpu.memory_space<semaphore_mem>>)
      %dma_wait3A = arith.constant 0 : i32
      %dma_wait3A_70 = arith.constant 0 : i32
      %dma_wait3A_71 = arith.constant 0 : i32
      %dma_wait3A_72 = tpu.memref_slice %arg6[%dma_wait3A_70, %dma_wait3A_71] : memref<512x128xf32, #tpu.memory_space<vmem>> -> memref<128x128xf32, #tpu.memory_space<vmem>>
      %dma_wait3A_73 = arith.constant 0 : i32
      %dma_wait3A_74 = tpu.memref_slice %arg5[%dma_wait3A, %dma_wait3A_73] : memref<8x128xi32, #tpu.memory_space<vmem>> -> memref<1x128xi32, #tpu.memory_space<vmem>>
      %dma_wait3A_75 = tpu.memref_squeeze %dma_wait3A_74 : memref<1x128xi32, #tpu.memory_space<vmem>> -> memref<128xi32, #tpu.memory_space<vmem>>
      %dma_wait3A_76 = arith.constant 0 : i32
      %dma_wait3A_77 = arith.constant 0 : i32
      %dma_wait3A_78 = tpu.memref_slice %arg2[%dma_wait3A_76, %dma_wait3A_77] : memref<98304x128xf32, #tpu.memory_space<hbm>> -> memref<98304x128xf32, #tpu.memory_space<hbm>>
      tpu.wait_indirect_dma semaphore(%arg7 : memref<!tpu.dma_semaphore, #tpu.memory_space<semaphore_mem>>) src(%dma_wait3A_78 : memref<98304x128xf32, #tpu.memory_space<hbm>>) dst(%dma_wait3A_72 : memref<128x128xf32, #tpu.memory_space<vmem>>)
      %dma_wait3A_79 = arith.constant 1 : i32
      %dma_wait3A_80 = arith.constant 128 : i32
      %dma_wait3A_81 = arith.constant 0 : i32
      %dma_wait3A_82 = tpu.memref_slice %arg6[%dma_wait3A_80, %dma_wait3A_81] : memref<512x128xf32, #tpu.memory_space<vmem>> -> memref<128x128xf32, #tpu.memory_space<vmem>>
      %dma_wait3A_83 = arith.constant 0 : i32
      %dma_wait3A_84 = tpu.memref_slice %arg5[%dma_wait3A_79, %dma_wait3A_83] : memref<8x128xi32, #tpu.memory_space<vmem>> -> memref<1x128xi32, #tpu.memory_space<vmem>>
      %dma_wait3A_85 = tpu.memref_squeeze %dma_wait3A_84 : memref<1x128xi32, #tpu.memory_space<vmem>> -> memref<128xi32, #tpu.memory_space<vmem>>
      %dma_wait3A_86 = arith.constant 0 : i32
      %dma_wait3A_87 = arith.constant 0 : i32
      %dma_wait3A_88 = tpu.memref_slice %arg2[%dma_wait3A_86, %dma_wait3A_87] : memref<98304x128xf32, #tpu.memory_space<hbm>> -> memref<98304x128xf32, #tpu.memory_space<hbm>>
      tpu.wait_indirect_dma semaphore(%arg7 : memref<!tpu.dma_semaphore, #tpu.memory_space<semaphore_mem>>) src(%dma_wait3A_88 : memref<98304x128xf32, #tpu.memory_space<hbm>>) dst(%dma_wait3A_82 : memref<128x128xf32, #tpu.memory_space<vmem>>)
      %dma_wait3A_89 = arith.constant 2 : i32
      %dma_wait3A_90 = arith.constant 256 : i32
      %dma_wait3A_91 = arith.constant 0 : i32
      %dma_wait3A_92 = tpu.memref_slice %arg6[%dma_wait3A_90, %dma_wait3A_91] : memref<512x128xf32, #tpu.memory_space<vmem>> -> memref<128x128xf32, #tpu.memory_space<vmem>>
      %dma_wait3A_93 = arith.constant 0 : i32
      %dma_wait3A_94 = tpu.memref_slice %arg5[%dma_wait3A_89, %dma_wait3A_93] : memref<8x128xi32, #tpu.memory_space<vmem>> -> memref<1x128xi32, #tpu.memory_space<vmem>>
      %dma_wait3A_95 = tpu.memref_squeeze %dma_wait3A_94 : memref<1x128xi32, #tpu.memory_space<vmem>> -> memref<128xi32, #tpu.memory_space<vmem>>
      %dma_wait3A_96 = arith.constant 0 : i32
      %dma_wait3A_97 = arith.constant 0 : i32
      %dma_wait3A_98 = tpu.memref_slice %arg2[%dma_wait3A_96, %dma_wait3A_97] : memref<98304x128xf32, #tpu.memory_space<hbm>> -> memref<98304x128xf32, #tpu.memory_space<hbm>>
      tpu.wait_indirect_dma semaphore(%arg7 : memref<!tpu.dma_semaphore, #tpu.memory_space<semaphore_mem>>) src(%dma_wait3A_98 : memref<98304x128xf32, #tpu.memory_space<hbm>>) dst(%dma_wait3A_92 : memref<128x128xf32, #tpu.memory_space<vmem>>)
      %dma_wait3A_99 = arith.constant 3 : i32
      %dma_wait3A_100 = arith.constant 384 : i32
      %dma_wait3A_101 = arith.constant 0 : i32
      %dma_wait3A_102 = tpu.memref_slice %arg6[%dma_wait3A_100, %dma_wait3A_101] : memref<512x128xf32, #tpu.memory_space<vmem>> -> memref<128x128xf32, #tpu.memory_space<vmem>>
      %dma_wait3A_103 = arith.constant 0 : i32
      %dma_wait3A_104 = tpu.memref_slice %arg5[%dma_wait3A_99, %dma_wait3A_103] : memref<8x128xi32, #tpu.memory_space<vmem>> -> memref<1x128xi32, #tpu.memory_space<vmem>>
      %dma_wait3A_105 = tpu.memref_squeeze %dma_wait3A_104 : memref<1x128xi32, #tpu.memory_space<vmem>> -> memref<128xi32, #tpu.memory_space<vmem>>
      %dma_wait3A_106 = arith.constant 0 : i32
      %dma_wait3A_107 = arith.constant 0 : i32
      %dma_wait3A_108 = tpu.memref_slice %arg2[%dma_wait3A_106, %dma_wait3A_107] : memref<98304x128xf32, #tpu.memory_space<hbm>> -> memref<98304x128xf32, #tpu.memory_space<hbm>>
      tpu.wait_indirect_dma semaphore(%arg7 : memref<!tpu.dma_semaphore, #tpu.memory_space<semaphore_mem>>) src(%dma_wait3A_108 : memref<98304x128xf32, #tpu.memory_space<hbm>>) dst(%dma_wait3A_102 : memref<128x128xf32, #tpu.memory_space<vmem>>)
      "tpu.region"() ({
        %run_scoped3A = tpu.sem_alloc : memref<!tpu.dma_semaphore, #tpu.memory_space<semaphore_mem>>
        %dma_start3A_192 = arith.constant 0 : i32
        %dma_start3A_193 = tpu.memref_slice %arg4[%multiple_of3A_30, %dma_start3A_192] : memref<98304x128xf32, #tpu.memory_space<hbm>> -> memref<512x128xf32, #tpu.memory_space<hbm>>
        %dma_start3A_194 = arith.constant 0 : i32
        %dma_start3A_195 = tpu.memref_slice %arg4[%multiple_of3A_30, %dma_start3A_194] : memref<98304x128xf32, #tpu.memory_space<hbm>> -> memref<512x128xf32, #tpu.memory_space<hbm>>
        tpu.enqueue_dma source(%arg6 : memref<512x128xf32, #tpu.memory_space<vmem>>) target(%dma_start3A_195 : memref<512x128xf32, #tpu.memory_space<hbm>>) target_semaphore(%run_scoped3A : memref<!tpu.dma_semaphore, #tpu.memory_space<semaphore_mem>>)
        %dma_wait3A_196 = arith.constant 0 : i32
        %dma_wait3A_197 = tpu.memref_slice %arg4[%multiple_of3A_30, %dma_wait3A_196] : memref<98304x128xf32, #tpu.memory_space<hbm>> -> memref<512x128xf32, #tpu.memory_space<hbm>>
        %dma_wait3A_198 = arith.constant 0 : i32
        %dma_wait3A_199 = tpu.memref_slice %arg4[%multiple_of3A_30, %dma_wait3A_198] : memref<98304x128xf32, #tpu.memory_space<hbm>> -> memref<512x128xf32, #tpu.memory_space<hbm>>
        tpu.wait_dma2 semaphore(%run_scoped3A : memref<!tpu.dma_semaphore, #tpu.memory_space<semaphore_mem>>) src(%arg6 : memref<512x128xf32, #tpu.memory_space<vmem>>) dst(%dma_wait3A_199 : memref<512x128xf32, #tpu.memory_space<hbm>>)
        tpu.yield
      }) : () -> ()
      %add3A_109 = arith.constant 512 : i32
      %add3A_110 = arith.addi %multiple_of3A, %add3A_109 : i32
      %multiple_of3A_111 = tpu.assume_multiple %add3A_110, 512 : i32
      %dma_start3A_112 = arith.constant 4 : i32
      %dma_start3A_113 = arith.constant 0 : i32
      %dma_start3A_114 = arith.constant 0 : i32
      %dma_start3A_115 = tpu.memref_slice %arg6[%dma_start3A_113, %dma_start3A_114] : memref<512x128xf32, #tpu.memory_space<vmem>> -> memref<128x128xf32, #tpu.memory_space<vmem>>
      %dma_start3A_116 = arith.constant 0 : i32
      %dma_start3A_117 = tpu.memref_slice %arg5[%dma_start3A_112, %dma_start3A_116] : memref<8x128xi32, #tpu.memory_space<vmem>> -> memref<1x128xi32, #tpu.memory_space<vmem>>
      %dma_start3A_118 = tpu.memref_squeeze %dma_start3A_117 : memref<1x128xi32, #tpu.memory_space<vmem>> -> memref<128xi32, #tpu.memory_space<vmem>>
      %dma_start3A_119 = arith.constant 0 : i32
      %dma_start3A_120 = arith.constant 0 : i32
      %dma_start3A_121 = tpu.memref_slice %arg2[%dma_start3A_119, %dma_start3A_120] : memref<98304x128xf32, #tpu.memory_space<hbm>> -> memref<98304x128xf32, #tpu.memory_space<hbm>>
      tpu.enqueue_indirect_dma source(%dma_start3A_121 : memref<98304x128xf32, #tpu.memory_space<hbm>>) target(%dma_start3A_115 : memref<128x128xf32, #tpu.memory_space<vmem>>) offsets(%dma_start3A_118 : memref<128xi32, #tpu.memory_space<vmem>>) semaphore(%arg7 : memref<!tpu.dma_semaphore, #tpu.memory_space<semaphore_mem>>)
      %dma_start3A_122 = arith.constant 5 : i32
      %dma_start3A_123 = arith.constant 128 : i32
      %dma_start3A_124 = arith.constant 0 : i32
      %dma_start3A_125 = tpu.memref_slice %arg6[%dma_start3A_123, %dma_start3A_124] : memref<512x128xf32, #tpu.memory_space<vmem>> -> memref<128x128xf32, #tpu.memory_space<vmem>>
      %dma_start3A_126 = arith.constant 0 : i32
      %dma_start3A_127 = tpu.memref_slice %arg5[%dma_start3A_122, %dma_start3A_126] : memref<8x128xi32, #tpu.memory_space<vmem>> -> memref<1x128xi32, #tpu.memory_space<vmem>>
      %dma_start3A_128 = tpu.memref_squeeze %dma_start3A_127 : memref<1x128xi32, #tpu.memory_space<vmem>> -> memref<128xi32, #tpu.memory_space<vmem>>
      %dma_start3A_129 = arith.constant 0 : i32
      %dma_start3A_130 = arith.constant 0 : i32
      %dma_start3A_131 = tpu.memref_slice %arg2[%dma_start3A_129, %dma_start3A_130] : memref<98304x128xf32, #tpu.memory_space<hbm>> -> memref<98304x128xf32, #tpu.memory_space<hbm>>
      tpu.enqueue_indirect_dma source(%dma_start3A_131 : memref<98304x128xf32, #tpu.memory_space<hbm>>) target(%dma_start3A_125 : memref<128x128xf32, #tpu.memory_space<vmem>>) offsets(%dma_start3A_128 : memref<128xi32, #tpu.memory_space<vmem>>) semaphore(%arg7 : memref<!tpu.dma_semaphore, #tpu.memory_space<semaphore_mem>>)
      %dma_start3A_132 = arith.constant 6 : i32
      %dma_start3A_133 = arith.constant 256 : i32
      %dma_start3A_134 = arith.constant 0 : i32
      %dma_start3A_135 = tpu.memref_slice %arg6[%dma_start3A_133, %dma_start3A_134] : memref<512x128xf32, #tpu.memory_space<vmem>> -> memref<128x128xf32, #tpu.memory_space<vmem>>
      %dma_start3A_136 = arith.constant 0 : i32
      %dma_start3A_137 = tpu.memref_slice %arg5[%dma_start3A_132, %dma_start3A_136] : memref<8x128xi32, #tpu.memory_space<vmem>> -> memref<1x128xi32, #tpu.memory_space<vmem>>
      %dma_start3A_138 = tpu.memref_squeeze %dma_start3A_137 : memref<1x128xi32, #tpu.memory_space<vmem>> -> memref<128xi32, #tpu.memory_space<vmem>>
      %dma_start3A_139 = arith.constant 0 : i32
      %dma_start3A_140 = arith.constant 0 : i32
      %dma_start3A_141 = tpu.memref_slice %arg2[%dma_start3A_139, %dma_start3A_140] : memref<98304x128xf32, #tpu.memory_space<hbm>> -> memref<98304x128xf32, #tpu.memory_space<hbm>>
      tpu.enqueue_indirect_dma source(%dma_start3A_141 : memref<98304x128xf32, #tpu.memory_space<hbm>>) target(%dma_start3A_135 : memref<128x128xf32, #tpu.memory_space<vmem>>) offsets(%dma_start3A_138 : memref<128xi32, #tpu.memory_space<vmem>>) semaphore(%arg7 : memref<!tpu.dma_semaphore, #tpu.memory_space<semaphore_mem>>)
      %dma_start3A_142 = arith.constant 7 : i32
      %dma_start3A_143 = arith.constant 384 : i32
      %dma_start3A_144 = arith.constant 0 : i32
      %dma_start3A_145 = tpu.memref_slice %arg6[%dma_start3A_143, %dma_start3A_144] : memref<512x128xf32, #tpu.memory_space<vmem>> -> memref<128x128xf32, #tpu.memory_space<vmem>>
      %dma_start3A_146 = arith.constant 0 : i32
      %dma_start3A_147 = tpu.memref_slice %arg5[%dma_start3A_142, %dma_start3A_146] : memref<8x128xi32, #tpu.memory_space<vmem>> -> memref<1x128xi32, #tpu.memory_space<vmem>>
      %dma_start3A_148 = tpu.memref_squeeze %dma_start3A_147 : memref<1x128xi32, #tpu.memory_space<vmem>> -> memref<128xi32, #tpu.memory_space<vmem>>
      %dma_start3A_149 = arith.constant 0 : i32
      %dma_start3A_150 = arith.constant 0 : i32
      %dma_start3A_151 = tpu.memref_slice %arg2[%dma_start3A_149, %dma_start3A_150] : memref<98304x128xf32, #tpu.memory_space<hbm>> -> memref<98304x128xf32, #tpu.memory_space<hbm>>
      tpu.enqueue_indirect_dma source(%dma_start3A_151 : memref<98304x128xf32, #tpu.memory_space<hbm>>) target(%dma_start3A_145 : memref<128x128xf32, #tpu.memory_space<vmem>>) offsets(%dma_start3A_148 : memref<128xi32, #tpu.memory_space<vmem>>) semaphore(%arg7 : memref<!tpu.dma_semaphore, #tpu.memory_space<semaphore_mem>>)
      %dma_wait3A_152 = arith.constant 4 : i32
      %dma_wait3A_153 = arith.constant 0 : i32
      %dma_wait3A_154 = arith.constant 0 : i32
      %dma_wait3A_155 = tpu.memref_slice %arg6[%dma_wait3A_153, %dma_wait3A_154] : memref<512x128xf32, #tpu.memory_space<vmem>> -> memref<128x128xf32, #tpu.memory_space<vmem>>
      %dma_wait3A_156 = arith.constant 0 : i32
      %dma_wait3A_157 = tpu.memref_slice %arg5[%dma_wait3A_152, %dma_wait3A_156] : memref<8x128xi32, #tpu.memory_space<vmem>> -> memref<1x128xi32, #tpu.memory_space<vmem>>
      %dma_wait3A_158 = tpu.memref_squeeze %dma_wait3A_157 : memref<1x128xi32, #tpu.memory_space<vmem>> -> memref<128xi32, #tpu.memory_space<vmem>>
      %dma_wait3A_159 = arith.constant 0 : i32
      %dma_wait3A_160 = arith.constant 0 : i32
      %dma_wait3A_161 = tpu.memref_slice %arg2[%dma_wait3A_159, %dma_wait3A_160] : memref<98304x128xf32, #tpu.memory_space<hbm>> -> memref<98304x128xf32, #tpu.memory_space<hbm>>
      tpu.wait_indirect_dma semaphore(%arg7 : memref<!tpu.dma_semaphore, #tpu.memory_space<semaphore_mem>>) src(%dma_wait3A_161 : memref<98304x128xf32, #tpu.memory_space<hbm>>) dst(%dma_wait3A_155 : memref<128x128xf32, #tpu.memory_space<vmem>>)
      %dma_wait3A_162 = arith.constant 5 : i32
      %dma_wait3A_163 = arith.constant 128 : i32
      %dma_wait3A_164 = arith.constant 0 : i32
      %dma_wait3A_165 = tpu.memref_slice %arg6[%dma_wait3A_163, %dma_wait3A_164] : memref<512x128xf32, #tpu.memory_space<vmem>> -> memref<128x128xf32, #tpu.memory_space<vmem>>
      %dma_wait3A_166 = arith.constant 0 : i32
      %dma_wait3A_167 = tpu.memref_slice %arg5[%dma_wait3A_162, %dma_wait3A_166] : memref<8x128xi32, #tpu.memory_space<vmem>> -> memref<1x128xi32, #tpu.memory_space<vmem>>
      %dma_wait3A_168 = tpu.memref_squeeze %dma_wait3A_167 : memref<1x128xi32, #tpu.memory_space<vmem>> -> memref<128xi32, #tpu.memory_space<vmem>>
      %dma_wait3A_169 = arith.constant 0 : i32
      %dma_wait3A_170 = arith.constant 0 : i32
      %dma_wait3A_171 = tpu.memref_slice %arg2[%dma_wait3A_169, %dma_wait3A_170] : memref<98304x128xf32, #tpu.memory_space<hbm>> -> memref<98304x128xf32, #tpu.memory_space<hbm>>
      tpu.wait_indirect_dma semaphore(%arg7 : memref<!tpu.dma_semaphore, #tpu.memory_space<semaphore_mem>>) src(%dma_wait3A_171 : memref<98304x128xf32, #tpu.memory_space<hbm>>) dst(%dma_wait3A_165 : memref<128x128xf32, #tpu.memory_space<vmem>>)
      %dma_wait3A_172 = arith.constant 6 : i32
      %dma_wait3A_173 = arith.constant 256 : i32
      %dma_wait3A_174 = arith.constant 0 : i32
      %dma_wait3A_175 = tpu.memref_slice %arg6[%dma_wait3A_173, %dma_wait3A_174] : memref<512x128xf32, #tpu.memory_space<vmem>> -> memref<128x128xf32, #tpu.memory_space<vmem>>
      %dma_wait3A_176 = arith.constant 0 : i32
      %dma_wait3A_177 = tpu.memref_slice %arg5[%dma_wait3A_172, %dma_wait3A_176] : memref<8x128xi32, #tpu.memory_space<vmem>> -> memref<1x128xi32, #tpu.memory_space<vmem>>
      %dma_wait3A_178 = tpu.memref_squeeze %dma_wait3A_177 : memref<1x128xi32, #tpu.memory_space<vmem>> -> memref<128xi32, #tpu.memory_space<vmem>>
      %dma_wait3A_179 = arith.constant 0 : i32
      %dma_wait3A_180 = arith.constant 0 : i32
      %dma_wait3A_181 = tpu.memref_slice %arg2[%dma_wait3A_179, %dma_wait3A_180] : memref<98304x128xf32, #tpu.memory_space<hbm>> -> memref<98304x128xf32, #tpu.memory_space<hbm>>
      tpu.wait_indirect_dma semaphore(%arg7 : memref<!tpu.dma_semaphore, #tpu.memory_space<semaphore_mem>>) src(%dma_wait3A_181 : memref<98304x128xf32, #tpu.memory_space<hbm>>) dst(%dma_wait3A_175 : memref<128x128xf32, #tpu.memory_space<vmem>>)
      %dma_wait3A_182 = arith.constant 7 : i32
      %dma_wait3A_183 = arith.constant 384 : i32
      %dma_wait3A_184 = arith.constant 0 : i32
      %dma_wait3A_185 = tpu.memref_slice %arg6[%dma_wait3A_183, %dma_wait3A_184] : memref<512x128xf32, #tpu.memory_space<vmem>> -> memref<128x128xf32, #tpu.memory_space<vmem>>
      %dma_wait3A_186 = arith.constant 0 : i32
      %dma_wait3A_187 = tpu.memref_slice %arg5[%dma_wait3A_182, %dma_wait3A_186] : memref<8x128xi32, #tpu.memory_space<vmem>> -> memref<1x128xi32, #tpu.memory_space<vmem>>
      %dma_wait3A_188 = tpu.memref_squeeze %dma_wait3A_187 : memref<1x128xi32, #tpu.memory_space<vmem>> -> memref<128xi32, #tpu.memory_space<vmem>>
      %dma_wait3A_189 = arith.constant 0 : i32
      %dma_wait3A_190 = arith.constant 0 : i32
      %dma_wait3A_191 = tpu.memref_slice %arg2[%dma_wait3A_189, %dma_wait3A_190] : memref<98304x128xf32, #tpu.memory_space<hbm>> -> memref<98304x128xf32, #tpu.memory_space<hbm>>
      tpu.wait_indirect_dma semaphore(%arg7 : memref<!tpu.dma_semaphore, #tpu.memory_space<semaphore_mem>>) src(%dma_wait3A_191 : memref<98304x128xf32, #tpu.memory_space<hbm>>) dst(%dma_wait3A_185 : memref<128x128xf32, #tpu.memory_space<vmem>>)
      "tpu.region"() ({
        %run_scoped3A = tpu.sem_alloc : memref<!tpu.dma_semaphore, #tpu.memory_space<semaphore_mem>>
        %dma_start3A_192 = arith.constant 0 : i32
        %dma_start3A_193 = tpu.memref_slice %arg4[%multiple_of3A_111, %dma_start3A_192] : memref<98304x128xf32, #tpu.memory_space<hbm>> -> memref<512x128xf32, #tpu.memory_space<hbm>>
        %dma_start3A_194 = arith.constant 0 : i32
        %dma_start3A_195 = tpu.memref_slice %arg4[%multiple_of3A_111, %dma_start3A_194] : memref<98304x128xf32, #tpu.memory_space<hbm>> -> memref<512x128xf32, #tpu.memory_space<hbm>>
        tpu.enqueue_dma source(%arg6 : memref<512x128xf32, #tpu.memory_space<vmem>>) target(%dma_start3A_195 : memref<512x128xf32, #tpu.memory_space<hbm>>) target_semaphore(%run_scoped3A : memref<!tpu.dma_semaphore, #tpu.memory_space<semaphore_mem>>)
        %dma_wait3A_196 = arith.constant 0 : i32
        %dma_wait3A_197 = tpu.memref_slice %arg4[%multiple_of3A_111, %dma_wait3A_196] : memref<98304x128xf32, #tpu.memory_space<hbm>> -> memref<512x128xf32, #tpu.memory_space<hbm>>
        %dma_wait3A_198 = arith.constant 0 : i32
        %dma_wait3A_199 = tpu.memref_slice %arg4[%multiple_of3A_111, %dma_wait3A_198] : memref<98304x128xf32, #tpu.memory_space<hbm>> -> memref<512x128xf32, #tpu.memory_space<hbm>>
        tpu.wait_dma2 semaphore(%run_scoped3A : memref<!tpu.dma_semaphore, #tpu.memory_space<semaphore_mem>>) src(%arg6 : memref<512x128xf32, #tpu.memory_space<vmem>>) dst(%dma_wait3A_199 : memref<512x128xf32, #tpu.memory_space<hbm>>)
        tpu.yield
      }) : () -> ()
    }
    %scan3A_6 = arith.constant 3 : i32
    return
  }
}

#map = affine_map<(d0, d1) -> (0, 0)>
module attributes {stable_mosaic.version = 14 : i64} {
  func.func @scatter_k(%arg0: i32, %arg1: i32, %arg2: memref<24576x128xf32, #tpu.memory_space<hbm>>, %arg3: memref<768x128xi32, #tpu.memory_space<hbm>>, %arg4: memref<98304x128xf32, #tpu.memory_space<hbm>>, %arg5: memref<8x128xi32, #tpu.memory_space<vmem>>, %arg6: memref<512x128xf32, #tpu.memory_space<vmem>>, %arg7: memref<!tpu.dma_semaphore, #tpu.memory_space<semaphore_mem>>) attributes {dimension_semantics = [#tpu.dimension_semantics<core_parallel>, #tpu.dimension_semantics<subcore_parallel>], iteration_bounds = array<i64: 2, 16>, scalar_prefetch = 0 : i64, scratch_operands = 3 : i64, tpu.core_type = #tpu.core_type<sc_vector_subcore>, window_params = [{transform_indices = #map}, {transform_indices = #map}, {transform_indices = #map}]} {
    %mul3A = arith.constant 2 : i32
    %mul3A_0 = arith.muli %arg1, %mul3A : i32
    %add3A = arith.addi %mul3A_0, %arg0 : i32
    %mul3A_1 = arith.constant 3072 : i32
    %mul3A_2 = arith.muli %add3A, %mul3A_1 : i32
    %jit3A = arith.constant 8 : i32
    %eq3A = arith.constant 0 : i32
    %eq3A_3 = arith.cmpi eq, %jit3A, %eq3A : i32
    %jit3A_4 = arith.constant 1 : i32
    %select_n3A = arith.select %eq3A_3, %jit3A_4, %jit3A : i32
    %rem3A = arith.remsi %add3A, %select_n3A : i32
    %ne3A = arith.constant 0 : i32
    %ne3A_5 = arith.cmpi ne, %rem3A, %ne3A : i32
    %lt3A = arith.constant 0 : i32
    %lt3A_6 = arith.cmpi slt, %rem3A, %lt3A : i32
    %lt3A_7 = arith.constant 0 : i32
    %lt3A_8 = arith.cmpi slt, %select_n3A, %lt3A_7 : i32
    %ne3A_9 = arith.xori %lt3A_6, %lt3A_8 : i1
    %and3A = arith.andi %ne3A_9, %ne3A_5 : i1
    %add3A_10 = arith.addi %rem3A, %select_n3A : i32
    %select_n3A_11 = arith.select %and3A, %add3A_10, %rem3A : i32
    %mul3A_12 = arith.constant 3072 : i32
    %mul3A_13 = arith.muli %select_n3A_11, %mul3A_12 : i32
    %scan3A = arith.constant 0 : i32
    %scan3A_14 = arith.constant 3 : i32
    %scan3A_15 = arith.addi %scan3A, %scan3A_14 : i32
    %scan3A_16 = arith.constant 1 : i32
    scf.for %scan3A_18 = %scan3A to %scan3A_15 step %scan3A_16  : i32 {
      %mul3A_19 = arith.constant 1024 : i32
      %mul3A_20 = arith.muli %scan3A_18, %mul3A_19 : i32
      %add3A_21 = arith.addi %mul3A_2, %mul3A_20 : i32
      %multiple_of3A = tpu.assume_multiple %add3A_21, 1024 : i32
      %mul3A_22 = arith.constant 1024 : i32
      %mul3A_23 = arith.muli %scan3A_18, %mul3A_22 : i32
      %add3A_24 = arith.addi %mul3A_13, %mul3A_23 : i32
      %multiple_of3A_25 = tpu.assume_multiple %add3A_24, 1024 : i32
      %jit3A_26 = arith.constant 128 : i32
      %div3A = arith.divsi %multiple_of3A, %jit3A_26 : i32
      %sign3A = arith.constant 0 : i32
      %sign3A_27 = arith.cmpi sgt, %multiple_of3A, %sign3A : i32
      %sign3A_28 = arith.extui %sign3A_27 : i1 to i32
      %sign3A_29 = arith.constant 0 : i32
      %sign3A_30 = arith.cmpi slt, %multiple_of3A, %sign3A_29 : i32
      %sign3A_31 = arith.extui %sign3A_30 : i1 to i32
      %sign3A_32 = arith.subi %sign3A_28, %sign3A_31 : i32
      %sign3A_33 = arith.constant 0 : i32
      %sign3A_34 = arith.cmpi sgt, %jit3A_26, %sign3A_33 : i32
      %sign3A_35 = arith.extui %sign3A_34 : i1 to i32
      %sign3A_36 = arith.constant 0 : i32
      %sign3A_37 = arith.cmpi slt, %jit3A_26, %sign3A_36 : i32
      %sign3A_38 = arith.extui %sign3A_37 : i1 to i32
      %sign3A_39 = arith.subi %sign3A_35, %sign3A_38 : i32
      %ne3A_40 = arith.cmpi ne, %sign3A_32, %sign3A_39 : i32
      %rem3A_41 = arith.remsi %multiple_of3A, %jit3A_26 : i32
      %ne3A_42 = arith.constant 0 : i32
      %ne3A_43 = arith.cmpi ne, %rem3A_41, %ne3A_42 : i32
      %and3A_44 = arith.andi %ne3A_40, %ne3A_43 : i1
      %sub3A = arith.constant 1 : i32
      %sub3A_45 = arith.subi %div3A, %sub3A : i32
      %select_n3A_46 = arith.select %and3A_44, %sub3A_45, %div3A : i32
      %multiple_of3A_47 = tpu.assume_multiple %select_n3A_46, 8 : i32
      "tpu.region"() ({
        %run_scoped3A = tpu.sem_alloc : memref<!tpu.dma_semaphore, #tpu.memory_space<semaphore_mem>>
        %dma_start3A_212 = arith.constant 0 : i32
        %dma_start3A_213 = tpu.memref_slice %arg3[%multiple_of3A_47, %dma_start3A_212] : memref<768x128xi32, #tpu.memory_space<hbm>> -> memref<8x128xi32, #tpu.memory_space<hbm>>
        %dma_start3A_214 = arith.constant 0 : i32
        %dma_start3A_215 = tpu.memref_slice %arg3[%multiple_of3A_47, %dma_start3A_214] : memref<768x128xi32, #tpu.memory_space<hbm>> -> memref<8x128xi32, #tpu.memory_space<hbm>>
        tpu.enqueue_dma source(%dma_start3A_215 : memref<8x128xi32, #tpu.memory_space<hbm>>) target(%arg5 : memref<8x128xi32, #tpu.memory_space<vmem>>) target_semaphore(%run_scoped3A : memref<!tpu.dma_semaphore, #tpu.memory_space<semaphore_mem>>)
        %dma_wait3A_216 = arith.constant 0 : i32
        %dma_wait3A_217 = tpu.memref_slice %arg3[%multiple_of3A_47, %dma_wait3A_216] : memref<768x128xi32, #tpu.memory_space<hbm>> -> memref<8x128xi32, #tpu.memory_space<hbm>>
        %dma_wait3A_218 = arith.constant 0 : i32
        %dma_wait3A_219 = tpu.memref_slice %arg3[%multiple_of3A_47, %dma_wait3A_218] : memref<768x128xi32, #tpu.memory_space<hbm>> -> memref<8x128xi32, #tpu.memory_space<hbm>>
        tpu.wait_dma2 semaphore(%run_scoped3A : memref<!tpu.dma_semaphore, #tpu.memory_space<semaphore_mem>>) src(%dma_wait3A_219 : memref<8x128xi32, #tpu.memory_space<hbm>>) dst(%arg5 : memref<8x128xi32, #tpu.memory_space<vmem>>)
        tpu.yield
      }) : () -> ()
      %add3A_48 = arith.constant 0 : i32
      %add3A_49 = arith.addi %multiple_of3A_25, %add3A_48 : i32
      %multiple_of3A_50 = tpu.assume_multiple %add3A_49, 512 : i32
      "tpu.region"() ({
        %run_scoped3A = tpu.sem_alloc : memref<!tpu.dma_semaphore, #tpu.memory_space<semaphore_mem>>
        %dma_start3A_212 = arith.constant 0 : i32
        %dma_start3A_213 = tpu.memref_slice %arg2[%multiple_of3A_50, %dma_start3A_212] : memref<24576x128xf32, #tpu.memory_space<hbm>> -> memref<512x128xf32, #tpu.memory_space<hbm>>
        %dma_start3A_214 = arith.constant 0 : i32
        %dma_start3A_215 = tpu.memref_slice %arg2[%multiple_of3A_50, %dma_start3A_214] : memref<24576x128xf32, #tpu.memory_space<hbm>> -> memref<512x128xf32, #tpu.memory_space<hbm>>
        tpu.enqueue_dma source(%dma_start3A_215 : memref<512x128xf32, #tpu.memory_space<hbm>>) target(%arg6 : memref<512x128xf32, #tpu.memory_space<vmem>>) target_semaphore(%run_scoped3A : memref<!tpu.dma_semaphore, #tpu.memory_space<semaphore_mem>>)
        %dma_wait3A_216 = arith.constant 0 : i32
        %dma_wait3A_217 = tpu.memref_slice %arg2[%multiple_of3A_50, %dma_wait3A_216] : memref<24576x128xf32, #tpu.memory_space<hbm>> -> memref<512x128xf32, #tpu.memory_space<hbm>>
        %dma_wait3A_218 = arith.constant 0 : i32
        %dma_wait3A_219 = tpu.memref_slice %arg2[%multiple_of3A_50, %dma_wait3A_218] : memref<24576x128xf32, #tpu.memory_space<hbm>> -> memref<512x128xf32, #tpu.memory_space<hbm>>
        tpu.wait_dma2 semaphore(%run_scoped3A : memref<!tpu.dma_semaphore, #tpu.memory_space<semaphore_mem>>) src(%dma_wait3A_219 : memref<512x128xf32, #tpu.memory_space<hbm>>) dst(%arg6 : memref<512x128xf32, #tpu.memory_space<vmem>>)
        tpu.yield
      }) : () -> ()
      %dma_start3A = arith.constant 0 : i32
      %dma_start3A_51 = arith.constant 0 : i32
      %dma_start3A_52 = arith.constant 0 : i32
      %dma_start3A_53 = tpu.memref_slice %arg6[%dma_start3A_51, %dma_start3A_52] : memref<512x128xf32, #tpu.memory_space<vmem>> -> memref<128x128xf32, #tpu.memory_space<vmem>>
      %dma_start3A_54 = arith.constant 0 : i32
      %dma_start3A_55 = tpu.memref_slice %arg5[%dma_start3A, %dma_start3A_54] : memref<8x128xi32, #tpu.memory_space<vmem>> -> memref<1x128xi32, #tpu.memory_space<vmem>>
      %dma_start3A_56 = tpu.memref_squeeze %dma_start3A_55 : memref<1x128xi32, #tpu.memory_space<vmem>> -> memref<128xi32, #tpu.memory_space<vmem>>
      %dma_start3A_57 = arith.constant 0 : i32
      %dma_start3A_58 = arith.constant 0 : i32
      %dma_start3A_59 = tpu.memref_slice %arg4[%dma_start3A_57, %dma_start3A_58] : memref<98304x128xf32, #tpu.memory_space<hbm>> -> memref<98304x128xf32, #tpu.memory_space<hbm>>
      tpu.enqueue_indirect_dma source(%dma_start3A_53 : memref<128x128xf32, #tpu.memory_space<vmem>>) target(%dma_start3A_59 : memref<98304x128xf32, #tpu.memory_space<hbm>>) offsets(%dma_start3A_56 : memref<128xi32, #tpu.memory_space<vmem>>) semaphore(%arg7 : memref<!tpu.dma_semaphore, #tpu.memory_space<semaphore_mem>>)
      %dma_start3A_60 = arith.constant 1 : i32
      %dma_start3A_61 = arith.constant 128 : i32
      %dma_start3A_62 = arith.constant 0 : i32
      %dma_start3A_63 = tpu.memref_slice %arg6[%dma_start3A_61, %dma_start3A_62] : memref<512x128xf32, #tpu.memory_space<vmem>> -> memref<128x128xf32, #tpu.memory_space<vmem>>
      %dma_start3A_64 = arith.constant 0 : i32
      %dma_start3A_65 = tpu.memref_slice %arg5[%dma_start3A_60, %dma_start3A_64] : memref<8x128xi32, #tpu.memory_space<vmem>> -> memref<1x128xi32, #tpu.memory_space<vmem>>
      %dma_start3A_66 = tpu.memref_squeeze %dma_start3A_65 : memref<1x128xi32, #tpu.memory_space<vmem>> -> memref<128xi32, #tpu.memory_space<vmem>>
      %dma_start3A_67 = arith.constant 0 : i32
      %dma_start3A_68 = arith.constant 0 : i32
      %dma_start3A_69 = tpu.memref_slice %arg4[%dma_start3A_67, %dma_start3A_68] : memref<98304x128xf32, #tpu.memory_space<hbm>> -> memref<98304x128xf32, #tpu.memory_space<hbm>>
      tpu.enqueue_indirect_dma source(%dma_start3A_63 : memref<128x128xf32, #tpu.memory_space<vmem>>) target(%dma_start3A_69 : memref<98304x128xf32, #tpu.memory_space<hbm>>) offsets(%dma_start3A_66 : memref<128xi32, #tpu.memory_space<vmem>>) semaphore(%arg7 : memref<!tpu.dma_semaphore, #tpu.memory_space<semaphore_mem>>)
      %dma_start3A_70 = arith.constant 2 : i32
      %dma_start3A_71 = arith.constant 256 : i32
      %dma_start3A_72 = arith.constant 0 : i32
      %dma_start3A_73 = tpu.memref_slice %arg6[%dma_start3A_71, %dma_start3A_72] : memref<512x128xf32, #tpu.memory_space<vmem>> -> memref<128x128xf32, #tpu.memory_space<vmem>>
      %dma_start3A_74 = arith.constant 0 : i32
      %dma_start3A_75 = tpu.memref_slice %arg5[%dma_start3A_70, %dma_start3A_74] : memref<8x128xi32, #tpu.memory_space<vmem>> -> memref<1x128xi32, #tpu.memory_space<vmem>>
      %dma_start3A_76 = tpu.memref_squeeze %dma_start3A_75 : memref<1x128xi32, #tpu.memory_space<vmem>> -> memref<128xi32, #tpu.memory_space<vmem>>
      %dma_start3A_77 = arith.constant 0 : i32
      %dma_start3A_78 = arith.constant 0 : i32
      %dma_start3A_79 = tpu.memref_slice %arg4[%dma_start3A_77, %dma_start3A_78] : memref<98304x128xf32, #tpu.memory_space<hbm>> -> memref<98304x128xf32, #tpu.memory_space<hbm>>
      tpu.enqueue_indirect_dma source(%dma_start3A_73 : memref<128x128xf32, #tpu.memory_space<vmem>>) target(%dma_start3A_79 : memref<98304x128xf32, #tpu.memory_space<hbm>>) offsets(%dma_start3A_76 : memref<128xi32, #tpu.memory_space<vmem>>) semaphore(%arg7 : memref<!tpu.dma_semaphore, #tpu.memory_space<semaphore_mem>>)
      %dma_start3A_80 = arith.constant 3 : i32
      %dma_start3A_81 = arith.constant 384 : i32
      %dma_start3A_82 = arith.constant 0 : i32
      %dma_start3A_83 = tpu.memref_slice %arg6[%dma_start3A_81, %dma_start3A_82] : memref<512x128xf32, #tpu.memory_space<vmem>> -> memref<128x128xf32, #tpu.memory_space<vmem>>
      %dma_start3A_84 = arith.constant 0 : i32
      %dma_start3A_85 = tpu.memref_slice %arg5[%dma_start3A_80, %dma_start3A_84] : memref<8x128xi32, #tpu.memory_space<vmem>> -> memref<1x128xi32, #tpu.memory_space<vmem>>
      %dma_start3A_86 = tpu.memref_squeeze %dma_start3A_85 : memref<1x128xi32, #tpu.memory_space<vmem>> -> memref<128xi32, #tpu.memory_space<vmem>>
      %dma_start3A_87 = arith.constant 0 : i32
      %dma_start3A_88 = arith.constant 0 : i32
      %dma_start3A_89 = tpu.memref_slice %arg4[%dma_start3A_87, %dma_start3A_88] : memref<98304x128xf32, #tpu.memory_space<hbm>> -> memref<98304x128xf32, #tpu.memory_space<hbm>>
      tpu.enqueue_indirect_dma source(%dma_start3A_83 : memref<128x128xf32, #tpu.memory_space<vmem>>) target(%dma_start3A_89 : memref<98304x128xf32, #tpu.memory_space<hbm>>) offsets(%dma_start3A_86 : memref<128xi32, #tpu.memory_space<vmem>>) semaphore(%arg7 : memref<!tpu.dma_semaphore, #tpu.memory_space<semaphore_mem>>)
      %dma_wait3A = arith.constant 0 : i32
      %dma_wait3A_90 = arith.constant 0 : i32
      %dma_wait3A_91 = arith.constant 0 : i32
      %dma_wait3A_92 = tpu.memref_slice %arg6[%dma_wait3A_90, %dma_wait3A_91] : memref<512x128xf32, #tpu.memory_space<vmem>> -> memref<128x128xf32, #tpu.memory_space<vmem>>
      %dma_wait3A_93 = arith.constant 0 : i32
      %dma_wait3A_94 = tpu.memref_slice %arg5[%dma_wait3A, %dma_wait3A_93] : memref<8x128xi32, #tpu.memory_space<vmem>> -> memref<1x128xi32, #tpu.memory_space<vmem>>
      %dma_wait3A_95 = tpu.memref_squeeze %dma_wait3A_94 : memref<1x128xi32, #tpu.memory_space<vmem>> -> memref<128xi32, #tpu.memory_space<vmem>>
      %dma_wait3A_96 = arith.constant 0 : i32
      %dma_wait3A_97 = arith.constant 0 : i32
      %dma_wait3A_98 = tpu.memref_slice %arg4[%dma_wait3A_96, %dma_wait3A_97] : memref<98304x128xf32, #tpu.memory_space<hbm>> -> memref<98304x128xf32, #tpu.memory_space<hbm>>
      tpu.wait_indirect_dma semaphore(%arg7 : memref<!tpu.dma_semaphore, #tpu.memory_space<semaphore_mem>>) src(%dma_wait3A_92 : memref<128x128xf32, #tpu.memory_space<vmem>>) dst(%dma_wait3A_98 : memref<98304x128xf32, #tpu.memory_space<hbm>>)
      %dma_wait3A_99 = arith.constant 1 : i32
      %dma_wait3A_100 = arith.constant 128 : i32
      %dma_wait3A_101 = arith.constant 0 : i32
      %dma_wait3A_102 = tpu.memref_slice %arg6[%dma_wait3A_100, %dma_wait3A_101] : memref<512x128xf32, #tpu.memory_space<vmem>> -> memref<128x128xf32, #tpu.memory_space<vmem>>
      %dma_wait3A_103 = arith.constant 0 : i32
      %dma_wait3A_104 = tpu.memref_slice %arg5[%dma_wait3A_99, %dma_wait3A_103] : memref<8x128xi32, #tpu.memory_space<vmem>> -> memref<1x128xi32, #tpu.memory_space<vmem>>
      %dma_wait3A_105 = tpu.memref_squeeze %dma_wait3A_104 : memref<1x128xi32, #tpu.memory_space<vmem>> -> memref<128xi32, #tpu.memory_space<vmem>>
      %dma_wait3A_106 = arith.constant 0 : i32
      %dma_wait3A_107 = arith.constant 0 : i32
      %dma_wait3A_108 = tpu.memref_slice %arg4[%dma_wait3A_106, %dma_wait3A_107] : memref<98304x128xf32, #tpu.memory_space<hbm>> -> memref<98304x128xf32, #tpu.memory_space<hbm>>
      tpu.wait_indirect_dma semaphore(%arg7 : memref<!tpu.dma_semaphore, #tpu.memory_space<semaphore_mem>>) src(%dma_wait3A_102 : memref<128x128xf32, #tpu.memory_space<vmem>>) dst(%dma_wait3A_108 : memref<98304x128xf32, #tpu.memory_space<hbm>>)
      %dma_wait3A_109 = arith.constant 2 : i32
      %dma_wait3A_110 = arith.constant 256 : i32
      %dma_wait3A_111 = arith.constant 0 : i32
      %dma_wait3A_112 = tpu.memref_slice %arg6[%dma_wait3A_110, %dma_wait3A_111] : memref<512x128xf32, #tpu.memory_space<vmem>> -> memref<128x128xf32, #tpu.memory_space<vmem>>
      %dma_wait3A_113 = arith.constant 0 : i32
      %dma_wait3A_114 = tpu.memref_slice %arg5[%dma_wait3A_109, %dma_wait3A_113] : memref<8x128xi32, #tpu.memory_space<vmem>> -> memref<1x128xi32, #tpu.memory_space<vmem>>
      %dma_wait3A_115 = tpu.memref_squeeze %dma_wait3A_114 : memref<1x128xi32, #tpu.memory_space<vmem>> -> memref<128xi32, #tpu.memory_space<vmem>>
      %dma_wait3A_116 = arith.constant 0 : i32
      %dma_wait3A_117 = arith.constant 0 : i32
      %dma_wait3A_118 = tpu.memref_slice %arg4[%dma_wait3A_116, %dma_wait3A_117] : memref<98304x128xf32, #tpu.memory_space<hbm>> -> memref<98304x128xf32, #tpu.memory_space<hbm>>
      tpu.wait_indirect_dma semaphore(%arg7 : memref<!tpu.dma_semaphore, #tpu.memory_space<semaphore_mem>>) src(%dma_wait3A_112 : memref<128x128xf32, #tpu.memory_space<vmem>>) dst(%dma_wait3A_118 : memref<98304x128xf32, #tpu.memory_space<hbm>>)
      %dma_wait3A_119 = arith.constant 3 : i32
      %dma_wait3A_120 = arith.constant 384 : i32
      %dma_wait3A_121 = arith.constant 0 : i32
      %dma_wait3A_122 = tpu.memref_slice %arg6[%dma_wait3A_120, %dma_wait3A_121] : memref<512x128xf32, #tpu.memory_space<vmem>> -> memref<128x128xf32, #tpu.memory_space<vmem>>
      %dma_wait3A_123 = arith.constant 0 : i32
      %dma_wait3A_124 = tpu.memref_slice %arg5[%dma_wait3A_119, %dma_wait3A_123] : memref<8x128xi32, #tpu.memory_space<vmem>> -> memref<1x128xi32, #tpu.memory_space<vmem>>
      %dma_wait3A_125 = tpu.memref_squeeze %dma_wait3A_124 : memref<1x128xi32, #tpu.memory_space<vmem>> -> memref<128xi32, #tpu.memory_space<vmem>>
      %dma_wait3A_126 = arith.constant 0 : i32
      %dma_wait3A_127 = arith.constant 0 : i32
      %dma_wait3A_128 = tpu.memref_slice %arg4[%dma_wait3A_126, %dma_wait3A_127] : memref<98304x128xf32, #tpu.memory_space<hbm>> -> memref<98304x128xf32, #tpu.memory_space<hbm>>
      tpu.wait_indirect_dma semaphore(%arg7 : memref<!tpu.dma_semaphore, #tpu.memory_space<semaphore_mem>>) src(%dma_wait3A_122 : memref<128x128xf32, #tpu.memory_space<vmem>>) dst(%dma_wait3A_128 : memref<98304x128xf32, #tpu.memory_space<hbm>>)
      %add3A_129 = arith.constant 512 : i32
      %add3A_130 = arith.addi %multiple_of3A_25, %add3A_129 : i32
      %multiple_of3A_131 = tpu.assume_multiple %add3A_130, 512 : i32
      "tpu.region"() ({
        %run_scoped3A = tpu.sem_alloc : memref<!tpu.dma_semaphore, #tpu.memory_space<semaphore_mem>>
        %dma_start3A_212 = arith.constant 0 : i32
        %dma_start3A_213 = tpu.memref_slice %arg2[%multiple_of3A_131, %dma_start3A_212] : memref<24576x128xf32, #tpu.memory_space<hbm>> -> memref<512x128xf32, #tpu.memory_space<hbm>>
        %dma_start3A_214 = arith.constant 0 : i32
        %dma_start3A_215 = tpu.memref_slice %arg2[%multiple_of3A_131, %dma_start3A_214] : memref<24576x128xf32, #tpu.memory_space<hbm>> -> memref<512x128xf32, #tpu.memory_space<hbm>>
        tpu.enqueue_dma source(%dma_start3A_215 : memref<512x128xf32, #tpu.memory_space<hbm>>) target(%arg6 : memref<512x128xf32, #tpu.memory_space<vmem>>) target_semaphore(%run_scoped3A : memref<!tpu.dma_semaphore, #tpu.memory_space<semaphore_mem>>)
        %dma_wait3A_216 = arith.constant 0 : i32
        %dma_wait3A_217 = tpu.memref_slice %arg2[%multiple_of3A_131, %dma_wait3A_216] : memref<24576x128xf32, #tpu.memory_space<hbm>> -> memref<512x128xf32, #tpu.memory_space<hbm>>
        %dma_wait3A_218 = arith.constant 0 : i32
        %dma_wait3A_219 = tpu.memref_slice %arg2[%multiple_of3A_131, %dma_wait3A_218] : memref<24576x128xf32, #tpu.memory_space<hbm>> -> memref<512x128xf32, #tpu.memory_space<hbm>>
        tpu.wait_dma2 semaphore(%run_scoped3A : memref<!tpu.dma_semaphore, #tpu.memory_space<semaphore_mem>>) src(%dma_wait3A_219 : memref<512x128xf32, #tpu.memory_space<hbm>>) dst(%arg6 : memref<512x128xf32, #tpu.memory_space<vmem>>)
        tpu.yield
      }) : () -> ()
      %dma_start3A_132 = arith.constant 4 : i32
      %dma_start3A_133 = arith.constant 0 : i32
      %dma_start3A_134 = arith.constant 0 : i32
      %dma_start3A_135 = tpu.memref_slice %arg6[%dma_start3A_133, %dma_start3A_134] : memref<512x128xf32, #tpu.memory_space<vmem>> -> memref<128x128xf32, #tpu.memory_space<vmem>>
      %dma_start3A_136 = arith.constant 0 : i32
      %dma_start3A_137 = tpu.memref_slice %arg5[%dma_start3A_132, %dma_start3A_136] : memref<8x128xi32, #tpu.memory_space<vmem>> -> memref<1x128xi32, #tpu.memory_space<vmem>>
      %dma_start3A_138 = tpu.memref_squeeze %dma_start3A_137 : memref<1x128xi32, #tpu.memory_space<vmem>> -> memref<128xi32, #tpu.memory_space<vmem>>
      %dma_start3A_139 = arith.constant 0 : i32
      %dma_start3A_140 = arith.constant 0 : i32
      %dma_start3A_141 = tpu.memref_slice %arg4[%dma_start3A_139, %dma_start3A_140] : memref<98304x128xf32, #tpu.memory_space<hbm>> -> memref<98304x128xf32, #tpu.memory_space<hbm>>
      tpu.enqueue_indirect_dma source(%dma_start3A_135 : memref<128x128xf32, #tpu.memory_space<vmem>>) target(%dma_start3A_141 : memref<98304x128xf32, #tpu.memory_space<hbm>>) offsets(%dma_start3A_138 : memref<128xi32, #tpu.memory_space<vmem>>) semaphore(%arg7 : memref<!tpu.dma_semaphore, #tpu.memory_space<semaphore_mem>>)
      %dma_start3A_142 = arith.constant 5 : i32
      %dma_start3A_143 = arith.constant 128 : i32
      %dma_start3A_144 = arith.constant 0 : i32
      %dma_start3A_145 = tpu.memref_slice %arg6[%dma_start3A_143, %dma_start3A_144] : memref<512x128xf32, #tpu.memory_space<vmem>> -> memref<128x128xf32, #tpu.memory_space<vmem>>
      %dma_start3A_146 = arith.constant 0 : i32
      %dma_start3A_147 = tpu.memref_slice %arg5[%dma_start3A_142, %dma_start3A_146] : memref<8x128xi32, #tpu.memory_space<vmem>> -> memref<1x128xi32, #tpu.memory_space<vmem>>
      %dma_start3A_148 = tpu.memref_squeeze %dma_start3A_147 : memref<1x128xi32, #tpu.memory_space<vmem>> -> memref<128xi32, #tpu.memory_space<vmem>>
      %dma_start3A_149 = arith.constant 0 : i32
      %dma_start3A_150 = arith.constant 0 : i32
      %dma_start3A_151 = tpu.memref_slice %arg4[%dma_start3A_149, %dma_start3A_150] : memref<98304x128xf32, #tpu.memory_space<hbm>> -> memref<98304x128xf32, #tpu.memory_space<hbm>>
      tpu.enqueue_indirect_dma source(%dma_start3A_145 : memref<128x128xf32, #tpu.memory_space<vmem>>) target(%dma_start3A_151 : memref<98304x128xf32, #tpu.memory_space<hbm>>) offsets(%dma_start3A_148 : memref<128xi32, #tpu.memory_space<vmem>>) semaphore(%arg7 : memref<!tpu.dma_semaphore, #tpu.memory_space<semaphore_mem>>)
      %dma_start3A_152 = arith.constant 6 : i32
      %dma_start3A_153 = arith.constant 256 : i32
      %dma_start3A_154 = arith.constant 0 : i32
      %dma_start3A_155 = tpu.memref_slice %arg6[%dma_start3A_153, %dma_start3A_154] : memref<512x128xf32, #tpu.memory_space<vmem>> -> memref<128x128xf32, #tpu.memory_space<vmem>>
      %dma_start3A_156 = arith.constant 0 : i32
      %dma_start3A_157 = tpu.memref_slice %arg5[%dma_start3A_152, %dma_start3A_156] : memref<8x128xi32, #tpu.memory_space<vmem>> -> memref<1x128xi32, #tpu.memory_space<vmem>>
      %dma_start3A_158 = tpu.memref_squeeze %dma_start3A_157 : memref<1x128xi32, #tpu.memory_space<vmem>> -> memref<128xi32, #tpu.memory_space<vmem>>
      %dma_start3A_159 = arith.constant 0 : i32
      %dma_start3A_160 = arith.constant 0 : i32
      %dma_start3A_161 = tpu.memref_slice %arg4[%dma_start3A_159, %dma_start3A_160] : memref<98304x128xf32, #tpu.memory_space<hbm>> -> memref<98304x128xf32, #tpu.memory_space<hbm>>
      tpu.enqueue_indirect_dma source(%dma_start3A_155 : memref<128x128xf32, #tpu.memory_space<vmem>>) target(%dma_start3A_161 : memref<98304x128xf32, #tpu.memory_space<hbm>>) offsets(%dma_start3A_158 : memref<128xi32, #tpu.memory_space<vmem>>) semaphore(%arg7 : memref<!tpu.dma_semaphore, #tpu.memory_space<semaphore_mem>>)
      %dma_start3A_162 = arith.constant 7 : i32
      %dma_start3A_163 = arith.constant 384 : i32
      %dma_start3A_164 = arith.constant 0 : i32
      %dma_start3A_165 = tpu.memref_slice %arg6[%dma_start3A_163, %dma_start3A_164] : memref<512x128xf32, #tpu.memory_space<vmem>> -> memref<128x128xf32, #tpu.memory_space<vmem>>
      %dma_start3A_166 = arith.constant 0 : i32
      %dma_start3A_167 = tpu.memref_slice %arg5[%dma_start3A_162, %dma_start3A_166] : memref<8x128xi32, #tpu.memory_space<vmem>> -> memref<1x128xi32, #tpu.memory_space<vmem>>
      %dma_start3A_168 = tpu.memref_squeeze %dma_start3A_167 : memref<1x128xi32, #tpu.memory_space<vmem>> -> memref<128xi32, #tpu.memory_space<vmem>>
      %dma_start3A_169 = arith.constant 0 : i32
      %dma_start3A_170 = arith.constant 0 : i32
      %dma_start3A_171 = tpu.memref_slice %arg4[%dma_start3A_169, %dma_start3A_170] : memref<98304x128xf32, #tpu.memory_space<hbm>> -> memref<98304x128xf32, #tpu.memory_space<hbm>>
      tpu.enqueue_indirect_dma source(%dma_start3A_165 : memref<128x128xf32, #tpu.memory_space<vmem>>) target(%dma_start3A_171 : memref<98304x128xf32, #tpu.memory_space<hbm>>) offsets(%dma_start3A_168 : memref<128xi32, #tpu.memory_space<vmem>>) semaphore(%arg7 : memref<!tpu.dma_semaphore, #tpu.memory_space<semaphore_mem>>)
      %dma_wait3A_172 = arith.constant 4 : i32
      %dma_wait3A_173 = arith.constant 0 : i32
      %dma_wait3A_174 = arith.constant 0 : i32
      %dma_wait3A_175 = tpu.memref_slice %arg6[%dma_wait3A_173, %dma_wait3A_174] : memref<512x128xf32, #tpu.memory_space<vmem>> -> memref<128x128xf32, #tpu.memory_space<vmem>>
      %dma_wait3A_176 = arith.constant 0 : i32
      %dma_wait3A_177 = tpu.memref_slice %arg5[%dma_wait3A_172, %dma_wait3A_176] : memref<8x128xi32, #tpu.memory_space<vmem>> -> memref<1x128xi32, #tpu.memory_space<vmem>>
      %dma_wait3A_178 = tpu.memref_squeeze %dma_wait3A_177 : memref<1x128xi32, #tpu.memory_space<vmem>> -> memref<128xi32, #tpu.memory_space<vmem>>
      %dma_wait3A_179 = arith.constant 0 : i32
      %dma_wait3A_180 = arith.constant 0 : i32
      %dma_wait3A_181 = tpu.memref_slice %arg4[%dma_wait3A_179, %dma_wait3A_180] : memref<98304x128xf32, #tpu.memory_space<hbm>> -> memref<98304x128xf32, #tpu.memory_space<hbm>>
      tpu.wait_indirect_dma semaphore(%arg7 : memref<!tpu.dma_semaphore, #tpu.memory_space<semaphore_mem>>) src(%dma_wait3A_175 : memref<128x128xf32, #tpu.memory_space<vmem>>) dst(%dma_wait3A_181 : memref<98304x128xf32, #tpu.memory_space<hbm>>)
      %dma_wait3A_182 = arith.constant 5 : i32
      %dma_wait3A_183 = arith.constant 128 : i32
      %dma_wait3A_184 = arith.constant 0 : i32
      %dma_wait3A_185 = tpu.memref_slice %arg6[%dma_wait3A_183, %dma_wait3A_184] : memref<512x128xf32, #tpu.memory_space<vmem>> -> memref<128x128xf32, #tpu.memory_space<vmem>>
      %dma_wait3A_186 = arith.constant 0 : i32
      %dma_wait3A_187 = tpu.memref_slice %arg5[%dma_wait3A_182, %dma_wait3A_186] : memref<8x128xi32, #tpu.memory_space<vmem>> -> memref<1x128xi32, #tpu.memory_space<vmem>>
      %dma_wait3A_188 = tpu.memref_squeeze %dma_wait3A_187 : memref<1x128xi32, #tpu.memory_space<vmem>> -> memref<128xi32, #tpu.memory_space<vmem>>
      %dma_wait3A_189 = arith.constant 0 : i32
      %dma_wait3A_190 = arith.constant 0 : i32
      %dma_wait3A_191 = tpu.memref_slice %arg4[%dma_wait3A_189, %dma_wait3A_190] : memref<98304x128xf32, #tpu.memory_space<hbm>> -> memref<98304x128xf32, #tpu.memory_space<hbm>>
      tpu.wait_indirect_dma semaphore(%arg7 : memref<!tpu.dma_semaphore, #tpu.memory_space<semaphore_mem>>) src(%dma_wait3A_185 : memref<128x128xf32, #tpu.memory_space<vmem>>) dst(%dma_wait3A_191 : memref<98304x128xf32, #tpu.memory_space<hbm>>)
      %dma_wait3A_192 = arith.constant 6 : i32
      %dma_wait3A_193 = arith.constant 256 : i32
      %dma_wait3A_194 = arith.constant 0 : i32
      %dma_wait3A_195 = tpu.memref_slice %arg6[%dma_wait3A_193, %dma_wait3A_194] : memref<512x128xf32, #tpu.memory_space<vmem>> -> memref<128x128xf32, #tpu.memory_space<vmem>>
      %dma_wait3A_196 = arith.constant 0 : i32
      %dma_wait3A_197 = tpu.memref_slice %arg5[%dma_wait3A_192, %dma_wait3A_196] : memref<8x128xi32, #tpu.memory_space<vmem>> -> memref<1x128xi32, #tpu.memory_space<vmem>>
      %dma_wait3A_198 = tpu.memref_squeeze %dma_wait3A_197 : memref<1x128xi32, #tpu.memory_space<vmem>> -> memref<128xi32, #tpu.memory_space<vmem>>
      %dma_wait3A_199 = arith.constant 0 : i32
      %dma_wait3A_200 = arith.constant 0 : i32
      %dma_wait3A_201 = tpu.memref_slice %arg4[%dma_wait3A_199, %dma_wait3A_200] : memref<98304x128xf32, #tpu.memory_space<hbm>> -> memref<98304x128xf32, #tpu.memory_space<hbm>>
      tpu.wait_indirect_dma semaphore(%arg7 : memref<!tpu.dma_semaphore, #tpu.memory_space<semaphore_mem>>) src(%dma_wait3A_195 : memref<128x128xf32, #tpu.memory_space<vmem>>) dst(%dma_wait3A_201 : memref<98304x128xf32, #tpu.memory_space<hbm>>)
      %dma_wait3A_202 = arith.constant 7 : i32
      %dma_wait3A_203 = arith.constant 384 : i32
      %dma_wait3A_204 = arith.constant 0 : i32
      %dma_wait3A_205 = tpu.memref_slice %arg6[%dma_wait3A_203, %dma_wait3A_204] : memref<512x128xf32, #tpu.memory_space<vmem>> -> memref<128x128xf32, #tpu.memory_space<vmem>>
      %dma_wait3A_206 = arith.constant 0 : i32
      %dma_wait3A_207 = tpu.memref_slice %arg5[%dma_wait3A_202, %dma_wait3A_206] : memref<8x128xi32, #tpu.memory_space<vmem>> -> memref<1x128xi32, #tpu.memory_space<vmem>>
      %dma_wait3A_208 = tpu.memref_squeeze %dma_wait3A_207 : memref<1x128xi32, #tpu.memory_space<vmem>> -> memref<128xi32, #tpu.memory_space<vmem>>
      %dma_wait3A_209 = arith.constant 0 : i32
      %dma_wait3A_210 = arith.constant 0 : i32
      %dma_wait3A_211 = tpu.memref_slice %arg4[%dma_wait3A_209, %dma_wait3A_210] : memref<98304x128xf32, #tpu.memory_space<hbm>> -> memref<98304x128xf32, #tpu.memory_space<hbm>>
      tpu.wait_indirect_dma semaphore(%arg7 : memref<!tpu.dma_semaphore, #tpu.memory_space<semaphore_mem>>) src(%dma_wait3A_205 : memref<128x128xf32, #tpu.memory_space<vmem>>) dst(%dma_wait3A_211 : memref<98304x128xf32, #tpu.memory_space<hbm>>)
    }
    %scan3A_17 = arith.constant 3 : i32
    return
  }
}

module attributes {stable_mosaic.version = 14 : i64} {
  func.func @_stage_a_body(%arg0: i32, %arg1: memref<1x2048x64xf32, #tpu.memory_space<vmem>>, %arg2: memref<64x128xf32, #tpu.memory_space<vmem>>, %arg3: memref<1x2048x4xi32, #tpu.memory_space<vmem>>) attributes {dimension_semantics = [#tpu.dimension_semantics<arbitrary>], iteration_bounds = array<i64: 12>, scalar_prefetch = 0 : i64, scratch_operands = 0 : i64, tpu.core_type = #tpu.core_type<tc>, window_params = [{transform_indices = @transform_0, window_bounds = array<i64: 1, 2048, 64>}, {pipeline_mode = #tpu.pipeline_mode<synchronous>, transform_indices = @transform_1, window_bounds = array<i64: 64, 128>}, {transform_indices = @transform_2, window_bounds = array<i64: 1, 2048, 4>}]} {
    %get3A = arith.constant 0 : index
    %get3A_0 = arith.constant 0 : index
    %get3A_1 = arith.constant 0 : index
    %get3A_2 = vector.load %arg1[%get3A, %get3A_0, %get3A_1] : memref<1x2048x64xf32, #tpu.memory_space<vmem>>, vector<1x2048x64xf32>
    %get3A_3 = vector.shape_cast %get3A_2 : vector<1x2048x64xf32> to vector<2048x64xf32>
    %get3A_4 = arith.constant 0 : index
    %get3A_5 = arith.constant 0 : index
    %get3A_6 = vector.load %arg2[%get3A_4, %get3A_5] : memref<64x128xf32, #tpu.memory_space<vmem>>, vector<64x128xf32>
    %dot_general3A = arith.constant dense<0.000000e+00> : vector<2048x128xf32>
    %dot_general3A_7 = tpu.matmul %get3A_3, %get3A_6, %dot_general3A {dimension_numbers = #tpu.dot_dimension_numbers<[1], [0], [0], [1], [0, 0, 1, 1], [], []>, transpose_lhs_hint = false} : vector<2048x64xf32>, vector<64x128xf32>, vector<2048x128xf32> -> vector<2048x128xf32>
    %iota3A = tpu.iota {dimensions = array<i32: 1>} : vector<2048x32xi32>
    %slice3A = vector.extract_strided_slice %dot_general3A_7 {offsets = [0, 64], sizes = [2048, 16], strides = [1, 1]} : vector<2048x128xf32> to vector<2048x16xf32>
    %neg3A = arith.constant 0.000000e+00 : f32
    %neg3A_8 = vector.broadcast %neg3A : f32 to vector<2048x16xf32>
    %neg3A_9 = arith.subf %neg3A_8, %slice3A : vector<2048x16xf32>
    %concatenate3A = tpu.concatenate %slice3A, %neg3A_9 in 1 : vector<2048x16xf32>, vector<2048x16xf32> -> vector<2048x32xf32>
    %reduce_max3A = arith.constant dense<0xFF800000> : vector<2048xf32>
    %reduce_max3A_10 = vector.multi_reduction <maximumf>, %concatenate3A, %reduce_max3A [1] : vector<2048x32xf32> to vector<2048xf32>
    %broadcast_in_dim3A = vector.shape_cast %reduce_max3A_10 : vector<2048xf32> to vector<2048x1xf32>
    %ge3A = vector.broadcast %broadcast_in_dim3A : vector<2048x1xf32> to vector<2048x32xf32>
    %ge3A_11 = arith.cmpf oge, %concatenate3A, %ge3A : vector<2048x32xf32>
    %jit3A = arith.constant 32 : i32
    %broadcast_in_dim3A_12 = vector.broadcast %jit3A : i32 to vector<2048x32xi32>
    %select_n3A = arith.select %ge3A_11, %iota3A, %broadcast_in_dim3A_12 : vector<2048x32xi1>, vector<2048x32xi32>
    %reduce_min3A = arith.constant dense<2147483647> : vector<2048xi32>
    %reduce_min3A_13 = vector.multi_reduction <minsi>, %select_n3A, %reduce_min3A [1] : vector<2048x32xi32> to vector<2048xi32>
    %broadcast_in_dim3A_14 = vector.shape_cast %reduce_min3A_13 : vector<2048xi32> to vector<2048x1xi32>
    %eq3A = vector.broadcast %broadcast_in_dim3A_14 : vector<2048x1xi32> to vector<2048x32xi32>
    %eq3A_15 = arith.cmpi eq, %iota3A, %eq3A : vector<2048x32xi32>
    %convert_element_type3A = arith.extui %eq3A_15 : vector<2048x32xi1> to vector<2048x32xi32>
    %convert_element_type3A_16 = arith.sitofp %convert_element_type3A : vector<2048x32xi32> to vector<2048x32xf32>
    %slice3A_17 = vector.extract_strided_slice %dot_general3A_7 {offsets = [0, 80], sizes = [2048, 16], strides = [1, 1]} : vector<2048x128xf32> to vector<2048x16xf32>
    %neg3A_18 = arith.constant 0.000000e+00 : f32
    %neg3A_19 = vector.broadcast %neg3A_18 : f32 to vector<2048x16xf32>
    %neg3A_20 = arith.subf %neg3A_19, %slice3A_17 : vector<2048x16xf32>
    %concatenate3A_21 = tpu.concatenate %slice3A_17, %neg3A_20 in 1 : vector<2048x16xf32>, vector<2048x16xf32> -> vector<2048x32xf32>
    %reduce_max3A_22 = arith.constant dense<0xFF800000> : vector<2048xf32>
    %reduce_max3A_23 = vector.multi_reduction <maximumf>, %concatenate3A_21, %reduce_max3A_22 [1] : vector<2048x32xf32> to vector<2048xf32>
    %broadcast_in_dim3A_24 = vector.shape_cast %reduce_max3A_23 : vector<2048xf32> to vector<2048x1xf32>
    %ge3A_25 = vector.broadcast %broadcast_in_dim3A_24 : vector<2048x1xf32> to vector<2048x32xf32>
    %ge3A_26 = arith.cmpf oge, %concatenate3A_21, %ge3A_25 : vector<2048x32xf32>
    %jit3A_27 = arith.constant 32 : i32
    %broadcast_in_dim3A_28 = vector.broadcast %jit3A_27 : i32 to vector<2048x32xi32>
    %select_n3A_29 = arith.select %ge3A_26, %iota3A, %broadcast_in_dim3A_28 : vector<2048x32xi1>, vector<2048x32xi32>
    %reduce_min3A_30 = arith.constant dense<2147483647> : vector<2048xi32>
    %reduce_min3A_31 = vector.multi_reduction <minsi>, %select_n3A_29, %reduce_min3A_30 [1] : vector<2048x32xi32> to vector<2048xi32>
    %broadcast_in_dim3A_32 = vector.shape_cast %reduce_min3A_31 : vector<2048xi32> to vector<2048x1xi32>
    %eq3A_33 = vector.broadcast %broadcast_in_dim3A_32 : vector<2048x1xi32> to vector<2048x32xi32>
    %eq3A_34 = arith.cmpi eq, %iota3A, %eq3A_33 : vector<2048x32xi32>
    %convert_element_type3A_35 = arith.extui %eq3A_34 : vector<2048x32xi1> to vector<2048x32xi32>
    %convert_element_type3A_36 = arith.sitofp %convert_element_type3A_35 : vector<2048x32xi32> to vector<2048x32xf32>
    %slice3A_37 = vector.extract_strided_slice %dot_general3A_7 {offsets = [0, 96], sizes = [2048, 16], strides = [1, 1]} : vector<2048x128xf32> to vector<2048x16xf32>
    %neg3A_38 = arith.constant 0.000000e+00 : f32
    %neg3A_39 = vector.broadcast %neg3A_38 : f32 to vector<2048x16xf32>
    %neg3A_40 = arith.subf %neg3A_39, %slice3A_37 : vector<2048x16xf32>
    %concatenate3A_41 = tpu.concatenate %slice3A_37, %neg3A_40 in 1 : vector<2048x16xf32>, vector<2048x16xf32> -> vector<2048x32xf32>
    %reduce_max3A_42 = arith.constant dense<0xFF800000> : vector<2048xf32>
    %reduce_max3A_43 = vector.multi_reduction <maximumf>, %concatenate3A_41, %reduce_max3A_42 [1] : vector<2048x32xf32> to vector<2048xf32>
    %broadcast_in_dim3A_44 = vector.shape_cast %reduce_max3A_43 : vector<2048xf32> to vector<2048x1xf32>
    %ge3A_45 = vector.broadcast %broadcast_in_dim3A_44 : vector<2048x1xf32> to vector<2048x32xf32>
    %ge3A_46 = arith.cmpf oge, %concatenate3A_41, %ge3A_45 : vector<2048x32xf32>
    %jit3A_47 = arith.constant 32 : i32
    %broadcast_in_dim3A_48 = vector.broadcast %jit3A_47 : i32 to vector<2048x32xi32>
    %select_n3A_49 = arith.select %ge3A_46, %iota3A, %broadcast_in_dim3A_48 : vector<2048x32xi1>, vector<2048x32xi32>
    %reduce_min3A_50 = arith.constant dense<2147483647> : vector<2048xi32>
    %reduce_min3A_51 = vector.multi_reduction <minsi>, %select_n3A_49, %reduce_min3A_50 [1] : vector<2048x32xi32> to vector<2048xi32>
    %broadcast_in_dim3A_52 = vector.shape_cast %reduce_min3A_51 : vector<2048xi32> to vector<2048x1xi32>
    %eq3A_53 = vector.broadcast %broadcast_in_dim3A_52 : vector<2048x1xi32> to vector<2048x32xi32>
    %eq3A_54 = arith.cmpi eq, %iota3A, %eq3A_53 : vector<2048x32xi32>
    %convert_element_type3A_55 = arith.extui %eq3A_54 : vector<2048x32xi1> to vector<2048x32xi32>
    %convert_element_type3A_56 = arith.sitofp %convert_element_type3A_55 : vector<2048x32xi32> to vector<2048x32xf32>
    %slice3A_57 = vector.extract_strided_slice %dot_general3A_7 {offsets = [0, 112], sizes = [2048, 16], strides = [1, 1]} : vector<2048x128xf32> to vector<2048x16xf32>
    %neg3A_58 = arith.constant 0.000000e+00 : f32
    %neg3A_59 = vector.broadcast %neg3A_58 : f32 to vector<2048x16xf32>
    %neg3A_60 = arith.subf %neg3A_59, %slice3A_57 : vector<2048x16xf32>
    %concatenate3A_61 = tpu.concatenate %slice3A_57, %neg3A_60 in 1 : vector<2048x16xf32>, vector<2048x16xf32> -> vector<2048x32xf32>
    %reduce_max3A_62 = arith.constant dense<0xFF800000> : vector<2048xf32>
    %reduce_max3A_63 = vector.multi_reduction <maximumf>, %concatenate3A_61, %reduce_max3A_62 [1] : vector<2048x32xf32> to vector<2048xf32>
    %broadcast_in_dim3A_64 = vector.shape_cast %reduce_max3A_63 : vector<2048xf32> to vector<2048x1xf32>
    %ge3A_65 = vector.broadcast %broadcast_in_dim3A_64 : vector<2048x1xf32> to vector<2048x32xf32>
    %ge3A_66 = arith.cmpf oge, %concatenate3A_61, %ge3A_65 : vector<2048x32xf32>
    %jit3A_67 = arith.constant 32 : i32
    %broadcast_in_dim3A_68 = vector.broadcast %jit3A_67 : i32 to vector<2048x32xi32>
    %select_n3A_69 = arith.select %ge3A_66, %iota3A, %broadcast_in_dim3A_68 : vector<2048x32xi1>, vector<2048x32xi32>
    %reduce_min3A_70 = arith.constant dense<2147483647> : vector<2048xi32>
    %reduce_min3A_71 = vector.multi_reduction <minsi>, %select_n3A_69, %reduce_min3A_70 [1] : vector<2048x32xi32> to vector<2048xi32>
    %broadcast_in_dim3A_72 = vector.shape_cast %reduce_min3A_71 : vector<2048xi32> to vector<2048x1xi32>
    %eq3A_73 = vector.broadcast %broadcast_in_dim3A_72 : vector<2048x1xi32> to vector<2048x32xi32>
    %eq3A_74 = arith.cmpi eq, %iota3A, %eq3A_73 : vector<2048x32xi32>
    %convert_element_type3A_75 = arith.extui %eq3A_74 : vector<2048x32xi1> to vector<2048x32xi32>
    %convert_element_type3A_76 = arith.sitofp %convert_element_type3A_75 : vector<2048x32xi32> to vector<2048x32xf32>
    %concatenate3A_77 = tpu.concatenate %convert_element_type3A_16, %convert_element_type3A_36, %convert_element_type3A_56, %convert_element_type3A_76 in 1 : vector<2048x32xf32>, vector<2048x32xf32>, vector<2048x32xf32>, vector<2048x32xf32> -> vector<2048x128xf32>
    %iota3A_78 = tpu.iota {dimensions = array<i32: 0>} : vector<128x128xi32>
    %iota3A_79 = tpu.iota {dimensions = array<i32: 1>} : vector<128x128xi32>
    %ge3A_80 = arith.cmpi sge, %iota3A_78, %iota3A_79 : vector<128x128xi32>
    %convert_element_type3A_81 = arith.extui %ge3A_80 : vector<128x128xi1> to vector<128x128xi32>
    %convert_element_type3A_82 = arith.sitofp %convert_element_type3A_81 : vector<128x128xi32> to vector<128x128xf32>
    %broadcast_in_dim3A_83 = arith.constant 0.000000e+00 : f32
    %broadcast_in_dim3A_84 = vector.broadcast %broadcast_in_dim3A_83 : f32 to vector<1x128xf32>
    %slice3A_85 = vector.extract_strided_slice %concatenate3A_77 {offsets = [0, 0], sizes = [128, 128], strides = [1, 1]} : vector<2048x128xf32> to vector<128x128xf32>
    %dot_general3A_86 = arith.constant dense<0.000000e+00> : vector<128x128xf32>
    %dot_general3A_87 = tpu.matmul %convert_element_type3A_82, %slice3A_85, %dot_general3A_86 {dimension_numbers = #tpu.dot_dimension_numbers<[1], [0], [0], [1], [0, 0, 1, 1], [], []>, transpose_lhs_hint = false} : vector<128x128xf32>, vector<128x128xf32>, vector<128x128xf32> -> vector<128x128xf32>
    %add3A = vector.broadcast %broadcast_in_dim3A_84 : vector<1x128xf32> to vector<128x128xf32>
    %add3A_88 = arith.addf %dot_general3A_87, %add3A : vector<128x128xf32>
    %slice3A_89 = vector.extract_strided_slice %dot_general3A_87 {offsets = [127, 0], sizes = [1, 128], strides = [1, 1]} : vector<128x128xf32> to vector<1x128xf32>
    %add3A_90 = arith.addf %broadcast_in_dim3A_84, %slice3A_89 : vector<1x128xf32>
    %slice3A_91 = vector.extract_strided_slice %concatenate3A_77 {offsets = [128, 0], sizes = [128, 128], strides = [1, 1]} : vector<2048x128xf32> to vector<128x128xf32>
    %dot_general3A_92 = arith.constant dense<0.000000e+00> : vector<128x128xf32>
    %dot_general3A_93 = tpu.matmul %convert_element_type3A_82, %slice3A_91, %dot_general3A_92 {dimension_numbers = #tpu.dot_dimension_numbers<[1], [0], [0], [1], [0, 0, 1, 1], [], []>, transpose_lhs_hint = false} : vector<128x128xf32>, vector<128x128xf32>, vector<128x128xf32> -> vector<128x128xf32>
    %add3A_94 = vector.broadcast %add3A_90 : vector<1x128xf32> to vector<128x128xf32>
    %add3A_95 = arith.addf %dot_general3A_93, %add3A_94 : vector<128x128xf32>
    %slice3A_96 = vector.extract_strided_slice %dot_general3A_93 {offsets = [127, 0], sizes = [1, 128], strides = [1, 1]} : vector<128x128xf32> to vector<1x128xf32>
    %add3A_97 = arith.addf %add3A_90, %slice3A_96 : vector<1x128xf32>
    %slice3A_98 = vector.extract_strided_slice %concatenate3A_77 {offsets = [256, 0], sizes = [128, 128], strides = [1, 1]} : vector<2048x128xf32> to vector<128x128xf32>
    %dot_general3A_99 = arith.constant dense<0.000000e+00> : vector<128x128xf32>
    %dot_general3A_100 = tpu.matmul %convert_element_type3A_82, %slice3A_98, %dot_general3A_99 {dimension_numbers = #tpu.dot_dimension_numbers<[1], [0], [0], [1], [0, 0, 1, 1], [], []>, transpose_lhs_hint = false} : vector<128x128xf32>, vector<128x128xf32>, vector<128x128xf32> -> vector<128x128xf32>
    %add3A_101 = vector.broadcast %add3A_97 : vector<1x128xf32> to vector<128x128xf32>
    %add3A_102 = arith.addf %dot_general3A_100, %add3A_101 : vector<128x128xf32>
    %slice3A_103 = vector.extract_strided_slice %dot_general3A_100 {offsets = [127, 0], sizes = [1, 128], strides = [1, 1]} : vector<128x128xf32> to vector<1x128xf32>
    %add3A_104 = arith.addf %add3A_97, %slice3A_103 : vector<1x128xf32>
    %slice3A_105 = vector.extract_strided_slice %concatenate3A_77 {offsets = [384, 0], sizes = [128, 128], strides = [1, 1]} : vector<2048x128xf32> to vector<128x128xf32>
    %dot_general3A_106 = arith.constant dense<0.000000e+00> : vector<128x128xf32>
    %dot_general3A_107 = tpu.matmul %convert_element_type3A_82, %slice3A_105, %dot_general3A_106 {dimension_numbers = #tpu.dot_dimension_numbers<[1], [0], [0], [1], [0, 0, 1, 1], [], []>, transpose_lhs_hint = false} : vector<128x128xf32>, vector<128x128xf32>, vector<128x128xf32> -> vector<128x128xf32>
    %add3A_108 = vector.broadcast %add3A_104 : vector<1x128xf32> to vector<128x128xf32>
    %add3A_109 = arith.addf %dot_general3A_107, %add3A_108 : vector<128x128xf32>
    %slice3A_110 = vector.extract_strided_slice %dot_general3A_107 {offsets = [127, 0], sizes = [1, 128], strides = [1, 1]} : vector<128x128xf32> to vector<1x128xf32>
    %add3A_111 = arith.addf %add3A_104, %slice3A_110 : vector<1x128xf32>
    %slice3A_112 = vector.extract_strided_slice %concatenate3A_77 {offsets = [512, 0], sizes = [128, 128], strides = [1, 1]} : vector<2048x128xf32> to vector<128x128xf32>
    %dot_general3A_113 = arith.constant dense<0.000000e+00> : vector<128x128xf32>
    %dot_general3A_114 = tpu.matmul %convert_element_type3A_82, %slice3A_112, %dot_general3A_113 {dimension_numbers = #tpu.dot_dimension_numbers<[1], [0], [0], [1], [0, 0, 1, 1], [], []>, transpose_lhs_hint = false} : vector<128x128xf32>, vector<128x128xf32>, vector<128x128xf32> -> vector<128x128xf32>
    %add3A_115 = vector.broadcast %add3A_111 : vector<1x128xf32> to vector<128x128xf32>
    %add3A_116 = arith.addf %dot_general3A_114, %add3A_115 : vector<128x128xf32>
    %slice3A_117 = vector.extract_strided_slice %dot_general3A_114 {offsets = [127, 0], sizes = [1, 128], strides = [1, 1]} : vector<128x128xf32> to vector<1x128xf32>
    %add3A_118 = arith.addf %add3A_111, %slice3A_117 : vector<1x128xf32>
    %slice3A_119 = vector.extract_strided_slice %concatenate3A_77 {offsets = [640, 0], sizes = [128, 128], strides = [1, 1]} : vector<2048x128xf32> to vector<128x128xf32>
    %dot_general3A_120 = arith.constant dense<0.000000e+00> : vector<128x128xf32>
    %dot_general3A_121 = tpu.matmul %convert_element_type3A_82, %slice3A_119, %dot_general3A_120 {dimension_numbers = #tpu.dot_dimension_numbers<[1], [0], [0], [1], [0, 0, 1, 1], [], []>, transpose_lhs_hint = false} : vector<128x128xf32>, vector<128x128xf32>, vector<128x128xf32> -> vector<128x128xf32>
    %add3A_122 = vector.broadcast %add3A_118 : vector<1x128xf32> to vector<128x128xf32>
    %add3A_123 = arith.addf %dot_general3A_121, %add3A_122 : vector<128x128xf32>
    %slice3A_124 = vector.extract_strided_slice %dot_general3A_121 {offsets = [127, 0], sizes = [1, 128], strides = [1, 1]} : vector<128x128xf32> to vector<1x128xf32>
    %add3A_125 = arith.addf %add3A_118, %slice3A_124 : vector<1x128xf32>
    %slice3A_126 = vector.extract_strided_slice %concatenate3A_77 {offsets = [768, 0], sizes = [128, 128], strides = [1, 1]} : vector<2048x128xf32> to vector<128x128xf32>
    %dot_general3A_127 = arith.constant dense<0.000000e+00> : vector<128x128xf32>
    %dot_general3A_128 = tpu.matmul %convert_element_type3A_82, %slice3A_126, %dot_general3A_127 {dimension_numbers = #tpu.dot_dimension_numbers<[1], [0], [0], [1], [0, 0, 1, 1], [], []>, transpose_lhs_hint = false} : vector<128x128xf32>, vector<128x128xf32>, vector<128x128xf32> -> vector<128x128xf32>
    %add3A_129 = vector.broadcast %add3A_125 : vector<1x128xf32> to vector<128x128xf32>
    %add3A_130 = arith.addf %dot_general3A_128, %add3A_129 : vector<128x128xf32>
    %slice3A_131 = vector.extract_strided_slice %dot_general3A_128 {offsets = [127, 0], sizes = [1, 128], strides = [1, 1]} : vector<128x128xf32> to vector<1x128xf32>
    %add3A_132 = arith.addf %add3A_125, %slice3A_131 : vector<1x128xf32>
    %slice3A_133 = vector.extract_strided_slice %concatenate3A_77 {offsets = [896, 0], sizes = [128, 128], strides = [1, 1]} : vector<2048x128xf32> to vector<128x128xf32>
    %dot_general3A_134 = arith.constant dense<0.000000e+00> : vector<128x128xf32>
    %dot_general3A_135 = tpu.matmul %convert_element_type3A_82, %slice3A_133, %dot_general3A_134 {dimension_numbers = #tpu.dot_dimension_numbers<[1], [0], [0], [1], [0, 0, 1, 1], [], []>, transpose_lhs_hint = false} : vector<128x128xf32>, vector<128x128xf32>, vector<128x128xf32> -> vector<128x128xf32>
    %add3A_136 = vector.broadcast %add3A_132 : vector<1x128xf32> to vector<128x128xf32>
    %add3A_137 = arith.addf %dot_general3A_135, %add3A_136 : vector<128x128xf32>
    %slice3A_138 = vector.extract_strided_slice %dot_general3A_135 {offsets = [127, 0], sizes = [1, 128], strides = [1, 1]} : vector<128x128xf32> to vector<1x128xf32>
    %add3A_139 = arith.addf %add3A_132, %slice3A_138 : vector<1x128xf32>
    %slice3A_140 = vector.extract_strided_slice %concatenate3A_77 {offsets = [1024, 0], sizes = [128, 128], strides = [1, 1]} : vector<2048x128xf32> to vector<128x128xf32>
    %dot_general3A_141 = arith.constant dense<0.000000e+00> : vector<128x128xf32>
    %dot_general3A_142 = tpu.matmul %convert_element_type3A_82, %slice3A_140, %dot_general3A_141 {dimension_numbers = #tpu.dot_dimension_numbers<[1], [0], [0], [1], [0, 0, 1, 1], [], []>, transpose_lhs_hint = false} : vector<128x128xf32>, vector<128x128xf32>, vector<128x128xf32> -> vector<128x128xf32>
    %add3A_143 = vector.broadcast %add3A_139 : vector<1x128xf32> to vector<128x128xf32>
    %add3A_144 = arith.addf %dot_general3A_142, %add3A_143 : vector<128x128xf32>
    %slice3A_145 = vector.extract_strided_slice %dot_general3A_142 {offsets = [127, 0], sizes = [1, 128], strides = [1, 1]} : vector<128x128xf32> to vector<1x128xf32>
    %add3A_146 = arith.addf %add3A_139, %slice3A_145 : vector<1x128xf32>
    %slice3A_147 = vector.extract_strided_slice %concatenate3A_77 {offsets = [1152, 0], sizes = [128, 128], strides = [1, 1]} : vector<2048x128xf32> to vector<128x128xf32>
    %dot_general3A_148 = arith.constant dense<0.000000e+00> : vector<128x128xf32>
    %dot_general3A_149 = tpu.matmul %convert_element_type3A_82, %slice3A_147, %dot_general3A_148 {dimension_numbers = #tpu.dot_dimension_numbers<[1], [0], [0], [1], [0, 0, 1, 1], [], []>, transpose_lhs_hint = false} : vector<128x128xf32>, vector<128x128xf32>, vector<128x128xf32> -> vector<128x128xf32>
    %add3A_150 = vector.broadcast %add3A_146 : vector<1x128xf32> to vector<128x128xf32>
    %add3A_151 = arith.addf %dot_general3A_149, %add3A_150 : vector<128x128xf32>
    %slice3A_152 = vector.extract_strided_slice %dot_general3A_149 {offsets = [127, 0], sizes = [1, 128], strides = [1, 1]} : vector<128x128xf32> to vector<1x128xf32>
    %add3A_153 = arith.addf %add3A_146, %slice3A_152 : vector<1x128xf32>
    %slice3A_154 = vector.extract_strided_slice %concatenate3A_77 {offsets = [1280, 0], sizes = [128, 128], strides = [1, 1]} : vector<2048x128xf32> to vector<128x128xf32>
    %dot_general3A_155 = arith.constant dense<0.000000e+00> : vector<128x128xf32>
    %dot_general3A_156 = tpu.matmul %convert_element_type3A_82, %slice3A_154, %dot_general3A_155 {dimension_numbers = #tpu.dot_dimension_numbers<[1], [0], [0], [1], [0, 0, 1, 1], [], []>, transpose_lhs_hint = false} : vector<128x128xf32>, vector<128x128xf32>, vector<128x128xf32> -> vector<128x128xf32>
    %add3A_157 = vector.broadcast %add3A_153 : vector<1x128xf32> to vector<128x128xf32>
    %add3A_158 = arith.addf %dot_general3A_156, %add3A_157 : vector<128x128xf32>
    %slice3A_159 = vector.extract_strided_slice %dot_general3A_156 {offsets = [127, 0], sizes = [1, 128], strides = [1, 1]} : vector<128x128xf32> to vector<1x128xf32>
    %add3A_160 = arith.addf %add3A_153, %slice3A_159 : vector<1x128xf32>
    %slice3A_161 = vector.extract_strided_slice %concatenate3A_77 {offsets = [1408, 0], sizes = [128, 128], strides = [1, 1]} : vector<2048x128xf32> to vector<128x128xf32>
    %dot_general3A_162 = arith.constant dense<0.000000e+00> : vector<128x128xf32>
    %dot_general3A_163 = tpu.matmul %convert_element_type3A_82, %slice3A_161, %dot_general3A_162 {dimension_numbers = #tpu.dot_dimension_numbers<[1], [0], [0], [1], [0, 0, 1, 1], [], []>, transpose_lhs_hint = false} : vector<128x128xf32>, vector<128x128xf32>, vector<128x128xf32> -> vector<128x128xf32>
    %add3A_164 = vector.broadcast %add3A_160 : vector<1x128xf32> to vector<128x128xf32>
    %add3A_165 = arith.addf %dot_general3A_163, %add3A_164 : vector<128x128xf32>
    %slice3A_166 = vector.extract_strided_slice %dot_general3A_163 {offsets = [127, 0], sizes = [1, 128], strides = [1, 1]} : vector<128x128xf32> to vector<1x128xf32>
    %add3A_167 = arith.addf %add3A_160, %slice3A_166 : vector<1x128xf32>
    %slice3A_168 = vector.extract_strided_slice %concatenate3A_77 {offsets = [1536, 0], sizes = [128, 128], strides = [1, 1]} : vector<2048x128xf32> to vector<128x128xf32>
    %dot_general3A_169 = arith.constant dense<0.000000e+00> : vector<128x128xf32>
    %dot_general3A_170 = tpu.matmul %convert_element_type3A_82, %slice3A_168, %dot_general3A_169 {dimension_numbers = #tpu.dot_dimension_numbers<[1], [0], [0], [1], [0, 0, 1, 1], [], []>, transpose_lhs_hint = false} : vector<128x128xf32>, vector<128x128xf32>, vector<128x128xf32> -> vector<128x128xf32>
    %add3A_171 = vector.broadcast %add3A_167 : vector<1x128xf32> to vector<128x128xf32>
    %add3A_172 = arith.addf %dot_general3A_170, %add3A_171 : vector<128x128xf32>
    %slice3A_173 = vector.extract_strided_slice %dot_general3A_170 {offsets = [127, 0], sizes = [1, 128], strides = [1, 1]} : vector<128x128xf32> to vector<1x128xf32>
    %add3A_174 = arith.addf %add3A_167, %slice3A_173 : vector<1x128xf32>
    %slice3A_175 = vector.extract_strided_slice %concatenate3A_77 {offsets = [1664, 0], sizes = [128, 128], strides = [1, 1]} : vector<2048x128xf32> to vector<128x128xf32>
    %dot_general3A_176 = arith.constant dense<0.000000e+00> : vector<128x128xf32>
    %dot_general3A_177 = tpu.matmul %convert_element_type3A_82, %slice3A_175, %dot_general3A_176 {dimension_numbers = #tpu.dot_dimension_numbers<[1], [0], [0], [1], [0, 0, 1, 1], [], []>, transpose_lhs_hint = false} : vector<128x128xf32>, vector<128x128xf32>, vector<128x128xf32> -> vector<128x128xf32>
    %add3A_178 = vector.broadcast %add3A_174 : vector<1x128xf32> to vector<128x128xf32>
    %add3A_179 = arith.addf %dot_general3A_177, %add3A_178 : vector<128x128xf32>
    %slice3A_180 = vector.extract_strided_slice %dot_general3A_177 {offsets = [127, 0], sizes = [1, 128], strides = [1, 1]} : vector<128x128xf32> to vector<1x128xf32>
    %add3A_181 = arith.addf %add3A_174, %slice3A_180 : vector<1x128xf32>
    %slice3A_182 = vector.extract_strided_slice %concatenate3A_77 {offsets = [1792, 0], sizes = [128, 128], strides = [1, 1]} : vector<2048x128xf32> to vector<128x128xf32>
    %dot_general3A_183 = arith.constant dense<0.000000e+00> : vector<128x128xf32>
    %dot_general3A_184 = tpu.matmul %convert_element_type3A_82, %slice3A_182, %dot_general3A_183 {dimension_numbers = #tpu.dot_dimension_numbers<[1], [0], [0], [1], [0, 0, 1, 1], [], []>, transpose_lhs_hint = false} : vector<128x128xf32>, vector<128x128xf32>, vector<128x128xf32> -> vector<128x128xf32>
    %add3A_185 = vector.broadcast %add3A_181 : vector<1x128xf32> to vector<128x128xf32>
    %add3A_186 = arith.addf %dot_general3A_184, %add3A_185 : vector<128x128xf32>
    %slice3A_187 = vector.extract_strided_slice %dot_general3A_184 {offsets = [127, 0], sizes = [1, 128], strides = [1, 1]} : vector<128x128xf32> to vector<1x128xf32>
    %add3A_188 = arith.addf %add3A_181, %slice3A_187 : vector<1x128xf32>
    %slice3A_189 = vector.extract_strided_slice %concatenate3A_77 {offsets = [1920, 0], sizes = [128, 128], strides = [1, 1]} : vector<2048x128xf32> to vector<128x128xf32>
    %dot_general3A_190 = arith.constant dense<0.000000e+00> : vector<128x128xf32>
    %dot_general3A_191 = tpu.matmul %convert_element_type3A_82, %slice3A_189, %dot_general3A_190 {dimension_numbers = #tpu.dot_dimension_numbers<[1], [0], [0], [1], [0, 0, 1, 1], [], []>, transpose_lhs_hint = false} : vector<128x128xf32>, vector<128x128xf32>, vector<128x128xf32> -> vector<128x128xf32>
    %add3A_192 = vector.broadcast %add3A_188 : vector<1x128xf32> to vector<128x128xf32>
    %add3A_193 = arith.addf %dot_general3A_191, %add3A_192 : vector<128x128xf32>
    %slice3A_194 = vector.extract_strided_slice %dot_general3A_191 {offsets = [127, 0], sizes = [1, 128], strides = [1, 1]} : vector<128x128xf32> to vector<1x128xf32>
    %add3A_195 = arith.addf %add3A_188, %slice3A_194 : vector<1x128xf32>
    %concatenate3A_196 = tpu.concatenate %add3A_88, %add3A_95, %add3A_102, %add3A_109, %add3A_116, %add3A_123, %add3A_130, %add3A_137, %add3A_144, %add3A_151, %add3A_158, %add3A_165, %add3A_172, %add3A_179, %add3A_186, %add3A_193 in 0 : vector<128x128xf32>, vector<128x128xf32>, vector<128x128xf32>, vector<128x128xf32>, vector<128x128xf32>, vector<128x128xf32>, vector<128x128xf32>, vector<128x128xf32>, vector<128x128xf32>, vector<128x128xf32>, vector<128x128xf32>, vector<128x128xf32>, vector<128x128xf32>, vector<128x128xf32>, vector<128x128xf32>, vector<128x128xf32> -> vector<2048x128xf32>
    %iota3A_197 = tpu.iota {dimensions = array<i32: 0>} : vector<128x128xi32>
    %iota3A_198 = tpu.iota {dimensions = array<i32: 1>} : vector<128x128xi32>
    %jit3A_199 = arith.constant 32 : i32
    %div3A = vector.broadcast %jit3A_199 : i32 to vector<128x128xi32>
    %div3A_200 = arith.divsi %iota3A_197, %div3A : vector<128x128xi32>
    %sign3A = arith.constant 0 : i32
    %sign3A_201 = vector.broadcast %sign3A : i32 to vector<128x128xi32>
    %sign3A_202 = arith.cmpi sgt, %iota3A_197, %sign3A_201 : vector<128x128xi32>
    %sign3A_203 = arith.extui %sign3A_202 : vector<128x128xi1> to vector<128x128xi32>
    %sign3A_204 = arith.constant 0 : i32
    %sign3A_205 = vector.broadcast %sign3A_204 : i32 to vector<128x128xi32>
    %sign3A_206 = arith.cmpi slt, %iota3A_197, %sign3A_205 : vector<128x128xi32>
    %sign3A_207 = arith.extui %sign3A_206 : vector<128x128xi1> to vector<128x128xi32>
    %sign3A_208 = arith.subi %sign3A_203, %sign3A_207 : vector<128x128xi32>
    %sign3A_209 = arith.constant 0 : i32
    %sign3A_210 = arith.cmpi sgt, %jit3A_199, %sign3A_209 : i32
    %sign3A_211 = arith.extui %sign3A_210 : i1 to i32
    %sign3A_212 = arith.constant 0 : i32
    %sign3A_213 = arith.cmpi slt, %jit3A_199, %sign3A_212 : i32
    %sign3A_214 = arith.extui %sign3A_213 : i1 to i32
    %sign3A_215 = arith.subi %sign3A_211, %sign3A_214 : i32
    %ne3A = vector.broadcast %sign3A_215 : i32 to vector<128x128xi32>
    %ne3A_216 = arith.cmpi ne, %sign3A_208, %ne3A : vector<128x128xi32>
    %rem3A = vector.broadcast %jit3A_199 : i32 to vector<128x128xi32>
    %rem3A_217 = arith.remsi %iota3A_197, %rem3A : vector<128x128xi32>
    %ne3A_218 = arith.constant 0 : i32
    %ne3A_219 = vector.broadcast %ne3A_218 : i32 to vector<128x128xi32>
    %ne3A_220 = arith.cmpi ne, %rem3A_217, %ne3A_219 : vector<128x128xi32>
    %and3A = arith.andi %ne3A_216, %ne3A_220 : vector<128x128xi1>
    %sub3A = arith.constant 1 : i32
    %sub3A_221 = vector.broadcast %sub3A : i32 to vector<128x128xi32>
    %sub3A_222 = arith.subi %div3A_200, %sub3A_221 : vector<128x128xi32>
    %select_n3A_223 = arith.select %and3A, %sub3A_222, %div3A_200 : vector<128x128xi1>, vector<128x128xi32>
    %jit3A_224 = arith.constant 32 : i32
    %div3A_225 = vector.broadcast %jit3A_224 : i32 to vector<128x128xi32>
    %div3A_226 = arith.divsi %iota3A_198, %div3A_225 : vector<128x128xi32>
    %sign3A_227 = arith.constant 0 : i32
    %sign3A_228 = vector.broadcast %sign3A_227 : i32 to vector<128x128xi32>
    %sign3A_229 = arith.cmpi sgt, %iota3A_198, %sign3A_228 : vector<128x128xi32>
    %sign3A_230 = arith.extui %sign3A_229 : vector<128x128xi1> to vector<128x128xi32>
    %sign3A_231 = arith.constant 0 : i32
    %sign3A_232 = vector.broadcast %sign3A_231 : i32 to vector<128x128xi32>
    %sign3A_233 = arith.cmpi slt, %iota3A_198, %sign3A_232 : vector<128x128xi32>
    %sign3A_234 = arith.extui %sign3A_233 : vector<128x128xi1> to vector<128x128xi32>
    %sign3A_235 = arith.subi %sign3A_230, %sign3A_234 : vector<128x128xi32>
    %sign3A_236 = arith.constant 0 : i32
    %sign3A_237 = arith.cmpi sgt, %jit3A_224, %sign3A_236 : i32
    %sign3A_238 = arith.extui %sign3A_237 : i1 to i32
    %sign3A_239 = arith.constant 0 : i32
    %sign3A_240 = arith.cmpi slt, %jit3A_224, %sign3A_239 : i32
    %sign3A_241 = arith.extui %sign3A_240 : i1 to i32
    %sign3A_242 = arith.subi %sign3A_238, %sign3A_241 : i32
    %ne3A_243 = vector.broadcast %sign3A_242 : i32 to vector<128x128xi32>
    %ne3A_244 = arith.cmpi ne, %sign3A_235, %ne3A_243 : vector<128x128xi32>
    %rem3A_245 = vector.broadcast %jit3A_224 : i32 to vector<128x128xi32>
    %rem3A_246 = arith.remsi %iota3A_198, %rem3A_245 : vector<128x128xi32>
    %ne3A_247 = arith.constant 0 : i32
    %ne3A_248 = vector.broadcast %ne3A_247 : i32 to vector<128x128xi32>
    %ne3A_249 = arith.cmpi ne, %rem3A_246, %ne3A_248 : vector<128x128xi32>
    %and3A_250 = arith.andi %ne3A_244, %ne3A_249 : vector<128x128xi1>
    %sub3A_251 = arith.constant 1 : i32
    %sub3A_252 = vector.broadcast %sub3A_251 : i32 to vector<128x128xi32>
    %sub3A_253 = arith.subi %div3A_226, %sub3A_252 : vector<128x128xi32>
    %select_n3A_254 = arith.select %and3A_250, %sub3A_253, %div3A_226 : vector<128x128xi1>, vector<128x128xi32>
    %eq3A_255 = arith.cmpi eq, %select_n3A_223, %select_n3A_254 : vector<128x128xi32>
    %lt3A = arith.cmpi slt, %iota3A_197, %iota3A_198 : vector<128x128xi32>
    %and3A_256 = arith.andi %eq3A_255, %lt3A : vector<128x128xi1>
    %convert_element_type3A_257 = arith.extui %and3A_256 : vector<128x128xi1> to vector<128x128xi32>
    %convert_element_type3A_258 = arith.sitofp %convert_element_type3A_257 : vector<128x128xi32> to vector<128x128xf32>
    %dot_general3A_259 = arith.constant dense<0.000000e+00> : vector<1x128xf32>
    %dot_general3A_260 = tpu.matmul %add3A_195, %convert_element_type3A_258, %dot_general3A_259 {dimension_numbers = #tpu.dot_dimension_numbers<[1], [0], [0], [1], [0, 0, 1, 1], [], []>, precision = #tpu.contract_precision<fp32>, transpose_lhs_hint = false} : vector<1x128xf32>, vector<128x128xf32>, vector<1x128xf32> -> vector<1x128xf32>
    %add3A_261 = vector.broadcast %dot_general3A_260 : vector<1x128xf32> to vector<2048x128xf32>
    %add3A_262 = arith.addf %concatenate3A_196, %add3A_261 : vector<2048x128xf32>
    %mul3A = arith.mulf %concatenate3A_77, %add3A_262 : vector<2048x128xf32>
    %slice3A_263 = vector.extract_strided_slice %mul3A {offsets = [0, 0], sizes = [2048, 32], strides = [1, 1]} : vector<2048x128xf32> to vector<2048x32xf32>
    %reduce_sum3A = arith.constant dense<0.000000e+00> : vector<2048xf32>
    %reduce_sum3A_264 = vector.multi_reduction <add>, %slice3A_263, %reduce_sum3A [1] : vector<2048x32xf32> to vector<2048xf32>
    %broadcast_in_dim3A_265 = vector.shape_cast %reduce_sum3A_264 : vector<2048xf32> to vector<2048x1xf32>
    %slice3A_266 = vector.extract_strided_slice %mul3A {offsets = [0, 32], sizes = [2048, 32], strides = [1, 1]} : vector<2048x128xf32> to vector<2048x32xf32>
    %reduce_sum3A_267 = arith.constant dense<0.000000e+00> : vector<2048xf32>
    %reduce_sum3A_268 = vector.multi_reduction <add>, %slice3A_266, %reduce_sum3A_267 [1] : vector<2048x32xf32> to vector<2048xf32>
    %broadcast_in_dim3A_269 = vector.shape_cast %reduce_sum3A_268 : vector<2048xf32> to vector<2048x1xf32>
    %slice3A_270 = vector.extract_strided_slice %mul3A {offsets = [0, 64], sizes = [2048, 32], strides = [1, 1]} : vector<2048x128xf32> to vector<2048x32xf32>
    %reduce_sum3A_271 = arith.constant dense<0.000000e+00> : vector<2048xf32>
    %reduce_sum3A_272 = vector.multi_reduction <add>, %slice3A_270, %reduce_sum3A_271 [1] : vector<2048x32xf32> to vector<2048xf32>
    %broadcast_in_dim3A_273 = vector.shape_cast %reduce_sum3A_272 : vector<2048xf32> to vector<2048x1xf32>
    %slice3A_274 = vector.extract_strided_slice %mul3A {offsets = [0, 96], sizes = [2048, 32], strides = [1, 1]} : vector<2048x128xf32> to vector<2048x32xf32>
    %reduce_sum3A_275 = arith.constant dense<0.000000e+00> : vector<2048xf32>
    %reduce_sum3A_276 = vector.multi_reduction <add>, %slice3A_274, %reduce_sum3A_275 [1] : vector<2048x32xf32> to vector<2048xf32>
    %broadcast_in_dim3A_277 = vector.shape_cast %reduce_sum3A_276 : vector<2048xf32> to vector<2048x1xf32>
    %concatenate3A_278 = tpu.concatenate %broadcast_in_dim3A_265, %broadcast_in_dim3A_269, %broadcast_in_dim3A_273, %broadcast_in_dim3A_277 in 1 : vector<2048x1xf32>, vector<2048x1xf32>, vector<2048x1xf32>, vector<2048x1xf32> -> vector<2048x4xf32>
    %sub3A_279 = arith.constant 1.000000e+00 : f32
    %sub3A_280 = vector.broadcast %sub3A_279 : f32 to vector<2048x4xf32>
    %sub3A_281 = arith.subf %concatenate3A_278, %sub3A_280 : vector<2048x4xf32>
    %iota3A_282 = tpu.iota {dimensions = array<i32: 1>} : vector<2048x4xi32>
    %mul3A_283 = arith.constant 24576 : i32
    %mul3A_284 = vector.broadcast %mul3A_283 : i32 to vector<2048x4xi32>
    %mul3A_285 = arith.muli %iota3A_282, %mul3A_284 : vector<2048x4xi32>
    %mul3A_286 = arith.constant 2048 : i32
    %mul3A_287 = arith.muli %arg0, %mul3A_286 : i32
    %add3A_288 = vector.broadcast %mul3A_287 : i32 to vector<2048x4xi32>
    %add3A_289 = arith.addi %mul3A_285, %add3A_288 : vector<2048x4xi32>
    %convert_element_type3A_290 = arith.fptosi %sub3A_281 : vector<2048x4xf32> to vector<2048x4xi32>
    %add3A_291 = arith.addi %convert_element_type3A_290, %add3A_289 : vector<2048x4xi32>
    %swap3A = arith.constant 0 : index
    %swap3A_292 = arith.constant 0 : index
    %swap3A_293 = arith.constant 0 : index
    %swap3A_294 = vector.load %arg3[%swap3A, %swap3A_292, %swap3A_293] : memref<1x2048x4xi32, #tpu.memory_space<vmem>>, vector<1x2048x4xi32>
    %swap3A_295 = vector.shape_cast %swap3A_294 : vector<1x2048x4xi32> to vector<2048x4xi32>
    %swap3A_296 = vector.shape_cast %add3A_291 : vector<2048x4xi32> to vector<1x2048x4xi32>
    tpu.vector_store %arg3[%swap3A, %swap3A_292, %swap3A_293], %swap3A_296 {strides = array<i32>} : memref<1x2048x4xi32, #tpu.memory_space<vmem>>, vector<1x2048x4xi32>,
    return
  }
  func.func @transform_0(%arg0: i32) -> (i32, i32, i32) {
    %c0_i32 = arith.constant 0 : i32
    %c0_i32_0 = arith.constant 0 : i32
    %c0_i32_1 = arith.constant 0 : i32
    return %arg0, %c0_i32, %c0_i32_0 : i32, i32, i32
  }
  func.func @transform_1(%arg0: i32) -> (i32, i32) {
    %c0_i32 = arith.constant 0 : i32
    %c0_i32_0 = arith.constant 0 : i32
    %c0_i32_1 = arith.constant 0 : i32
    return %c0_i32, %c0_i32_0 : i32, i32
  }
  func.func @transform_2(%arg0: i32) -> (i32, i32, i32) {
    %c0_i32 = arith.constant 0 : i32
    %c0_i32_0 = arith.constant 0 : i32
    %c0_i32_1 = arith.constant 0 : i32
    return %arg0, %c0_i32, %c0_i32_0 : i32, i32, i32
  }
}

module attributes {stable_mosaic.version = 14 : i64} {
  func.func @_stage_a_body(%arg0: i32, %arg1: memref<1x2048x64xf32, #tpu.memory_space<vmem>>, %arg2: memref<64x128xf32, #tpu.memory_space<vmem>>, %arg3: memref<1x2048x4xi32, #tpu.memory_space<vmem>>) attributes {dimension_semantics = [#tpu.dimension_semantics<arbitrary>], iteration_bounds = array<i64: 12>, scalar_prefetch = 0 : i64, scratch_operands = 0 : i64, tpu.core_type = #tpu.core_type<tc>, window_params = [{transform_indices = @transform_0, window_bounds = array<i64: 1, 2048, 64>}, {pipeline_mode = #tpu.pipeline_mode<synchronous>, transform_indices = @transform_1, window_bounds = array<i64: 64, 128>}, {transform_indices = @transform_2, window_bounds = array<i64: 1, 2048, 4>}]} {
    %get3A = arith.constant 0 : index
    %get3A_0 = arith.constant 0 : index
    %get3A_1 = arith.constant 0 : index
    %get3A_2 = vector.load %arg1[%get3A, %get3A_0, %get3A_1] : memref<1x2048x64xf32, #tpu.memory_space<vmem>>, vector<1x2048x64xf32>
    %get3A_3 = vector.shape_cast %get3A_2 : vector<1x2048x64xf32> to vector<2048x64xf32>
    %get3A_4 = arith.constant 0 : index
    %get3A_5 = arith.constant 0 : index
    %get3A_6 = vector.load %arg2[%get3A_4, %get3A_5] : memref<64x128xf32, #tpu.memory_space<vmem>>, vector<64x128xf32>
    %dot_general3A = arith.constant dense<0.000000e+00> : vector<2048x128xf32>
    %dot_general3A_7 = tpu.matmul %get3A_3, %get3A_6, %dot_general3A {dimension_numbers = #tpu.dot_dimension_numbers<[1], [0], [0], [1], [0, 0, 1, 1], [], []>, transpose_lhs_hint = false} : vector<2048x64xf32>, vector<64x128xf32>, vector<2048x128xf32> -> vector<2048x128xf32>
    %iota3A = tpu.iota {dimensions = array<i32: 1>} : vector<2048x32xi32>
    %slice3A = vector.extract_strided_slice %dot_general3A_7 {offsets = [0, 0], sizes = [2048, 16], strides = [1, 1]} : vector<2048x128xf32> to vector<2048x16xf32>
    %neg3A = arith.constant 0.000000e+00 : f32
    %neg3A_8 = vector.broadcast %neg3A : f32 to vector<2048x16xf32>
    %neg3A_9 = arith.subf %neg3A_8, %slice3A : vector<2048x16xf32>
    %concatenate3A = tpu.concatenate %slice3A, %neg3A_9 in 1 : vector<2048x16xf32>, vector<2048x16xf32> -> vector<2048x32xf32>
    %reduce_max3A = arith.constant dense<0xFF800000> : vector<2048xf32>
    %reduce_max3A_10 = vector.multi_reduction <maximumf>, %concatenate3A, %reduce_max3A [1] : vector<2048x32xf32> to vector<2048xf32>
    %broadcast_in_dim3A = vector.shape_cast %reduce_max3A_10 : vector<2048xf32> to vector<2048x1xf32>
    %ge3A = vector.broadcast %broadcast_in_dim3A : vector<2048x1xf32> to vector<2048x32xf32>
    %ge3A_11 = arith.cmpf oge, %concatenate3A, %ge3A : vector<2048x32xf32>
    %jit3A = arith.constant 32 : i32
    %broadcast_in_dim3A_12 = vector.broadcast %jit3A : i32 to vector<2048x32xi32>
    %select_n3A = arith.select %ge3A_11, %iota3A, %broadcast_in_dim3A_12 : vector<2048x32xi1>, vector<2048x32xi32>
    %reduce_min3A = arith.constant dense<2147483647> : vector<2048xi32>
    %reduce_min3A_13 = vector.multi_reduction <minsi>, %select_n3A, %reduce_min3A [1] : vector<2048x32xi32> to vector<2048xi32>
    %broadcast_in_dim3A_14 = vector.shape_cast %reduce_min3A_13 : vector<2048xi32> to vector<2048x1xi32>
    %eq3A = vector.broadcast %broadcast_in_dim3A_14 : vector<2048x1xi32> to vector<2048x32xi32>
    %eq3A_15 = arith.cmpi eq, %iota3A, %eq3A : vector<2048x32xi32>
    %convert_element_type3A = arith.extui %eq3A_15 : vector<2048x32xi1> to vector<2048x32xi32>
    %convert_element_type3A_16 = arith.sitofp %convert_element_type3A : vector<2048x32xi32> to vector<2048x32xf32>
    %slice3A_17 = vector.extract_strided_slice %dot_general3A_7 {offsets = [0, 16], sizes = [2048, 16], strides = [1, 1]} : vector<2048x128xf32> to vector<2048x16xf32>
    %neg3A_18 = arith.constant 0.000000e+00 : f32
    %neg3A_19 = vector.broadcast %neg3A_18 : f32 to vector<2048x16xf32>
    %neg3A_20 = arith.subf %neg3A_19, %slice3A_17 : vector<2048x16xf32>
    %concatenate3A_21 = tpu.concatenate %slice3A_17, %neg3A_20 in 1 : vector<2048x16xf32>, vector<2048x16xf32> -> vector<2048x32xf32>
    %reduce_max3A_22 = arith.constant dense<0xFF800000> : vector<2048xf32>
    %reduce_max3A_23 = vector.multi_reduction <maximumf>, %concatenate3A_21, %reduce_max3A_22 [1] : vector<2048x32xf32> to vector<2048xf32>
    %broadcast_in_dim3A_24 = vector.shape_cast %reduce_max3A_23 : vector<2048xf32> to vector<2048x1xf32>
    %ge3A_25 = vector.broadcast %broadcast_in_dim3A_24 : vector<2048x1xf32> to vector<2048x32xf32>
    %ge3A_26 = arith.cmpf oge, %concatenate3A_21, %ge3A_25 : vector<2048x32xf32>
    %jit3A_27 = arith.constant 32 : i32
    %broadcast_in_dim3A_28 = vector.broadcast %jit3A_27 : i32 to vector<2048x32xi32>
    %select_n3A_29 = arith.select %ge3A_26, %iota3A, %broadcast_in_dim3A_28 : vector<2048x32xi1>, vector<2048x32xi32>
    %reduce_min3A_30 = arith.constant dense<2147483647> : vector<2048xi32>
    %reduce_min3A_31 = vector.multi_reduction <minsi>, %select_n3A_29, %reduce_min3A_30 [1] : vector<2048x32xi32> to vector<2048xi32>
    %broadcast_in_dim3A_32 = vector.shape_cast %reduce_min3A_31 : vector<2048xi32> to vector<2048x1xi32>
    %eq3A_33 = vector.broadcast %broadcast_in_dim3A_32 : vector<2048x1xi32> to vector<2048x32xi32>
    %eq3A_34 = arith.cmpi eq, %iota3A, %eq3A_33 : vector<2048x32xi32>
    %convert_element_type3A_35 = arith.extui %eq3A_34 : vector<2048x32xi1> to vector<2048x32xi32>
    %convert_element_type3A_36 = arith.sitofp %convert_element_type3A_35 : vector<2048x32xi32> to vector<2048x32xf32>
    %slice3A_37 = vector.extract_strided_slice %dot_general3A_7 {offsets = [0, 32], sizes = [2048, 16], strides = [1, 1]} : vector<2048x128xf32> to vector<2048x16xf32>
    %neg3A_38 = arith.constant 0.000000e+00 : f32
    %neg3A_39 = vector.broadcast %neg3A_38 : f32 to vector<2048x16xf32>
    %neg3A_40 = arith.subf %neg3A_39, %slice3A_37 : vector<2048x16xf32>
    %concatenate3A_41 = tpu.concatenate %slice3A_37, %neg3A_40 in 1 : vector<2048x16xf32>, vector<2048x16xf32> -> vector<2048x32xf32>
    %reduce_max3A_42 = arith.constant dense<0xFF800000> : vector<2048xf32>
    %reduce_max3A_43 = vector.multi_reduction <maximumf>, %concatenate3A_41, %reduce_max3A_42 [1] : vector<2048x32xf32> to vector<2048xf32>
    %broadcast_in_dim3A_44 = vector.shape_cast %reduce_max3A_43 : vector<2048xf32> to vector<2048x1xf32>
    %ge3A_45 = vector.broadcast %broadcast_in_dim3A_44 : vector<2048x1xf32> to vector<2048x32xf32>
    %ge3A_46 = arith.cmpf oge, %concatenate3A_41, %ge3A_45 : vector<2048x32xf32>
    %jit3A_47 = arith.constant 32 : i32
    %broadcast_in_dim3A_48 = vector.broadcast %jit3A_47 : i32 to vector<2048x32xi32>
    %select_n3A_49 = arith.select %ge3A_46, %iota3A, %broadcast_in_dim3A_48 : vector<2048x32xi1>, vector<2048x32xi32>
    %reduce_min3A_50 = arith.constant dense<2147483647> : vector<2048xi32>
    %reduce_min3A_51 = vector.multi_reduction <minsi>, %select_n3A_49, %reduce_min3A_50 [1] : vector<2048x32xi32> to vector<2048xi32>
    %broadcast_in_dim3A_52 = vector.shape_cast %reduce_min3A_51 : vector<2048xi32> to vector<2048x1xi32>
    %eq3A_53 = vector.broadcast %broadcast_in_dim3A_52 : vector<2048x1xi32> to vector<2048x32xi32>
    %eq3A_54 = arith.cmpi eq, %iota3A, %eq3A_53 : vector<2048x32xi32>
    %convert_element_type3A_55 = arith.extui %eq3A_54 : vector<2048x32xi1> to vector<2048x32xi32>
    %convert_element_type3A_56 = arith.sitofp %convert_element_type3A_55 : vector<2048x32xi32> to vector<2048x32xf32>
    %slice3A_57 = vector.extract_strided_slice %dot_general3A_7 {offsets = [0, 48], sizes = [2048, 16], strides = [1, 1]} : vector<2048x128xf32> to vector<2048x16xf32>
    %neg3A_58 = arith.constant 0.000000e+00 : f32
    %neg3A_59 = vector.broadcast %neg3A_58 : f32 to vector<2048x16xf32>
    %neg3A_60 = arith.subf %neg3A_59, %slice3A_57 : vector<2048x16xf32>
    %concatenate3A_61 = tpu.concatenate %slice3A_57, %neg3A_60 in 1 : vector<2048x16xf32>, vector<2048x16xf32> -> vector<2048x32xf32>
    %reduce_max3A_62 = arith.constant dense<0xFF800000> : vector<2048xf32>
    %reduce_max3A_63 = vector.multi_reduction <maximumf>, %concatenate3A_61, %reduce_max3A_62 [1] : vector<2048x32xf32> to vector<2048xf32>
    %broadcast_in_dim3A_64 = vector.shape_cast %reduce_max3A_63 : vector<2048xf32> to vector<2048x1xf32>
    %ge3A_65 = vector.broadcast %broadcast_in_dim3A_64 : vector<2048x1xf32> to vector<2048x32xf32>
    %ge3A_66 = arith.cmpf oge, %concatenate3A_61, %ge3A_65 : vector<2048x32xf32>
    %jit3A_67 = arith.constant 32 : i32
    %broadcast_in_dim3A_68 = vector.broadcast %jit3A_67 : i32 to vector<2048x32xi32>
    %select_n3A_69 = arith.select %ge3A_66, %iota3A, %broadcast_in_dim3A_68 : vector<2048x32xi1>, vector<2048x32xi32>
    %reduce_min3A_70 = arith.constant dense<2147483647> : vector<2048xi32>
    %reduce_min3A_71 = vector.multi_reduction <minsi>, %select_n3A_69, %reduce_min3A_70 [1] : vector<2048x32xi32> to vector<2048xi32>
    %broadcast_in_dim3A_72 = vector.shape_cast %reduce_min3A_71 : vector<2048xi32> to vector<2048x1xi32>
    %eq3A_73 = vector.broadcast %broadcast_in_dim3A_72 : vector<2048x1xi32> to vector<2048x32xi32>
    %eq3A_74 = arith.cmpi eq, %iota3A, %eq3A_73 : vector<2048x32xi32>
    %convert_element_type3A_75 = arith.extui %eq3A_74 : vector<2048x32xi1> to vector<2048x32xi32>
    %convert_element_type3A_76 = arith.sitofp %convert_element_type3A_75 : vector<2048x32xi32> to vector<2048x32xf32>
    %concatenate3A_77 = tpu.concatenate %convert_element_type3A_16, %convert_element_type3A_36, %convert_element_type3A_56, %convert_element_type3A_76 in 1 : vector<2048x32xf32>, vector<2048x32xf32>, vector<2048x32xf32>, vector<2048x32xf32> -> vector<2048x128xf32>
    %iota3A_78 = tpu.iota {dimensions = array<i32: 0>} : vector<128x128xi32>
    %iota3A_79 = tpu.iota {dimensions = array<i32: 1>} : vector<128x128xi32>
    %ge3A_80 = arith.cmpi sge, %iota3A_78, %iota3A_79 : vector<128x128xi32>
    %convert_element_type3A_81 = arith.extui %ge3A_80 : vector<128x128xi1> to vector<128x128xi32>
    %convert_element_type3A_82 = arith.sitofp %convert_element_type3A_81 : vector<128x128xi32> to vector<128x128xf32>
    %broadcast_in_dim3A_83 = arith.constant 0.000000e+00 : f32
    %broadcast_in_dim3A_84 = vector.broadcast %broadcast_in_dim3A_83 : f32 to vector<1x128xf32>
    %slice3A_85 = vector.extract_strided_slice %concatenate3A_77 {offsets = [0, 0], sizes = [128, 128], strides = [1, 1]} : vector<2048x128xf32> to vector<128x128xf32>
    %dot_general3A_86 = arith.constant dense<0.000000e+00> : vector<128x128xf32>
    %dot_general3A_87 = tpu.matmul %convert_element_type3A_82, %slice3A_85, %dot_general3A_86 {dimension_numbers = #tpu.dot_dimension_numbers<[1], [0], [0], [1], [0, 0, 1, 1], [], []>, transpose_lhs_hint = false} : vector<128x128xf32>, vector<128x128xf32>, vector<128x128xf32> -> vector<128x128xf32>
    %add3A = vector.broadcast %broadcast_in_dim3A_84 : vector<1x128xf32> to vector<128x128xf32>
    %add3A_88 = arith.addf %dot_general3A_87, %add3A : vector<128x128xf32>
    %slice3A_89 = vector.extract_strided_slice %dot_general3A_87 {offsets = [127, 0], sizes = [1, 128], strides = [1, 1]} : vector<128x128xf32> to vector<1x128xf32>
    %add3A_90 = arith.addf %broadcast_in_dim3A_84, %slice3A_89 : vector<1x128xf32>
    %slice3A_91 = vector.extract_strided_slice %concatenate3A_77 {offsets = [128, 0], sizes = [128, 128], strides = [1, 1]} : vector<2048x128xf32> to vector<128x128xf32>
    %dot_general3A_92 = arith.constant dense<0.000000e+00> : vector<128x128xf32>
    %dot_general3A_93 = tpu.matmul %convert_element_type3A_82, %slice3A_91, %dot_general3A_92 {dimension_numbers = #tpu.dot_dimension_numbers<[1], [0], [0], [1], [0, 0, 1, 1], [], []>, transpose_lhs_hint = false} : vector<128x128xf32>, vector<128x128xf32>, vector<128x128xf32> -> vector<128x128xf32>
    %add3A_94 = vector.broadcast %add3A_90 : vector<1x128xf32> to vector<128x128xf32>
    %add3A_95 = arith.addf %dot_general3A_93, %add3A_94 : vector<128x128xf32>
    %slice3A_96 = vector.extract_strided_slice %dot_general3A_93 {offsets = [127, 0], sizes = [1, 128], strides = [1, 1]} : vector<128x128xf32> to vector<1x128xf32>
    %add3A_97 = arith.addf %add3A_90, %slice3A_96 : vector<1x128xf32>
    %slice3A_98 = vector.extract_strided_slice %concatenate3A_77 {offsets = [256, 0], sizes = [128, 128], strides = [1, 1]} : vector<2048x128xf32> to vector<128x128xf32>
    %dot_general3A_99 = arith.constant dense<0.000000e+00> : vector<128x128xf32>
    %dot_general3A_100 = tpu.matmul %convert_element_type3A_82, %slice3A_98, %dot_general3A_99 {dimension_numbers = #tpu.dot_dimension_numbers<[1], [0], [0], [1], [0, 0, 1, 1], [], []>, transpose_lhs_hint = false} : vector<128x128xf32>, vector<128x128xf32>, vector<128x128xf32> -> vector<128x128xf32>
    %add3A_101 = vector.broadcast %add3A_97 : vector<1x128xf32> to vector<128x128xf32>
    %add3A_102 = arith.addf %dot_general3A_100, %add3A_101 : vector<128x128xf32>
    %slice3A_103 = vector.extract_strided_slice %dot_general3A_100 {offsets = [127, 0], sizes = [1, 128], strides = [1, 1]} : vector<128x128xf32> to vector<1x128xf32>
    %add3A_104 = arith.addf %add3A_97, %slice3A_103 : vector<1x128xf32>
    %slice3A_105 = vector.extract_strided_slice %concatenate3A_77 {offsets = [384, 0], sizes = [128, 128], strides = [1, 1]} : vector<2048x128xf32> to vector<128x128xf32>
    %dot_general3A_106 = arith.constant dense<0.000000e+00> : vector<128x128xf32>
    %dot_general3A_107 = tpu.matmul %convert_element_type3A_82, %slice3A_105, %dot_general3A_106 {dimension_numbers = #tpu.dot_dimension_numbers<[1], [0], [0], [1], [0, 0, 1, 1], [], []>, transpose_lhs_hint = false} : vector<128x128xf32>, vector<128x128xf32>, vector<128x128xf32> -> vector<128x128xf32>
    %add3A_108 = vector.broadcast %add3A_104 : vector<1x128xf32> to vector<128x128xf32>
    %add3A_109 = arith.addf %dot_general3A_107, %add3A_108 : vector<128x128xf32>
    %slice3A_110 = vector.extract_strided_slice %dot_general3A_107 {offsets = [127, 0], sizes = [1, 128], strides = [1, 1]} : vector<128x128xf32> to vector<1x128xf32>
    %add3A_111 = arith.addf %add3A_104, %slice3A_110 : vector<1x128xf32>
    %slice3A_112 = vector.extract_strided_slice %concatenate3A_77 {offsets = [512, 0], sizes = [128, 128], strides = [1, 1]} : vector<2048x128xf32> to vector<128x128xf32>
    %dot_general3A_113 = arith.constant dense<0.000000e+00> : vector<128x128xf32>
    %dot_general3A_114 = tpu.matmul %convert_element_type3A_82, %slice3A_112, %dot_general3A_113 {dimension_numbers = #tpu.dot_dimension_numbers<[1], [0], [0], [1], [0, 0, 1, 1], [], []>, transpose_lhs_hint = false} : vector<128x128xf32>, vector<128x128xf32>, vector<128x128xf32> -> vector<128x128xf32>
    %add3A_115 = vector.broadcast %add3A_111 : vector<1x128xf32> to vector<128x128xf32>
    %add3A_116 = arith.addf %dot_general3A_114, %add3A_115 : vector<128x128xf32>
    %slice3A_117 = vector.extract_strided_slice %dot_general3A_114 {offsets = [127, 0], sizes = [1, 128], strides = [1, 1]} : vector<128x128xf32> to vector<1x128xf32>
    %add3A_118 = arith.addf %add3A_111, %slice3A_117 : vector<1x128xf32>
    %slice3A_119 = vector.extract_strided_slice %concatenate3A_77 {offsets = [640, 0], sizes = [128, 128], strides = [1, 1]} : vector<2048x128xf32> to vector<128x128xf32>
    %dot_general3A_120 = arith.constant dense<0.000000e+00> : vector<128x128xf32>
    %dot_general3A_121 = tpu.matmul %convert_element_type3A_82, %slice3A_119, %dot_general3A_120 {dimension_numbers = #tpu.dot_dimension_numbers<[1], [0], [0], [1], [0, 0, 1, 1], [], []>, transpose_lhs_hint = false} : vector<128x128xf32>, vector<128x128xf32>, vector<128x128xf32> -> vector<128x128xf32>
    %add3A_122 = vector.broadcast %add3A_118 : vector<1x128xf32> to vector<128x128xf32>
    %add3A_123 = arith.addf %dot_general3A_121, %add3A_122 : vector<128x128xf32>
    %slice3A_124 = vector.extract_strided_slice %dot_general3A_121 {offsets = [127, 0], sizes = [1, 128], strides = [1, 1]} : vector<128x128xf32> to vector<1x128xf32>
    %add3A_125 = arith.addf %add3A_118, %slice3A_124 : vector<1x128xf32>
    %slice3A_126 = vector.extract_strided_slice %concatenate3A_77 {offsets = [768, 0], sizes = [128, 128], strides = [1, 1]} : vector<2048x128xf32> to vector<128x128xf32>
    %dot_general3A_127 = arith.constant dense<0.000000e+00> : vector<128x128xf32>
    %dot_general3A_128 = tpu.matmul %convert_element_type3A_82, %slice3A_126, %dot_general3A_127 {dimension_numbers = #tpu.dot_dimension_numbers<[1], [0], [0], [1], [0, 0, 1, 1], [], []>, transpose_lhs_hint = false} : vector<128x128xf32>, vector<128x128xf32>, vector<128x128xf32> -> vector<128x128xf32>
    %add3A_129 = vector.broadcast %add3A_125 : vector<1x128xf32> to vector<128x128xf32>
    %add3A_130 = arith.addf %dot_general3A_128, %add3A_129 : vector<128x128xf32>
    %slice3A_131 = vector.extract_strided_slice %dot_general3A_128 {offsets = [127, 0], sizes = [1, 128], strides = [1, 1]} : vector<128x128xf32> to vector<1x128xf32>
    %add3A_132 = arith.addf %add3A_125, %slice3A_131 : vector<1x128xf32>
    %slice3A_133 = vector.extract_strided_slice %concatenate3A_77 {offsets = [896, 0], sizes = [128, 128], strides = [1, 1]} : vector<2048x128xf32> to vector<128x128xf32>
    %dot_general3A_134 = arith.constant dense<0.000000e+00> : vector<128x128xf32>
    %dot_general3A_135 = tpu.matmul %convert_element_type3A_82, %slice3A_133, %dot_general3A_134 {dimension_numbers = #tpu.dot_dimension_numbers<[1], [0], [0], [1], [0, 0, 1, 1], [], []>, transpose_lhs_hint = false} : vector<128x128xf32>, vector<128x128xf32>, vector<128x128xf32> -> vector<128x128xf32>
    %add3A_136 = vector.broadcast %add3A_132 : vector<1x128xf32> to vector<128x128xf32>
    %add3A_137 = arith.addf %dot_general3A_135, %add3A_136 : vector<128x128xf32>
    %slice3A_138 = vector.extract_strided_slice %dot_general3A_135 {offsets = [127, 0], sizes = [1, 128], strides = [1, 1]} : vector<128x128xf32> to vector<1x128xf32>
    %add3A_139 = arith.addf %add3A_132, %slice3A_138 : vector<1x128xf32>
    %slice3A_140 = vector.extract_strided_slice %concatenate3A_77 {offsets = [1024, 0], sizes = [128, 128], strides = [1, 1]} : vector<2048x128xf32> to vector<128x128xf32>
    %dot_general3A_141 = arith.constant dense<0.000000e+00> : vector<128x128xf32>
    %dot_general3A_142 = tpu.matmul %convert_element_type3A_82, %slice3A_140, %dot_general3A_141 {dimension_numbers = #tpu.dot_dimension_numbers<[1], [0], [0], [1], [0, 0, 1, 1], [], []>, transpose_lhs_hint = false} : vector<128x128xf32>, vector<128x128xf32>, vector<128x128xf32> -> vector<128x128xf32>
    %add3A_143 = vector.broadcast %add3A_139 : vector<1x128xf32> to vector<128x128xf32>
    %add3A_144 = arith.addf %dot_general3A_142, %add3A_143 : vector<128x128xf32>
    %slice3A_145 = vector.extract_strided_slice %dot_general3A_142 {offsets = [127, 0], sizes = [1, 128], strides = [1, 1]} : vector<128x128xf32> to vector<1x128xf32>
    %add3A_146 = arith.addf %add3A_139, %slice3A_145 : vector<1x128xf32>
    %slice3A_147 = vector.extract_strided_slice %concatenate3A_77 {offsets = [1152, 0], sizes = [128, 128], strides = [1, 1]} : vector<2048x128xf32> to vector<128x128xf32>
    %dot_general3A_148 = arith.constant dense<0.000000e+00> : vector<128x128xf32>
    %dot_general3A_149 = tpu.matmul %convert_element_type3A_82, %slice3A_147, %dot_general3A_148 {dimension_numbers = #tpu.dot_dimension_numbers<[1], [0], [0], [1], [0, 0, 1, 1], [], []>, transpose_lhs_hint = false} : vector<128x128xf32>, vector<128x128xf32>, vector<128x128xf32> -> vector<128x128xf32>
    %add3A_150 = vector.broadcast %add3A_146 : vector<1x128xf32> to vector<128x128xf32>
    %add3A_151 = arith.addf %dot_general3A_149, %add3A_150 : vector<128x128xf32>
    %slice3A_152 = vector.extract_strided_slice %dot_general3A_149 {offsets = [127, 0], sizes = [1, 128], strides = [1, 1]} : vector<128x128xf32> to vector<1x128xf32>
    %add3A_153 = arith.addf %add3A_146, %slice3A_152 : vector<1x128xf32>
    %slice3A_154 = vector.extract_strided_slice %concatenate3A_77 {offsets = [1280, 0], sizes = [128, 128], strides = [1, 1]} : vector<2048x128xf32> to vector<128x128xf32>
    %dot_general3A_155 = arith.constant dense<0.000000e+00> : vector<128x128xf32>
    %dot_general3A_156 = tpu.matmul %convert_element_type3A_82, %slice3A_154, %dot_general3A_155 {dimension_numbers = #tpu.dot_dimension_numbers<[1], [0], [0], [1], [0, 0, 1, 1], [], []>, transpose_lhs_hint = false} : vector<128x128xf32>, vector<128x128xf32>, vector<128x128xf32> -> vector<128x128xf32>
    %add3A_157 = vector.broadcast %add3A_153 : vector<1x128xf32> to vector<128x128xf32>
    %add3A_158 = arith.addf %dot_general3A_156, %add3A_157 : vector<128x128xf32>
    %slice3A_159 = vector.extract_strided_slice %dot_general3A_156 {offsets = [127, 0], sizes = [1, 128], strides = [1, 1]} : vector<128x128xf32> to vector<1x128xf32>
    %add3A_160 = arith.addf %add3A_153, %slice3A_159 : vector<1x128xf32>
    %slice3A_161 = vector.extract_strided_slice %concatenate3A_77 {offsets = [1408, 0], sizes = [128, 128], strides = [1, 1]} : vector<2048x128xf32> to vector<128x128xf32>
    %dot_general3A_162 = arith.constant dense<0.000000e+00> : vector<128x128xf32>
    %dot_general3A_163 = tpu.matmul %convert_element_type3A_82, %slice3A_161, %dot_general3A_162 {dimension_numbers = #tpu.dot_dimension_numbers<[1], [0], [0], [1], [0, 0, 1, 1], [], []>, transpose_lhs_hint = false} : vector<128x128xf32>, vector<128x128xf32>, vector<128x128xf32> -> vector<128x128xf32>
    %add3A_164 = vector.broadcast %add3A_160 : vector<1x128xf32> to vector<128x128xf32>
    %add3A_165 = arith.addf %dot_general3A_163, %add3A_164 : vector<128x128xf32>
    %slice3A_166 = vector.extract_strided_slice %dot_general3A_163 {offsets = [127, 0], sizes = [1, 128], strides = [1, 1]} : vector<128x128xf32> to vector<1x128xf32>
    %add3A_167 = arith.addf %add3A_160, %slice3A_166 : vector<1x128xf32>
    %slice3A_168 = vector.extract_strided_slice %concatenate3A_77 {offsets = [1536, 0], sizes = [128, 128], strides = [1, 1]} : vector<2048x128xf32> to vector<128x128xf32>
    %dot_general3A_169 = arith.constant dense<0.000000e+00> : vector<128x128xf32>
    %dot_general3A_170 = tpu.matmul %convert_element_type3A_82, %slice3A_168, %dot_general3A_169 {dimension_numbers = #tpu.dot_dimension_numbers<[1], [0], [0], [1], [0, 0, 1, 1], [], []>, transpose_lhs_hint = false} : vector<128x128xf32>, vector<128x128xf32>, vector<128x128xf32> -> vector<128x128xf32>
    %add3A_171 = vector.broadcast %add3A_167 : vector<1x128xf32> to vector<128x128xf32>
    %add3A_172 = arith.addf %dot_general3A_170, %add3A_171 : vector<128x128xf32>
    %slice3A_173 = vector.extract_strided_slice %dot_general3A_170 {offsets = [127, 0], sizes = [1, 128], strides = [1, 1]} : vector<128x128xf32> to vector<1x128xf32>
    %add3A_174 = arith.addf %add3A_167, %slice3A_173 : vector<1x128xf32>
    %slice3A_175 = vector.extract_strided_slice %concatenate3A_77 {offsets = [1664, 0], sizes = [128, 128], strides = [1, 1]} : vector<2048x128xf32> to vector<128x128xf32>
    %dot_general3A_176 = arith.constant dense<0.000000e+00> : vector<128x128xf32>
    %dot_general3A_177 = tpu.matmul %convert_element_type3A_82, %slice3A_175, %dot_general3A_176 {dimension_numbers = #tpu.dot_dimension_numbers<[1], [0], [0], [1], [0, 0, 1, 1], [], []>, transpose_lhs_hint = false} : vector<128x128xf32>, vector<128x128xf32>, vector<128x128xf32> -> vector<128x128xf32>
    %add3A_178 = vector.broadcast %add3A_174 : vector<1x128xf32> to vector<128x128xf32>
    %add3A_179 = arith.addf %dot_general3A_177, %add3A_178 : vector<128x128xf32>
    %slice3A_180 = vector.extract_strided_slice %dot_general3A_177 {offsets = [127, 0], sizes = [1, 128], strides = [1, 1]} : vector<128x128xf32> to vector<1x128xf32>
    %add3A_181 = arith.addf %add3A_174, %slice3A_180 : vector<1x128xf32>
    %slice3A_182 = vector.extract_strided_slice %concatenate3A_77 {offsets = [1792, 0], sizes = [128, 128], strides = [1, 1]} : vector<2048x128xf32> to vector<128x128xf32>
    %dot_general3A_183 = arith.constant dense<0.000000e+00> : vector<128x128xf32>
    %dot_general3A_184 = tpu.matmul %convert_element_type3A_82, %slice3A_182, %dot_general3A_183 {dimension_numbers = #tpu.dot_dimension_numbers<[1], [0], [0], [1], [0, 0, 1, 1], [], []>, transpose_lhs_hint = false} : vector<128x128xf32>, vector<128x128xf32>, vector<128x128xf32> -> vector<128x128xf32>
    %add3A_185 = vector.broadcast %add3A_181 : vector<1x128xf32> to vector<128x128xf32>
    %add3A_186 = arith.addf %dot_general3A_184, %add3A_185 : vector<128x128xf32>
    %slice3A_187 = vector.extract_strided_slice %dot_general3A_184 {offsets = [127, 0], sizes = [1, 128], strides = [1, 1]} : vector<128x128xf32> to vector<1x128xf32>
    %add3A_188 = arith.addf %add3A_181, %slice3A_187 : vector<1x128xf32>
    %slice3A_189 = vector.extract_strided_slice %concatenate3A_77 {offsets = [1920, 0], sizes = [128, 128], strides = [1, 1]} : vector<2048x128xf32> to vector<128x128xf32>
    %dot_general3A_190 = arith.constant dense<0.000000e+00> : vector<128x128xf32>
    %dot_general3A_191 = tpu.matmul %convert_element_type3A_82, %slice3A_189, %dot_general3A_190 {dimension_numbers = #tpu.dot_dimension_numbers<[1], [0], [0], [1], [0, 0, 1, 1], [], []>, transpose_lhs_hint = false} : vector<128x128xf32>, vector<128x128xf32>, vector<128x128xf32> -> vector<128x128xf32>
    %add3A_192 = vector.broadcast %add3A_188 : vector<1x128xf32> to vector<128x128xf32>
    %add3A_193 = arith.addf %dot_general3A_191, %add3A_192 : vector<128x128xf32>
    %slice3A_194 = vector.extract_strided_slice %dot_general3A_191 {offsets = [127, 0], sizes = [1, 128], strides = [1, 1]} : vector<128x128xf32> to vector<1x128xf32>
    %add3A_195 = arith.addf %add3A_188, %slice3A_194 : vector<1x128xf32>
    %concatenate3A_196 = tpu.concatenate %add3A_88, %add3A_95, %add3A_102, %add3A_109, %add3A_116, %add3A_123, %add3A_130, %add3A_137, %add3A_144, %add3A_151, %add3A_158, %add3A_165, %add3A_172, %add3A_179, %add3A_186, %add3A_193 in 0 : vector<128x128xf32>, vector<128x128xf32>, vector<128x128xf32>, vector<128x128xf32>, vector<128x128xf32>, vector<128x128xf32>, vector<128x128xf32>, vector<128x128xf32>, vector<128x128xf32>, vector<128x128xf32>, vector<128x128xf32>, vector<128x128xf32>, vector<128x128xf32>, vector<128x128xf32>, vector<128x128xf32>, vector<128x128xf32> -> vector<2048x128xf32>
    %iota3A_197 = tpu.iota {dimensions = array<i32: 0>} : vector<128x128xi32>
    %iota3A_198 = tpu.iota {dimensions = array<i32: 1>} : vector<128x128xi32>
    %jit3A_199 = arith.constant 32 : i32
    %div3A = vector.broadcast %jit3A_199 : i32 to vector<128x128xi32>
    %div3A_200 = arith.divsi %iota3A_197, %div3A : vector<128x128xi32>
    %sign3A = arith.constant 0 : i32
    %sign3A_201 = vector.broadcast %sign3A : i32 to vector<128x128xi32>
    %sign3A_202 = arith.cmpi sgt, %iota3A_197, %sign3A_201 : vector<128x128xi32>
    %sign3A_203 = arith.extui %sign3A_202 : vector<128x128xi1> to vector<128x128xi32>
    %sign3A_204 = arith.constant 0 : i32
    %sign3A_205 = vector.broadcast %sign3A_204 : i32 to vector<128x128xi32>
    %sign3A_206 = arith.cmpi slt, %iota3A_197, %sign3A_205 : vector<128x128xi32>
    %sign3A_207 = arith.extui %sign3A_206 : vector<128x128xi1> to vector<128x128xi32>
    %sign3A_208 = arith.subi %sign3A_203, %sign3A_207 : vector<128x128xi32>
    %sign3A_209 = arith.constant 0 : i32
    %sign3A_210 = arith.cmpi sgt, %jit3A_199, %sign3A_209 : i32
    %sign3A_211 = arith.extui %sign3A_210 : i1 to i32
    %sign3A_212 = arith.constant 0 : i32
    %sign3A_213 = arith.cmpi slt, %jit3A_199, %sign3A_212 : i32
    %sign3A_214 = arith.extui %sign3A_213 : i1 to i32
    %sign3A_215 = arith.subi %sign3A_211, %sign3A_214 : i32
    %ne3A = vector.broadcast %sign3A_215 : i32 to vector<128x128xi32>
    %ne3A_216 = arith.cmpi ne, %sign3A_208, %ne3A : vector<128x128xi32>
    %rem3A = vector.broadcast %jit3A_199 : i32 to vector<128x128xi32>
    %rem3A_217 = arith.remsi %iota3A_197, %rem3A : vector<128x128xi32>
    %ne3A_218 = arith.constant 0 : i32
    %ne3A_219 = vector.broadcast %ne3A_218 : i32 to vector<128x128xi32>
    %ne3A_220 = arith.cmpi ne, %rem3A_217, %ne3A_219 : vector<128x128xi32>
    %and3A = arith.andi %ne3A_216, %ne3A_220 : vector<128x128xi1>
    %sub3A = arith.constant 1 : i32
    %sub3A_221 = vector.broadcast %sub3A : i32 to vector<128x128xi32>
    %sub3A_222 = arith.subi %div3A_200, %sub3A_221 : vector<128x128xi32>
    %select_n3A_223 = arith.select %and3A, %sub3A_222, %div3A_200 : vector<128x128xi1>, vector<128x128xi32>
    %jit3A_224 = arith.constant 32 : i32
    %div3A_225 = vector.broadcast %jit3A_224 : i32 to vector<128x128xi32>
    %div3A_226 = arith.divsi %iota3A_198, %div3A_225 : vector<128x128xi32>
    %sign3A_227 = arith.constant 0 : i32
    %sign3A_228 = vector.broadcast %sign3A_227 : i32 to vector<128x128xi32>
    %sign3A_229 = arith.cmpi sgt, %iota3A_198, %sign3A_228 : vector<128x128xi32>
    %sign3A_230 = arith.extui %sign3A_229 : vector<128x128xi1> to vector<128x128xi32>
    %sign3A_231 = arith.constant 0 : i32
    %sign3A_232 = vector.broadcast %sign3A_231 : i32 to vector<128x128xi32>
    %sign3A_233 = arith.cmpi slt, %iota3A_198, %sign3A_232 : vector<128x128xi32>
    %sign3A_234 = arith.extui %sign3A_233 : vector<128x128xi1> to vector<128x128xi32>
    %sign3A_235 = arith.subi %sign3A_230, %sign3A_234 : vector<128x128xi32>
    %sign3A_236 = arith.constant 0 : i32
    %sign3A_237 = arith.cmpi sgt, %jit3A_224, %sign3A_236 : i32
    %sign3A_238 = arith.extui %sign3A_237 : i1 to i32
    %sign3A_239 = arith.constant 0 : i32
    %sign3A_240 = arith.cmpi slt, %jit3A_224, %sign3A_239 : i32
    %sign3A_241 = arith.extui %sign3A_240 : i1 to i32
    %sign3A_242 = arith.subi %sign3A_238, %sign3A_241 : i32
    %ne3A_243 = vector.broadcast %sign3A_242 : i32 to vector<128x128xi32>
    %ne3A_244 = arith.cmpi ne, %sign3A_235, %ne3A_243 : vector<128x128xi32>
    %rem3A_245 = vector.broadcast %jit3A_224 : i32 to vector<128x128xi32>
    %rem3A_246 = arith.remsi %iota3A_198, %rem3A_245 : vector<128x128xi32>
    %ne3A_247 = arith.constant 0 : i32
    %ne3A_248 = vector.broadcast %ne3A_247 : i32 to vector<128x128xi32>
    %ne3A_249 = arith.cmpi ne, %rem3A_246, %ne3A_248 : vector<128x128xi32>
    %and3A_250 = arith.andi %ne3A_244, %ne3A_249 : vector<128x128xi1>
    %sub3A_251 = arith.constant 1 : i32
    %sub3A_252 = vector.broadcast %sub3A_251 : i32 to vector<128x128xi32>
    %sub3A_253 = arith.subi %div3A_226, %sub3A_252 : vector<128x128xi32>
    %select_n3A_254 = arith.select %and3A_250, %sub3A_253, %div3A_226 : vector<128x128xi1>, vector<128x128xi32>
    %eq3A_255 = arith.cmpi eq, %select_n3A_223, %select_n3A_254 : vector<128x128xi32>
    %lt3A = arith.cmpi slt, %iota3A_197, %iota3A_198 : vector<128x128xi32>
    %and3A_256 = arith.andi %eq3A_255, %lt3A : vector<128x128xi1>
    %convert_element_type3A_257 = arith.extui %and3A_256 : vector<128x128xi1> to vector<128x128xi32>
    %convert_element_type3A_258 = arith.sitofp %convert_element_type3A_257 : vector<128x128xi32> to vector<128x128xf32>
    %dot_general3A_259 = arith.constant dense<0.000000e+00> : vector<1x128xf32>
    %dot_general3A_260 = tpu.matmul %add3A_195, %convert_element_type3A_258, %dot_general3A_259 {dimension_numbers = #tpu.dot_dimension_numbers<[1], [0], [0], [1], [0, 0, 1, 1], [], []>, precision = #tpu.contract_precision<fp32>, transpose_lhs_hint = false} : vector<1x128xf32>, vector<128x128xf32>, vector<1x128xf32> -> vector<1x128xf32>
    %add3A_261 = vector.broadcast %dot_general3A_260 : vector<1x128xf32> to vector<2048x128xf32>
    %add3A_262 = arith.addf %concatenate3A_196, %add3A_261 : vector<2048x128xf32>
    %mul3A = arith.mulf %concatenate3A_77, %add3A_262 : vector<2048x128xf32>
    %slice3A_263 = vector.extract_strided_slice %mul3A {offsets = [0, 0], sizes = [2048, 32], strides = [1, 1]} : vector<2048x128xf32> to vector<2048x32xf32>
    %reduce_sum3A = arith.constant dense<0.000000e+00> : vector<2048xf32>
    %reduce_sum3A_264 = vector.multi_reduction <add>, %slice3A_263, %reduce_sum3A [1] : vector<2048x32xf32> to vector<2048xf32>
    %broadcast_in_dim3A_265 = vector.shape_cast %reduce_sum3A_264 : vector<2048xf32> to vector<2048x1xf32>
    %slice3A_266 = vector.extract_strided_slice %mul3A {offsets = [0, 32], sizes = [2048, 32], strides = [1, 1]} : vector<2048x128xf32> to vector<2048x32xf32>
    %reduce_sum3A_267 = arith.constant dense<0.000000e+00> : vector<2048xf32>
    %reduce_sum3A_268 = vector.multi_reduction <add>, %slice3A_266, %reduce_sum3A_267 [1] : vector<2048x32xf32> to vector<2048xf32>
    %broadcast_in_dim3A_269 = vector.shape_cast %reduce_sum3A_268 : vector<2048xf32> to vector<2048x1xf32>
    %slice3A_270 = vector.extract_strided_slice %mul3A {offsets = [0, 64], sizes = [2048, 32], strides = [1, 1]} : vector<2048x128xf32> to vector<2048x32xf32>
    %reduce_sum3A_271 = arith.constant dense<0.000000e+00> : vector<2048xf32>
    %reduce_sum3A_272 = vector.multi_reduction <add>, %slice3A_270, %reduce_sum3A_271 [1] : vector<2048x32xf32> to vector<2048xf32>
    %broadcast_in_dim3A_273 = vector.shape_cast %reduce_sum3A_272 : vector<2048xf32> to vector<2048x1xf32>
    %slice3A_274 = vector.extract_strided_slice %mul3A {offsets = [0, 96], sizes = [2048, 32], strides = [1, 1]} : vector<2048x128xf32> to vector<2048x32xf32>
    %reduce_sum3A_275 = arith.constant dense<0.000000e+00> : vector<2048xf32>
    %reduce_sum3A_276 = vector.multi_reduction <add>, %slice3A_274, %reduce_sum3A_275 [1] : vector<2048x32xf32> to vector<2048xf32>
    %broadcast_in_dim3A_277 = vector.shape_cast %reduce_sum3A_276 : vector<2048xf32> to vector<2048x1xf32>
    %concatenate3A_278 = tpu.concatenate %broadcast_in_dim3A_265, %broadcast_in_dim3A_269, %broadcast_in_dim3A_273, %broadcast_in_dim3A_277 in 1 : vector<2048x1xf32>, vector<2048x1xf32>, vector<2048x1xf32>, vector<2048x1xf32> -> vector<2048x4xf32>
    %sub3A_279 = arith.constant 1.000000e+00 : f32
    %sub3A_280 = vector.broadcast %sub3A_279 : f32 to vector<2048x4xf32>
    %sub3A_281 = arith.subf %concatenate3A_278, %sub3A_280 : vector<2048x4xf32>
    %iota3A_282 = tpu.iota {dimensions = array<i32: 1>} : vector<2048x4xi32>
    %mul3A_283 = arith.constant 24576 : i32
    %mul3A_284 = vector.broadcast %mul3A_283 : i32 to vector<2048x4xi32>
    %mul3A_285 = arith.muli %iota3A_282, %mul3A_284 : vector<2048x4xi32>
    %mul3A_286 = arith.constant 2048 : i32
    %mul3A_287 = arith.muli %arg0, %mul3A_286 : i32
    %add3A_288 = vector.broadcast %mul3A_287 : i32 to vector<2048x4xi32>
    %add3A_289 = arith.addi %mul3A_285, %add3A_288 : vector<2048x4xi32>
    %convert_element_type3A_290 = arith.fptosi %sub3A_281 : vector<2048x4xf32> to vector<2048x4xi32>
    %add3A_291 = arith.addi %convert_element_type3A_290, %add3A_289 : vector<2048x4xi32>
    %swap3A = arith.constant 0 : index
    %swap3A_292 = arith.constant 0 : index
    %swap3A_293 = arith.constant 0 : index
    %swap3A_294 = vector.load %arg3[%swap3A, %swap3A_292, %swap3A_293] : memref<1x2048x4xi32, #tpu.memory_space<vmem>>, vector<1x2048x4xi32>
    %swap3A_295 = vector.shape_cast %swap3A_294 : vector<1x2048x4xi32> to vector<2048x4xi32>
    %swap3A_296 = vector.shape_cast %add3A_291 : vector<2048x4xi32> to vector<1x2048x4xi32>
    tpu.vector_store %arg3[%swap3A, %swap3A_292, %swap3A_293], %swap3A_296 {strides = array<i32>} : memref<1x2048x4xi32, #tpu.memory_space<vmem>>, vector<1x2048x4xi32>,
    return
  }
  func.func @transform_0(%arg0: i32) -> (i32, i32, i32) {
    %c0_i32 = arith.constant 0 : i32
    %c0_i32_0 = arith.constant 0 : i32
    %c0_i32_1 = arith.constant 0 : i32
    return %arg0, %c0_i32, %c0_i32_0 : i32, i32, i32
  }
  func.func @transform_1(%arg0: i32) -> (i32, i32) {
    %c0_i32 = arith.constant 0 : i32
    %c0_i32_0 = arith.constant 0 : i32
    %c0_i32_1 = arith.constant 0 : i32
    return %c0_i32, %c0_i32_0 : i32, i32
  }
  func.func @transform_2(%arg0: i32) -> (i32, i32, i32) {
    %c0_i32 = arith.constant 0 : i32
    %c0_i32_0 = arith.constant 0 : i32
    %c0_i32_1 = arith.constant 0 : i32
    return %arg0, %c0_i32, %c0_i32_0 : i32, i32, i32
  }
}

module attributes {stable_mosaic.version = 14 : i64} {
  func.func @_stage_c_body(%arg0: i32, %arg1: memref<1x2048x128xf32, #tpu.memory_space<vmem>>, %arg2: memref<1x2048x128xf32, #tpu.memory_space<vmem>>, %arg3: memref<2112x64xf32, #tpu.memory_space<vmem>>, %arg4: memref<2112x64xf32, #tpu.memory_space<vmem>>) attributes {dimension_semantics = [#tpu.dimension_semantics<arbitrary>], iteration_bounds = array<i64: 48>, scalar_prefetch = 0 : i64, scratch_operands = 2 : i64, tpu.core_type = #tpu.core_type<tc>, window_params = [{transform_indices = @transform_0, window_bounds = array<i64: 1, 2048, 128>}, {transform_indices = @transform_1, window_bounds = array<i64: 1, 2048, 128>}]} {
    %get3A = arith.constant 0 : index
    %get3A_0 = arith.constant 0 : index
    %get3A_1 = arith.constant 0 : index
    %get3A_2 = vector.load %arg1[%get3A, %get3A_0, %get3A_1] : memref<1x2048x128xf32, #tpu.memory_space<vmem>>, vector<1x2048x64xf32>
    %get3A_3 = vector.shape_cast %get3A_2 : vector<1x2048x64xf32> to vector<2048x64xf32>
    %get3A_4 = arith.constant 0 : index
    %get3A_5 = arith.constant 0 : index
    %get3A_6 = arith.constant 64 : index
    %get3A_7 = vector.load %arg1[%get3A_4, %get3A_5, %get3A_6] : memref<1x2048x128xf32, #tpu.memory_space<vmem>>, vector<1x2048x64xf32>
    %get3A_8 = vector.shape_cast %get3A_7 : vector<1x2048x64xf32> to vector<2048x64xf32>
    %mul3A = arith.mulf %get3A_3, %get3A_3 : vector<2048x64xf32>
    %reduce_sum3A = arith.constant dense<0.000000e+00> : vector<2048xf32>
    %reduce_sum3A_9 = vector.multi_reduction <add>, %mul3A, %reduce_sum3A [1] : vector<2048x64xf32> to vector<2048xf32>
    %broadcast_in_dim3A = vector.shape_cast %reduce_sum3A_9 : vector<2048xf32> to vector<2048x1xf32>
    %sqrt3A = math.sqrt %broadcast_in_dim3A : vector<2048x1xf32>
    %max3A = arith.constant 9.99999996E-13 : f32
    %max3A_10 = vector.broadcast %max3A : f32 to vector<2048x1xf32>
    %max3A_11 = arith.maximumf %sqrt3A, %max3A_10 : vector<2048x1xf32>
    %div3A = arith.constant 1.000000e+00 : f32
    %div3A_12 = vector.broadcast %div3A : f32 to vector<2048x1xf32>
    %div3A_13 = arith.divf %div3A_12, %max3A_11 : vector<2048x1xf32>
    %mul3A_14 = vector.broadcast %div3A_13 : vector<2048x1xf32> to vector<2048x64xf32>
    %mul3A_15 = arith.mulf %get3A_3, %mul3A_14 : vector<2048x64xf32>
    %slice3A = vector.extract_strided_slice %mul3A_15 {offsets = [1984, 0], sizes = [64, 64], strides = [1, 1]} : vector<2048x64xf32> to vector<64x64xf32>
    %swap3A = arith.constant 0 : index
    %swap3A_16 = arith.constant 0 : index
    %swap3A_17 = vector.load %arg3[%swap3A, %swap3A_16] : memref<2112x64xf32, #tpu.memory_space<vmem>>, vector<64x64xf32>
    tpu.vector_store %arg3[%swap3A, %swap3A_16], %slice3A {strides = array<i32>} : memref<2112x64xf32, #tpu.memory_space<vmem>>, vector<64x64xf32>,
    %swap3A_18 = arith.constant 64 : index
    %swap3A_19 = arith.constant 0 : index
    %swap3A_20 = vector.load %arg3[%swap3A_18, %swap3A_19] : memref<2112x64xf32, #tpu.memory_space<vmem>>, vector<2048x64xf32>
    tpu.vector_store %arg3[%swap3A_18, %swap3A_19], %mul3A_15 {strides = array<i32>} : memref<2112x64xf32, #tpu.memory_space<vmem>>, vector<2048x64xf32>,
    %slice3A_21 = vector.extract_strided_slice %get3A_8 {offsets = [1984, 0], sizes = [64, 64], strides = [1, 1]} : vector<2048x64xf32> to vector<64x64xf32>
    %swap3A_22 = arith.constant 0 : index
    %swap3A_23 = arith.constant 0 : index
    %swap3A_24 = vector.load %arg4[%swap3A_22, %swap3A_23] : memref<2112x64xf32, #tpu.memory_space<vmem>>, vector<64x64xf32>
    tpu.vector_store %arg4[%swap3A_22, %swap3A_23], %slice3A_21 {strides = array<i32>} : memref<2112x64xf32, #tpu.memory_space<vmem>>, vector<64x64xf32>,
    %swap3A_25 = arith.constant 64 : index
    %swap3A_26 = arith.constant 0 : index
    %swap3A_27 = vector.load %arg4[%swap3A_25, %swap3A_26] : memref<2112x64xf32, #tpu.memory_space<vmem>>, vector<2048x64xf32>
    tpu.vector_store %arg4[%swap3A_25, %swap3A_26], %get3A_8 {strides = array<i32>} : memref<2112x64xf32, #tpu.memory_space<vmem>>, vector<2048x64xf32>,
    %iota3A = tpu.iota {dimensions = array<i32: 0>} : vector<256x320xi32>
    %iota3A_28 = tpu.iota {dimensions = array<i32: 1>} : vector<256x320xi32>
    %jit3A = arith.constant 64 : i32
    %div3A_29 = vector.broadcast %jit3A : i32 to vector<256x320xi32>
    %div3A_30 = arith.divsi %iota3A, %div3A_29 : vector<256x320xi32>
    %sign3A = arith.constant 0 : i32
    %sign3A_31 = vector.broadcast %sign3A : i32 to vector<256x320xi32>
    %sign3A_32 = arith.cmpi sgt, %iota3A, %sign3A_31 : vector<256x320xi32>
    %sign3A_33 = arith.extui %sign3A_32 : vector<256x320xi1> to vector<256x320xi32>
    %sign3A_34 = arith.constant 0 : i32
    %sign3A_35 = vector.broadcast %sign3A_34 : i32 to vector<256x320xi32>
    %sign3A_36 = arith.cmpi slt, %iota3A, %sign3A_35 : vector<256x320xi32>
    %sign3A_37 = arith.extui %sign3A_36 : vector<256x320xi1> to vector<256x320xi32>
    %sign3A_38 = arith.subi %sign3A_33, %sign3A_37 : vector<256x320xi32>
    %sign3A_39 = arith.constant 0 : i32
    %sign3A_40 = arith.cmpi sgt, %jit3A, %sign3A_39 : i32
    %sign3A_41 = arith.extui %sign3A_40 : i1 to i32
    %sign3A_42 = arith.constant 0 : i32
    %sign3A_43 = arith.cmpi slt, %jit3A, %sign3A_42 : i32
    %sign3A_44 = arith.extui %sign3A_43 : i1 to i32
    %sign3A_45 = arith.subi %sign3A_41, %sign3A_44 : i32
    %ne3A = vector.broadcast %sign3A_45 : i32 to vector<256x320xi32>
    %ne3A_46 = arith.cmpi ne, %sign3A_38, %ne3A : vector<256x320xi32>
    %rem3A = vector.broadcast %jit3A : i32 to vector<256x320xi32>
    %rem3A_47 = arith.remsi %iota3A, %rem3A : vector<256x320xi32>
    %ne3A_48 = arith.constant 0 : i32
    %ne3A_49 = vector.broadcast %ne3A_48 : i32 to vector<256x320xi32>
    %ne3A_50 = arith.cmpi ne, %rem3A_47, %ne3A_49 : vector<256x320xi32>
    %and3A = arith.andi %ne3A_46, %ne3A_50 : vector<256x320xi1>
    %sub3A = arith.constant 1 : i32
    %sub3A_51 = vector.broadcast %sub3A : i32 to vector<256x320xi32>
    %sub3A_52 = arith.subi %div3A_30, %sub3A_51 : vector<256x320xi32>
    %select_n3A = arith.select %and3A, %sub3A_52, %div3A_30 : vector<256x320xi1>, vector<256x320xi32>
    %mul3A_53 = arith.constant 64 : i32
    %mul3A_54 = vector.broadcast %mul3A_53 : i32 to vector<256x320xi32>
    %mul3A_55 = arith.muli %select_n3A, %mul3A_54 : vector<256x320xi32>
    %ge3A = arith.cmpi sge, %iota3A_28, %mul3A_55 : vector<256x320xi32>
    %mul3A_56 = arith.constant 64 : i32
    %mul3A_57 = vector.broadcast %mul3A_56 : i32 to vector<256x320xi32>
    %mul3A_58 = arith.muli %select_n3A, %mul3A_57 : vector<256x320xi32>
    %add3A = arith.constant 128 : i32
    %add3A_59 = vector.broadcast %add3A : i32 to vector<256x320xi32>
    %add3A_60 = arith.addi %mul3A_58, %add3A_59 : vector<256x320xi32>
    %lt3A = arith.cmpi slt, %iota3A_28, %add3A_60 : vector<256x320xi32>
    %and3A_61 = arith.andi %ge3A, %lt3A : vector<256x320xi1>
    %mul3A_62 = arith.constant 64 : i32
    %mul3A_63 = vector.broadcast %mul3A_62 : i32 to vector<256x320xi32>
    %mul3A_64 = arith.muli %select_n3A, %mul3A_63 : vector<256x320xi32>
    %add3A_65 = arith.constant 64 : i32
    %add3A_66 = vector.broadcast %add3A_65 : i32 to vector<256x320xi32>
    %add3A_67 = arith.addi %mul3A_64, %add3A_66 : vector<256x320xi32>
    %jit3A_68 = arith.constant 64 : i32
    %eq3A = arith.constant 0 : i32
    %eq3A_69 = arith.cmpi eq, %jit3A_68, %eq3A : i32
    %jit3A_70 = arith.constant 1 : i32
    %select_n3A_71 = arith.select %eq3A_69, %jit3A_70, %jit3A_68 : i32
    %rem3A_72 = vector.broadcast %select_n3A_71 : i32 to vector<256x320xi32>
    %rem3A_73 = arith.remsi %iota3A, %rem3A_72 : vector<256x320xi32>
    %ne3A_74 = arith.constant 0 : i32
    %ne3A_75 = vector.broadcast %ne3A_74 : i32 to vector<256x320xi32>
    %ne3A_76 = arith.cmpi ne, %rem3A_73, %ne3A_75 : vector<256x320xi32>
    %lt3A_77 = arith.constant 0 : i32
    %lt3A_78 = vector.broadcast %lt3A_77 : i32 to vector<256x320xi32>
    %lt3A_79 = arith.cmpi slt, %rem3A_73, %lt3A_78 : vector<256x320xi32>
    %lt3A_80 = arith.constant 0 : i32
    %lt3A_81 = arith.cmpi slt, %select_n3A_71, %lt3A_80 : i32
    %ne3A_82 = vector.broadcast %lt3A_81 : i1 to vector<256x320xi1>
    %ne3A_83 = vector.broadcast %ne3A_82 : vector<256x320xi1> to vector<256x320xi1>
    %ne3A_84 = arith.xori %lt3A_79, %ne3A_83 : vector<256x320xi1>
    %and3A_85 = arith.andi %ne3A_84, %ne3A_76 : vector<256x320xi1>
    %add3A_86 = vector.broadcast %select_n3A_71 : i32 to vector<256x320xi32>
    %add3A_87 = arith.addi %rem3A_73, %add3A_86 : vector<256x320xi32>
    %select_n3A_88 = arith.select %and3A_85, %add3A_87, %rem3A_73 : vector<256x320xi1>, vector<256x320xi32>
    %add3A_89 = arith.addi %add3A_67, %select_n3A_88 : vector<256x320xi32>
    %eq3A_90 = arith.cmpi eq, %iota3A_28, %add3A_89 : vector<256x320xi32>
    %jit3A_91 = arith.constant 0.000000e+00 : f32
    %jit3A_92 = arith.constant -1.000000e+30 : f32
    %broadcast_in_dim3A_93 = vector.broadcast %jit3A_91 : f32 to vector<256x320xf32>
    %broadcast_in_dim3A_94 = vector.broadcast %jit3A_92 : f32 to vector<256x320xf32>
    %select_n3A_95 = arith.select %and3A_61, %broadcast_in_dim3A_93, %broadcast_in_dim3A_94 : vector<256x320xi1>, vector<256x320xf32>
    %jit3A_96 = arith.constant -5.000000e+04 : f32
    %broadcast_in_dim3A_97 = vector.broadcast %jit3A_96 : f32 to vector<256x320xf32>
    %select_n3A_98 = arith.select %eq3A_90, %broadcast_in_dim3A_97, %select_n3A_95 : vector<256x320xi1>, vector<256x320xf32>
    %get3A_99 = arith.constant 0 : index
    %get3A_100 = arith.constant 0 : index
    %get3A_101 = arith.constant 0 : index
    %get3A_102 = vector.load %arg1[%get3A_99, %get3A_100, %get3A_101] : memref<1x2048x128xf32, #tpu.memory_space<vmem>>, vector<1x256x64xf32>
    %get3A_103 = vector.shape_cast %get3A_102 : vector<1x256x64xf32> to vector<256x64xf32>
    %get3A_104 = arith.constant 0 : index
    %get3A_105 = arith.constant 0 : index
    %get3A_106 = vector.load %arg3[%get3A_104, %get3A_105] : memref<2112x64xf32, #tpu.memory_space<vmem>>, vector<320x64xf32>
    %get3A_107 = arith.constant 0 : index
    %get3A_108 = arith.constant 0 : index
    %get3A_109 = vector.load %arg4[%get3A_107, %get3A_108] : memref<2112x64xf32, #tpu.memory_space<vmem>>, vector<320x64xf32>
    %dot_general3A = arith.constant dense<0.000000e+00> : vector<256x320xf32>
    %dot_general3A_110 = tpu.matmul %get3A_103, %get3A_106, %dot_general3A {dimension_numbers = #tpu.dot_dimension_numbers<[1], [1], [0], [0], [0, 0, 1, 0], [], []>, transpose_lhs_hint = false} : vector<256x64xf32>, vector<320x64xf32>, vector<256x320xf32> -> vector<256x320xf32>
    %mul3A_111 = arith.constant 1.250000e-01 : f32
    %mul3A_112 = vector.broadcast %mul3A_111 : f32 to vector<256x320xf32>
    %mul3A_113 = arith.mulf %dot_general3A_110, %mul3A_112 : vector<256x320xf32>
    %add3A_114 = arith.addf %mul3A_113, %select_n3A_98 : vector<256x320xf32>
    %reduce_max3A = arith.constant dense<0xFF800000> : vector<256xf32>
    %reduce_max3A_115 = vector.multi_reduction <maximumf>, %add3A_114, %reduce_max3A [1] : vector<256x320xf32> to vector<256xf32>
    %broadcast_in_dim3A_116 = vector.shape_cast %reduce_max3A_115 : vector<256xf32> to vector<256x1xf32>
    %sub3A_117 = vector.broadcast %broadcast_in_dim3A_116 : vector<256x1xf32> to vector<256x320xf32>
    %sub3A_118 = arith.subf %add3A_114, %sub3A_117 : vector<256x320xf32>
    %exp3A = math.exp %sub3A_118 : vector<256x320xf32>
    %reduce_sum3A_119 = arith.constant dense<0.000000e+00> : vector<256xf32>
    %reduce_sum3A_120 = vector.multi_reduction <add>, %exp3A, %reduce_sum3A_119 [1] : vector<256x320xf32> to vector<256xf32>
    %broadcast_in_dim3A_121 = vector.shape_cast %reduce_sum3A_120 : vector<256xf32> to vector<256x1xf32>
    %div3A_122 = arith.constant 1.000000e+00 : f32
    %div3A_123 = vector.broadcast %div3A_122 : f32 to vector<256x1xf32>
    %div3A_124 = arith.divf %div3A_123, %broadcast_in_dim3A_121 : vector<256x1xf32>
    %log3A = math.log %broadcast_in_dim3A_121 : vector<256x1xf32>
    %add3A_125 = arith.addf %broadcast_in_dim3A_116, %log3A : vector<256x1xf32>
    %dot_general3A_126 = arith.constant dense<0.000000e+00> : vector<256x64xf32>
    %dot_general3A_127 = tpu.matmul %exp3A, %get3A_109, %dot_general3A_126 {dimension_numbers = #tpu.dot_dimension_numbers<[1], [0], [0], [1], [0, 0, 1, 1], [], []>, transpose_lhs_hint = false} : vector<256x320xf32>, vector<320x64xf32>, vector<256x64xf32> -> vector<256x64xf32>
    %mul3A_128 = vector.broadcast %div3A_124 : vector<256x1xf32> to vector<256x64xf32>
    %mul3A_129 = arith.mulf %dot_general3A_127, %mul3A_128 : vector<256x64xf32>
    %swap3A_130 = arith.constant 0 : index
    %swap3A_131 = arith.constant 0 : index
    %swap3A_132 = arith.constant 0 : index
    %swap3A_133 = vector.load %arg2[%swap3A_130, %swap3A_131, %swap3A_132] : memref<1x2048x128xf32, #tpu.memory_space<vmem>>, vector<1x256x64xf32>
    %swap3A_134 = vector.shape_cast %swap3A_133 : vector<1x256x64xf32> to vector<256x64xf32>
    %swap3A_135 = vector.shape_cast %mul3A_129 : vector<256x64xf32> to vector<1x256x64xf32>
    tpu.vector_store %arg2[%swap3A_130, %swap3A_131, %swap3A_132], %swap3A_135 {strides = array<i32>} : memref<1x2048x128xf32, #tpu.memory_space<vmem>>, vector<1x256x64xf32>,
    %broadcast_in_dim3A_136 = vector.shape_cast %add3A_125 : vector<256x1xf32> to vector<256x1xf32>
    %broadcast_in_dim3A_137 = vector.broadcast %broadcast_in_dim3A_136 : vector<256x1xf32> to vector<256x8xf32>
    %swap3A_138 = arith.constant 0 : index
    %swap3A_139 = arith.constant 0 : index
    %swap3A_140 = arith.constant 64 : index
    %swap3A_141 = vector.load %arg2[%swap3A_138, %swap3A_139, %swap3A_140] : memref<1x2048x128xf32, #tpu.memory_space<vmem>>, vector<1x256x8xf32>
    %swap3A_142 = vector.shape_cast %swap3A_141 : vector<1x256x8xf32> to vector<256x8xf32>
    %swap3A_143 = vector.shape_cast %broadcast_in_dim3A_137 : vector<256x8xf32> to vector<1x256x8xf32>
    tpu.vector_store %arg2[%swap3A_138, %swap3A_139, %swap3A_140], %swap3A_143 {strides = array<i32>} : memref<1x2048x128xf32, #tpu.memory_space<vmem>>, vector<1x256x8xf32>,
    %get3A_144 = arith.constant 0 : index
    %get3A_145 = arith.constant 256 : index
    %get3A_146 = arith.constant 0 : index
    %get3A_147 = vector.load %arg1[%get3A_144, %get3A_145, %get3A_146] : memref<1x2048x128xf32, #tpu.memory_space<vmem>>, vector<1x256x64xf32>
    %get3A_148 = vector.shape_cast %get3A_147 : vector<1x256x64xf32> to vector<256x64xf32>
    %get3A_149 = arith.constant 256 : index
    %get3A_150 = arith.constant 0 : index
    %get3A_151 = vector.load %arg3[%get3A_149, %get3A_150] : memref<2112x64xf32, #tpu.memory_space<vmem>>, vector<320x64xf32>
    %get3A_152 = arith.constant 256 : index
    %get3A_153 = arith.constant 0 : index
    %get3A_154 = vector.load %arg4[%get3A_152, %get3A_153] : memref<2112x64xf32, #tpu.memory_space<vmem>>, vector<320x64xf32>
    %dot_general3A_155 = arith.constant dense<0.000000e+00> : vector<256x320xf32>
    %dot_general3A_156 = tpu.matmul %get3A_148, %get3A_151, %dot_general3A_155 {dimension_numbers = #tpu.dot_dimension_numbers<[1], [1], [0], [0], [0, 0, 1, 0], [], []>, transpose_lhs_hint = false} : vector<256x64xf32>, vector<320x64xf32>, vector<256x320xf32> -> vector<256x320xf32>
    %mul3A_157 = arith.constant 1.250000e-01 : f32
    %mul3A_158 = vector.broadcast %mul3A_157 : f32 to vector<256x320xf32>
    %mul3A_159 = arith.mulf %dot_general3A_156, %mul3A_158 : vector<256x320xf32>
    %add3A_160 = arith.addf %mul3A_159, %select_n3A_98 : vector<256x320xf32>
    %reduce_max3A_161 = arith.constant dense<0xFF800000> : vector<256xf32>
    %reduce_max3A_162 = vector.multi_reduction <maximumf>, %add3A_160, %reduce_max3A_161 [1] : vector<256x320xf32> to vector<256xf32>
    %broadcast_in_dim3A_163 = vector.shape_cast %reduce_max3A_162 : vector<256xf32> to vector<256x1xf32>
    %sub3A_164 = vector.broadcast %broadcast_in_dim3A_163 : vector<256x1xf32> to vector<256x320xf32>
    %sub3A_165 = arith.subf %add3A_160, %sub3A_164 : vector<256x320xf32>
    %exp3A_166 = math.exp %sub3A_165 : vector<256x320xf32>
    %reduce_sum3A_167 = arith.constant dense<0.000000e+00> : vector<256xf32>
    %reduce_sum3A_168 = vector.multi_reduction <add>, %exp3A_166, %reduce_sum3A_167 [1] : vector<256x320xf32> to vector<256xf32>
    %broadcast_in_dim3A_169 = vector.shape_cast %reduce_sum3A_168 : vector<256xf32> to vector<256x1xf32>
    %div3A_170 = arith.constant 1.000000e+00 : f32
    %div3A_171 = vector.broadcast %div3A_170 : f32 to vector<256x1xf32>
    %div3A_172 = arith.divf %div3A_171, %broadcast_in_dim3A_169 : vector<256x1xf32>
    %log3A_173 = math.log %broadcast_in_dim3A_169 : vector<256x1xf32>
    %add3A_174 = arith.addf %broadcast_in_dim3A_163, %log3A_173 : vector<256x1xf32>
    %dot_general3A_175 = arith.constant dense<0.000000e+00> : vector<256x64xf32>
    %dot_general3A_176 = tpu.matmul %exp3A_166, %get3A_154, %dot_general3A_175 {dimension_numbers = #tpu.dot_dimension_numbers<[1], [0], [0], [1], [0, 0, 1, 1], [], []>, transpose_lhs_hint = false} : vector<256x320xf32>, vector<320x64xf32>, vector<256x64xf32> -> vector<256x64xf32>
    %mul3A_177 = vector.broadcast %div3A_172 : vector<256x1xf32> to vector<256x64xf32>
    %mul3A_178 = arith.mulf %dot_general3A_176, %mul3A_177 : vector<256x64xf32>
    %swap3A_179 = arith.constant 0 : index
    %swap3A_180 = arith.constant 256 : index
    %swap3A_181 = arith.constant 0 : index
    %swap3A_182 = vector.load %arg2[%swap3A_179, %swap3A_180, %swap3A_181] : memref<1x2048x128xf32, #tpu.memory_space<vmem>>, vector<1x256x64xf32>
    %swap3A_183 = vector.shape_cast %swap3A_182 : vector<1x256x64xf32> to vector<256x64xf32>
    %swap3A_184 = vector.shape_cast %mul3A_178 : vector<256x64xf32> to vector<1x256x64xf32>
    tpu.vector_store %arg2[%swap3A_179, %swap3A_180, %swap3A_181], %swap3A_184 {strides = array<i32>} : memref<1x2048x128xf32, #tpu.memory_space<vmem>>, vector<1x256x64xf32>,
    %broadcast_in_dim3A_185 = vector.shape_cast %add3A_174 : vector<256x1xf32> to vector<256x1xf32>
    %broadcast_in_dim3A_186 = vector.broadcast %broadcast_in_dim3A_185 : vector<256x1xf32> to vector<256x8xf32>
    %swap3A_187 = arith.constant 0 : index
    %swap3A_188 = arith.constant 256 : index
    %swap3A_189 = arith.constant 64 : index
    %swap3A_190 = vector.load %arg2[%swap3A_187, %swap3A_188, %swap3A_189] : memref<1x2048x128xf32, #tpu.memory_space<vmem>>, vector<1x256x8xf32>
    %swap3A_191 = vector.shape_cast %swap3A_190 : vector<1x256x8xf32> to vector<256x8xf32>
    %swap3A_192 = vector.shape_cast %broadcast_in_dim3A_186 : vector<256x8xf32> to vector<1x256x8xf32>
    tpu.vector_store %arg2[%swap3A_187, %swap3A_188, %swap3A_189], %swap3A_192 {strides = array<i32>} : memref<1x2048x128xf32, #tpu.memory_space<vmem>>, vector<1x256x8xf32>,
    %get3A_193 = arith.constant 0 : index
    %get3A_194 = arith.constant 512 : index
    %get3A_195 = arith.constant 0 : index
    %get3A_196 = vector.load %arg1[%get3A_193, %get3A_194, %get3A_195] : memref<1x2048x128xf32, #tpu.memory_space<vmem>>, vector<1x256x64xf32>
    %get3A_197 = vector.shape_cast %get3A_196 : vector<1x256x64xf32> to vector<256x64xf32>
    %get3A_198 = arith.constant 512 : index
    %get3A_199 = arith.constant 0 : index
    %get3A_200 = vector.load %arg3[%get3A_198, %get3A_199] : memref<2112x64xf32, #tpu.memory_space<vmem>>, vector<320x64xf32>
    %get3A_201 = arith.constant 512 : index
    %get3A_202 = arith.constant 0 : index
    %get3A_203 = vector.load %arg4[%get3A_201, %get3A_202] : memref<2112x64xf32, #tpu.memory_space<vmem>>, vector<320x64xf32>
    %dot_general3A_204 = arith.constant dense<0.000000e+00> : vector<256x320xf32>
    %dot_general3A_205 = tpu.matmul %get3A_197, %get3A_200, %dot_general3A_204 {dimension_numbers = #tpu.dot_dimension_numbers<[1], [1], [0], [0], [0, 0, 1, 0], [], []>, transpose_lhs_hint = false} : vector<256x64xf32>, vector<320x64xf32>, vector<256x320xf32> -> vector<256x320xf32>
    %mul3A_206 = arith.constant 1.250000e-01 : f32
    %mul3A_207 = vector.broadcast %mul3A_206 : f32 to vector<256x320xf32>
    %mul3A_208 = arith.mulf %dot_general3A_205, %mul3A_207 : vector<256x320xf32>
    %add3A_209 = arith.addf %mul3A_208, %select_n3A_98 : vector<256x320xf32>
    %reduce_max3A_210 = arith.constant dense<0xFF800000> : vector<256xf32>
    %reduce_max3A_211 = vector.multi_reduction <maximumf>, %add3A_209, %reduce_max3A_210 [1] : vector<256x320xf32> to vector<256xf32>
    %broadcast_in_dim3A_212 = vector.shape_cast %reduce_max3A_211 : vector<256xf32> to vector<256x1xf32>
    %sub3A_213 = vector.broadcast %broadcast_in_dim3A_212 : vector<256x1xf32> to vector<256x320xf32>
    %sub3A_214 = arith.subf %add3A_209, %sub3A_213 : vector<256x320xf32>
    %exp3A_215 = math.exp %sub3A_214 : vector<256x320xf32>
    %reduce_sum3A_216 = arith.constant dense<0.000000e+00> : vector<256xf32>
    %reduce_sum3A_217 = vector.multi_reduction <add>, %exp3A_215, %reduce_sum3A_216 [1] : vector<256x320xf32> to vector<256xf32>
    %broadcast_in_dim3A_218 = vector.shape_cast %reduce_sum3A_217 : vector<256xf32> to vector<256x1xf32>
    %div3A_219 = arith.constant 1.000000e+00 : f32
    %div3A_220 = vector.broadcast %div3A_219 : f32 to vector<256x1xf32>
    %div3A_221 = arith.divf %div3A_220, %broadcast_in_dim3A_218 : vector<256x1xf32>
    %log3A_222 = math.log %broadcast_in_dim3A_218 : vector<256x1xf32>
    %add3A_223 = arith.addf %broadcast_in_dim3A_212, %log3A_222 : vector<256x1xf32>
    %dot_general3A_224 = arith.constant dense<0.000000e+00> : vector<256x64xf32>
    %dot_general3A_225 = tpu.matmul %exp3A_215, %get3A_203, %dot_general3A_224 {dimension_numbers = #tpu.dot_dimension_numbers<[1], [0], [0], [1], [0, 0, 1, 1], [], []>, transpose_lhs_hint = false} : vector<256x320xf32>, vector<320x64xf32>, vector<256x64xf32> -> vector<256x64xf32>
    %mul3A_226 = vector.broadcast %div3A_221 : vector<256x1xf32> to vector<256x64xf32>
    %mul3A_227 = arith.mulf %dot_general3A_225, %mul3A_226 : vector<256x64xf32>
    %swap3A_228 = arith.constant 0 : index
    %swap3A_229 = arith.constant 512 : index
    %swap3A_230 = arith.constant 0 : index
    %swap3A_231 = vector.load %arg2[%swap3A_228, %swap3A_229, %swap3A_230] : memref<1x2048x128xf32, #tpu.memory_space<vmem>>, vector<1x256x64xf32>
    %swap3A_232 = vector.shape_cast %swap3A_231 : vector<1x256x64xf32> to vector<256x64xf32>
    %swap3A_233 = vector.shape_cast %mul3A_227 : vector<256x64xf32> to vector<1x256x64xf32>
    tpu.vector_store %arg2[%swap3A_228, %swap3A_229, %swap3A_230], %swap3A_233 {strides = array<i32>} : memref<1x2048x128xf32, #tpu.memory_space<vmem>>, vector<1x256x64xf32>,
    %broadcast_in_dim3A_234 = vector.shape_cast %add3A_223 : vector<256x1xf32> to vector<256x1xf32>
    %broadcast_in_dim3A_235 = vector.broadcast %broadcast_in_dim3A_234 : vector<256x1xf32> to vector<256x8xf32>
    %swap3A_236 = arith.constant 0 : index
    %swap3A_237 = arith.constant 512 : index
    %swap3A_238 = arith.constant 64 : index
    %swap3A_239 = vector.load %arg2[%swap3A_236, %swap3A_237, %swap3A_238] : memref<1x2048x128xf32, #tpu.memory_space<vmem>>, vector<1x256x8xf32>
    %swap3A_240 = vector.shape_cast %swap3A_239 : vector<1x256x8xf32> to vector<256x8xf32>
    %swap3A_241 = vector.shape_cast %broadcast_in_dim3A_235 : vector<256x8xf32> to vector<1x256x8xf32>
    tpu.vector_store %arg2[%swap3A_236, %swap3A_237, %swap3A_238], %swap3A_241 {strides = array<i32>} : memref<1x2048x128xf32, #tpu.memory_space<vmem>>, vector<1x256x8xf32>,
    %get3A_242 = arith.constant 0 : index
    %get3A_243 = arith.constant 768 : index
    %get3A_244 = arith.constant 0 : index
    %get3A_245 = vector.load %arg1[%get3A_242, %get3A_243, %get3A_244] : memref<1x2048x128xf32, #tpu.memory_space<vmem>>, vector<1x256x64xf32>
    %get3A_246 = vector.shape_cast %get3A_245 : vector<1x256x64xf32> to vector<256x64xf32>
    %get3A_247 = arith.constant 768 : index
    %get3A_248 = arith.constant 0 : index
    %get3A_249 = vector.load %arg3[%get3A_247, %get3A_248] : memref<2112x64xf32, #tpu.memory_space<vmem>>, vector<320x64xf32>
    %get3A_250 = arith.constant 768 : index
    %get3A_251 = arith.constant 0 : index
    %get3A_252 = vector.load %arg4[%get3A_250, %get3A_251] : memref<2112x64xf32, #tpu.memory_space<vmem>>, vector<320x64xf32>
    %dot_general3A_253 = arith.constant dense<0.000000e+00> : vector<256x320xf32>
    %dot_general3A_254 = tpu.matmul %get3A_246, %get3A_249, %dot_general3A_253 {dimension_numbers = #tpu.dot_dimension_numbers<[1], [1], [0], [0], [0, 0, 1, 0], [], []>, transpose_lhs_hint = false} : vector<256x64xf32>, vector<320x64xf32>, vector<256x320xf32> -> vector<256x320xf32>
    %mul3A_255 = arith.constant 1.250000e-01 : f32
    %mul3A_256 = vector.broadcast %mul3A_255 : f32 to vector<256x320xf32>
    %mul3A_257 = arith.mulf %dot_general3A_254, %mul3A_256 : vector<256x320xf32>
    %add3A_258 = arith.addf %mul3A_257, %select_n3A_98 : vector<256x320xf32>
    %reduce_max3A_259 = arith.constant dense<0xFF800000> : vector<256xf32>
    %reduce_max3A_260 = vector.multi_reduction <maximumf>, %add3A_258, %reduce_max3A_259 [1] : vector<256x320xf32> to vector<256xf32>
    %broadcast_in_dim3A_261 = vector.shape_cast %reduce_max3A_260 : vector<256xf32> to vector<256x1xf32>
    %sub3A_262 = vector.broadcast %broadcast_in_dim3A_261 : vector<256x1xf32> to vector<256x320xf32>
    %sub3A_263 = arith.subf %add3A_258, %sub3A_262 : vector<256x320xf32>
    %exp3A_264 = math.exp %sub3A_263 : vector<256x320xf32>
    %reduce_sum3A_265 = arith.constant dense<0.000000e+00> : vector<256xf32>
    %reduce_sum3A_266 = vector.multi_reduction <add>, %exp3A_264, %reduce_sum3A_265 [1] : vector<256x320xf32> to vector<256xf32>
    %broadcast_in_dim3A_267 = vector.shape_cast %reduce_sum3A_266 : vector<256xf32> to vector<256x1xf32>
    %div3A_268 = arith.constant 1.000000e+00 : f32
    %div3A_269 = vector.broadcast %div3A_268 : f32 to vector<256x1xf32>
    %div3A_270 = arith.divf %div3A_269, %broadcast_in_dim3A_267 : vector<256x1xf32>
    %log3A_271 = math.log %broadcast_in_dim3A_267 : vector<256x1xf32>
    %add3A_272 = arith.addf %broadcast_in_dim3A_261, %log3A_271 : vector<256x1xf32>
    %dot_general3A_273 = arith.constant dense<0.000000e+00> : vector<256x64xf32>
    %dot_general3A_274 = tpu.matmul %exp3A_264, %get3A_252, %dot_general3A_273 {dimension_numbers = #tpu.dot_dimension_numbers<[1], [0], [0], [1], [0, 0, 1, 1], [], []>, transpose_lhs_hint = false} : vector<256x320xf32>, vector<320x64xf32>, vector<256x64xf32> -> vector<256x64xf32>
    %mul3A_275 = vector.broadcast %div3A_270 : vector<256x1xf32> to vector<256x64xf32>
    %mul3A_276 = arith.mulf %dot_general3A_274, %mul3A_275 : vector<256x64xf32>
    %swap3A_277 = arith.constant 0 : index
    %swap3A_278 = arith.constant 768 : index
    %swap3A_279 = arith.constant 0 : index
    %swap3A_280 = vector.load %arg2[%swap3A_277, %swap3A_278, %swap3A_279] : memref<1x2048x128xf32, #tpu.memory_space<vmem>>, vector<1x256x64xf32>
    %swap3A_281 = vector.shape_cast %swap3A_280 : vector<1x256x64xf32> to vector<256x64xf32>
    %swap3A_282 = vector.shape_cast %mul3A_276 : vector<256x64xf32> to vector<1x256x64xf32>
    tpu.vector_store %arg2[%swap3A_277, %swap3A_278, %swap3A_279], %swap3A_282 {strides = array<i32>} : memref<1x2048x128xf32, #tpu.memory_space<vmem>>, vector<1x256x64xf32>,
    %broadcast_in_dim3A_283 = vector.shape_cast %add3A_272 : vector<256x1xf32> to vector<256x1xf32>
    %broadcast_in_dim3A_284 = vector.broadcast %broadcast_in_dim3A_283 : vector<256x1xf32> to vector<256x8xf32>
    %swap3A_285 = arith.constant 0 : index
    %swap3A_286 = arith.constant 768 : index
    %swap3A_287 = arith.constant 64 : index
    %swap3A_288 = vector.load %arg2[%swap3A_285, %swap3A_286, %swap3A_287] : memref<1x2048x128xf32, #tpu.memory_space<vmem>>, vector<1x256x8xf32>
    %swap3A_289 = vector.shape_cast %swap3A_288 : vector<1x256x8xf32> to vector<256x8xf32>
    %swap3A_290 = vector.shape_cast %broadcast_in_dim3A_284 : vector<256x8xf32> to vector<1x256x8xf32>
    tpu.vector_store %arg2[%swap3A_285, %swap3A_286, %swap3A_287], %swap3A_290 {strides = array<i32>} : memref<1x2048x128xf32, #tpu.memory_space<vmem>>, vector<1x256x8xf32>,
    %get3A_291 = arith.constant 0 : index
    %get3A_292 = arith.constant 1024 : index
    %get3A_293 = arith.constant 0 : index
    %get3A_294 = vector.load %arg1[%get3A_291, %get3A_292, %get3A_293] : memref<1x2048x128xf32, #tpu.memory_space<vmem>>, vector<1x256x64xf32>
    %get3A_295 = vector.shape_cast %get3A_294 : vector<1x256x64xf32> to vector<256x64xf32>
    %get3A_296 = arith.constant 1024 : index
    %get3A_297 = arith.constant 0 : index
    %get3A_298 = vector.load %arg3[%get3A_296, %get3A_297] : memref<2112x64xf32, #tpu.memory_space<vmem>>, vector<320x64xf32>
    %get3A_299 = arith.constant 1024 : index
    %get3A_300 = arith.constant 0 : index
    %get3A_301 = vector.load %arg4[%get3A_299, %get3A_300] : memref<2112x64xf32, #tpu.memory_space<vmem>>, vector<320x64xf32>
    %dot_general3A_302 = arith.constant dense<0.000000e+00> : vector<256x320xf32>
    %dot_general3A_303 = tpu.matmul %get3A_295, %get3A_298, %dot_general3A_302 {dimension_numbers = #tpu.dot_dimension_numbers<[1], [1], [0], [0], [0, 0, 1, 0], [], []>, transpose_lhs_hint = false} : vector<256x64xf32>, vector<320x64xf32>, vector<256x320xf32> -> vector<256x320xf32>
    %mul3A_304 = arith.constant 1.250000e-01 : f32
    %mul3A_305 = vector.broadcast %mul3A_304 : f32 to vector<256x320xf32>
    %mul3A_306 = arith.mulf %dot_general3A_303, %mul3A_305 : vector<256x320xf32>
    %add3A_307 = arith.addf %mul3A_306, %select_n3A_98 : vector<256x320xf32>
    %reduce_max3A_308 = arith.constant dense<0xFF800000> : vector<256xf32>
    %reduce_max3A_309 = vector.multi_reduction <maximumf>, %add3A_307, %reduce_max3A_308 [1] : vector<256x320xf32> to vector<256xf32>
    %broadcast_in_dim3A_310 = vector.shape_cast %reduce_max3A_309 : vector<256xf32> to vector<256x1xf32>
    %sub3A_311 = vector.broadcast %broadcast_in_dim3A_310 : vector<256x1xf32> to vector<256x320xf32>
    %sub3A_312 = arith.subf %add3A_307, %sub3A_311 : vector<256x320xf32>
    %exp3A_313 = math.exp %sub3A_312 : vector<256x320xf32>
    %reduce_sum3A_314 = arith.constant dense<0.000000e+00> : vector<256xf32>
    %reduce_sum3A_315 = vector.multi_reduction <add>, %exp3A_313, %reduce_sum3A_314 [1] : vector<256x320xf32> to vector<256xf32>
    %broadcast_in_dim3A_316 = vector.shape_cast %reduce_sum3A_315 : vector<256xf32> to vector<256x1xf32>
    %div3A_317 = arith.constant 1.000000e+00 : f32
    %div3A_318 = vector.broadcast %div3A_317 : f32 to vector<256x1xf32>
    %div3A_319 = arith.divf %div3A_318, %broadcast_in_dim3A_316 : vector<256x1xf32>
    %log3A_320 = math.log %broadcast_in_dim3A_316 : vector<256x1xf32>
    %add3A_321 = arith.addf %broadcast_in_dim3A_310, %log3A_320 : vector<256x1xf32>
    %dot_general3A_322 = arith.constant dense<0.000000e+00> : vector<256x64xf32>
    %dot_general3A_323 = tpu.matmul %exp3A_313, %get3A_301, %dot_general3A_322 {dimension_numbers = #tpu.dot_dimension_numbers<[1], [0], [0], [1], [0, 0, 1, 1], [], []>, transpose_lhs_hint = false} : vector<256x320xf32>, vector<320x64xf32>, vector<256x64xf32> -> vector<256x64xf32>
    %mul3A_324 = vector.broadcast %div3A_319 : vector<256x1xf32> to vector<256x64xf32>
    %mul3A_325 = arith.mulf %dot_general3A_323, %mul3A_324 : vector<256x64xf32>
    %swap3A_326 = arith.constant 0 : index
    %swap3A_327 = arith.constant 1024 : index
    %swap3A_328 = arith.constant 0 : index
    %swap3A_329 = vector.load %arg2[%swap3A_326, %swap3A_327, %swap3A_328] : memref<1x2048x128xf32, #tpu.memory_space<vmem>>, vector<1x256x64xf32>
    %swap3A_330 = vector.shape_cast %swap3A_329 : vector<1x256x64xf32> to vector<256x64xf32>
    %swap3A_331 = vector.shape_cast %mul3A_325 : vector<256x64xf32> to vector<1x256x64xf32>
    tpu.vector_store %arg2[%swap3A_326, %swap3A_327, %swap3A_328], %swap3A_331 {strides = array<i32>} : memref<1x2048x128xf32, #tpu.memory_space<vmem>>, vector<1x256x64xf32>,
    %broadcast_in_dim3A_332 = vector.shape_cast %add3A_321 : vector<256x1xf32> to vector<256x1xf32>
    %broadcast_in_dim3A_333 = vector.broadcast %broadcast_in_dim3A_332 : vector<256x1xf32> to vector<256x8xf32>
    %swap3A_334 = arith.constant 0 : index
    %swap3A_335 = arith.constant 1024 : index
    %swap3A_336 = arith.constant 64 : index
    %swap3A_337 = vector.load %arg2[%swap3A_334, %swap3A_335, %swap3A_336] : memref<1x2048x128xf32, #tpu.memory_space<vmem>>, vector<1x256x8xf32>
    %swap3A_338 = vector.shape_cast %swap3A_337 : vector<1x256x8xf32> to vector<256x8xf32>
    %swap3A_339 = vector.shape_cast %broadcast_in_dim3A_333 : vector<256x8xf32> to vector<1x256x8xf32>
    tpu.vector_store %arg2[%swap3A_334, %swap3A_335, %swap3A_336], %swap3A_339 {strides = array<i32>} : memref<1x2048x128xf32, #tpu.memory_space<vmem>>, vector<1x256x8xf32>,
    %get3A_340 = arith.constant 0 : index
    %get3A_341 = arith.constant 1280 : index
    %get3A_342 = arith.constant 0 : index
    %get3A_343 = vector.load %arg1[%get3A_340, %get3A_341, %get3A_342] : memref<1x2048x128xf32, #tpu.memory_space<vmem>>, vector<1x256x64xf32>
    %get3A_344 = vector.shape_cast %get3A_343 : vector<1x256x64xf32> to vector<256x64xf32>
    %get3A_345 = arith.constant 1280 : index
    %get3A_346 = arith.constant 0 : index
    %get3A_347 = vector.load %arg3[%get3A_345, %get3A_346] : memref<2112x64xf32, #tpu.memory_space<vmem>>, vector<320x64xf32>
    %get3A_348 = arith.constant 1280 : index
    %get3A_349 = arith.constant 0 : index
    %get3A_350 = vector.load %arg4[%get3A_348, %get3A_349] : memref<2112x64xf32, #tpu.memory_space<vmem>>, vector<320x64xf32>
    %dot_general3A_351 = arith.constant dense<0.000000e+00> : vector<256x320xf32>
    %dot_general3A_352 = tpu.matmul %get3A_344, %get3A_347, %dot_general3A_351 {dimension_numbers = #tpu.dot_dimension_numbers<[1], [1], [0], [0], [0, 0, 1, 0], [], []>, transpose_lhs_hint = false} : vector<256x64xf32>, vector<320x64xf32>, vector<256x320xf32> -> vector<256x320xf32>
    %mul3A_353 = arith.constant 1.250000e-01 : f32
    %mul3A_354 = vector.broadcast %mul3A_353 : f32 to vector<256x320xf32>
    %mul3A_355 = arith.mulf %dot_general3A_352, %mul3A_354 : vector<256x320xf32>
    %add3A_356 = arith.addf %mul3A_355, %select_n3A_98 : vector<256x320xf32>
    %reduce_max3A_357 = arith.constant dense<0xFF800000> : vector<256xf32>
    %reduce_max3A_358 = vector.multi_reduction <maximumf>, %add3A_356, %reduce_max3A_357 [1] : vector<256x320xf32> to vector<256xf32>
    %broadcast_in_dim3A_359 = vector.shape_cast %reduce_max3A_358 : vector<256xf32> to vector<256x1xf32>
    %sub3A_360 = vector.broadcast %broadcast_in_dim3A_359 : vector<256x1xf32> to vector<256x320xf32>
    %sub3A_361 = arith.subf %add3A_356, %sub3A_360 : vector<256x320xf32>
    %exp3A_362 = math.exp %sub3A_361 : vector<256x320xf32>
    %reduce_sum3A_363 = arith.constant dense<0.000000e+00> : vector<256xf32>
    %reduce_sum3A_364 = vector.multi_reduction <add>, %exp3A_362, %reduce_sum3A_363 [1] : vector<256x320xf32> to vector<256xf32>
    %broadcast_in_dim3A_365 = vector.shape_cast %reduce_sum3A_364 : vector<256xf32> to vector<256x1xf32>
    %div3A_366 = arith.constant 1.000000e+00 : f32
    %div3A_367 = vector.broadcast %div3A_366 : f32 to vector<256x1xf32>
    %div3A_368 = arith.divf %div3A_367, %broadcast_in_dim3A_365 : vector<256x1xf32>
    %log3A_369 = math.log %broadcast_in_dim3A_365 : vector<256x1xf32>
    %add3A_370 = arith.addf %broadcast_in_dim3A_359, %log3A_369 : vector<256x1xf32>
    %dot_general3A_371 = arith.constant dense<0.000000e+00> : vector<256x64xf32>
    %dot_general3A_372 = tpu.matmul %exp3A_362, %get3A_350, %dot_general3A_371 {dimension_numbers = #tpu.dot_dimension_numbers<[1], [0], [0], [1], [0, 0, 1, 1], [], []>, transpose_lhs_hint = false} : vector<256x320xf32>, vector<320x64xf32>, vector<256x64xf32> -> vector<256x64xf32>
    %mul3A_373 = vector.broadcast %div3A_368 : vector<256x1xf32> to vector<256x64xf32>
    %mul3A_374 = arith.mulf %dot_general3A_372, %mul3A_373 : vector<256x64xf32>
    %swap3A_375 = arith.constant 0 : index
    %swap3A_376 = arith.constant 1280 : index
    %swap3A_377 = arith.constant 0 : index
    %swap3A_378 = vector.load %arg2[%swap3A_375, %swap3A_376, %swap3A_377] : memref<1x2048x128xf32, #tpu.memory_space<vmem>>, vector<1x256x64xf32>
    %swap3A_379 = vector.shape_cast %swap3A_378 : vector<1x256x64xf32> to vector<256x64xf32>
    %swap3A_380 = vector.shape_cast %mul3A_374 : vector<256x64xf32> to vector<1x256x64xf32>
    tpu.vector_store %arg2[%swap3A_375, %swap3A_376, %swap3A_377], %swap3A_380 {strides = array<i32>} : memref<1x2048x128xf32, #tpu.memory_space<vmem>>, vector<1x256x64xf32>,
    %broadcast_in_dim3A_381 = vector.shape_cast %add3A_370 : vector<256x1xf32> to vector<256x1xf32>
    %broadcast_in_dim3A_382 = vector.broadcast %broadcast_in_dim3A_381 : vector<256x1xf32> to vector<256x8xf32>
    %swap3A_383 = arith.constant 0 : index
    %swap3A_384 = arith.constant 1280 : index
    %swap3A_385 = arith.constant 64 : index
    %swap3A_386 = vector.load %arg2[%swap3A_383, %swap3A_384, %swap3A_385] : memref<1x2048x128xf32, #tpu.memory_space<vmem>>, vector<1x256x8xf32>
    %swap3A_387 = vector.shape_cast %swap3A_386 : vector<1x256x8xf32> to vector<256x8xf32>
    %swap3A_388 = vector.shape_cast %broadcast_in_dim3A_382 : vector<256x8xf32> to vector<1x256x8xf32>
    tpu.vector_store %arg2[%swap3A_383, %swap3A_384, %swap3A_385], %swap3A_388 {strides = array<i32>} : memref<1x2048x128xf32, #tpu.memory_space<vmem>>, vector<1x256x8xf32>,
    %get3A_389 = arith.constant 0 : index
    %get3A_390 = arith.constant 1536 : index
    %get3A_391 = arith.constant 0 : index
    %get3A_392 = vector.load %arg1[%get3A_389, %get3A_390, %get3A_391] : memref<1x2048x128xf32, #tpu.memory_space<vmem>>, vector<1x256x64xf32>
    %get3A_393 = vector.shape_cast %get3A_392 : vector<1x256x64xf32> to vector<256x64xf32>
    %get3A_394 = arith.constant 1536 : index
    %get3A_395 = arith.constant 0 : index
    %get3A_396 = vector.load %arg3[%get3A_394, %get3A_395] : memref<2112x64xf32, #tpu.memory_space<vmem>>, vector<320x64xf32>
    %get3A_397 = arith.constant 1536 : index
    %get3A_398 = arith.constant 0 : index
    %get3A_399 = vector.load %arg4[%get3A_397, %get3A_398] : memref<2112x64xf32, #tpu.memory_space<vmem>>, vector<320x64xf32>
    %dot_general3A_400 = arith.constant dense<0.000000e+00> : vector<256x320xf32>
    %dot_general3A_401 = tpu.matmul %get3A_393, %get3A_396, %dot_general3A_400 {dimension_numbers = #tpu.dot_dimension_numbers<[1], [1], [0], [0], [0, 0, 1, 0], [], []>, transpose_lhs_hint = false} : vector<256x64xf32>, vector<320x64xf32>, vector<256x320xf32> -> vector<256x320xf32>
    %mul3A_402 = arith.constant 1.250000e-01 : f32
    %mul3A_403 = vector.broadcast %mul3A_402 : f32 to vector<256x320xf32>
    %mul3A_404 = arith.mulf %dot_general3A_401, %mul3A_403 : vector<256x320xf32>
    %add3A_405 = arith.addf %mul3A_404, %select_n3A_98 : vector<256x320xf32>
    %reduce_max3A_406 = arith.constant dense<0xFF800000> : vector<256xf32>
    %reduce_max3A_407 = vector.multi_reduction <maximumf>, %add3A_405, %reduce_max3A_406 [1] : vector<256x320xf32> to vector<256xf32>
    %broadcast_in_dim3A_408 = vector.shape_cast %reduce_max3A_407 : vector<256xf32> to vector<256x1xf32>
    %sub3A_409 = vector.broadcast %broadcast_in_dim3A_408 : vector<256x1xf32> to vector<256x320xf32>
    %sub3A_410 = arith.subf %add3A_405, %sub3A_409 : vector<256x320xf32>
    %exp3A_411 = math.exp %sub3A_410 : vector<256x320xf32>
    %reduce_sum3A_412 = arith.constant dense<0.000000e+00> : vector<256xf32>
    %reduce_sum3A_413 = vector.multi_reduction <add>, %exp3A_411, %reduce_sum3A_412 [1] : vector<256x320xf32> to vector<256xf32>
    %broadcast_in_dim3A_414 = vector.shape_cast %reduce_sum3A_413 : vector<256xf32> to vector<256x1xf32>
    %div3A_415 = arith.constant 1.000000e+00 : f32
    %div3A_416 = vector.broadcast %div3A_415 : f32 to vector<256x1xf32>
    %div3A_417 = arith.divf %div3A_416, %broadcast_in_dim3A_414 : vector<256x1xf32>
    %log3A_418 = math.log %broadcast_in_dim3A_414 : vector<256x1xf32>
    %add3A_419 = arith.addf %broadcast_in_dim3A_408, %log3A_418 : vector<256x1xf32>
    %dot_general3A_420 = arith.constant dense<0.000000e+00> : vector<256x64xf32>
    %dot_general3A_421 = tpu.matmul %exp3A_411, %get3A_399, %dot_general3A_420 {dimension_numbers = #tpu.dot_dimension_numbers<[1], [0], [0], [1], [0, 0, 1, 1], [], []>, transpose_lhs_hint = false} : vector<256x320xf32>, vector<320x64xf32>, vector<256x64xf32> -> vector<256x64xf32>
    %mul3A_422 = vector.broadcast %div3A_417 : vector<256x1xf32> to vector<256x64xf32>
    %mul3A_423 = arith.mulf %dot_general3A_421, %mul3A_422 : vector<256x64xf32>
    %swap3A_424 = arith.constant 0 : index
    %swap3A_425 = arith.constant 1536 : index
    %swap3A_426 = arith.constant 0 : index
    %swap3A_427 = vector.load %arg2[%swap3A_424, %swap3A_425, %swap3A_426] : memref<1x2048x128xf32, #tpu.memory_space<vmem>>, vector<1x256x64xf32>
    %swap3A_428 = vector.shape_cast %swap3A_427 : vector<1x256x64xf32> to vector<256x64xf32>
    %swap3A_429 = vector.shape_cast %mul3A_423 : vector<256x64xf32> to vector<1x256x64xf32>
    tpu.vector_store %arg2[%swap3A_424, %swap3A_425, %swap3A_426], %swap3A_429 {strides = array<i32>} : memref<1x2048x128xf32, #tpu.memory_space<vmem>>, vector<1x256x64xf32>,
    %broadcast_in_dim3A_430 = vector.shape_cast %add3A_419 : vector<256x1xf32> to vector<256x1xf32>
    %broadcast_in_dim3A_431 = vector.broadcast %broadcast_in_dim3A_430 : vector<256x1xf32> to vector<256x8xf32>
    %swap3A_432 = arith.constant 0 : index
    %swap3A_433 = arith.constant 1536 : index
    %swap3A_434 = arith.constant 64 : index
    %swap3A_435 = vector.load %arg2[%swap3A_432, %swap3A_433, %swap3A_434] : memref<1x2048x128xf32, #tpu.memory_space<vmem>>, vector<1x256x8xf32>
    %swap3A_436 = vector.shape_cast %swap3A_435 : vector<1x256x8xf32> to vector<256x8xf32>
    %swap3A_437 = vector.shape_cast %broadcast_in_dim3A_431 : vector<256x8xf32> to vector<1x256x8xf32>
    tpu.vector_store %arg2[%swap3A_432, %swap3A_433, %swap3A_434], %swap3A_437 {strides = array<i32>} : memref<1x2048x128xf32, #tpu.memory_space<vmem>>, vector<1x256x8xf32>,
    %get3A_438 = arith.constant 0 : index
    %get3A_439 = arith.constant 1792 : index
    %get3A_440 = arith.constant 0 : index
    %get3A_441 = vector.load %arg1[%get3A_438, %get3A_439, %get3A_440] : memref<1x2048x128xf32, #tpu.memory_space<vmem>>, vector<1x256x64xf32>
    %get3A_442 = vector.shape_cast %get3A_441 : vector<1x256x64xf32> to vector<256x64xf32>
    %get3A_443 = arith.constant 1792 : index
    %get3A_444 = arith.constant 0 : index
    %get3A_445 = vector.load %arg3[%get3A_443, %get3A_444] : memref<2112x64xf32, #tpu.memory_space<vmem>>, vector<320x64xf32>
    %get3A_446 = arith.constant 1792 : index
    %get3A_447 = arith.constant 0 : index
    %get3A_448 = vector.load %arg4[%get3A_446, %get3A_447] : memref<2112x64xf32, #tpu.memory_space<vmem>>, vector<320x64xf32>
    %dot_general3A_449 = arith.constant dense<0.000000e+00> : vector<256x320xf32>
    %dot_general3A_450 = tpu.matmul %get3A_442, %get3A_445, %dot_general3A_449 {dimension_numbers = #tpu.dot_dimension_numbers<[1], [1], [0], [0], [0, 0, 1, 0], [], []>, transpose_lhs_hint = false} : vector<256x64xf32>, vector<320x64xf32>, vector<256x320xf32> -> vector<256x320xf32>
    %mul3A_451 = arith.constant 1.250000e-01 : f32
    %mul3A_452 = vector.broadcast %mul3A_451 : f32 to vector<256x320xf32>
    %mul3A_453 = arith.mulf %dot_general3A_450, %mul3A_452 : vector<256x320xf32>
    %add3A_454 = arith.addf %mul3A_453, %select_n3A_98 : vector<256x320xf32>
    %reduce_max3A_455 = arith.constant dense<0xFF800000> : vector<256xf32>
    %reduce_max3A_456 = vector.multi_reduction <maximumf>, %add3A_454, %reduce_max3A_455 [1] : vector<256x320xf32> to vector<256xf32>
    %broadcast_in_dim3A_457 = vector.shape_cast %reduce_max3A_456 : vector<256xf32> to vector<256x1xf32>
    %sub3A_458 = vector.broadcast %broadcast_in_dim3A_457 : vector<256x1xf32> to vector<256x320xf32>
    %sub3A_459 = arith.subf %add3A_454, %sub3A_458 : vector<256x320xf32>
    %exp3A_460 = math.exp %sub3A_459 : vector<256x320xf32>
    %reduce_sum3A_461 = arith.constant dense<0.000000e+00> : vector<256xf32>
    %reduce_sum3A_462 = vector.multi_reduction <add>, %exp3A_460, %reduce_sum3A_461 [1] : vector<256x320xf32> to vector<256xf32>
    %broadcast_in_dim3A_463 = vector.shape_cast %reduce_sum3A_462 : vector<256xf32> to vector<256x1xf32>
    %div3A_464 = arith.constant 1.000000e+00 : f32
    %div3A_465 = vector.broadcast %div3A_464 : f32 to vector<256x1xf32>
    %div3A_466 = arith.divf %div3A_465, %broadcast_in_dim3A_463 : vector<256x1xf32>
    %log3A_467 = math.log %broadcast_in_dim3A_463 : vector<256x1xf32>
    %add3A_468 = arith.addf %broadcast_in_dim3A_457, %log3A_467 : vector<256x1xf32>
    %dot_general3A_469 = arith.constant dense<0.000000e+00> : vector<256x64xf32>
    %dot_general3A_470 = tpu.matmul %exp3A_460, %get3A_448, %dot_general3A_469 {dimension_numbers = #tpu.dot_dimension_numbers<[1], [0], [0], [1], [0, 0, 1, 1], [], []>, transpose_lhs_hint = false} : vector<256x320xf32>, vector<320x64xf32>, vector<256x64xf32> -> vector<256x64xf32>
    %mul3A_471 = vector.broadcast %div3A_466 : vector<256x1xf32> to vector<256x64xf32>
    %mul3A_472 = arith.mulf %dot_general3A_470, %mul3A_471 : vector<256x64xf32>
    %swap3A_473 = arith.constant 0 : index
    %swap3A_474 = arith.constant 1792 : index
    %swap3A_475 = arith.constant 0 : index
    %swap3A_476 = vector.load %arg2[%swap3A_473, %swap3A_474, %swap3A_475] : memref<1x2048x128xf32, #tpu.memory_space<vmem>>, vector<1x256x64xf32>
    %swap3A_477 = vector.shape_cast %swap3A_476 : vector<1x256x64xf32> to vector<256x64xf32>
    %swap3A_478 = vector.shape_cast %mul3A_472 : vector<256x64xf32> to vector<1x256x64xf32>
    tpu.vector_store %arg2[%swap3A_473, %swap3A_474, %swap3A_475], %swap3A_478 {strides = array<i32>} : memref<1x2048x128xf32, #tpu.memory_space<vmem>>, vector<1x256x64xf32>,
    %broadcast_in_dim3A_479 = vector.shape_cast %add3A_468 : vector<256x1xf32> to vector<256x1xf32>
    %broadcast_in_dim3A_480 = vector.broadcast %broadcast_in_dim3A_479 : vector<256x1xf32> to vector<256x8xf32>
    %swap3A_481 = arith.constant 0 : index
    %swap3A_482 = arith.constant 1792 : index
    %swap3A_483 = arith.constant 64 : index
    %swap3A_484 = vector.load %arg2[%swap3A_481, %swap3A_482, %swap3A_483] : memref<1x2048x128xf32, #tpu.memory_space<vmem>>, vector<1x256x8xf32>
    %swap3A_485 = vector.shape_cast %swap3A_484 : vector<1x256x8xf32> to vector<256x8xf32>
    %swap3A_486 = vector.shape_cast %broadcast_in_dim3A_480 : vector<256x8xf32> to vector<1x256x8xf32>
    tpu.vector_store %arg2[%swap3A_481, %swap3A_482, %swap3A_483], %swap3A_486 {strides = array<i32>} : memref<1x2048x128xf32, #tpu.memory_space<vmem>>, vector<1x256x8xf32>,
    return
  }
  func.func @transform_0(%arg0: i32) -> (i32, i32, i32) {
    %c0_i32 = arith.constant 0 : i32
    %c0_i32_0 = arith.constant 0 : i32
    %c0_i32_1 = arith.constant 0 : i32
    return %arg0, %c0_i32, %c0_i32_0 : i32, i32, i32
  }
  func.func @transform_1(%arg0: i32) -> (i32, i32, i32) {
    %c0_i32 = arith.constant 0 : i32
    %c0_i32_0 = arith.constant 0 : i32
    %c0_i32_1 = arith.constant 0 : i32
    return %arg0, %c0_i32, %c0_i32_0 : i32, i32, i32
  }
}

module attributes {stable_mosaic.version = 14 : i64} {
  func.func @_stage_e_body(%arg0: i32, %arg1: memref<4x1x2048x128xf32, #tpu.memory_space<vmem>>, %arg2: memref<4x1x2048x128xf32, #tpu.memory_space<vmem>>, %arg3: memref<1x2048x64xf32, #tpu.memory_space<vmem>>) attributes {dimension_semantics = [#tpu.dimension_semantics<arbitrary>], iteration_bounds = array<i64: 12>, scalar_prefetch = 0 : i64, scratch_operands = 0 : i64, tpu.core_type = #tpu.core_type<tc>, window_params = [{transform_indices = @transform_0, window_bounds = array<i64: 4, 1, 2048, 128>}, {transform_indices = @transform_1, window_bounds = array<i64: 4, 1, 2048, 128>}, {transform_indices = @transform_2, window_bounds = array<i64: 1, 2048, 64>}]} {
    %get3A = arith.constant 0 : index
    %get3A_0 = arith.constant 0 : index
    %get3A_1 = arith.constant 0 : index
    %get3A_2 = arith.constant 64 : index
    %get3A_3 = vector.load %arg1[%get3A, %get3A_0, %get3A_1, %get3A_2] : memref<4x1x2048x128xf32, #tpu.memory_space<vmem>>, vector<4x1x2048x1xf32>
    %get3A_4 = vector.shape_cast %get3A_3 : vector<4x1x2048x1xf32> to vector<4x2048x1xf32>
    %get3A_5 = arith.constant 0 : index
    %get3A_6 = arith.constant 0 : index
    %get3A_7 = arith.constant 0 : index
    %get3A_8 = arith.constant 64 : index
    %get3A_9 = vector.load %arg2[%get3A_5, %get3A_6, %get3A_7, %get3A_8] : memref<4x1x2048x128xf32, #tpu.memory_space<vmem>>, vector<4x1x2048x1xf32>
    %get3A_10 = vector.shape_cast %get3A_9 : vector<4x1x2048x1xf32> to vector<4x2048x1xf32>
    %concatenate3A = tpu.concatenate %get3A_4, %get3A_10 in 0 : vector<4x2048x1xf32>, vector<4x2048x1xf32> -> vector<8x2048x1xf32>
    %reduce_max3A = arith.constant dense<0xFF800000> : vector<2048x1xf32>
    %reduce_max3A_11 = vector.multi_reduction <maximumf>, %concatenate3A, %reduce_max3A [0] : vector<8x2048x1xf32> to vector<2048x1xf32>
    %broadcast_in_dim3A = vector.shape_cast %reduce_max3A_11 : vector<2048x1xf32> to vector<1x2048x1xf32>
    %sub3A = vector.broadcast %broadcast_in_dim3A : vector<1x2048x1xf32> to vector<8x2048x1xf32>
    %sub3A_12 = arith.subf %concatenate3A, %sub3A : vector<8x2048x1xf32>
    %exp3A = math.exp %sub3A_12 : vector<8x2048x1xf32>
    %reduce_sum3A = arith.constant dense<0.000000e+00> : vector<2048x1xf32>
    %reduce_sum3A_13 = vector.multi_reduction <add>, %exp3A, %reduce_sum3A [0] : vector<8x2048x1xf32> to vector<2048x1xf32>
    %broadcast_in_dim3A_14 = vector.shape_cast %reduce_sum3A_13 : vector<2048x1xf32> to vector<1x2048x1xf32>
    %div3A = vector.broadcast %broadcast_in_dim3A_14 : vector<1x2048x1xf32> to vector<8x2048x1xf32>
    %div3A_15 = arith.divf %exp3A, %div3A : vector<8x2048x1xf32>
    %get3A_16 = arith.constant 0 : index
    %get3A_17 = arith.constant 0 : index
    %get3A_18 = arith.constant 0 : index
    %get3A_19 = arith.constant 0 : index
    %get3A_20 = vector.load %arg1[%get3A_16, %get3A_17, %get3A_18, %get3A_19] : memref<4x1x2048x128xf32, #tpu.memory_space<vmem>>, vector<4x1x2048x64xf32>
    %get3A_21 = vector.shape_cast %get3A_20 : vector<4x1x2048x64xf32> to vector<4x2048x64xf32>
    %get3A_22 = arith.constant 0 : index
    %get3A_23 = arith.constant 0 : index
    %get3A_24 = arith.constant 0 : index
    %get3A_25 = arith.constant 0 : index
    %get3A_26 = vector.load %arg2[%get3A_22, %get3A_23, %get3A_24, %get3A_25] : memref<4x1x2048x128xf32, #tpu.memory_space<vmem>>, vector<4x1x2048x64xf32>
    %get3A_27 = vector.shape_cast %get3A_26 : vector<4x1x2048x64xf32> to vector<4x2048x64xf32>
    %concatenate3A_28 = tpu.concatenate %get3A_21, %get3A_27 in 0 : vector<4x2048x64xf32>, vector<4x2048x64xf32> -> vector<8x2048x64xf32>
    %mul3A = vector.broadcast %div3A_15 : vector<8x2048x1xf32> to vector<8x2048x64xf32>
    %mul3A_29 = arith.mulf %concatenate3A_28, %mul3A : vector<8x2048x64xf32>
    %reduce_sum3A_30 = arith.constant dense<0.000000e+00> : vector<2048x64xf32>
    %reduce_sum3A_31 = vector.multi_reduction <add>, %mul3A_29, %reduce_sum3A_30 [0] : vector<8x2048x64xf32> to vector<2048x64xf32>
    %swap3A = arith.constant 0 : index
    %swap3A_32 = arith.constant 0 : index
    %swap3A_33 = arith.constant 0 : index
    %swap3A_34 = vector.load %arg3[%swap3A, %swap3A_32, %swap3A_33] : memref<1x2048x64xf32, #tpu.memory_space<vmem>>, vector<1x2048x64xf32>
    %swap3A_35 = vector.shape_cast %swap3A_34 : vector<1x2048x64xf32> to vector<2048x64xf32>
    %swap3A_36 = vector.shape_cast %reduce_sum3A_31 : vector<2048x64xf32> to vector<1x2048x64xf32>
    tpu.vector_store %arg3[%swap3A, %swap3A_32, %swap3A_33], %swap3A_36 {strides = array<i32>} : memref<1x2048x64xf32, #tpu.memory_space<vmem>>, vector<1x2048x64xf32>,
    return
  }
  func.func @transform_0(%arg0: i32) -> (i32, i32, i32, i32) {
    %c0_i32 = arith.constant 0 : i32
    %c0_i32_0 = arith.constant 0 : i32
    %c0_i32_1 = arith.constant 0 : i32
    %c0_i32_2 = arith.constant 0 : i32
    return %c0_i32, %arg0, %c0_i32_0, %c0_i32_1 : i32, i32, i32, i32
  }
  func.func @transform_1(%arg0: i32) -> (i32, i32, i32, i32) {
    %c0_i32 = arith.constant 0 : i32
    %c0_i32_0 = arith.constant 0 : i32
    %c0_i32_1 = arith.constant 0 : i32
    %c0_i32_2 = arith.constant 0 : i32
    return %c0_i32, %arg0, %c0_i32_0, %c0_i32_1 : i32, i32, i32, i32
  }
  func.func @transform_2(%arg0: i32) -> (i32, i32, i32) {
    %c0_i32 = arith.constant 0 : i32
    %c0_i32_0 = arith.constant 0 : i32
    %c0_i32_1 = arith.constant 0 : i32
    return %arg0, %c0_i32, %c0_i32_0 : i32, i32, i32
  }
}

</mosaic_0001>

<sc_bundles>
// kernel: kernel.11.cloned.1.call-start
scs
__scs_entry_jumppad:
0x0: {  	(pc) =	sbr.rel $0x88, $3  }
0x1: {  	(tag) =	ssettag $0x0;
	lr =	simm.s32 $0x1  }
0x2: {  	[smem:$0x3F9F] =	sst lr;
	_ =	strace $0xD0000000  }
0x3: {  	_ = 	snop  }
0x4: {  	_ = 	snop  }
0x5: {  	_ = 	snop  }
0x6: {  	_ = 	snop  }
0x7: {  	_ = 	snop  }
__scs_overlays_trampoline_lowered:
0x8: {  	[smem:$0x3FAE] =	sst s0  }
0x9: {  	[smem:$0x3FAF] =	sst s1  }
0xa: {  	[smem:$0x3FB0] =	sst s2  }
0xb: {  	[smem:$0x3FB1] =	sst s3  }
0xc: {  	[smem:$0x3FB2] =	sst s4  }
0xd: {  	[smem:$0x3FB3] =	sst s5  }
0xe: {  	[smem:$0x3FB4] =	sst s6  }
0xf: {  	[smem:$0x3FB5] =	sst s7  }
0x10: {  	[smem:$0x3FB6] =	sst s8  }
0x11: {  	[smem:$0x3FB7] =	sst s9;
	s0 =	simm.s32 @!p0 $0x0  }
0x12: {  	s1 =	sld [smem:$0x3F9D];
	s0 =	simm.s32 @p0 $0x1  }
0x13: {  	[smem:$0x3FB8] =	sst s0;
	s0 =	simm.s32 @!p1 $0x0  }
0x14: {  	s2 =	sld [smem:$0x3F9C];
	s0 =	simm.s32 @p1 $0x1  }
0x15: {  	[smem:$0x3FB9] =	sst s0;
	s0 =	simm.s32 @!p2 $0x0  }
0x16: {  	s3 =	sld [smem:$0x3FDB];
	s0 =	simm.s32 @p2 $0x1  }
0x17: {  	s4 =	simm.s32 $0x1BF5;
	[smem:$0x3FBB] =	sst s0  }
0x18: {  	s0 =	sld [smem:$0x3F9E];
	_ =	swait.ge [sflag:s4], $0x0  }
0x19: {  	s7 =	sld [smem:$0x3F9F]  }
0x1a: {  	s8 =	sadd.s32 $0xFFFFE003, lr  }
0x1b: {  	s9 =	sadd.s32 $0xFFFFFEF7, lr;
	s5 =	simm.s32 $0xFFFFFFFF;
	p2 =	slt.u32 s8, $0xFFFFF086  }
0x1c: {  	p1 =	slt.u32 s9, $0xF7A;
	s5 =	simm.s32 @!p2 $0x0  }
0x1d: {  	s5 =	simm.s32 @p1 $0x1;
	p0 =	seq.s32 s7, s2  }
0x1e: {  	s7 =	smul.u32 @!p0 $0xF7A, s2;
	p2 =	seq.s32 @!p0 s5, $0x0  }
0x1f: {  	s9 =	smul.u32 $0xF7A, s1;
	s8 =	simm.s32 @!p0 $0x1BF5;
	p2 =	por !p2, p0  }
0x20: {  	[sflag:s8] =	ssyncset.s32 @!p0 $0xFFFFF086;
	s6 =	sadd.s32 @!p0 s3, s7;
	s7 =	simm.s32 @!p0 $0x108  }
0x21: {  	s3 =	sadd.s32 s3, s9;
	s6 =	sadd.s32 @!p0 $0x88, s6;
	s7 =	simm.s32 @p2 $0x1082  }
0x22: {  	[simem:s7], [sflag:s8] =	dma.local @!p0 [hbm:s6], $0xF7A  }
0x23: {  	s9 =	sor.u32 $0xD0000000, s2;
	s6 =	simm.s32 $0x108;
	_ =	swait.ge @!p0 [sflag:s8], $0x0  }
0x24: {  	s3 =	sadd.s32 $0x88, s3;
	s6 =	simm.s32 @!p1 $0x1082;
	[sflag:s4] =	ssyncset.s32 $0xFFFFF086  }
0x25: {  	[simem:s6], [sflag:s4] =	dma.local [hbm:s3], $0xF7A  }
0x26: {  	[smem:$0x3F9F] =	sst s1;
	(tag) =	ssettag s2;
	_ =	strace s9  }
0x27: {  	s1 =	sld [smem:$0x3FAF]  }
0x28: {  	s2 =	sld [smem:$0x3FB0]  }
0x29: {  	s4 =	sld [smem:$0x3FB2]  }
0x2a: {  	p0 =	seq.s32 s5, $0x0;
	s5 =	sld [smem:$0x3FB3]  }
0x2b: {  	s6 =	sld [smem:$0x3FB4]  }
0x2c: {  	s7 =	sld [smem:$0x3FB5]  }
0x2d: {  	s3 =	simm.s32 $0x108;
	s8 =	sld [smem:$0x3FB6]  }
0x2e: {  	s3 =	simm.s32 @!p0 $0x1082;
	s9 =	sld [smem:$0x3FB7]  }
0x2f: {  	lr =	sadd.s32 s0, s3;
	s0 =	sld [smem:$0x3FAE]  }
0x30: {  	s3 =	sld [smem:$0x3FB1]  }
0x31: {  	[smem:$0x3FBA] =	sst s10  }
0x32: {  	s10 =	sld [smem:$0x3FB8];
	_ =	sdelay $0x3  }
0x33: {  	p0 =	seq.s32 s10, $0x1;
	s10 =	sld [smem:$0x3FBA];
	_ =	sdelay $0x3  }
0x34: {  	[smem:$0x3FBA] =	sst s10  }
0x35: {  	s10 =	sld [smem:$0x3FB9];
	_ =	sdelay $0x3  }
0x36: {  	p1 =	seq.s32 s10, $0x1;
	s10 =	sld [smem:$0x3FBA];
	_ =	sdelay $0x3  }
0x37: {  	[smem:$0x3FBA] =	sst s10  }
0x38: {  	s10 =	sld [smem:$0x3FBB]  }
0x39: {  	_ = 	snop;
	(pc) =	sbr.ind lr, $3  }
0x3a: {  	_ = 	snop  }
0x3b: {  	_ = 	snop  }
0x3c: {  	p2 =	seq.s32 s10, $0x1;
	s10 =	sld [smem:$0x3FBA]  }
0x3d: {  	_ =	shalt  }
0x3e: {  	_ =	shalt  }
0x3f: {  	_ =	shalt  }
0x40: {  	_ =	shalt  }
0x41: {  	_ =	shalt  }
0x42: {  	_ =	shalt  }
0x43: {  	_ =	shalt  }
0x44: {  	_ =	shalt  }
0x45: {  	_ =	shalt  }
0x46: {  	_ =	shalt  }
0x47: {  	_ =	shalt  }
0x48: {  	_ =	shalt  }
0x49: {  	_ =	shalt  }
0x4a: {  	_ =	shalt  }
0x4b: {  	_ =	shalt  }
0x4c: {  	_ =	shalt  }
0x4d: {  	_ =	shalt  }
0x4e: {  	_ =	shalt  }
0x4f: {  	_ =	shalt  }
0x50: {  	_ =	shalt  }
0x51: {  	_ =	shalt  }
0x52: {  	_ =	shalt  }
0x53: {  	_ =	shalt  }
0x54: {  	_ =	shalt  }
0x55: {  	_ =	shalt  }
0x56: {  	_ =	shalt  }
0x57: {  	_ =	shalt  }
0x58: {  	_ =	shalt  }
0x59: {  	_ =	shalt  }
0x5a: {  	_ =	shalt  }
0x5b: {  	_ =	shalt  }
0x5c: {  	_ =	shalt  }
0x5d: {  	_ =	shalt  }
0x5e: {  	_ =	shalt  }
0x5f: {  	_ =	shalt  }
0x60: {  	_ =	shalt  }
0x61: {  	_ =	shalt  }
0x62: {  	_ =	shalt  }
0x63: {  	_ =	shalt  }
0x64: {  	_ =	shalt  }
0x65: {  	_ =	shalt  }
0x66: {  	_ =	shalt  }
0x67: {  	_ =	shalt  }
0x68: {  	_ =	shalt  }
0x69: {  	_ =	shalt  }
0x6a: {  	_ =	shalt  }
0x6b: {  	_ =	shalt  }
0x6c: {  	_ =	shalt  }
0x6d: {  	_ =	shalt  }
0x6e: {  	_ =	shalt  }
0x6f: {  	_ =	shalt  }
0x70: {  	_ =	shalt  }
0x71: {  	_ =	shalt  }
0x72: {  	_ =	shalt  }
0x73: {  	_ =	shalt  }
0x74: {  	_ =	shalt  }
0x75: {  	_ =	shalt  }
0x76: {  	_ =	shalt  }
0x77: {  	_ =	shalt  }
0x78: {  	_ =	shalt  }
0x79: {  	_ =	shalt  }
0x7a: {  	_ =	shalt  }
0x7b: {  	_ =	shalt  }
0x7c: {  	_ =	shalt  }
0x7d: {  	_ =	shalt  }
0x7e: {  	_ =	shalt  }
0x7f: {  	_ =	shalt  }
0x80: {  	_ =	shalt  }
0x81: {  	_ =	shalt  }
0x82: {  	_ =	shalt  }
0x83: {  	_ =	shalt  }
0x84: {  	_ =	shalt  }
0x85: {  	_ =	shalt  }
0x86: {  	_ =	shalt  }
0x87: {  	_ =	shalt  }
.Lfunc_end0:
.L_simem_size_0:
called_computation_lowered:
.L_overlay_start_0:
0x88: {  	s2 =	sld [smem:$0x3FD9]  }
0x89: {  	s3 =	sld [smem:$0x3FFE];
	_ =	sdelay $0x1  }
0x8a: {  	s1 =	srdreg.scid  }
0x8b: {  	s0 =	sand.u32 $0x1, s1  }
0x8c: {  	s17 =	sshll.u32 s0, $0xA;
	s2 =	sadd.s32 s3, s2  }
0x8d: {  	s2 =	sadd.s32 s2, s17  }
0x8e: {  	[smem:$0x3FC6] =	sst s2  }
0x8f: {  	_ = 	snop  }
0x90: {  	s18 =	sld [smem:$0x3FD0];
	(tm) =	ssettm $0x1  }
0x91: {  	s19 =	sld [smem:$0x3FFB];
	_ =	sdelay $0x3  }
0x92: {  	_ =	strace s19  }
0x93: {  	s2 =	sld [smem:$0x3FFC];
	_ =	sdelay $0x3  }
0x94: {  	_ =	strace s2  }
0x95: {  	s2 =	sld [smem:$0x3FFD];
	_ =	sdelay $0x3  }
0x96: {  	_ =	strace s2  }
0x97: {  	_ =	strace $0x8FFFFFFF  }
0x98: {  	s20 =	sld [smem:$0x3FDB];
	_ =	sdelay $0x1  }
0x99: {  	s4 =	simm.s32 $_scs_section_size  }
0x9a: {  	s5 =	simm.s32 $_size__tile_overlayer_lowered;
	s6 =	simm.s32 $_tile_overlayer_lowered  }
0x9b: {  	s7 =	simm.s32 $0x1BFF;
	s21 =	sshll.u32 s6, $0x1;
	s4 =	sadd.s32 s4, s20  }
0x9c: {  	s22 =	simm.s32 $0x0;
	s5 =	sshll.u32 s5, $0x1;
	s6 =	sadd.s32 s21, s4  }
0x9d: {  	[timem:s22], [sflag:s7] =	dma.local [hbm:s6], s5  }
0x9e: {  	_ =	swait.ge [sflag:s7], s5  }
0x9f: {  	s5 =	ssub.s32 $0x0, s5;
	[sflag:s7] =	ssyncset.done $0x0  }
0xa0: {  	[sflag:s7] =	ssyncadd.s32 s5;
	_ =	sdelay $0x1  }
0xa1: {  	s23 =	simm.s32 $0x1B8B  }
0xa2: {  	_ =	swait.ge [sflag:s23], $0x1  }
0xa3: {  	[sflag:s23] =	ssyncset.done $0x0  }
0xa4: {  	[sflag:s23] =	ssyncadd.s32 $0xFFFFFFFF  }
0xa5: {  	s5 =	sld [smem:$0x0]  }
0xa6: {  	s6 =	sand.u32 $0xFFFFFFFE, s1  }
0xa7: {  	p0 =	sne.s32 s1, s6  }
0xa8: {  	s6 =	sshll.u32 @p0 s6, $0xE  }
0xa9: {  	s6 =	sadd.s32 @p0 $0x11B8D, s6;
	s7 =	sshll.u32 @p0 s5, $0x11  }
0xaa: {  	s6 =	sor.u32 @p0 s7, s6  }
0xab: {  	[sflag:s6] =	ssyncadd.remote.s32 @p0 $0x1;
	_ =	sdelay $0x1  }
0xac: {  	s6 =	simm.s32 @p0 $0x1B8D  }
0xad: {  	_ =	swait.eq @p0 [sflag:s6], $0x1  }
0xae: {  	[sflag:s6] =	ssyncadd.s32 @p0 $0xFFFFFFFF  }
0xaf: {  	s7 =	sshll.u32 @!p0 s1, $0xE  }
0xb0: {  	s7 =	sor.u32 @!p0 $0x4000, s7;
	s6 =	simm.s32 @!p0 $0x1B8D  }
0xb1: {  	s5 =	sshll.u32 @!p0 s5, $0x11;
	s7 =	sadd.s32 @!p0 $0x11B8D, s7;
	_ =	swait.eq @!p0 [sflag:s6], $0x1  }
0xb2: {  	s5 =	sor.u32 @!p0 s5, s7;
	[sflag:s6] =	ssyncadd.s32 @!p0 $0xFFFFFFFF  }
0xb3: {  	s25 =	simm.s32 $0x1B8E;
	s24 =	sld [smem:$0x3FFE];
	[sflag:s5] =	ssyncadd.remote.s32 @!p0 $0x1  }
0xb4: {  	s26 =	simm.s32 $execute0_lowered;
	[smem:$0x3FD2] =	sst s25  }
0xb5: {  	s6 =	sshll.u32 s26, $0x1;
	_ =	strace $0x80000049;
	[dreg:$0x1] =	wrdreg $0xFFFFFFFF  }
0xb6: {  	s28 =	simm.s32 $_size_execute0_lowered;
	s4 =	sadd.s32 s4, s6;
	[dreg:$0x0] =	wrdreg $0x0  }
0xb7: {  	s6 =	sshll.u32 s28, $0x1;
	[dreg:$0x2] =	wrdreg s4  }
0xb8: {  	[dreg:$0x3] =	wrdreg s6  }
0xb9: {  	[dreg:$0x4] =	wrdreg $0xC0  }
0xba: {  	_ =	task [dreg:s22], $0x5FFFF  }
0xbb: {  	[dreg:$0x1] =	wrdreg $0xFFFFFFFF  }
0xbc: {  	[dreg:$0x0] =	wrdreg $0x60  }
0xbd: {  	[dreg:$0x2] =	wrdreg s24  }
0xbe: {  	[dreg:$0x3] =	wrdreg s18  }
0xbf: {  	[dreg:$0x4] =	wrdreg $0x9  }
0xc0: {  	_ =	task.clear_ibuf [dreg:s22], $0x5FFFF;
	_ =	strace $0x90000049  }
0xc1: {  	s29 =	simm.s32 $0x9;
	_ =	strace $0x8000004B  }
0xc2: {  	_ =	swait.ge [sflag:s29], $0x1  }
0xc3: {  	[sflag:s29] =	ssyncadd.s32 $0xFFFFFFFF  }
0xc4: {  	_ =	strace $0x9000004B  }
0xc5: {  	_ =	sfence  }
0xc6: {  	s30 =	sld [smem:$0x0];
	_ =	sdelay $0x2  }
0xc7: {  	s31 =	sshll.u32 s1, $0xD;
	s1 =	sshrl.u32 s1, $0x2  }
0xc8: {  	s4 =	sand.u32 $0x4000, s31;
	s1 =	sadd.s32 s1, s30  }
0xc9: {  	s0 =	sor.u32 s4, s0;
	s1 =	sshll.u32 s1, $0x11  }
0xca: {  	s0 =	sor.u32 s1, s0  }
0xcb: {  	s0 =	sadd.s32 $0x8F2B, s0  }
0xcc: {  	[sflag:s0] =	ssyncadd.remote.s32 $0x1  }
0xcd: {  	_ =	sfence.sel $0xFFFF  }
0xce: {  	[dreg:$0x0] =	wrdreg $0xFFFFFFFF;
	(pc) =	sbr.abs _section_cstart, $3  }
0xcf: {  	[dreg:$0x1] =	wrdreg $0xFFFFFFFF  }
0xd0: {  	_ =	task.clear_ibuf [dreg:s22], $0x2FFFF;
	_ =	strace $0x9FFFFFFF  }
0xd1: {  	(tm) =	ssettm $0x7FFFFFFF  }
tec
execute0_lowered:
.L_overlay_start_1:
0x0: {  	(tag) =	ssettag $0x1  }
0x1: {  	s3 =	rddreg [dreg:$0x0]  }
0x2: {  	s1 =	srdreg.scid;
	s0 =	stileid.u32  }
0x3: {  	s5 =	rddreg [dreg:$0x1];
	s10 =	simm.s32 $0x4400;
	s11 =	simm.s32 $0x100  }
0x4: {  	s12 =	simm.s32 $0x8400;
	s13 =	simm.s32 $0x180;
	s14 =	simm.s32 $0xC400  }
0x5: {  	s15 =	simm.s32 $0x1;
	s16 =	simm.s32 $0x200;
	s17 =	simm.s32 $0x280  }
0x6: {  	s18 =	simm.s32 $0x300;
	s19 =	simm.s32 $0x380;
	s20 =	simm.s32 $0x0  }
0x7: {  	s4 =	sand.u32 $0x1, s1;
	s2 =	sshll.u32 s0, $0x1;
	s1 =	rddreg [dreg:$0x2]  }
0x8: {  	s7 =	smul.u32 $0x1800, s0;
	s6 =	sor.u32 s4, s2;
	s2 =	simm.s32 $0x0  }
0x9: {  	s8 =	smul.u32 $0xC00, s4;
	s4 =	ssub.s32 $0x2, s4;
	s6 =	sand.u32 $0x7, s6  }
0xa: {  	[smem:$0x7FF] =	sst s2;
	s9 =	sshrl.u32 s4, $0x1;
	s6 =	smul.u32 $0xC000, s6  }
0xb: {  	_ =	strace $0x8000004A;
	s7 =	sadd.s32 s8, s7;
	s4 =	ssub.s32 s4, s9  }
0xc: {  	s8 =	simm.s32 $0x400;
	s9 =	simm.s32 $0x80;
	s7 =	sshrl.u32 s7, $0x3  }
0xd: {  	s4 =	smax.u32 s4, $0x1;
	s6 =	sadd.s32 s6, s3;
	s3 =	sadd.s32 $0x245600, s3  }
0xe: {  	s5 =	sadd.s32 s7, s5;
	s7 =	simm.s32 $0x2;
	s6 =	sadd.s32 $0x67600, s6  }
.LBB2_1:
0xf: {  	s21 =	sadd.s32 $0x0, s5  }
0x10: {  	[tilespmem:s2], [sflag:$0x2] =	stream.linear.gather [hbm4b:s21+s2], $0x400, $0x38;
	[tilespmem:$0x10400] =	vst v63  }
0x11: {  	_ =	swait.ge [sflag:s7], $0x400  }
0x12: {  	[sflag:s7] =	ssyncset.done $0x0  }
0x13: {  	s31 =	sadd.s32 $0xFFFFE000, s6;
	[sflag:s7] =	ssyncadd.s32 $0xFFFFFC00  }
0x14: {  	[tilespmem:s8], [sflag:$0x2] =	stream.linear.gather [hbm4b:s31+s2], $0x10000, $0x38;
	[tilespmem:$0x10400] =	vst v63  }
0x15: {  	_ =	swait.ge [sflag:s7], $0x10000  }
0x16: {  	[sflag:s7] =	ssyncset.done $0x0  }
0x17: {  	[sflag:s7] =	ssyncadd.s32 $0xFFFF0000  }
0x18: {  	[hbm4b:s3+s9] =	stream.indirect.scatter [tilespmem:s8], [sflag:$0x1], $0x80, s2, s9, $0xb8;
	[tilespmem:$0x10400] =	vst v63  }
0x19: {  	_ = 	snop  }
0x1a: {  	[hbm4b:s3+s9] =	stream.indirect.scatter [tilespmem:s10], [sflag:$0x1], $0x80, s9, s9, $0xb8;
	[tilespmem:$0x10400] =	vst v63  }
0x1b: {  	_ = 	snop  }
0x1c: {  	[hbm4b:s3+s9] =	stream.indirect.scatter [tilespmem:s12], [sflag:$0x1], $0x80, s11, s9, $0xb8;
	[tilespmem:$0x10400] =	vst v63  }
0x1d: {  	_ = 	snop  }
0x1e: {  	[hbm4b:s3+s9] =	stream.indirect.scatter [tilespmem:s14], [sflag:$0x1], $0x80, s13, s9, $0xb8;
	[tilespmem:$0x10400] =	vst v63  }
0x1f: {  	_ =	swait.ge [sflag:s15], $0x4000  }
0x20: {  	[sflag:s15] =	ssyncset.done $0x0  }
0x21: {  	[sflag:s15] =	ssyncadd.s32 $0xFFFFC000  }
0x22: {  	_ =	swait.ge [sflag:s15], $0x4000  }
0x23: {  	[sflag:s15] =	ssyncset.done $0x0  }
0x24: {  	[sflag:s15] =	ssyncadd.s32 $0xFFFFC000  }
0x25: {  	_ =	swait.ge [sflag:s15], $0x4000  }
0x26: {  	[sflag:s15] =	ssyncset.done $0x0  }
0x27: {  	[sflag:s15] =	ssyncadd.s32 $0xFFFFC000  }
0x28: {  	_ =	swait.ge [sflag:s15], $0x4000  }
0x29: {  	[sflag:s15] =	ssyncset.done $0x0  }
0x2a: {  	[sflag:s15] =	ssyncadd.s32 $0xFFFFC000  }
0x2b: {  	[tilespmem:s8], [sflag:$0x2] =	stream.linear.gather [hbm4b:s6+s2], $0x10000, $0x38;
	[tilespmem:$0x10400] =	vst v63  }
0x2c: {  	_ =	swait.ge [sflag:s7], $0x10000  }
0x2d: {  	[sflag:s7] =	ssyncset.done $0x0  }
0x2e: {  	[sflag:s7] =	ssyncadd.s32 $0xFFFF0000  }
0x2f: {  	[hbm4b:s3+s9] =	stream.indirect.scatter [tilespmem:s8], [sflag:$0x1], $0x80, s16, s9, $0xb8;
	[tilespmem:$0x10400] =	vst v63  }
0x30: {  	_ = 	snop  }
0x31: {  	[hbm4b:s3+s9] =	stream.indirect.scatter [tilespmem:s10], [sflag:$0x1], $0x80, s17, s9, $0xb8;
	[tilespmem:$0x10400] =	vst v63  }
0x32: {  	_ = 	snop  }
0x33: {  	[hbm4b:s3+s9] =	stream.indirect.scatter [tilespmem:s12], [sflag:$0x1], $0x80, s18, s9, $0xb8;
	[tilespmem:$0x10400] =	vst v63  }
0x34: {  	_ = 	snop  }
0x35: {  	[hbm4b:s3+s9] =	stream.indirect.scatter [tilespmem:s14], [sflag:$0x1], $0x80, s19, s9, $0xb8;
	[tilespmem:$0x10400] =	vst v63  }
0x36: {  	_ =	swait.ge [sflag:s15], $0x4000  }
0x37: {  	[sflag:s15] =	ssyncset.done $0x0  }
0x38: {  	[sflag:s15] =	ssyncadd.s32 $0xFFFFC000  }
0x39: {  	_ =	swait.ge [sflag:s15], $0x4000  }
0x3a: {  	[sflag:s15] =	ssyncset.done $0x0  }
0x3b: {  	[sflag:s15] =	ssyncadd.s32 $0xFFFFC000  }
0x3c: {  	_ =	swait.ge [sflag:s15], $0x4000  }
0x3d: {  	[sflag:s15] =	ssyncset.done $0x0  }
0x3e: {  	[sflag:s15] =	ssyncadd.s32 $0xFFFFC000  }
0x3f: {  	_ =	swait.ge [sflag:s15], $0x4000  }
0x40: {  	s22 =	smov.u32 s6;
	s21 =	simm.s32 $0x80;
	[sflag:s15] =	ssyncset.done $0x0  }
.LBB2_2:
0x41: {  	p0 =	sne.s32 s21, $0x100;
	[sflag:s15] =	ssyncadd.s32 $0xFFFFC000;
	s22 =	sadd.s32 $0x4000, s22  }
0x42: {  	s23 =	sadd.s32 s21, s5;
	s21 =	sadd.s32 $0x80, s21  }
0x43: {  	[tilespmem:s2], [sflag:$0x2] =	stream.linear.gather [hbm4b:s23+s2], $0x400, $0x38;
	[tilespmem:$0x10400] =	vst v63  }
0x44: {  	_ =	swait.ge [sflag:s7], $0x400  }
0x45: {  	[sflag:s7] =	ssyncset.done $0x0  }
0x46: {  	s23 =	sadd.s32 $0xFFFFE000, s22;
	[sflag:s7] =	ssyncadd.s32 $0xFFFFFC00  }
0x47: {  	[tilespmem:s8], [sflag:$0x2] =	stream.linear.gather [hbm4b:s23+s2], $0x10000, $0x38;
	[tilespmem:$0x10400] =	vst v63  }
0x48: {  	_ =	swait.ge [sflag:s7], $0x10000  }
0x49: {  	[sflag:s7] =	ssyncset.done $0x0  }
0x4a: {  	[sflag:s7] =	ssyncadd.s32 $0xFFFF0000  }
0x4b: {  	[hbm4b:s3+s9] =	stream.indirect.scatter [tilespmem:s8], [sflag:$0x1], $0x80, s2, s9, $0xb8;
	[tilespmem:$0x10400] =	vst v63  }
0x4c: {  	_ = 	snop  }
0x4d: {  	[hbm4b:s3+s9] =	stream.indirect.scatter [tilespmem:s10], [sflag:$0x1], $0x80, s9, s9, $0xb8;
	[tilespmem:$0x10400] =	vst v63  }
0x4e: {  	_ = 	snop  }
0x4f: {  	[hbm4b:s3+s9] =	stream.indirect.scatter [tilespmem:s12], [sflag:$0x1], $0x80, s11, s9, $0xb8;
	[tilespmem:$0x10400] =	vst v63  }
0x50: {  	_ = 	snop  }
0x51: {  	[hbm4b:s3+s9] =	stream.indirect.scatter [tilespmem:s14], [sflag:$0x1], $0x80, s13, s9, $0xb8;
	[tilespmem:$0x10400] =	vst v63  }
0x52: {  	_ =	swait.ge [sflag:s15], $0x4000  }
0x53: {  	[sflag:s15] =	ssyncset.done $0x0  }
0x54: {  	[sflag:s15] =	ssyncadd.s32 $0xFFFFC000  }
0x55: {  	_ =	swait.ge [sflag:s15], $0x4000  }
0x56: {  	[sflag:s15] =	ssyncset.done $0x0  }
0x57: {  	[sflag:s15] =	ssyncadd.s32 $0xFFFFC000  }
0x58: {  	_ =	swait.ge [sflag:s15], $0x4000  }
0x59: {  	[sflag:s15] =	ssyncset.done $0x0  }
0x5a: {  	[sflag:s15] =	ssyncadd.s32 $0xFFFFC000  }
0x5b: {  	_ =	swait.ge [sflag:s15], $0x4000  }
0x5c: {  	[sflag:s15] =	ssyncset.done $0x0  }
0x5d: {  	[sflag:s15] =	ssyncadd.s32 $0xFFFFC000  }
0x5e: {  	[tilespmem:s8], [sflag:$0x2] =	stream.linear.gather [hbm4b:s22+s2], $0x10000, $0x38;
	[tilespmem:$0x10400] =	vst v63  }
0x5f: {  	_ =	swait.ge [sflag:s7], $0x10000  }
0x60: {  	[sflag:s7] =	ssyncset.done $0x0  }
0x61: {  	[sflag:s7] =	ssyncadd.s32 $0xFFFF0000  }
0x62: {  	[hbm4b:s3+s9] =	stream.indirect.scatter [tilespmem:s8], [sflag:$0x1], $0x80, s16, s9, $0xb8;
	[tilespmem:$0x10400] =	vst v63  }
0x63: {  	_ = 	snop  }
0x64: {  	[hbm4b:s3+s9] =	stream.indirect.scatter [tilespmem:s10], [sflag:$0x1], $0x80, s17, s9, $0xb8;
	[tilespmem:$0x10400] =	vst v63  }
0x65: {  	_ = 	snop  }
0x66: {  	[hbm4b:s3+s9] =	stream.indirect.scatter [tilespmem:s12], [sflag:$0x1], $0x80, s18, s9, $0xb8;
	[tilespmem:$0x10400] =	vst v63  }
0x67: {  	_ = 	snop  }
0x68: {  	[hbm4b:s3+s9] =	stream.indirect.scatter [tilespmem:s14], [sflag:$0x1], $0x80, s19, s9, $0xb8;
	[tilespmem:$0x10400] =	vst v63  }
0x69: {  	_ =	swait.ge [sflag:s15], $0x4000  }
0x6a: {  	[sflag:s15] =	ssyncset.done $0x0  }
0x6b: {  	[sflag:s15] =	ssyncadd.s32 $0xFFFFC000  }
0x6c: {  	_ =	swait.ge [sflag:s15], $0x4000  }
0x6d: {  	[sflag:s15] =	ssyncset.done $0x0  }
0x6e: {  	[sflag:s15] =	ssyncadd.s32 $0xFFFFC000  }
.Ltmp0:
0x6f: {  	_ =	swait.ge [sflag:s15], $0x4000;
	(pc) =	sbr.rel @p0 .LBB2_2-.Ltmp0, $4  }
0x70: {  	[sflag:s15] =	ssyncset.done $0x0  }
0x71: {  	[sflag:s15] =	ssyncadd.s32 $0xFFFFC000  }
0x72: {  	_ =	swait.ge [sflag:s15], $0x4000  }
0x73: {  	[sflag:s15] =	ssyncset.done $0x0  }
0x74: {  	s20 =	sadd.s32 $0x1, s20  }
0x75: {  	p0 =	sne.s32 s20, s4  }
.Ltmp1:
0x76: {  	_ = 	snop;
	(pc) =	sbr.rel @p0 .LBB2_1-.Ltmp1, $2  }
0x77: {  	_ =	sdelay $0x2  }
0x78: {  	[sflag:s15] =	ssyncadd.s32 $0xFFFFC000  }
0x79: {  	_ =	sfence.sel $0x180000  }
0x7a: {  	[bflag:$0x0] =	sbarrier.arrive $0xFFFF  }
0x7b: {  	p0 =	sne.s32 s0, $0x0;
	_ =	strace $0x9000004A  }
0x7c: {  	s0 =	sadd.s32 @!p0 $0x100000, s1;
	[bflag:$0x2] =	sbarrier.arrive $0xFFFF  }
0x7d: {  	[sflag:s0] =	ssyncadd.tile.s32 @!p0 $0x1;
	_ =	shalt  }
.Lfunc_end2:
_tile_overlayer_lowered:
.L_overlay_start_2:
0x7e: {  	(tag) =	ssettag $0x2  }
0x7f: {  	s0 =	rddreg [dreg:$0x0];
	s2 =	stileid.u32  }
0x80: {  	s1 =	rddreg [dreg:$0x1];
	p0 =	sne.s32 s2, $0x0  }
0x81: {  	s3 =	rddreg [dreg:$0x2];
	[bflag:$0x3] =	sbarrier.arrive $0xFFFF;
	s2 =	simm.s32 @!p0 $0x1C02  }
0x82: {  	[timem:s3], [sflag:s2] =	dma.local @!p0 [hbm:s0], s1  }
0x83: {  	s0 =	simm.s32 @!p0 $0x2  }
0x84: {  	_ =	swait.ge @!p0 [sflag:s0], s1  }
0x85: {  	s1 =	ssub.s32 @!p0 $0x0, s1;
	[sflag:s0] =	ssyncset.done @!p0 $0x0  }
0x86: {  	[sflag:s0] =	ssyncadd.s32 @!p0 s1  }
0x87: {  	[bflag:$0x3] =	sbarrier.arrive $0xFFFF  }
0x88: {  	_ =	shalt  }

// kernel: kernel.14.cloned.1.call-start
scs
__scs_entry_jumppad:
0x0: {  	(pc) =	sbr.rel $0x88, $3  }
0x1: {  	(tag) =	ssettag $0x0;
	lr =	simm.s32 $0x1  }
0x2: {  	[smem:$0x3F9F] =	sst lr;
	_ =	strace $0xD0000000  }
0x3: {  	_ = 	snop  }
0x4: {  	_ = 	snop  }
0x5: {  	_ = 	snop  }
0x6: {  	_ = 	snop  }
0x7: {  	_ = 	snop  }
__scs_overlays_trampoline_lowered:
0x8: {  	[smem:$0x3FAE] =	sst s0  }
0x9: {  	[smem:$0x3FAF] =	sst s1  }
0xa: {  	[smem:$0x3FB0] =	sst s2  }
0xb: {  	[smem:$0x3FB1] =	sst s3  }
0xc: {  	[smem:$0x3FB2] =	sst s4  }
0xd: {  	[smem:$0x3FB3] =	sst s5  }
0xe: {  	[smem:$0x3FB4] =	sst s6  }
0xf: {  	[smem:$0x3FB5] =	sst s7  }
0x10: {  	[smem:$0x3FB6] =	sst s8  }
0x11: {  	[smem:$0x3FB7] =	sst s9;
	s0 =	simm.s32 @!p0 $0x0  }
0x12: {  	s1 =	sld [smem:$0x3F9D];
	s0 =	simm.s32 @p0 $0x1  }
0x13: {  	[smem:$0x3FB8] =	sst s0;
	s0 =	simm.s32 @!p1 $0x0  }
0x14: {  	s2 =	sld [smem:$0x3F9C];
	s0 =	simm.s32 @p1 $0x1  }
0x15: {  	[smem:$0x3FB9] =	sst s0;
	s0 =	simm.s32 @!p2 $0x0  }
0x16: {  	s3 =	sld [smem:$0x3FDB];
	s0 =	simm.s32 @p2 $0x1  }
0x17: {  	s4 =	simm.s32 $0x1BF5;
	[smem:$0x3FBB] =	sst s0  }
0x18: {  	s0 =	sld [smem:$0x3F9E];
	_ =	swait.ge [sflag:s4], $0x0  }
0x19: {  	s7 =	sld [smem:$0x3F9F]  }
0x1a: {  	s8 =	sadd.s32 $0xFFFFE003, lr  }
0x1b: {  	s9 =	sadd.s32 $0xFFFFFEF7, lr;
	s5 =	simm.s32 $0xFFFFFFFF;
	p2 =	slt.u32 s8, $0xFFFFF086  }
0x1c: {  	p1 =	slt.u32 s9, $0xF7A;
	s5 =	simm.s32 @!p2 $0x0  }
0x1d: {  	s5 =	simm.s32 @p1 $0x1;
	p0 =	seq.s32 s7, s2  }
0x1e: {  	s7 =	smul.u32 @!p0 $0xF7A, s2;
	p2 =	seq.s32 @!p0 s5, $0x0  }
0x1f: {  	s9 =	smul.u32 $0xF7A, s1;
	s8 =	simm.s32 @!p0 $0x1BF5;
	p2 =	por !p2, p0  }
0x20: {  	[sflag:s8] =	ssyncset.s32 @!p0 $0xFFFFF086;
	s6 =	sadd.s32 @!p0 s3, s7;
	s7 =	simm.s32 @!p0 $0x108  }
0x21: {  	s3 =	sadd.s32 s3, s9;
	s6 =	sadd.s32 @!p0 $0x88, s6;
	s7 =	simm.s32 @p2 $0x1082  }
0x22: {  	[simem:s7], [sflag:s8] =	dma.local @!p0 [hbm:s6], $0xF7A  }
0x23: {  	s9 =	sor.u32 $0xD0000000, s2;
	s6 =	simm.s32 $0x108;
	_ =	swait.ge @!p0 [sflag:s8], $0x0  }
0x24: {  	s3 =	sadd.s32 $0x88, s3;
	s6 =	simm.s32 @!p1 $0x1082;
	[sflag:s4] =	ssyncset.s32 $0xFFFFF086  }
0x25: {  	[simem:s6], [sflag:s4] =	dma.local [hbm:s3], $0xF7A  }
0x26: {  	[smem:$0x3F9F] =	sst s1;
	(tag) =	ssettag s2;
	_ =	strace s9  }
0x27: {  	s1 =	sld [smem:$0x3FAF]  }
0x28: {  	s2 =	sld [smem:$0x3FB0]  }
0x29: {  	s4 =	sld [smem:$0x3FB2]  }
0x2a: {  	p0 =	seq.s32 s5, $0x0;
	s5 =	sld [smem:$0x3FB3]  }
0x2b: {  	s6 =	sld [smem:$0x3FB4]  }
0x2c: {  	s7 =	sld [smem:$0x3FB5]  }
0x2d: {  	s3 =	simm.s32 $0x108;
	s8 =	sld [smem:$0x3FB6]  }
0x2e: {  	s3 =	simm.s32 @!p0 $0x1082;
	s9 =	sld [smem:$0x3FB7]  }
0x2f: {  	lr =	sadd.s32 s0, s3;
	s0 =	sld [smem:$0x3FAE]  }
0x30: {  	s3 =	sld [smem:$0x3FB1]  }
0x31: {  	[smem:$0x3FBA] =	sst s10  }
0x32: {  	s10 =	sld [smem:$0x3FB8];
	_ =	sdelay $0x3  }
0x33: {  	p0 =	seq.s32 s10, $0x1;
	s10 =	sld [smem:$0x3FBA];
	_ =	sdelay $0x3  }
0x34: {  	[smem:$0x3FBA] =	sst s10  }
0x35: {  	s10 =	sld [smem:$0x3FB9];
	_ =	sdelay $0x3  }
0x36: {  	p1 =	seq.s32 s10, $0x1;
	s10 =	sld [smem:$0x3FBA];
	_ =	sdelay $0x3  }
0x37: {  	[smem:$0x3FBA] =	sst s10  }
0x38: {  	s10 =	sld [smem:$0x3FBB]  }
0x39: {  	_ = 	snop;
	(pc) =	sbr.ind lr, $3  }
0x3a: {  	_ = 	snop  }
0x3b: {  	_ = 	snop  }
0x3c: {  	p2 =	seq.s32 s10, $0x1;
	s10 =	sld [smem:$0x3FBA]  }
0x3d: {  	_ =	shalt  }
0x3e: {  	_ =	shalt  }
0x3f: {  	_ =	shalt  }
0x40: {  	_ =	shalt  }
0x41: {  	_ =	shalt  }
0x42: {  	_ =	shalt  }
0x43: {  	_ =	shalt  }
0x44: {  	_ =	shalt  }
0x45: {  	_ =	shalt  }
0x46: {  	_ =	shalt  }
0x47: {  	_ =	shalt  }
0x48: {  	_ =	shalt  }
0x49: {  	_ =	shalt  }
0x4a: {  	_ =	shalt  }
0x4b: {  	_ =	shalt  }
0x4c: {  	_ =	shalt  }
0x4d: {  	_ =	shalt  }
0x4e: {  	_ =	shalt  }
0x4f: {  	_ =	shalt  }
0x50: {  	_ =	shalt  }
0x51: {  	_ =	shalt  }
0x52: {  	_ =	shalt  }
0x53: {  	_ =	shalt  }
0x54: {  	_ =	shalt  }
0x55: {  	_ =	shalt  }
0x56: {  	_ =	shalt  }
0x57: {  	_ =	shalt  }
0x58: {  	_ =	shalt  }
0x59: {  	_ =	shalt  }
0x5a: {  	_ =	shalt  }
0x5b: {  	_ =	shalt  }
0x5c: {  	_ =	shalt  }
0x5d: {  	_ =	shalt  }
0x5e: {  	_ =	shalt  }
0x5f: {  	_ =	shalt  }
0x60: {  	_ =	shalt  }
0x61: {  	_ =	shalt  }
0x62: {  	_ =	shalt  }
0x63: {  	_ =	shalt  }
0x64: {  	_ =	shalt  }
0x65: {  	_ =	shalt  }
0x66: {  	_ =	shalt  }
0x67: {  	_ =	shalt  }
0x68: {  	_ =	shalt  }
0x69: {  	_ =	shalt  }
0x6a: {  	_ =	shalt  }
0x6b: {  	_ =	shalt  }
0x6c: {  	_ =	shalt  }
0x6d: {  	_ =	shalt  }
0x6e: {  	_ =	shalt  }
0x6f: {  	_ =	shalt  }
0x70: {  	_ =	shalt  }
0x71: {  	_ =	shalt  }
0x72: {  	_ =	shalt  }
0x73: {  	_ =	shalt  }
0x74: {  	_ =	shalt  }
0x75: {  	_ =	shalt  }
0x76: {  	_ =	shalt  }
0x77: {  	_ =	shalt  }
0x78: {  	_ =	shalt  }
0x79: {  	_ =	shalt  }
0x7a: {  	_ =	shalt  }
0x7b: {  	_ =	shalt  }
0x7c: {  	_ =	shalt  }
0x7d: {  	_ =	shalt  }
0x7e: {  	_ =	shalt  }
0x7f: {  	_ =	shalt  }
0x80: {  	_ =	shalt  }
0x81: {  	_ =	shalt  }
0x82: {  	_ =	shalt  }
0x83: {  	_ =	shalt  }
0x84: {  	_ =	shalt  }
0x85: {  	_ =	shalt  }
0x86: {  	_ =	shalt  }
0x87: {  	_ =	shalt  }
.Lfunc_end0:
.L_simem_size_0:
called_computation.1_lowered:
.L_overlay_start_0:
0x88: {  	s2 =	sld [smem:$0x3FD9]  }
0x89: {  	s3 =	sld [smem:$0x3FFE];
	_ =	sdelay $0x1  }
0x8a: {  	s1 =	srdreg.scid  }
0x8b: {  	s0 =	sand.u32 $0x1, s1  }
0x8c: {  	s17 =	sshll.u32 s0, $0xA;
	s2 =	sadd.s32 s3, s2  }
0x8d: {  	s2 =	sadd.s32 s2, s17  }
0x8e: {  	[smem:$0x3FC6] =	sst s2  }
0x8f: {  	_ = 	snop  }
0x90: {  	s18 =	sld [smem:$0x3FD0];
	(tm) =	ssettm $0x1  }
0x91: {  	s19 =	sld [smem:$0x3FFB];
	_ =	sdelay $0x3  }
0x92: {  	_ =	strace s19  }
0x93: {  	s2 =	sld [smem:$0x3FFC];
	_ =	sdelay $0x3  }
0x94: {  	_ =	strace s2  }
0x95: {  	s2 =	sld [smem:$0x3FFD];
	_ =	sdelay $0x3  }
0x96: {  	_ =	strace s2  }
0x97: {  	_ =	strace $0x8FFFFFFF  }
0x98: {  	s20 =	sld [smem:$0x3FDB];
	_ =	sdelay $0x1  }
0x99: {  	s4 =	simm.s32 $_scs_section_size  }
0x9a: {  	s5 =	simm.s32 $_size__tile_overlayer_lowered;
	s6 =	simm.s32 $_tile_overlayer_lowered  }
0x9b: {  	s7 =	simm.s32 $0x1BFF;
	s21 =	sshll.u32 s6, $0x1;
	s4 =	sadd.s32 s4, s20  }
0x9c: {  	s22 =	simm.s32 $0x0;
	s5 =	sshll.u32 s5, $0x1;
	s6 =	sadd.s32 s21, s4  }
0x9d: {  	[timem:s22], [sflag:s7] =	dma.local [hbm:s6], s5  }
0x9e: {  	_ =	swait.ge [sflag:s7], s5  }
0x9f: {  	s5 =	ssub.s32 $0x0, s5;
	[sflag:s7] =	ssyncset.done $0x0  }
0xa0: {  	[sflag:s7] =	ssyncadd.s32 s5;
	_ =	sdelay $0x1  }
0xa1: {  	s23 =	simm.s32 $0x1B8B  }
0xa2: {  	_ =	swait.ge [sflag:s23], $0x1  }
0xa3: {  	[sflag:s23] =	ssyncset.done $0x0  }
0xa4: {  	[sflag:s23] =	ssyncadd.s32 $0xFFFFFFFF  }
0xa5: {  	s5 =	sld [smem:$0x0]  }
0xa6: {  	s6 =	sand.u32 $0xFFFFFFFE, s1  }
0xa7: {  	p0 =	sne.s32 s1, s6  }
0xa8: {  	s6 =	sshll.u32 @p0 s6, $0xE  }
0xa9: {  	s6 =	sadd.s32 @p0 $0x11B8D, s6;
	s7 =	sshll.u32 @p0 s5, $0x11  }
0xaa: {  	s6 =	sor.u32 @p0 s7, s6  }
0xab: {  	[sflag:s6] =	ssyncadd.remote.s32 @p0 $0x1;
	_ =	sdelay $0x1  }
0xac: {  	s6 =	simm.s32 @p0 $0x1B8D  }
0xad: {  	_ =	swait.eq @p0 [sflag:s6], $0x1  }
0xae: {  	[sflag:s6] =	ssyncadd.s32 @p0 $0xFFFFFFFF  }
0xaf: {  	s7 =	sshll.u32 @!p0 s1, $0xE  }
0xb0: {  	s7 =	sor.u32 @!p0 $0x4000, s7;
	s6 =	simm.s32 @!p0 $0x1B8D  }
0xb1: {  	s5 =	sshll.u32 @!p0 s5, $0x11;
	s7 =	sadd.s32 @!p0 $0x11B8D, s7;
	_ =	swait.eq @!p0 [sflag:s6], $0x1  }
0xb2: {  	s5 =	sor.u32 @!p0 s5, s7;
	[sflag:s6] =	ssyncadd.s32 @!p0 $0xFFFFFFFF  }
0xb3: {  	s25 =	simm.s32 $0x1B8E;
	s24 =	sld [smem:$0x3FFE];
	[sflag:s5] =	ssyncadd.remote.s32 @!p0 $0x1  }
0xb4: {  	s26 =	simm.s32 $execute0_lowered;
	[smem:$0x3FD2] =	sst s25  }
0xb5: {  	s6 =	sshll.u32 s26, $0x1;
	_ =	strace $0x8000004F;
	[dreg:$0x1] =	wrdreg $0xFFFFFFFF  }
0xb6: {  	s28 =	simm.s32 $_size_execute0_lowered;
	s4 =	sadd.s32 s4, s6;
	[dreg:$0x0] =	wrdreg $0x0  }
0xb7: {  	s6 =	sshll.u32 s28, $0x1;
	[dreg:$0x2] =	wrdreg s4  }
0xb8: {  	[dreg:$0x3] =	wrdreg s6  }
0xb9: {  	[dreg:$0x4] =	wrdreg $0xC0  }
0xba: {  	_ =	task [dreg:s22], $0x5FFFF  }
0xbb: {  	[dreg:$0x1] =	wrdreg $0xFFFFFFFF  }
0xbc: {  	[dreg:$0x0] =	wrdreg $0x60  }
0xbd: {  	[dreg:$0x2] =	wrdreg s24  }
0xbe: {  	[dreg:$0x3] =	wrdreg s18  }
0xbf: {  	[dreg:$0x4] =	wrdreg $0x9  }
0xc0: {  	_ =	task.clear_ibuf [dreg:s22], $0x5FFFF;
	_ =	strace $0x9000004F  }
0xc1: {  	s29 =	simm.s32 $0x9;
	_ =	strace $0x80000051  }
0xc2: {  	_ =	swait.ge [sflag:s29], $0x1  }
0xc3: {  	[sflag:s29] =	ssyncadd.s32 $0xFFFFFFFF  }
0xc4: {  	_ =	strace $0x90000051  }
0xc5: {  	_ =	sfence  }
0xc6: {  	s30 =	sld [smem:$0x0];
	_ =	sdelay $0x2  }
0xc7: {  	s31 =	sshll.u32 s1, $0xD;
	s1 =	sshrl.u32 s1, $0x2  }
0xc8: {  	s4 =	sand.u32 $0x4000, s31;
	s1 =	sadd.s32 s1, s30  }
0xc9: {  	s0 =	sor.u32 s4, s0;
	s1 =	sshll.u32 s1, $0x11  }
0xca: {  	s0 =	sor.u32 s1, s0  }
0xcb: {  	s0 =	sadd.s32 $0x8F2B, s0  }
0xcc: {  	[sflag:s0] =	ssyncadd.remote.s32 $0x1  }
0xcd: {  	_ =	sfence.sel $0xFFFF  }
0xce: {  	[dreg:$0x0] =	wrdreg $0xFFFFFFFF;
	(pc) =	sbr.abs _section_cstart, $3  }
0xcf: {  	[dreg:$0x1] =	wrdreg $0xFFFFFFFF  }
0xd0: {  	_ =	task.clear_ibuf [dreg:s22], $0x2FFFF;
	_ =	strace $0x9FFFFFFF  }
0xd1: {  	(tm) =	ssettm $0x7FFFFFFF  }
tec
execute0_lowered:
.L_overlay_start_1:
0x0: {  	(tag) =	ssettag $0x1  }
0x1: {  	s4 =	rddreg [dreg:$0x0];
	s0 =	stileid.u32  }
0x2: {  	s1 =	srdreg.scid;
	s6 =	rddreg [dreg:$0x1];
	s2 =	simm.s32 $0x0  }
0x3: {  	s11 =	simm.s32 $0x100;
	s12 =	simm.s32 $0x8400;
	s13 =	simm.s32 $0x180  }
0x4: {  	s14 =	simm.s32 $0xC400;
	s15 =	simm.s32 $0x1;
	s16 =	simm.s32 $0x200  }
0x5: {  	s17 =	simm.s32 $0x280;
	s18 =	simm.s32 $0x300;
	s5 =	smul.u32 $0x18000, s0  }
0x6: {  	s19 =	simm.s32 $0x380;
	s3 =	sand.u32 $0x1, s1;
	s8 =	smul.u32 $0x1800, s0  }
0x7: {  	s20 =	simm.s32 $0x0;
	s1 =	rddreg [dreg:$0x2];
	s7 =	smul.u32 $0xC000, s3  }
0x8: {  	[smem:$0x7FF] =	sst s2;
	s9 =	ssub.s32 $0x2, s3;
	s10 =	smul.u32 $0xC00, s3  }
0x9: {  	s3 =	sadd.s32 $0x545600, s4;
	s4 =	sadd.s32 s5, s4;
	s30 =	sshrl.u32 s9, $0x1  }
0xa: {  	_ =	strace $0x80000050;
	s5 =	ssub.s32 s9, s30;
	s7 =	sadd.s32 s7, s4  }
0xb: {  	s8 =	sadd.s32 s10, s8;
	s9 =	simm.s32 $0x400;
	s10 =	simm.s32 $0x4400  }
0xc: {  	s4 =	smax.u32 s5, $0x1;
	s5 =	sadd.s32 $0x247600, s7;
	s31 =	sshrl.u32 s8, $0x3  }
0xd: {  	s7 =	simm.s32 $0x2;
	s8 =	simm.s32 $0x80;
	s6 =	sadd.s32 s31, s6  }
.LBB2_1:
0xe: {  	s21 =	sadd.s32 $0x0, s6  }
0xf: {  	[tilespmem:s2], [sflag:$0x2] =	stream.linear.gather [hbm4b:s21+s2], $0x400, $0x38;
	[tilespmem:$0x10400] =	vst v63  }
0x10: {  	_ =	swait.ge [sflag:s7], $0x400  }
0x11: {  	[sflag:s7] =	ssyncset.done $0x0  }
0x12: {  	[sflag:s7] =	ssyncadd.s32 $0xFFFFFC00  }
0x13: {  	[tilespmem:s9], [sflag:$0x1] =	stream.indirect.gather [hbm4b:s3+s8], $0x80, s2, s8, $0xb8;
	[tilespmem:$0x10400] =	vst v63  }
0x14: {  	_ = 	snop  }
0x15: {  	[tilespmem:s10], [sflag:$0x1] =	stream.indirect.gather [hbm4b:s3+s8], $0x80, s8, s8, $0xb8;
	[tilespmem:$0x10400] =	vst v63  }
0x16: {  	_ = 	snop  }
0x17: {  	[tilespmem:s12], [sflag:$0x1] =	stream.indirect.gather [hbm4b:s3+s8], $0x80, s11, s8, $0xb8;
	[tilespmem:$0x10400] =	vst v63  }
0x18: {  	_ = 	snop  }
0x19: {  	[tilespmem:s14], [sflag:$0x1] =	stream.indirect.gather [hbm4b:s3+s8], $0x80, s13, s8, $0xb8;
	[tilespmem:$0x10400] =	vst v63  }
0x1a: {  	_ =	swait.ge [sflag:s15], $0x4000  }
0x1b: {  	[sflag:s15] =	ssyncset.done $0x0  }
0x1c: {  	[sflag:s15] =	ssyncadd.s32 $0xFFFFC000  }
0x1d: {  	_ =	swait.ge [sflag:s15], $0x4000  }
0x1e: {  	[sflag:s15] =	ssyncset.done $0x0  }
0x1f: {  	[sflag:s15] =	ssyncadd.s32 $0xFFFFC000  }
0x20: {  	_ =	swait.ge [sflag:s15], $0x4000  }
0x21: {  	[sflag:s15] =	ssyncset.done $0x0  }
0x22: {  	[sflag:s15] =	ssyncadd.s32 $0xFFFFC000  }
0x23: {  	_ =	swait.ge [sflag:s15], $0x4000  }
0x24: {  	[sflag:s15] =	ssyncset.done $0x0  }
0x25: {  	s31 =	sadd.s32 $0xFFFFE000, s5;
	[sflag:s15] =	ssyncadd.s32 $0xFFFFC000  }
0x26: {  	[hbm4b:s31+s2] =	stream.linear.scatter [tilespmem:s9], [sflag:$0x2], $0x10000, $0x38;
	[tilespmem:$0x10400] =	vst v63  }
0x27: {  	_ =	swait.ge [sflag:s7], $0x10000  }
0x28: {  	[sflag:s7] =	ssyncset.done $0x0  }
0x29: {  	[sflag:s7] =	ssyncadd.s32 $0xFFFF0000  }
0x2a: {  	[tilespmem:s9], [sflag:$0x1] =	stream.indirect.gather [hbm4b:s3+s8], $0x80, s16, s8, $0xb8;
	[tilespmem:$0x10400] =	vst v63  }
0x2b: {  	_ = 	snop  }
0x2c: {  	[tilespmem:s10], [sflag:$0x1] =	stream.indirect.gather [hbm4b:s3+s8], $0x80, s17, s8, $0xb8;
	[tilespmem:$0x10400] =	vst v63  }
0x2d: {  	_ = 	snop  }
0x2e: {  	[tilespmem:s12], [sflag:$0x1] =	stream.indirect.gather [hbm4b:s3+s8], $0x80, s18, s8, $0xb8;
	[tilespmem:$0x10400] =	vst v63  }
0x2f: {  	_ = 	snop  }
0x30: {  	[tilespmem:s14], [sflag:$0x1] =	stream.indirect.gather [hbm4b:s3+s8], $0x80, s19, s8, $0xb8;
	[tilespmem:$0x10400] =	vst v63  }
0x31: {  	_ =	swait.ge [sflag:s15], $0x4000  }
0x32: {  	[sflag:s15] =	ssyncset.done $0x0  }
0x33: {  	[sflag:s15] =	ssyncadd.s32 $0xFFFFC000  }
0x34: {  	_ =	swait.ge [sflag:s15], $0x4000  }
0x35: {  	[sflag:s15] =	ssyncset.done $0x0  }
0x36: {  	[sflag:s15] =	ssyncadd.s32 $0xFFFFC000  }
0x37: {  	_ =	swait.ge [sflag:s15], $0x4000  }
0x38: {  	[sflag:s15] =	ssyncset.done $0x0  }
0x39: {  	[sflag:s15] =	ssyncadd.s32 $0xFFFFC000  }
0x3a: {  	_ =	swait.ge [sflag:s15], $0x4000  }
0x3b: {  	[sflag:s15] =	ssyncset.done $0x0  }
0x3c: {  	[sflag:s15] =	ssyncadd.s32 $0xFFFFC000  }
0x3d: {  	[hbm4b:s5+s2] =	stream.linear.scatter [tilespmem:s9], [sflag:$0x2], $0x10000, $0x38;
	[tilespmem:$0x10400] =	vst v63  }
0x3e: {  	_ =	swait.ge [sflag:s7], $0x10000  }
0x3f: {  	s22 =	smov.u32 s5;
	s21 =	simm.s32 $0x80;
	[sflag:s7] =	ssyncset.done $0x0  }
.LBB2_2:
0x40: {  	p0 =	sne.s32 s21, $0x100;
	[sflag:s7] =	ssyncadd.s32 $0xFFFF0000;
	s22 =	sadd.s32 $0x4000, s22  }
0x41: {  	s23 =	sadd.s32 s21, s6;
	s21 =	sadd.s32 $0x80, s21  }
0x42: {  	[tilespmem:s2], [sflag:$0x2] =	stream.linear.gather [hbm4b:s23+s2], $0x400, $0x38;
	[tilespmem:$0x10400] =	vst v63  }
0x43: {  	_ =	swait.ge [sflag:s7], $0x400  }
0x44: {  	[sflag:s7] =	ssyncset.done $0x0  }
0x45: {  	[sflag:s7] =	ssyncadd.s32 $0xFFFFFC00  }
0x46: {  	[tilespmem:s9], [sflag:$0x1] =	stream.indirect.gather [hbm4b:s3+s8], $0x80, s2, s8, $0xb8;
	[tilespmem:$0x10400] =	vst v63  }
0x47: {  	_ = 	snop  }
0x48: {  	[tilespmem:s10], [sflag:$0x1] =	stream.indirect.gather [hbm4b:s3+s8], $0x80, s8, s8, $0xb8;
	[tilespmem:$0x10400] =	vst v63  }
0x49: {  	_ = 	snop  }
0x4a: {  	[tilespmem:s12], [sflag:$0x1] =	stream.indirect.gather [hbm4b:s3+s8], $0x80, s11, s8, $0xb8;
	[tilespmem:$0x10400] =	vst v63  }
0x4b: {  	_ = 	snop  }
0x4c: {  	[tilespmem:s14], [sflag:$0x1] =	stream.indirect.gather [hbm4b:s3+s8], $0x80, s13, s8, $0xb8;
	[tilespmem:$0x10400] =	vst v63  }
0x4d: {  	_ =	swait.ge [sflag:s15], $0x4000  }
0x4e: {  	[sflag:s15] =	ssyncset.done $0x0  }
0x4f: {  	[sflag:s15] =	ssyncadd.s32 $0xFFFFC000  }
0x50: {  	_ =	swait.ge [sflag:s15], $0x4000  }
0x51: {  	[sflag:s15] =	ssyncset.done $0x0  }
0x52: {  	[sflag:s15] =	ssyncadd.s32 $0xFFFFC000  }
0x53: {  	_ =	swait.ge [sflag:s15], $0x4000  }
0x54: {  	[sflag:s15] =	ssyncset.done $0x0  }
0x55: {  	[sflag:s15] =	ssyncadd.s32 $0xFFFFC000  }
0x56: {  	_ =	swait.ge [sflag:s15], $0x4000  }
0x57: {  	[sflag:s15] =	ssyncset.done $0x0  }
0x58: {  	s23 =	sadd.s32 $0xFFFFE000, s22;
	[sflag:s15] =	ssyncadd.s32 $0xFFFFC000  }
0x59: {  	[hbm4b:s23+s2] =	stream.linear.scatter [tilespmem:s9], [sflag:$0x2], $0x10000, $0x38;
	[tilespmem:$0x10400] =	vst v63  }
0x5a: {  	_ =	swait.ge [sflag:s7], $0x10000  }
0x5b: {  	[sflag:s7] =	ssyncset.done $0x0  }
0x5c: {  	[sflag:s7] =	ssyncadd.s32 $0xFFFF0000  }
0x5d: {  	[tilespmem:s9], [sflag:$0x1] =	stream.indirect.gather [hbm4b:s3+s8], $0x80, s16, s8, $0xb8;
	[tilespmem:$0x10400] =	vst v63  }
0x5e: {  	_ = 	snop  }
0x5f: {  	[tilespmem:s10], [sflag:$0x1] =	stream.indirect.gather [hbm4b:s3+s8], $0x80, s17, s8, $0xb8;
	[tilespmem:$0x10400] =	vst v63  }
0x60: {  	_ = 	snop  }
0x61: {  	[tilespmem:s12], [sflag:$0x1] =	stream.indirect.gather [hbm4b:s3+s8], $0x80, s18, s8, $0xb8;
	[tilespmem:$0x10400] =	vst v63  }
0x62: {  	_ = 	snop  }
0x63: {  	[tilespmem:s14], [sflag:$0x1] =	stream.indirect.gather [hbm4b:s3+s8], $0x80, s19, s8, $0xb8;
	[tilespmem:$0x10400] =	vst v63  }
0x64: {  	_ =	swait.ge [sflag:s15], $0x4000  }
0x65: {  	[sflag:s15] =	ssyncset.done $0x0  }
0x66: {  	[sflag:s15] =	ssyncadd.s32 $0xFFFFC000  }
0x67: {  	_ =	swait.ge [sflag:s15], $0x4000  }
0x68: {  	[sflag:s15] =	ssyncset.done $0x0  }
0x69: {  	[sflag:s15] =	ssyncadd.s32 $0xFFFFC000  }
0x6a: {  	_ =	swait.ge [sflag:s15], $0x4000  }
0x6b: {  	[sflag:s15] =	ssyncset.done $0x0  }
0x6c: {  	[sflag:s15] =	ssyncadd.s32 $0xFFFFC000  }
0x6d: {  	_ =	swait.ge [sflag:s15], $0x4000  }
.Ltmp0:
0x6e: {  	[sflag:s15] =	ssyncset.done $0x0;
	(pc) =	sbr.rel @p0 .LBB2_2-.Ltmp0, $4  }
0x6f: {  	[sflag:s15] =	ssyncadd.s32 $0xFFFFC000  }
0x70: {  	[hbm4b:s22+s2] =	stream.linear.scatter [tilespmem:s9], [sflag:$0x2], $0x10000, $0x38;
	[tilespmem:$0x10400] =	vst v63  }
0x71: {  	_ =	swait.ge [sflag:s7], $0x10000  }
0x72: {  	[sflag:s7] =	ssyncset.done $0x0  }
0x73: {  	s20 =	sadd.s32 $0x1, s20  }
0x74: {  	p0 =	sne.s32 s20, s4  }
.Ltmp1:
0x75: {  	_ = 	snop;
	(pc) =	sbr.rel @p0 .LBB2_1-.Ltmp1, $2  }
0x76: {  	_ =	sdelay $0x2  }
0x77: {  	[sflag:s7] =	ssyncadd.s32 $0xFFFF0000  }
0x78: {  	_ =	sfence.sel $0x180000  }
0x79: {  	[bflag:$0x0] =	sbarrier.arrive $0xFFFF  }
0x7a: {  	p0 =	sne.s32 s0, $0x0;
	_ =	strace $0x90000050  }
0x7b: {  	s0 =	sadd.s32 @!p0 $0x100000, s1;
	[bflag:$0x2] =	sbarrier.arrive $0xFFFF  }
0x7c: {  	[sflag:s0] =	ssyncadd.tile.s32 @!p0 $0x1;
	_ =	shalt  }
.Lfunc_end2:
_tile_overlayer_lowered:
.L_overlay_start_2:
0x7d: {  	(tag) =	ssettag $0x2  }
0x7e: {  	s0 =	rddreg [dreg:$0x0];
	s2 =	stileid.u32  }
0x7f: {  	s1 =	rddreg [dreg:$0x1];
	p0 =	sne.s32 s2, $0x0  }
0x80: {  	s3 =	rddreg [dreg:$0x2];
	[bflag:$0x3] =	sbarrier.arrive $0xFFFF;
	s2 =	simm.s32 @!p0 $0x1C02  }
0x81: {  	[timem:s3], [sflag:s2] =	dma.local @!p0 [hbm:s0], s1  }
0x82: {  	s0 =	simm.s32 @!p0 $0x2  }
0x83: {  	_ =	swait.ge @!p0 [sflag:s0], s1  }
0x84: {  	s1 =	ssub.s32 @!p0 $0x0, s1;
	[sflag:s0] =	ssyncset.done @!p0 $0x0  }
0x85: {  	[sflag:s0] =	ssyncadd.s32 @!p0 s1  }
0x86: {  	[bflag:$0x3] =	sbarrier.arrive $0xFFFF  }
0x87: {  	_ =	shalt  }

// kernel: kernel.17.cloned.1.call-start
scs
__scs_entry_jumppad:
0x0: {  	(pc) =	sbr.rel $0x88, $3  }
0x1: {  	(tag) =	ssettag $0x0;
	lr =	simm.s32 $0x1  }
0x2: {  	[smem:$0x3F9F] =	sst lr;
	_ =	strace $0xD0000000  }
0x3: {  	_ = 	snop  }
0x4: {  	_ = 	snop  }
0x5: {  	_ = 	snop  }
0x6: {  	_ = 	snop  }
0x7: {  	_ = 	snop  }
__scs_overlays_trampoline_lowered:
0x8: {  	[smem:$0x3FAE] =	sst s0  }
0x9: {  	[smem:$0x3FAF] =	sst s1  }
0xa: {  	[smem:$0x3FB0] =	sst s2  }
0xb: {  	[smem:$0x3FB1] =	sst s3  }
0xc: {  	[smem:$0x3FB2] =	sst s4  }
0xd: {  	[smem:$0x3FB3] =	sst s5  }
0xe: {  	[smem:$0x3FB4] =	sst s6  }
0xf: {  	[smem:$0x3FB5] =	sst s7  }
0x10: {  	[smem:$0x3FB6] =	sst s8  }
0x11: {  	[smem:$0x3FB7] =	sst s9;
	s0 =	simm.s32 @!p0 $0x0  }
0x12: {  	s1 =	sld [smem:$0x3F9D];
	s0 =	simm.s32 @p0 $0x1  }
0x13: {  	[smem:$0x3FB8] =	sst s0;
	s0 =	simm.s32 @!p1 $0x0  }
0x14: {  	s2 =	sld [smem:$0x3F9C];
	s0 =	simm.s32 @p1 $0x1  }
0x15: {  	[smem:$0x3FB9] =	sst s0;
	s0 =	simm.s32 @!p2 $0x0  }
0x16: {  	s3 =	sld [smem:$0x3FDB];
	s0 =	simm.s32 @p2 $0x1  }
0x17: {  	s4 =	simm.s32 $0x1BF5;
	[smem:$0x3FBB] =	sst s0  }
0x18: {  	s0 =	sld [smem:$0x3F9E];
	_ =	swait.ge [sflag:s4], $0x0  }
0x19: {  	s7 =	sld [smem:$0x3F9F]  }
0x1a: {  	s8 =	sadd.s32 $0xFFFFE003, lr  }
0x1b: {  	s9 =	sadd.s32 $0xFFFFFEF7, lr;
	s5 =	simm.s32 $0xFFFFFFFF;
	p2 =	slt.u32 s8, $0xFFFFF086  }
0x1c: {  	p1 =	slt.u32 s9, $0xF7A;
	s5 =	simm.s32 @!p2 $0x0  }
0x1d: {  	s5 =	simm.s32 @p1 $0x1;
	p0 =	seq.s32 s7, s2  }
0x1e: {  	s7 =	smul.u32 @!p0 $0xF7A, s2;
	p2 =	seq.s32 @!p0 s5, $0x0  }
0x1f: {  	s9 =	smul.u32 $0xF7A, s1;
	s8 =	simm.s32 @!p0 $0x1BF5;
	p2 =	por !p2, p0  }
0x20: {  	[sflag:s8] =	ssyncset.s32 @!p0 $0xFFFFF086;
	s6 =	sadd.s32 @!p0 s3, s7;
	s7 =	simm.s32 @!p0 $0x108  }
0x21: {  	s3 =	sadd.s32 s3, s9;
	s6 =	sadd.s32 @!p0 $0x88, s6;
	s7 =	simm.s32 @p2 $0x1082  }
0x22: {  	[simem:s7], [sflag:s8] =	dma.local @!p0 [hbm:s6], $0xF7A  }
0x23: {  	s9 =	sor.u32 $0xD0000000, s2;
	s6 =	simm.s32 $0x108;
	_ =	swait.ge @!p0 [sflag:s8], $0x0  }
0x24: {  	s3 =	sadd.s32 $0x88, s3;
	s6 =	simm.s32 @!p1 $0x1082;
	[sflag:s4] =	ssyncset.s32 $0xFFFFF086  }
0x25: {  	[simem:s6], [sflag:s4] =	dma.local [hbm:s3], $0xF7A  }
0x26: {  	[smem:$0x3F9F] =	sst s1;
	(tag) =	ssettag s2;
	_ =	strace s9  }
0x27: {  	s1 =	sld [smem:$0x3FAF]  }
0x28: {  	s2 =	sld [smem:$0x3FB0]  }
0x29: {  	s4 =	sld [smem:$0x3FB2]  }
0x2a: {  	p0 =	seq.s32 s5, $0x0;
	s5 =	sld [smem:$0x3FB3]  }
0x2b: {  	s6 =	sld [smem:$0x3FB4]  }
0x2c: {  	s7 =	sld [smem:$0x3FB5]  }
0x2d: {  	s3 =	simm.s32 $0x108;
	s8 =	sld [smem:$0x3FB6]  }
0x2e: {  	s3 =	simm.s32 @!p0 $0x1082;
	s9 =	sld [smem:$0x3FB7]  }
0x2f: {  	lr =	sadd.s32 s0, s3;
	s0 =	sld [smem:$0x3FAE]  }
0x30: {  	s3 =	sld [smem:$0x3FB1]  }
0x31: {  	[smem:$0x3FBA] =	sst s10  }
0x32: {  	s10 =	sld [smem:$0x3FB8];
	_ =	sdelay $0x3  }
0x33: {  	p0 =	seq.s32 s10, $0x1;
	s10 =	sld [smem:$0x3FBA];
	_ =	sdelay $0x3  }
0x34: {  	[smem:$0x3FBA] =	sst s10  }
0x35: {  	s10 =	sld [smem:$0x3FB9];
	_ =	sdelay $0x3  }
0x36: {  	p1 =	seq.s32 s10, $0x1;
	s10 =	sld [smem:$0x3FBA];
	_ =	sdelay $0x3  }
0x37: {  	[smem:$0x3FBA] =	sst s10  }
0x38: {  	s10 =	sld [smem:$0x3FBB]  }
0x39: {  	_ = 	snop;
	(pc) =	sbr.ind lr, $3  }
0x3a: {  	_ = 	snop  }
0x3b: {  	_ = 	snop  }
0x3c: {  	p2 =	seq.s32 s10, $0x1;
	s10 =	sld [smem:$0x3FBA]  }
0x3d: {  	_ =	shalt  }
0x3e: {  	_ =	shalt  }
0x3f: {  	_ =	shalt  }
0x40: {  	_ =	shalt  }
0x41: {  	_ =	shalt  }
0x42: {  	_ =	shalt  }
0x43: {  	_ =	shalt  }
0x44: {  	_ =	shalt  }
0x45: {  	_ =	shalt  }
0x46: {  	_ =	shalt  }
0x47: {  	_ =	shalt  }
0x48: {  	_ =	shalt  }
0x49: {  	_ =	shalt  }
0x4a: {  	_ =	shalt  }
0x4b: {  	_ =	shalt  }
0x4c: {  	_ =	shalt  }
0x4d: {  	_ =	shalt  }
0x4e: {  	_ =	shalt  }
0x4f: {  	_ =	shalt  }
0x50: {  	_ =	shalt  }
0x51: {  	_ =	shalt  }
0x52: {  	_ =	shalt  }
0x53: {  	_ =	shalt  }
0x54: {  	_ =	shalt  }
0x55: {  	_ =	shalt  }
0x56: {  	_ =	shalt  }
0x57: {  	_ =	shalt  }
0x58: {  	_ =	shalt  }
0x59: {  	_ =	shalt  }
0x5a: {  	_ =	shalt  }
0x5b: {  	_ =	shalt  }
0x5c: {  	_ =	shalt  }
0x5d: {  	_ =	shalt  }
0x5e: {  	_ =	shalt  }
0x5f: {  	_ =	shalt  }
0x60: {  	_ =	shalt  }
0x61: {  	_ =	shalt  }
0x62: {  	_ =	shalt  }
0x63: {  	_ =	shalt  }
0x64: {  	_ =	shalt  }
0x65: {  	_ =	shalt  }
0x66: {  	_ =	shalt  }
0x67: {  	_ =	shalt  }
0x68: {  	_ =	shalt  }
0x69: {  	_ =	shalt  }
0x6a: {  	_ =	shalt  }
0x6b: {  	_ =	shalt  }
0x6c: {  	_ =	shalt  }
0x6d: {  	_ =	shalt  }
0x6e: {  	_ =	shalt  }
0x6f: {  	_ =	shalt  }
0x70: {  	_ =	shalt  }
0x71: {  	_ =	shalt  }
0x72: {  	_ =	shalt  }
0x73: {  	_ =	shalt  }
0x74: {  	_ =	shalt  }
0x75: {  	_ =	shalt  }
0x76: {  	_ =	shalt  }
0x77: {  	_ =	shalt  }
0x78: {  	_ =	shalt  }
0x79: {  	_ =	shalt  }
0x7a: {  	_ =	shalt  }
0x7b: {  	_ =	shalt  }
0x7c: {  	_ =	shalt  }
0x7d: {  	_ =	shalt  }
0x7e: {  	_ =	shalt  }
0x7f: {  	_ =	shalt  }
0x80: {  	_ =	shalt  }
0x81: {  	_ =	shalt  }
0x82: {  	_ =	shalt  }
0x83: {  	_ =	shalt  }
0x84: {  	_ =	shalt  }
0x85: {  	_ =	shalt  }
0x86: {  	_ =	shalt  }
0x87: {  	_ =	shalt  }
.Lfunc_end0:
.L_simem_size_0:
called_computation.2_lowered:
.L_overlay_start_0:
0x88: {  	s2 =	sld [smem:$0x3FD9]  }
0x89: {  	s3 =	sld [smem:$0x3FFE];
	_ =	sdelay $0x1  }
0x8a: {  	s1 =	srdreg.scid  }
0x8b: {  	s0 =	sand.u32 $0x1, s1  }
0x8c: {  	s16 =	sshll.u32 s0, $0xA;
	s2 =	sadd.s32 s3, s2  }
0x8d: {  	s2 =	sadd.s32 s2, s16  }
0x8e: {  	[smem:$0x3FC6] =	sst s2  }
0x8f: {  	_ = 	snop  }
0x90: {  	(tm) =	ssettm $0x1  }
0x91: {  	s17 =	sld [smem:$0x3FFB];
	_ =	sdelay $0x3  }
0x92: {  	_ =	strace s17  }
0x93: {  	s2 =	sld [smem:$0x3FFC];
	_ =	sdelay $0x3  }
0x94: {  	_ =	strace s2  }
0x95: {  	s2 =	sld [smem:$0x3FFD];
	_ =	sdelay $0x3  }
0x96: {  	_ =	strace s2  }
0x97: {  	_ =	strace $0x8FFFFFFF  }
0x98: {  	s18 =	sld [smem:$0x3FDB];
	_ =	sdelay $0x1  }
0x99: {  	s19 =	simm.s32 $_scs_section_size  }
0x9a: {  	s4 =	simm.s32 $_size__tile_overlayer_lowered;
	s5 =	simm.s32 $_tile_overlayer_lowered  }
0x9b: {  	s22 =	simm.s32 $0x1BFF;
	s21 =	sshll.u32 s5, $0x1;
	s2 =	sadd.s32 s19, s18  }
0x9c: {  	s6 =	simm.s32 $0x0;
	s20 =	sshll.u32 s4, $0x1;
	s4 =	sadd.s32 s21, s2  }
0x9d: {  	[timem:s6], [sflag:s22] =	dma.local [hbm:s4], s20  }
0x9e: {  	_ =	swait.ge [sflag:s22], s20  }
0x9f: {  	s3 =	ssub.s32 $0x0, s20;
	[sflag:s22] =	ssyncset.done $0x0  }
0xa0: {  	[sflag:s22] =	ssyncadd.s32 s3;
	_ =	sdelay $0x1  }
0xa1: {  	s23 =	simm.s32 $0x1B8B  }
0xa2: {  	_ =	swait.ge [sflag:s23], $0x1  }
0xa3: {  	[sflag:s23] =	ssyncset.done $0x0  }
0xa4: {  	s25 =	simm.s32 $0x1B8E;
	s24 =	sld [smem:$0x3FFE];
	[sflag:s23] =	ssyncadd.s32 $0xFFFFFFFF  }
0xa5: {  	s26 =	simm.s32 $execute0_lowered;
	[smem:$0x3FD2] =	sst s25  }
0xa6: {  	s4 =	sshll.u32 s26, $0x1;
	_ =	strace $0x80000046;
	[dreg:$0x1] =	wrdreg $0xFFFFFFFF  }
0xa7: {  	s28 =	simm.s32 $_size_execute0_lowered;
	s2 =	sadd.s32 s2, s4;
	[dreg:$0x0] =	wrdreg $0x0  }
0xa8: {  	s4 =	sshll.u32 s28, $0x1;
	[dreg:$0x2] =	wrdreg s2  }
0xa9: {  	[dreg:$0x3] =	wrdreg s4  }
0xaa: {  	[dreg:$0x4] =	wrdreg $0xC0  }
0xab: {  	_ =	task [dreg:s6], $0x5FFFF  }
0xac: {  	[dreg:$0x1] =	wrdreg $0xFFFFFFFF  }
0xad: {  	[dreg:$0x0] =	wrdreg $0x60  }
0xae: {  	[dreg:$0x2] =	wrdreg s24  }
0xaf: {  	[dreg:$0x3] =	wrdreg $0xA  }
0xb0: {  	_ =	task.clear_ibuf [dreg:s6], $0x4FFFF;
	_ =	strace $0x90000046  }
0xb1: {  	s29 =	simm.s32 $0xA;
	_ =	strace $0x80000048  }
0xb2: {  	_ =	swait.ge [sflag:s29], $0x1  }
0xb3: {  	[sflag:s29] =	ssyncadd.s32 $0xFFFFFFFF  }
0xb4: {  	_ =	strace $0x90000048  }
0xb5: {  	_ =	sfence  }
0xb6: {  	s30 =	sld [smem:$0x0];
	_ =	sdelay $0x2  }
0xb7: {  	s31 =	sshll.u32 s1, $0xD;
	s1 =	sshrl.u32 s1, $0x2  }
0xb8: {  	s3 =	sand.u32 $0x4000, s31;
	s1 =	sadd.s32 s1, s30  }
0xb9: {  	s0 =	sor.u32 s3, s0;
	s1 =	sshll.u32 s1, $0x11  }
0xba: {  	s0 =	sor.u32 s1, s0  }
0xbb: {  	s0 =	sadd.s32 $0x8F2B, s0  }
0xbc: {  	[sflag:s0] =	ssyncadd.remote.s32 $0x1  }
0xbd: {  	_ =	sfence.sel $0xFFFF  }
0xbe: {  	[dreg:$0x0] =	wrdreg $0xFFFFFFFF;
	(pc) =	sbr.abs _section_cstart, $3  }
0xbf: {  	[dreg:$0x1] =	wrdreg $0xFFFFFFFF  }
0xc0: {  	_ =	task.clear_ibuf [dreg:s6], $0x2FFFF;
	_ =	strace $0x9FFFFFFF  }
0xc1: {  	(tm) =	ssettm $0x7FFFFFFF  }
tec
execute0_lowered:
.L_overlay_start_1:
0x0: {  	(tag) =	ssettag $0x1  }
0x1: {  	s3 =	rddreg [dreg:$0x0]  }
0x2: {  	s0 =	rddreg [dreg:$0x1];
	s2 =	srdreg.scid  }
0x3: {  	s1 =	stileid.u32;
	s9 =	simm.s32 $0x80;
	s10 =	simm.s32 $0x4400  }
0x4: {  	s11 =	simm.s32 $0x100;
	s12 =	simm.s32 $0x8400;
	s13 =	simm.s32 $0x180  }
0x5: {  	s14 =	simm.s32 $0xC400;
	s15 =	simm.s32 $0x1;
	s16 =	simm.s32 $0x200  }
0x6: {  	s17 =	simm.s32 $0x280;
	s18 =	simm.s32 $0x300;
	s19 =	simm.s32 $0x380  }
0x7: {  	s20 =	simm.s32 $0x0;
	s4 =	sand.u32 $0x1, s2;
	s5 =	sshll.u32 s1, $0x1  }
0x8: {  	s6 =	smul.u32 $0x1800, s1;
	s2 =	simm.s32 $0x0;
	s5 =	sor.u32 s4, s5  }
0x9: {  	s7 =	smul.u32 $0xC00, s4;
	[smem:$0x7FF] =	sst s2;
	s4 =	ssub.s32 $0x2, s4  }
0xa: {  	s5 =	sand.u32 $0x7, s5;
	_ =	strace $0x80000047;
	s30 =	sshrl.u32 s4, $0x1  }
0xb: {  	s5 =	smul.u32 $0xC000, s5;
	s6 =	sadd.s32 s7, s6;
	s4 =	ssub.s32 s4, s30  }
0xc: {  	s7 =	simm.s32 $0x2;
	s6 =	sshrl.u32 s6, $0x3;
	s4 =	smax.u32 s4, $0x1  }
0xd: {  	s8 =	sadd.s32 s5, s3;
	s31 =	sadd.s32 s6, s3;
	s3 =	sadd.s32 $0xC5600, s3  }
0xe: {  	s5 =	sadd.s32 $0x62600, s31;
	s6 =	sadd.s32 $0x67600, s8;
	s8 =	simm.s32 $0x400  }
.LBB2_1:
0xf: {  	s21 =	sadd.s32 $0x0, s5  }
0x10: {  	[tilespmem:s2], [sflag:$0x2] =	stream.linear.gather [hbm4b:s21+s2], $0x400, $0x38;
	[tilespmem:$0x10400] =	vst v63  }
0x11: {  	_ =	swait.ge [sflag:s7], $0x400  }
0x12: {  	[sflag:s7] =	ssyncset.done $0x0  }
0x13: {  	s31 =	sadd.s32 $0xFFFFE000, s6;
	[sflag:s7] =	ssyncadd.s32 $0xFFFFFC00  }
0x14: {  	[tilespmem:s8], [sflag:$0x2] =	stream.linear.gather [hbm4b:s31+s2], $0x10000, $0x38;
	[tilespmem:$0x10400] =	vst v63  }
0x15: {  	_ =	swait.ge [sflag:s7], $0x10000  }
0x16: {  	[sflag:s7] =	ssyncset.done $0x0  }
0x17: {  	[sflag:s7] =	ssyncadd.s32 $0xFFFF0000  }
0x18: {  	[hbm4b:s3+s9] =	stream.indirect.scatter [tilespmem:s8], [sflag:$0x1], $0x80, s2, s9, $0xb8;
	[tilespmem:$0x10400] =	vst v63  }
0x19: {  	_ = 	snop  }
0x1a: {  	[hbm4b:s3+s9] =	stream.indirect.scatter [tilespmem:s10], [sflag:$0x1], $0x80, s9, s9, $0xb8;
	[tilespmem:$0x10400] =	vst v63  }
0x1b: {  	_ = 	snop  }
0x1c: {  	[hbm4b:s3+s9] =	stream.indirect.scatter [tilespmem:s12], [sflag:$0x1], $0x80, s11, s9, $0xb8;
	[tilespmem:$0x10400] =	vst v63  }
0x1d: {  	_ = 	snop  }
0x1e: {  	[hbm4b:s3+s9] =	stream.indirect.scatter [tilespmem:s14], [sflag:$0x1], $0x80, s13, s9, $0xb8;
	[tilespmem:$0x10400] =	vst v63  }
0x1f: {  	_ =	swait.ge [sflag:s15], $0x4000  }
0x20: {  	[sflag:s15] =	ssyncset.done $0x0  }
0x21: {  	[sflag:s15] =	ssyncadd.s32 $0xFFFFC000  }
0x22: {  	_ =	swait.ge [sflag:s15], $0x4000  }
0x23: {  	[sflag:s15] =	ssyncset.done $0x0  }
0x24: {  	[sflag:s15] =	ssyncadd.s32 $0xFFFFC000  }
0x25: {  	_ =	swait.ge [sflag:s15], $0x4000  }
0x26: {  	[sflag:s15] =	ssyncset.done $0x0  }
0x27: {  	[sflag:s15] =	ssyncadd.s32 $0xFFFFC000  }
0x28: {  	_ =	swait.ge [sflag:s15], $0x4000  }
0x29: {  	[sflag:s15] =	ssyncset.done $0x0  }
0x2a: {  	[sflag:s15] =	ssyncadd.s32 $0xFFFFC000  }
0x2b: {  	[tilespmem:s8], [sflag:$0x2] =	stream.linear.gather [hbm4b:s6+s2], $0x10000, $0x38;
	[tilespmem:$0x10400] =	vst v63  }
0x2c: {  	_ =	swait.ge [sflag:s7], $0x10000  }
0x2d: {  	[sflag:s7] =	ssyncset.done $0x0  }
0x2e: {  	[sflag:s7] =	ssyncadd.s32 $0xFFFF0000  }
0x2f: {  	[hbm4b:s3+s9] =	stream.indirect.scatter [tilespmem:s8], [sflag:$0x1], $0x80, s16, s9, $0xb8;
	[tilespmem:$0x10400] =	vst v63  }
0x30: {  	_ = 	snop  }
0x31: {  	[hbm4b:s3+s9] =	stream.indirect.scatter [tilespmem:s10], [sflag:$0x1], $0x80, s17, s9, $0xb8;
	[tilespmem:$0x10400] =	vst v63  }
0x32: {  	_ = 	snop  }
0x33: {  	[hbm4b:s3+s9] =	stream.indirect.scatter [tilespmem:s12], [sflag:$0x1], $0x80, s18, s9, $0xb8;
	[tilespmem:$0x10400] =	vst v63  }
0x34: {  	_ = 	snop  }
0x35: {  	[hbm4b:s3+s9] =	stream.indirect.scatter [tilespmem:s14], [sflag:$0x1], $0x80, s19, s9, $0xb8;
	[tilespmem:$0x10400] =	vst v63  }
0x36: {  	_ =	swait.ge [sflag:s15], $0x4000  }
0x37: {  	[sflag:s15] =	ssyncset.done $0x0  }
0x38: {  	[sflag:s15] =	ssyncadd.s32 $0xFFFFC000  }
0x39: {  	_ =	swait.ge [sflag:s15], $0x4000  }
0x3a: {  	[sflag:s15] =	ssyncset.done $0x0  }
0x3b: {  	[sflag:s15] =	ssyncadd.s32 $0xFFFFC000  }
0x3c: {  	_ =	swait.ge [sflag:s15], $0x4000  }
0x3d: {  	[sflag:s15] =	ssyncset.done $0x0  }
0x3e: {  	[sflag:s15] =	ssyncadd.s32 $0xFFFFC000  }
0x3f: {  	_ =	swait.ge [sflag:s15], $0x4000  }
0x40: {  	s22 =	smov.u32 s6;
	s21 =	simm.s32 $0x80;
	[sflag:s15] =	ssyncset.done $0x0  }
.LBB2_2:
0x41: {  	p0 =	sne.s32 s21, $0x100;
	[sflag:s15] =	ssyncadd.s32 $0xFFFFC000;
	s22 =	sadd.s32 $0x4000, s22  }
0x42: {  	s23 =	sadd.s32 s21, s5;
	s21 =	sadd.s32 $0x80, s21  }
0x43: {  	[tilespmem:s2], [sflag:$0x2] =	stream.linear.gather [hbm4b:s23+s2], $0x400, $0x38;
	[tilespmem:$0x10400] =	vst v63  }
0x44: {  	_ =	swait.ge [sflag:s7], $0x400  }
0x45: {  	[sflag:s7] =	ssyncset.done $0x0  }
0x46: {  	s23 =	sadd.s32 $0xFFFFE000, s22;
	[sflag:s7] =	ssyncadd.s32 $0xFFFFFC00  }
0x47: {  	[tilespmem:s8], [sflag:$0x2] =	stream.linear.gather [hbm4b:s23+s2], $0x10000, $0x38;
	[tilespmem:$0x10400] =	vst v63  }
0x48: {  	_ =	swait.ge [sflag:s7], $0x10000  }
0x49: {  	[sflag:s7] =	ssyncset.done $0x0  }
0x4a: {  	[sflag:s7] =	ssyncadd.s32 $0xFFFF0000  }
0x4b: {  	[hbm4b:s3+s9] =	stream.indirect.scatter [tilespmem:s8], [sflag:$0x1], $0x80, s2, s9, $0xb8;
	[tilespmem:$0x10400] =	vst v63  }
0x4c: {  	_ = 	snop  }
0x4d: {  	[hbm4b:s3+s9] =	stream.indirect.scatter [tilespmem:s10], [sflag:$0x1], $0x80, s9, s9, $0xb8;
	[tilespmem:$0x10400] =	vst v63  }
0x4e: {  	_ = 	snop  }
0x4f: {  	[hbm4b:s3+s9] =	stream.indirect.scatter [tilespmem:s12], [sflag:$0x1], $0x80, s11, s9, $0xb8;
	[tilespmem:$0x10400] =	vst v63  }
0x50: {  	_ = 	snop  }
0x51: {  	[hbm4b:s3+s9] =	stream.indirect.scatter [tilespmem:s14], [sflag:$0x1], $0x80, s13, s9, $0xb8;
	[tilespmem:$0x10400] =	vst v63  }
0x52: {  	_ =	swait.ge [sflag:s15], $0x4000  }
0x53: {  	[sflag:s15] =	ssyncset.done $0x0  }
0x54: {  	[sflag:s15] =	ssyncadd.s32 $0xFFFFC000  }
0x55: {  	_ =	swait.ge [sflag:s15], $0x4000  }
0x56: {  	[sflag:s15] =	ssyncset.done $0x0  }
0x57: {  	[sflag:s15] =	ssyncadd.s32 $0xFFFFC000  }
0x58: {  	_ =	swait.ge [sflag:s15], $0x4000  }
0x59: {  	[sflag:s15] =	ssyncset.done $0x0  }
0x5a: {  	[sflag:s15] =	ssyncadd.s32 $0xFFFFC000  }
0x5b: {  	_ =	swait.ge [sflag:s15], $0x4000  }
0x5c: {  	[sflag:s15] =	ssyncset.done $0x0  }
0x5d: {  	[sflag:s15] =	ssyncadd.s32 $0xFFFFC000  }
0x5e: {  	[tilespmem:s8], [sflag:$0x2] =	stream.linear.gather [hbm4b:s22+s2], $0x10000, $0x38;
	[tilespmem:$0x10400] =	vst v63  }
0x5f: {  	_ =	swait.ge [sflag:s7], $0x10000  }
0x60: {  	[sflag:s7] =	ssyncset.done $0x0  }
0x61: {  	[sflag:s7] =	ssyncadd.s32 $0xFFFF0000  }
0x62: {  	[hbm4b:s3+s9] =	stream.indirect.scatter [tilespmem:s8], [sflag:$0x1], $0x80, s16, s9, $0xb8;
	[tilespmem:$0x10400] =	vst v63  }
0x63: {  	_ = 	snop  }
0x64: {  	[hbm4b:s3+s9] =	stream.indirect.scatter [tilespmem:s10], [sflag:$0x1], $0x80, s17, s9, $0xb8;
	[tilespmem:$0x10400] =	vst v63  }
0x65: {  	_ = 	snop  }
0x66: {  	[hbm4b:s3+s9] =	stream.indirect.scatter [tilespmem:s12], [sflag:$0x1], $0x80, s18, s9, $0xb8;
	[tilespmem:$0x10400] =	vst v63  }
0x67: {  	_ = 	snop  }
0x68: {  	[hbm4b:s3+s9] =	stream.indirect.scatter [tilespmem:s14], [sflag:$0x1], $0x80, s19, s9, $0xb8;
	[tilespmem:$0x10400] =	vst v63  }
0x69: {  	_ =	swait.ge [sflag:s15], $0x4000  }
0x6a: {  	[sflag:s15] =	ssyncset.done $0x0  }
0x6b: {  	[sflag:s15] =	ssyncadd.s32 $0xFFFFC000  }
0x6c: {  	_ =	swait.ge [sflag:s15], $0x4000  }
0x6d: {  	[sflag:s15] =	ssyncset.done $0x0  }
0x6e: {  	[sflag:s15] =	ssyncadd.s32 $0xFFFFC000  }
.Ltmp0:
0x6f: {  	_ =	swait.ge [sflag:s15], $0x4000;
	(pc) =	sbr.rel @p0 .LBB2_2-.Ltmp0, $4  }
0x70: {  	[sflag:s15] =	ssyncset.done $0x0  }
0x71: {  	[sflag:s15] =	ssyncadd.s32 $0xFFFFC000  }
0x72: {  	_ =	swait.ge [sflag:s15], $0x4000  }
0x73: {  	[sflag:s15] =	ssyncset.done $0x0  }
0x74: {  	s20 =	sadd.s32 $0x1, s20  }
0x75: {  	p0 =	sne.s32 s20, s4  }
.Ltmp1:
0x76: {  	_ = 	snop;
	(pc) =	sbr.rel @p0 .LBB2_1-.Ltmp1, $2  }
0x77: {  	_ =	sdelay $0x2  }
0x78: {  	[sflag:s15] =	ssyncadd.s32 $0xFFFFC000  }
0x79: {  	_ =	sfence.sel $0x180000  }
0x7a: {  	[bflag:$0x0] =	sbarrier.arrive $0xFFFF  }
0x7b: {  	p0 =	sne.s32 s1, $0x0;
	_ =	strace $0x90000047  }
0x7c: {  	s0 =	sadd.s32 @!p0 $0x100000, s0;
	[bflag:$0x2] =	sbarrier.arrive $0xFFFF  }
0x7d: {  	[sflag:s0] =	ssyncadd.tile.s32 @!p0 $0x1;
	_ =	shalt  }
.Lfunc_end2:
_tile_overlayer_lowered:
.L_overlay_start_2:
0x7e: {  	(tag) =	ssettag $0x2  }
0x7f: {  	s0 =	rddreg [dreg:$0x0];
	s2 =	stileid.u32  }
0x80: {  	s1 =	rddreg [dreg:$0x1];
	p0 =	sne.s32 s2, $0x0  }
0x81: {  	s3 =	rddreg [dreg:$0x2];
	[bflag:$0x3] =	sbarrier.arrive $0xFFFF;
	s2 =	simm.s32 @!p0 $0x1C02  }
0x82: {  	[timem:s3], [sflag:s2] =	dma.local @!p0 [hbm:s0], s1  }
0x83: {  	s0 =	simm.s32 @!p0 $0x2  }
0x84: {  	_ =	swait.ge @!p0 [sflag:s0], s1  }
0x85: {  	s1 =	ssub.s32 @!p0 $0x0, s1;
	[sflag:s0] =	ssyncset.done @!p0 $0x0  }
0x86: {  	[sflag:s0] =	ssyncadd.s32 @!p0 s1  }
0x87: {  	[bflag:$0x3] =	sbarrier.arrive $0xFFFF  }
0x88: {  	_ =	shalt  }

// kernel: kernel.20.cloned.1.call-start
scs
__scs_entry_jumppad:
0x0: {  	(pc) =	sbr.rel $0x88, $3  }
0x1: {  	(tag) =	ssettag $0x0;
	lr =	simm.s32 $0x1  }
0x2: {  	[smem:$0x3F9F] =	sst lr;
	_ =	strace $0xD0000000  }
0x3: {  	_ = 	snop  }
0x4: {  	_ = 	snop  }
0x5: {  	_ = 	snop  }
0x6: {  	_ = 	snop  }
0x7: {  	_ = 	snop  }
__scs_overlays_trampoline_lowered:
0x8: {  	[smem:$0x3FAE] =	sst s0  }
0x9: {  	[smem:$0x3FAF] =	sst s1  }
0xa: {  	[smem:$0x3FB0] =	sst s2  }
0xb: {  	[smem:$0x3FB1] =	sst s3  }
0xc: {  	[smem:$0x3FB2] =	sst s4  }
0xd: {  	[smem:$0x3FB3] =	sst s5  }
0xe: {  	[smem:$0x3FB4] =	sst s6  }
0xf: {  	[smem:$0x3FB5] =	sst s7  }
0x10: {  	[smem:$0x3FB6] =	sst s8  }
0x11: {  	[smem:$0x3FB7] =	sst s9;
	s0 =	simm.s32 @!p0 $0x0  }
0x12: {  	s1 =	sld [smem:$0x3F9D];
	s0 =	simm.s32 @p0 $0x1  }
0x13: {  	[smem:$0x3FB8] =	sst s0;
	s0 =	simm.s32 @!p1 $0x0  }
0x14: {  	s2 =	sld [smem:$0x3F9C];
	s0 =	simm.s32 @p1 $0x1  }
0x15: {  	[smem:$0x3FB9] =	sst s0;
	s0 =	simm.s32 @!p2 $0x0  }
0x16: {  	s3 =	sld [smem:$0x3FDB];
	s0 =	simm.s32 @p2 $0x1  }
0x17: {  	s4 =	simm.s32 $0x1BF5;
	[smem:$0x3FBB] =	sst s0  }
0x18: {  	s0 =	sld [smem:$0x3F9E];
	_ =	swait.ge [sflag:s4], $0x0  }
0x19: {  	s7 =	sld [smem:$0x3F9F]  }
0x1a: {  	s8 =	sadd.s32 $0xFFFFE003, lr  }
0x1b: {  	s9 =	sadd.s32 $0xFFFFFEF7, lr;
	s5 =	simm.s32 $0xFFFFFFFF;
	p2 =	slt.u32 s8, $0xFFFFF086  }
0x1c: {  	p1 =	slt.u32 s9, $0xF7A;
	s5 =	simm.s32 @!p2 $0x0  }
0x1d: {  	s5 =	simm.s32 @p1 $0x1;
	p0 =	seq.s32 s7, s2  }
0x1e: {  	s7 =	smul.u32 @!p0 $0xF7A, s2;
	p2 =	seq.s32 @!p0 s5, $0x0  }
0x1f: {  	s9 =	smul.u32 $0xF7A, s1;
	s8 =	simm.s32 @!p0 $0x1BF5;
	p2 =	por !p2, p0  }
0x20: {  	[sflag:s8] =	ssyncset.s32 @!p0 $0xFFFFF086;
	s6 =	sadd.s32 @!p0 s3, s7;
	s7 =	simm.s32 @!p0 $0x108  }
0x21: {  	s3 =	sadd.s32 s3, s9;
	s6 =	sadd.s32 @!p0 $0x88, s6;
	s7 =	simm.s32 @p2 $0x1082  }
0x22: {  	[simem:s7], [sflag:s8] =	dma.local @!p0 [hbm:s6], $0xF7A  }
0x23: {  	s9 =	sor.u32 $0xD0000000, s2;
	s6 =	simm.s32 $0x108;
	_ =	swait.ge @!p0 [sflag:s8], $0x0  }
0x24: {  	s3 =	sadd.s32 $0x88, s3;
	s6 =	simm.s32 @!p1 $0x1082;
	[sflag:s4] =	ssyncset.s32 $0xFFFFF086  }
0x25: {  	[simem:s6], [sflag:s4] =	dma.local [hbm:s3], $0xF7A  }
0x26: {  	[smem:$0x3F9F] =	sst s1;
	(tag) =	ssettag s2;
	_ =	strace s9  }
0x27: {  	s1 =	sld [smem:$0x3FAF]  }
0x28: {  	s2 =	sld [smem:$0x3FB0]  }
0x29: {  	s4 =	sld [smem:$0x3FB2]  }
0x2a: {  	p0 =	seq.s32 s5, $0x0;
	s5 =	sld [smem:$0x3FB3]  }
0x2b: {  	s6 =	sld [smem:$0x3FB4]  }
0x2c: {  	s7 =	sld [smem:$0x3FB5]  }
0x2d: {  	s3 =	simm.s32 $0x108;
	s8 =	sld [smem:$0x3FB6]  }
0x2e: {  	s3 =	simm.s32 @!p0 $0x1082;
	s9 =	sld [smem:$0x3FB7]  }
0x2f: {  	lr =	sadd.s32 s0, s3;
	s0 =	sld [smem:$0x3FAE]  }
0x30: {  	s3 =	sld [smem:$0x3FB1]  }
0x31: {  	[smem:$0x3FBA] =	sst s10  }
0x32: {  	s10 =	sld [smem:$0x3FB8];
	_ =	sdelay $0x3  }
0x33: {  	p0 =	seq.s32 s10, $0x1;
	s10 =	sld [smem:$0x3FBA];
	_ =	sdelay $0x3  }
0x34: {  	[smem:$0x3FBA] =	sst s10  }
0x35: {  	s10 =	sld [smem:$0x3FB9];
	_ =	sdelay $0x3  }
0x36: {  	p1 =	seq.s32 s10, $0x1;
	s10 =	sld [smem:$0x3FBA];
	_ =	sdelay $0x3  }
0x37: {  	[smem:$0x3FBA] =	sst s10  }
0x38: {  	s10 =	sld [smem:$0x3FBB]  }
0x39: {  	_ = 	snop;
	(pc) =	sbr.ind lr, $3  }
0x3a: {  	_ = 	snop  }
0x3b: {  	_ = 	snop  }
0x3c: {  	p2 =	seq.s32 s10, $0x1;
	s10 =	sld [smem:$0x3FBA]  }
0x3d: {  	_ =	shalt  }
0x3e: {  	_ =	shalt  }
0x3f: {  	_ =	shalt  }
0x40: {  	_ =	shalt  }
0x41: {  	_ =	shalt  }
0x42: {  	_ =	shalt  }
0x43: {  	_ =	shalt  }
0x44: {  	_ =	shalt  }
0x45: {  	_ =	shalt  }
0x46: {  	_ =	shalt  }
0x47: {  	_ =	shalt  }
0x48: {  	_ =	shalt  }
0x49: {  	_ =	shalt  }
0x4a: {  	_ =	shalt  }
0x4b: {  	_ =	shalt  }
0x4c: {  	_ =	shalt  }
0x4d: {  	_ =	shalt  }
0x4e: {  	_ =	shalt  }
0x4f: {  	_ =	shalt  }
0x50: {  	_ =	shalt  }
0x51: {  	_ =	shalt  }
0x52: {  	_ =	shalt  }
0x53: {  	_ =	shalt  }
0x54: {  	_ =	shalt  }
0x55: {  	_ =	shalt  }
0x56: {  	_ =	shalt  }
0x57: {  	_ =	shalt  }
0x58: {  	_ =	shalt  }
0x59: {  	_ =	shalt  }
0x5a: {  	_ =	shalt  }
0x5b: {  	_ =	shalt  }
0x5c: {  	_ =	shalt  }
0x5d: {  	_ =	shalt  }
0x5e: {  	_ =	shalt  }
0x5f: {  	_ =	shalt  }
0x60: {  	_ =	shalt  }
0x61: {  	_ =	shalt  }
0x62: {  	_ =	shalt  }
0x63: {  	_ =	shalt  }
0x64: {  	_ =	shalt  }
0x65: {  	_ =	shalt  }
0x66: {  	_ =	shalt  }
0x67: {  	_ =	shalt  }
0x68: {  	_ =	shalt  }
0x69: {  	_ =	shalt  }
0x6a: {  	_ =	shalt  }
0x6b: {  	_ =	shalt  }
0x6c: {  	_ =	shalt  }
0x6d: {  	_ =	shalt  }
0x6e: {  	_ =	shalt  }
0x6f: {  	_ =	shalt  }
0x70: {  	_ =	shalt  }
0x71: {  	_ =	shalt  }
0x72: {  	_ =	shalt  }
0x73: {  	_ =	shalt  }
0x74: {  	_ =	shalt  }
0x75: {  	_ =	shalt  }
0x76: {  	_ =	shalt  }
0x77: {  	_ =	shalt  }
0x78: {  	_ =	shalt  }
0x79: {  	_ =	shalt  }
0x7a: {  	_ =	shalt  }
0x7b: {  	_ =	shalt  }
0x7c: {  	_ =	shalt  }
0x7d: {  	_ =	shalt  }
0x7e: {  	_ =	shalt  }
0x7f: {  	_ =	shalt  }
0x80: {  	_ =	shalt  }
0x81: {  	_ =	shalt  }
0x82: {  	_ =	shalt  }
0x83: {  	_ =	shalt  }
0x84: {  	_ =	shalt  }
0x85: {  	_ =	shalt  }
0x86: {  	_ =	shalt  }
0x87: {  	_ =	shalt  }
.Lfunc_end0:
.L_simem_size_0:
called_computation.3_lowered:
.L_overlay_start_0:
0x88: {  	s2 =	sld [smem:$0x3FD9]  }
0x89: {  	s3 =	sld [smem:$0x3FFE];
	_ =	sdelay $0x1  }
0x8a: {  	s1 =	srdreg.scid  }
0x8b: {  	s0 =	sand.u32 $0x1, s1  }
0x8c: {  	s17 =	sshll.u32 s0, $0xA;
	s2 =	sadd.s32 s3, s2  }
0x8d: {  	s2 =	sadd.s32 s2, s17  }
0x8e: {  	[smem:$0x3FC6] =	sst s2  }
0x8f: {  	_ = 	snop  }
0x90: {  	(tm) =	ssettm $0x1  }
0x91: {  	s18 =	sld [smem:$0x3FFB];
	_ =	sdelay $0x3  }
0x92: {  	_ =	strace s18  }
0x93: {  	s2 =	sld [smem:$0x3FFC];
	_ =	sdelay $0x3  }
0x94: {  	_ =	strace s2  }
0x95: {  	s2 =	sld [smem:$0x3FFD];
	_ =	sdelay $0x3  }
0x96: {  	_ =	strace s2  }
0x97: {  	_ =	strace $0x8FFFFFFF  }
0x98: {  	s19 =	sld [smem:$0x3FDB];
	_ =	sdelay $0x1  }
0x99: {  	s20 =	simm.s32 $_scs_section_size  }
0x9a: {  	s4 =	simm.s32 $_size__tile_overlayer_lowered;
	s5 =	simm.s32 $_tile_overlayer_lowered  }
0x9b: {  	s6 =	simm.s32 $0x1BFF;
	s21 =	sshll.u32 s5, $0x1;
	s3 =	sadd.s32 s20, s19  }
0x9c: {  	s22 =	simm.s32 $0x0;
	s4 =	sshll.u32 s4, $0x1;
	s5 =	sadd.s32 s21, s3  }
0x9d: {  	[timem:s22], [sflag:s6] =	dma.local [hbm:s5], s4  }
0x9e: {  	_ =	swait.ge [sflag:s6], s4  }
0x9f: {  	s4 =	ssub.s32 $0x0, s4;
	[sflag:s6] =	ssyncset.done $0x0  }
0xa0: {  	[sflag:s6] =	ssyncadd.s32 s4;
	_ =	sdelay $0x1  }
0xa1: {  	s23 =	simm.s32 $0x1B8B  }
0xa2: {  	_ =	swait.ge [sflag:s23], $0x1  }
0xa3: {  	[sflag:s23] =	ssyncset.done $0x0  }
0xa4: {  	[sflag:s23] =	ssyncadd.s32 $0xFFFFFFFF  }
0xa5: {  	s4 =	sld [smem:$0x0]  }
0xa6: {  	s5 =	sand.u32 $0xFFFFFFFE, s1  }
0xa7: {  	p0 =	sne.s32 s1, s5  }
0xa8: {  	s5 =	sshll.u32 @p0 s5, $0xE  }
0xa9: {  	s5 =	sadd.s32 @p0 $0x11B8D, s5;
	s6 =	sshll.u32 @p0 s4, $0x11  }
0xaa: {  	s5 =	sor.u32 @p0 s6, s5  }
0xab: {  	[sflag:s5] =	ssyncadd.remote.s32 @p0 $0x1;
	_ =	sdelay $0x1  }
0xac: {  	s5 =	simm.s32 @p0 $0x1B8D  }
0xad: {  	_ =	swait.eq @p0 [sflag:s5], $0x1  }
0xae: {  	[sflag:s5] =	ssyncadd.s32 @p0 $0xFFFFFFFF  }
0xaf: {  	s6 =	sshll.u32 @!p0 s1, $0xE  }
0xb0: {  	s6 =	sor.u32 @!p0 $0x4000, s6;
	s5 =	simm.s32 @!p0 $0x1B8D  }
0xb1: {  	s4 =	sshll.u32 @!p0 s4, $0x11;
	s6 =	sadd.s32 @!p0 $0x11B8D, s6;
	_ =	swait.eq @!p0 [sflag:s5], $0x1  }
0xb2: {  	s4 =	sor.u32 @!p0 s4, s6;
	[sflag:s5] =	ssyncadd.s32 @!p0 $0xFFFFFFFF  }
0xb3: {  	s25 =	simm.s32 $0x1B8E;
	s24 =	sld [smem:$0x3FFE];
	[sflag:s4] =	ssyncadd.remote.s32 @!p0 $0x1  }
0xb4: {  	s26 =	simm.s32 $execute0_lowered;
	[smem:$0x3FD2] =	sst s25  }
0xb5: {  	s5 =	sshll.u32 s26, $0x1;
	_ =	strace $0x8000004C;
	[dreg:$0x1] =	wrdreg $0xFFFFFFFF  }
0xb6: {  	s28 =	simm.s32 $_size_execute0_lowered;
	s3 =	sadd.s32 s3, s5;
	[dreg:$0x0] =	wrdreg $0x0  }
0xb7: {  	s5 =	sshll.u32 s28, $0x1;
	[dreg:$0x2] =	wrdreg s3  }
0xb8: {  	[dreg:$0x3] =	wrdreg s5  }
0xb9: {  	[dreg:$0x4] =	wrdreg $0xC0  }
0xba: {  	_ =	task [dreg:s22], $0x5FFFF  }
0xbb: {  	[dreg:$0x1] =	wrdreg $0xFFFFFFFF  }
0xbc: {  	[dreg:$0x0] =	wrdreg $0x60  }
0xbd: {  	[dreg:$0x2] =	wrdreg s24  }
0xbe: {  	[dreg:$0x3] =	wrdreg $0xA  }
0xbf: {  	_ =	task.clear_ibuf [dreg:s22], $0x4FFFF;
	_ =	strace $0x9000004C  }
0xc0: {  	s29 =	simm.s32 $0xA;
	_ =	strace $0x8000004E  }
0xc1: {  	_ =	swait.ge [sflag:s29], $0x1  }
0xc2: {  	[sflag:s29] =	ssyncadd.s32 $0xFFFFFFFF  }
0xc3: {  	_ =	strace $0x9000004E  }
0xc4: {  	_ =	sfence  }
0xc5: {  	s30 =	sld [smem:$0x0];
	_ =	sdelay $0x2  }
0xc6: {  	s31 =	sshll.u32 s1, $0xD;
	s1 =	sshrl.u32 s1, $0x2  }
0xc7: {  	s4 =	sand.u32 $0x4000, s31;
	s1 =	sadd.s32 s1, s30  }
0xc8: {  	s0 =	sor.u32 s4, s0;
	s1 =	sshll.u32 s1, $0x11  }
0xc9: {  	s0 =	sor.u32 s1, s0  }
0xca: {  	s0 =	sadd.s32 $0x8F2B, s0  }
0xcb: {  	[sflag:s0] =	ssyncadd.remote.s32 $0x1  }
0xcc: {  	_ =	sfence.sel $0xFFFF  }
0xcd: {  	[dreg:$0x0] =	wrdreg $0xFFFFFFFF;
	(pc) =	sbr.abs _section_cstart, $3  }
0xce: {  	[dreg:$0x1] =	wrdreg $0xFFFFFFFF  }
0xcf: {  	_ =	task.clear_ibuf [dreg:s22], $0x2FFFF;
	_ =	strace $0x9FFFFFFF  }
0xd0: {  	(tm) =	ssettm $0x7FFFFFFF  }
0xd1: {  	_ =	shalt  }
tec
execute0_lowered:
.L_overlay_start_1:
0x0: {  	(tag) =	ssettag $0x1  }
0x1: {  	s4 =	rddreg [dreg:$0x0]  }
0x2: {  	s0 =	rddreg [dreg:$0x1]  }
0x3: {  	s3 =	srdreg.scid;
	s1 =	stileid.u32;
	s2 =	simm.s32 $0x0  }
0x4: {  	s10 =	simm.s32 $0x4400;
	s11 =	simm.s32 $0x100;
	s12 =	simm.s32 $0x8400  }
0x5: {  	s13 =	simm.s32 $0x180;
	s14 =	simm.s32 $0xC400;
	s15 =	simm.s32 $0x1  }
0x6: {  	s16 =	simm.s32 $0x200;
	s17 =	simm.s32 $0x280;
	s18 =	simm.s32 $0x300  }
0x7: {  	s19 =	simm.s32 $0x380;
	s20 =	simm.s32 $0x0;
	s6 =	smul.u32 $0x1800, s1  }
0x8: {  	s5 =	sand.u32 $0x1, s3;
	[smem:$0x7FF] =	sst s2;
	s8 =	smul.u32 $0x18000, s1  }
0x9: {  	s3 =	sadd.s32 $0x3C5600, s4;
	s7 =	smul.u32 $0xC00, s5;
	s9 =	ssub.s32 $0x2, s5  }
0xa: {  	_ =	strace $0x8000004D;
	s5 =	smul.u32 $0xC000, s5;
	s31 =	sshrl.u32 s9, $0x1  }
0xb: {  	s30 =	sadd.s32 s8, s4;
	s6 =	sadd.s32 s7, s6;
	s8 =	ssub.s32 s9, s31  }
0xc: {  	s5 =	sadd.s32 s5, s30;
	s7 =	simm.s32 $0x2;
	s6 =	sshrl.u32 s6, $0x3  }
0xd: {  	s9 =	simm.s32 $0x400;
	s5 =	sadd.s32 $0xC7600, s5;
	s6 =	sadd.s32 s6, s4  }
0xe: {  	s4 =	smax.u32 s8, $0x1;
	s8 =	simm.s32 $0x80;
	s6 =	sadd.s32 $0x62600, s6  }
.LBB2_1:
0xf: {  	s21 =	sadd.s32 $0x0, s6  }
0x10: {  	[tilespmem:s2], [sflag:$0x2] =	stream.linear.gather [hbm4b:s21+s2], $0x400, $0x38;
	[tilespmem:$0x10400] =	vst v63  }
0x11: {  	_ =	swait.ge [sflag:s7], $0x400  }
0x12: {  	[sflag:s7] =	ssyncset.done $0x0  }
0x13: {  	[sflag:s7] =	ssyncadd.s32 $0xFFFFFC00  }
0x14: {  	[tilespmem:s9], [sflag:$0x1] =	stream.indirect.gather [hbm4b:s3+s8], $0x80, s2, s8, $0xb8;
	[tilespmem:$0x10400] =	vst v63  }
0x15: {  	_ = 	snop  }
0x16: {  	[tilespmem:s10], [sflag:$0x1] =	stream.indirect.gather [hbm4b:s3+s8], $0x80, s8, s8, $0xb8;
	[tilespmem:$0x10400] =	vst v63  }
0x17: {  	_ = 	snop  }
0x18: {  	[tilespmem:s12], [sflag:$0x1] =	stream.indirect.gather [hbm4b:s3+s8], $0x80, s11, s8, $0xb8;
	[tilespmem:$0x10400] =	vst v63  }
0x19: {  	_ = 	snop  }
0x1a: {  	[tilespmem:s14], [sflag:$0x1] =	stream.indirect.gather [hbm4b:s3+s8], $0x80, s13, s8, $0xb8;
	[tilespmem:$0x10400] =	vst v63  }
0x1b: {  	_ =	swait.ge [sflag:s15], $0x4000  }
0x1c: {  	[sflag:s15] =	ssyncset.done $0x0  }
0x1d: {  	[sflag:s15] =	ssyncadd.s32 $0xFFFFC000  }
0x1e: {  	_ =	swait.ge [sflag:s15], $0x4000  }
0x1f: {  	[sflag:s15] =	ssyncset.done $0x0  }
0x20: {  	[sflag:s15] =	ssyncadd.s32 $0xFFFFC000  }
0x21: {  	_ =	swait.ge [sflag:s15], $0x4000  }
0x22: {  	[sflag:s15] =	ssyncset.done $0x0  }
0x23: {  	[sflag:s15] =	ssyncadd.s32 $0xFFFFC000  }
0x24: {  	_ =	swait.ge [sflag:s15], $0x4000  }
0x25: {  	[sflag:s15] =	ssyncset.done $0x0  }
0x26: {  	s31 =	sadd.s32 $0xFFFFE000, s5;
	[sflag:s15] =	ssyncadd.s32 $0xFFFFC000  }
0x27: {  	[hbm4b:s31+s2] =	stream.linear.scatter [tilespmem:s9], [sflag:$0x2], $0x10000, $0x38;
	[tilespmem:$0x10400] =	vst v63  }
0x28: {  	_ =	swait.ge [sflag:s7], $0x10000  }
0x29: {  	[sflag:s7] =	ssyncset.done $0x0  }
0x2a: {  	[sflag:s7] =	ssyncadd.s32 $0xFFFF0000  }
0x2b: {  	[tilespmem:s9], [sflag:$0x1] =	stream.indirect.gather [hbm4b:s3+s8], $0x80, s16, s8, $0xb8;
	[tilespmem:$0x10400] =	vst v63  }
0x2c: {  	_ = 	snop  }
0x2d: {  	[tilespmem:s10], [sflag:$0x1] =	stream.indirect.gather [hbm4b:s3+s8], $0x80, s17, s8, $0xb8;
	[tilespmem:$0x10400] =	vst v63  }
0x2e: {  	_ = 	snop  }
0x2f: {  	[tilespmem:s12], [sflag:$0x1] =	stream.indirect.gather [hbm4b:s3+s8], $0x80, s18, s8, $0xb8;
	[tilespmem:$0x10400] =	vst v63  }
0x30: {  	_ = 	snop  }
0x31: {  	[tilespmem:s14], [sflag:$0x1] =	stream.indirect.gather [hbm4b:s3+s8], $0x80, s19, s8, $0xb8;
	[tilespmem:$0x10400] =	vst v63  }
0x32: {  	_ =	swait.ge [sflag:s15], $0x4000  }
0x33: {  	[sflag:s15] =	ssyncset.done $0x0  }
0x34: {  	[sflag:s15] =	ssyncadd.s32 $0xFFFFC000  }
0x35: {  	_ =	swait.ge [sflag:s15], $0x4000  }
0x36: {  	[sflag:s15] =	ssyncset.done $0x0  }
0x37: {  	[sflag:s15] =	ssyncadd.s32 $0xFFFFC000  }
0x38: {  	_ =	swait.ge [sflag:s15], $0x4000  }
0x39: {  	[sflag:s15] =	ssyncset.done $0x0  }
0x3a: {  	[sflag:s15] =	ssyncadd.s32 $0xFFFFC000  }
0x3b: {  	_ =	swait.ge [sflag:s15], $0x4000  }
0x3c: {  	[sflag:s15] =	ssyncset.done $0x0  }
0x3d: {  	[sflag:s15] =	ssyncadd.s32 $0xFFFFC000  }
0x3e: {  	[hbm4b:s5+s2] =	stream.linear.scatter [tilespmem:s9], [sflag:$0x2], $0x10000, $0x38;
	[tilespmem:$0x10400] =	vst v63  }
0x3f: {  	_ =	swait.ge [sflag:s7], $0x10000  }
0x40: {  	s22 =	smov.u32 s5;
	s21 =	simm.s32 $0x80;
	[sflag:s7] =	ssyncset.done $0x0  }
.LBB2_2:
0x41: {  	p0 =	sne.s32 s21, $0x100;
	[sflag:s7] =	ssyncadd.s32 $0xFFFF0000;
	s22 =	sadd.s32 $0x4000, s22  }
0x42: {  	s23 =	sadd.s32 s21, s6;
	s21 =	sadd.s32 $0x80, s21  }
0x43: {  	[tilespmem:s2], [sflag:$0x2] =	stream.linear.gather [hbm4b:s23+s2], $0x400, $0x38;
	[tilespmem:$0x10400] =	vst v63  }
0x44: {  	_ =	swait.ge [sflag:s7], $0x400  }
0x45: {  	[sflag:s7] =	ssyncset.done $0x0  }
0x46: {  	[sflag:s7] =	ssyncadd.s32 $0xFFFFFC00  }
0x47: {  	[tilespmem:s9], [sflag:$0x1] =	stream.indirect.gather [hbm4b:s3+s8], $0x80, s2, s8, $0xb8;
	[tilespmem:$0x10400] =	vst v63  }
0x48: {  	_ = 	snop  }
0x49: {  	[tilespmem:s10], [sflag:$0x1] =	stream.indirect.gather [hbm4b:s3+s8], $0x80, s8, s8, $0xb8;
	[tilespmem:$0x10400] =	vst v63  }
0x4a: {  	_ = 	snop  }
0x4b: {  	[tilespmem:s12], [sflag:$0x1] =	stream.indirect.gather [hbm4b:s3+s8], $0x80, s11, s8, $0xb8;
	[tilespmem:$0x10400] =	vst v63  }
0x4c: {  	_ = 	snop  }
0x4d: {  	[tilespmem:s14], [sflag:$0x1] =	stream.indirect.gather [hbm4b:s3+s8], $0x80, s13, s8, $0xb8;
	[tilespmem:$0x10400] =	vst v63  }
0x4e: {  	_ =	swait.ge [sflag:s15], $0x4000  }
0x4f: {  	[sflag:s15] =	ssyncset.done $0x0  }
0x50: {  	[sflag:s15] =	ssyncadd.s32 $0xFFFFC000  }
0x51: {  	_ =	swait.ge [sflag:s15], $0x4000  }
0x52: {  	[sflag:s15] =	ssyncset.done $0x0  }
0x53: {  	[sflag:s15] =	ssyncadd.s32 $0xFFFFC000  }
0x54: {  	_ =	swait.ge [sflag:s15], $0x4000  }
0x55: {  	[sflag:s15] =	ssyncset.done $0x0  }
0x56: {  	[sflag:s15] =	ssyncadd.s32 $0xFFFFC000  }
0x57: {  	_ =	swait.ge [sflag:s15], $0x4000  }
0x58: {  	[sflag:s15] =	ssyncset.done $0x0  }
0x59: {  	s23 =	sadd.s32 $0xFFFFE000, s22;
	[sflag:s15] =	ssyncadd.s32 $0xFFFFC000  }
0x5a: {  	[hbm4b:s23+s2] =	stream.linear.scatter [tilespmem:s9], [sflag:$0x2], $0x10000, $0x38;
	[tilespmem:$0x10400] =	vst v63  }
0x5b: {  	_ =	swait.ge [sflag:s7], $0x10000  }
0x5c: {  	[sflag:s7] =	ssyncset.done $0x0  }
0x5d: {  	[sflag:s7] =	ssyncadd.s32 $0xFFFF0000  }
0x5e: {  	[tilespmem:s9], [sflag:$0x1] =	stream.indirect.gather [hbm4b:s3+s8], $0x80, s16, s8, $0xb8;
	[tilespmem:$0x10400] =	vst v63  }
0x5f: {  	_ = 	snop  }
0x60: {  	[tilespmem:s10], [sflag:$0x1] =	stream.indirect.gather [hbm4b:s3+s8], $0x80, s17, s8, $0xb8;
	[tilespmem:$0x10400] =	vst v63  }
0x61: {  	_ = 	snop  }
0x62: {  	[tilespmem:s12], [sflag:$0x1] =	stream.indirect.gather [hbm4b:s3+s8], $0x80, s18, s8, $0xb8;
	[tilespmem:$0x10400] =	vst v63  }
0x63: {  	_ = 	snop  }
0x64: {  	[tilespmem:s14], [sflag:$0x1] =	stream.indirect.gather [hbm4b:s3+s8], $0x80, s19, s8, $0xb8;
	[tilespmem:$0x10400] =	vst v63  }
0x65: {  	_ =	swait.ge [sflag:s15], $0x4000  }
0x66: {  	[sflag:s15] =	ssyncset.done $0x0  }
0x67: {  	[sflag:s15] =	ssyncadd.s32 $0xFFFFC000  }
0x68: {  	_ =	swait.ge [sflag:s15], $0x4000  }
0x69: {  	[sflag:s15] =	ssyncset.done $0x0  }
0x6a: {  	[sflag:s15] =	ssyncadd.s32 $0xFFFFC000  }
0x6b: {  	_ =	swait.ge [sflag:s15], $0x4000  }
0x6c: {  	[sflag:s15] =	ssyncset.done $0x0  }
0x6d: {  	[sflag:s15] =	ssyncadd.s32 $0xFFFFC000  }
0x6e: {  	_ =	swait.ge [sflag:s15], $0x4000  }
.Ltmp0:
0x6f: {  	[sflag:s15] =	ssyncset.done $0x0;
	(pc) =	sbr.rel @p0 .LBB2_2-.Ltmp0, $4  }
0x70: {  	[sflag:s15] =	ssyncadd.s32 $0xFFFFC000  }
0x71: {  	[hbm4b:s22+s2] =	stream.linear.scatter [tilespmem:s9], [sflag:$0x2], $0x10000, $0x38;
	[tilespmem:$0x10400] =	vst v63  }
0x72: {  	_ =	swait.ge [sflag:s7], $0x10000  }
0x73: {  	[sflag:s7] =	ssyncset.done $0x0  }
0x74: {  	s20 =	sadd.s32 $0x1, s20  }
0x75: {  	p0 =	sne.s32 s20, s4  }
.Ltmp1:
0x76: {  	_ = 	snop;
	(pc) =	sbr.rel @p0 .LBB2_1-.Ltmp1, $2  }
0x77: {  	_ =	sdelay $0x2  }
0x78: {  	[sflag:s7] =	ssyncadd.s32 $0xFFFF0000  }
0x79: {  	_ =	sfence.sel $0x180000  }
0x7a: {  	[bflag:$0x0] =	sbarrier.arrive $0xFFFF  }
0x7b: {  	p0 =	sne.s32 s1, $0x0;
	_ =	strace $0x9000004D  }
0x7c: {  	s0 =	sadd.s32 @!p0 $0x100000, s0;
	[bflag:$0x2] =	sbarrier.arrive $0xFFFF  }
0x7d: {  	[sflag:s0] =	ssyncadd.tile.s32 @!p0 $0x1;
	_ =	shalt  }
.Lfunc_end2:
_tile_overlayer_lowered:
.L_overlay_start_2:
0x7e: {  	(tag) =	ssettag $0x2  }
0x7f: {  	s0 =	rddreg [dreg:$0x0];
	s2 =	stileid.u32  }
0x80: {  	s1 =	rddreg [dreg:$0x1];
	p0 =	sne.s32 s2, $0x0  }
0x81: {  	s3 =	rddreg [dreg:$0x2];
	[bflag:$0x3] =	sbarrier.arrive $0xFFFF;
	s2 =	simm.s32 @!p0 $0x1C02  }
0x82: {  	[timem:s3], [sflag:s2] =	dma.local @!p0 [hbm:s0], s1  }
0x83: {  	s0 =	simm.s32 @!p0 $0x2  }
0x84: {  	_ =	swait.ge @!p0 [sflag:s0], s1  }
0x85: {  	s1 =	ssub.s32 @!p0 $0x0, s1;
	[sflag:s0] =	ssyncset.done @!p0 $0x0  }
0x86: {  	[sflag:s0] =	ssyncadd.s32 @!p0 s1  }
0x87: {  	[bflag:$0x3] =	sbarrier.arrive $0xFFFF  }
0x88: {  	_ =	shalt  }

</sc_bundles>
